<compile_context>
chip_gen: v7x
topology: tpu7x:2x2x1
jax: 0.10.2.dev20260603
libtpu: 0.0.44.dev20260713+nightly
codegen_flags: <defaults>
</compile_context>

<pallas_src>
import functools

import jax
import jax.numpy as jnp
from jax import lax
from jax.experimental import pallas as pl
from jax.experimental.pallas import tpu as pltpu
from jax.experimental.pallas import tpu_sc as plsc

HID = 128
N_NODES = 10000
N_PAD = 10240
E_EDGES = 320000
GROUP = 128
N_TILES = 32
G_TOTAL = 2560
G_PER_TILE = G_TOTAL // N_TILES
E_PAD = G_TOTAL * GROUP
ROWS_PER_TILE = N_PAD // 16
DUMMY_DST = N_NODES + 16

TC_BLOCK = 512
TC_GRID = N_PAD // TC_BLOCK


GR = 64
G64_TOTAL = E_PAD // GR
NGT = G64_TOTAL // N_TILES
CH = 8
NCH = NGT // CH
TRASH = N_NODES + 128


def _sc_agg_body(h_hbm, srcg_hbm, dstg_hbm, out_hbm,
                 src_v, dst_v, rows_v, dum_v, agg_sh,
                 semG0, semG1, semG2, semG3, semS0, semS1, semS2, semS3,
                 semIS, semID):
    c = lax.axis_index("c")
    s = lax.axis_index("s")
    tile = c * 16 + s
    base = tile * NGT
    semG = (semG0, semG1, semG2, semG3)
    semS = (semS0, semS1, semS2, semS3)

    def slot(b):
        return rows_v.at[pl.ds(b * GR, GR)]

    def zrow(i, carry):
        for j in range(8):
            rows_v[i, pl.ds(j * 16, 16)] = jnp.zeros((16,), jnp.float32)
        return carry
    lax.fori_loop(0, 128, zrow, 0)
    for z in range(ROWS_PER_TILE // 128):
        pltpu.async_copy(rows_v.at[pl.ds(0, 128)],
                         agg_sh.at[pl.ds(s * ROWS_PER_TILE + z * 128, 128)],
                         semIS)
    for z in range(ROWS_PER_TILE // 128):
        pltpu.make_async_copy(
            rows_v.at[pl.ds(0, 128)],
            agg_sh.at[pl.ds(s * ROWS_PER_TILE, 128)], semIS).wait()

    for k in range(4):
        dum_v[0, pl.ds(k * 16, 16)] = (
            jnp.full((16,), TRASH + k * 16, jnp.int32)
            + lax.iota(jnp.int32, 16))

    pltpu.sync_copy(srcg_hbm.at[pl.ds(base, CH)], src_v.at[0])
    pltpu.sync_copy(dstg_hbm.at[pl.ds(base, CH)], dst_v.at[0])
    pltpu.async_copy(slot(2), agg_sh.at[dum_v.at[0]], semS2, add=True)
    pltpu.async_copy(slot(3), agg_sh.at[dum_v.at[0]], semS3, add=True)
    pltpu.async_copy(h_hbm.at[src_v.at[0, 0]], slot(0), semG0)
    pltpu.async_copy(h_hbm.at[src_v.at[0, 1]], slot(1), semG1)
    plsc.subcore_barrier()

    def body(ci, carry):
        cp = lax.rem(ci, 3)
        cnp = lax.rem(ci + 1, 3)
        cnext = jnp.minimum(ci + 1, NCH - 1)
        pf_s = pltpu.async_copy(
            srcg_hbm.at[pl.ds(base + cnext * CH, CH)], src_v.at[cnp], semIS)
        pf_d = pltpu.async_copy(
            dstg_hbm.at[pl.ds(base + cnext * CH, CH)], dst_v.at[cnp], semID)
        for j in range(CH):
            b = j % 4
            b2 = (j + 2) % 4
            pltpu.make_async_copy(
                h_hbm.at[src_v.at[0, 0]], slot(b), semG[b]).wait()
            pltpu.async_copy(slot(b), agg_sh.at[dst_v.at[cp, j]], semS[b],
                             add=True)
            pltpu.make_async_copy(
                slot(b2), agg_sh.at[dum_v.at[0]], semS[b2]).wait()
            if j < CH - 2:
                idx = src_v.at[cp, j + 2]
            else:
                if j == CH - 2:
                    pf_s.wait()
                    pf_d.wait()
                idx = src_v.at[cnp, j - (CH - 2)]
            pltpu.async_copy(h_hbm.at[idx], slot(b2), semG[b2])
        return carry

    lax.fori_loop(0, NCH, body, 0)
    pltpu.make_async_copy(h_hbm.at[src_v.at[0, 0]], slot(0), semG0).wait()
    pltpu.make_async_copy(h_hbm.at[src_v.at[0, 0]], slot(1), semG1).wait()
    pltpu.make_async_copy(slot(2), agg_sh.at[dum_v.at[0]], semS2).wait()
    pltpu.make_async_copy(slot(3), agg_sh.at[dum_v.at[0]], semS3).wait()
    plsc.subcore_barrier()

    nwb = ROWS_PER_TILE // 128
    for z in range(nwb):
        blk = (z % 2) * 128
        r0 = s * ROWS_PER_TILE + z * 128
        if z >= 2:
            pltpu.make_async_copy(
                rows_v.at[pl.ds(blk, 128)],
                out_hbm.at[c, pl.ds(s * ROWS_PER_TILE, 128)], semID).wait()
        pltpu.sync_copy(agg_sh.at[pl.ds(r0, 128)], rows_v.at[pl.ds(blk, 128)])
        pltpu.async_copy(rows_v.at[pl.ds(blk, 128)],
                         out_hbm.at[c, pl.ds(r0, 128)], semID)
    for z in range(2):
        pltpu.make_async_copy(
            rows_v.at[pl.ds(0, 128)],
            out_hbm.at[c, pl.ds(s * ROWS_PER_TILE, 128)], semID).wait()


_sc_agg = pl.kernel(
    _sc_agg_body,
    out_type=jax.ShapeDtypeStruct((2, N_PAD, HID), jnp.float32),
    mesh=plsc.VectorSubcoreMesh(core_axis_name="c", subcore_axis_name="s"),
    scratch_types=[
        pltpu.VMEM((3, CH, GR), jnp.int32),
        pltpu.VMEM((3, CH, GR), jnp.int32),
        pltpu.VMEM((4 * GR, HID), jnp.float32),
        pltpu.VMEM((1, GR), jnp.int32),
        pltpu.VMEM_SHARED((N_PAD, HID), jnp.float32),
        pltpu.SemaphoreType.DMA,
        pltpu.SemaphoreType.DMA,
        pltpu.SemaphoreType.DMA,
        pltpu.SemaphoreType.DMA,
        pltpu.SemaphoreType.DMA,
        pltpu.SemaphoreType.DMA,
        pltpu.SemaphoreType.DMA,
        pltpu.SemaphoreType.DMA,
        pltpu.SemaphoreType.DMA,
        pltpu.SemaphoreType.DMA,
    ],
)


def _proj_body(z_ref, wi_ref, bi_ref, o_ref):
    o_ref[...] = (
        jnp.dot(z_ref[...], wi_ref[...], preferred_element_type=jnp.float32)
        + bi_ref[...]
    )


def _layer_body(h_ref, a_ref, w1_ref, b1_ref, w2_ref, b2_ref, g_ref, be_ref,
                o_ref):
    h = h_ref[...]
    x = h + a_ref[0] + a_ref[1]
    t = jnp.maximum(
        jnp.dot(x, w1_ref[...], preferred_element_type=jnp.float32) + b1_ref[...],
        0.0)
    t = jnp.dot(t, w2_ref[...], preferred_element_type=jnp.float32) + b2_ref[...]
    mu = jnp.mean(t, axis=-1, keepdims=True)
    var = jnp.mean((t - mu) ** 2, axis=-1, keepdims=True)
    t = (t - mu) / jnp.sqrt(var + 1e-5) * g_ref[...] + be_ref[...]
    o_ref[...] = h + jnp.maximum(t, 0.0)


def _layer_out_body(h_ref, a_ref, w1_ref, b1_ref, w2_ref, b2_ref, g_ref,
                    be_ref, wo1_ref, bo1_ref, wo2_ref, bo2_ref, o_ref):
    h = h_ref[...]
    x = h + a_ref[0] + a_ref[1]
    t = jnp.maximum(
        jnp.dot(x, w1_ref[...], preferred_element_type=jnp.float32) + b1_ref[...],
        0.0)
    t = jnp.dot(t, w2_ref[...], preferred_element_type=jnp.float32) + b2_ref[...]
    mu = jnp.mean(t, axis=-1, keepdims=True)
    var = jnp.mean((t - mu) ** 2, axis=-1, keepdims=True)
    t = (t - mu) / jnp.sqrt(var + 1e-5) * g_ref[...] + be_ref[...]
    h = h + jnp.maximum(t, 0.0)
    u = jnp.maximum(
        jnp.dot(h, wo1_ref[...], preferred_element_type=jnp.float32)
        + bo1_ref[...], 0.0)
    o_ref[...] = (
        jnp.dot(u, wo2_ref[...], preferred_element_type=jnp.float32)
        + bo2_ref[...])


def _row_spec():
    return pl.BlockSpec((TC_BLOCK, HID), lambda i: (i, 0))


def _agg_spec():
    return pl.BlockSpec((2, TC_BLOCK, HID), lambda i: (0, i, 0))


def _w_spec():
    return pl.BlockSpec((HID, HID), lambda i: (0, 0))


def _b_spec():
    return pl.BlockSpec((1, HID), lambda i: (0, 0))


_proj = pl.pallas_call(
    _proj_body,
    grid=(TC_GRID,),
    in_specs=[_row_spec(), _w_spec(), _b_spec()],
    out_specs=_row_spec(),
    out_shape=jax.ShapeDtypeStruct((N_PAD, HID), jnp.float32),
)

_layer = pl.pallas_call(
    _layer_body,
    grid=(TC_GRID,),
    in_specs=[_row_spec(), _agg_spec(), _w_spec(), _b_spec(), _w_spec(),
              _b_spec(), _b_spec(), _b_spec()],
    out_specs=_row_spec(),
    out_shape=jax.ShapeDtypeStruct((N_PAD, HID), jnp.float32),
)

_layer_out = pl.pallas_call(
    _layer_out_body,
    grid=(TC_GRID,),
    in_specs=[_row_spec(), _agg_spec(), _w_spec(), _b_spec(), _w_spec(),
              _b_spec(), _b_spec(), _b_spec(), _w_spec(), _b_spec(),
              _w_spec(), _b_spec()],
    out_specs=_row_spec(),
    out_shape=jax.ShapeDtypeStruct((N_PAD, HID), jnp.float32),
)


def kernel(z_q, edge_index, Wi, bi, Wc1, bc1, Wc2, bc2, gamma, beta,
           Wo1, bo1, Wo2, bo2):
    Bb, Nn, code = z_q.shape
    L = Wc1.shape[0]

    ei = edge_index.reshape(2, -1).astype(jnp.int32)
    pad_rows = Nn + (jnp.arange(E_PAD - E_EDGES, dtype=jnp.int32) % 128)
    src = jnp.concatenate([ei[0], pad_rows]).reshape(G64_TOTAL, GR)
    dst = jnp.concatenate([ei[1], pad_rows]).reshape(G64_TOTAL, GR)

    z = jnp.pad(z_q.reshape(Nn, code), ((0, N_PAD - Nn), (0, 0)))
    bi2 = bi.reshape(1, HID)

    h = _proj(z, Wi, bi2)
    for l in range(L):
        agg = _sc_agg(h, src, dst)
        args = (h, agg, Wc1[l], bc1[l].reshape(1, HID), Wc2[l],
                bc2[l].reshape(1, HID), gamma[l].reshape(1, HID),
                beta[l].reshape(1, HID))
        if l < L - 1:
            h = _layer(*args)
        else:
            h = _layer_out(*args, Wo1, bo1.reshape(1, HID),
                           Wo2, bo2.reshape(1, HID))
    return h[:Nn].reshape(Bb, Nn, HID)

# --- scband reference (transcript-rebuilt; emitter-appended) ---
"""Pipeline reference for scband-decoder-gnn-88888643158446 (READ-ONLY COPY).

The authoritative reference and input builder live on the scoring server;
editing this copy changes nothing except your own understanding.
"""

import jax, jax.numpy as jnp
import numpy as np

B, N, E = 1, 10000, 320000
CODE, HID, OUT, L = 128, 128, 128, 3


def setup_inputs(seed: int = 0) -> dict:
    key = jax.random.key(seed)
    ks = jax.random.split(key, 16)
    s = 0.05
    inp = {}
    inp['z_q'] = jax.random.normal(ks[0], (B, N, CODE), dtype=jnp.float32)
    inp['edge_index'] = jax.random.randint(ks[1], (B, 2, E), 0, N, dtype=jnp.int64)
    inp['Wi'] = jax.random.normal(ks[2], (CODE, HID), dtype=jnp.float32) * s
    inp['bi'] = jnp.zeros((HID,), dtype=jnp.float32)
    inp['Wc1'] = jax.random.normal(ks[3], (L, HID, HID), dtype=jnp.float32) * s
    inp['bc1'] = jnp.zeros((L, HID), dtype=jnp.float32)
    inp['Wc2'] = jax.random.normal(ks[4], (L, HID, HID), dtype=jnp.float32) * s
    inp['bc2'] = jnp.zeros((L, HID), dtype=jnp.float32)
    inp['gamma'] = jnp.ones((L, HID), dtype=jnp.float32)
    inp['beta'] = jnp.zeros((L, HID), dtype=jnp.float32)
    inp['Wo1'] = jax.random.normal(ks[5], (HID, HID), dtype=jnp.float32) * s
    inp['bo1'] = jnp.zeros((HID,), dtype=jnp.float32)
    inp['Wo2'] = jax.random.normal(ks[6], (HID, OUT), dtype=jnp.float32) * s
    inp['bo2'] = jnp.zeros((OUT,), dtype=jnp.float32)
    return inp


def reference(z_q, edge_index, Wi, bi, Wc1, bc1, Wc2, bc2, gamma, beta, Wo1, bo1, Wo2, bo2):
    Bb, Nn, _ = z_q.shape
    # input projection
    h = z_q @ Wi + bi
    h = h.reshape(Bb * Nn, HID)
    # flatten batched edge_index with per-graph node offsets
    offs = (jnp.arange(Bb) * Nn)[:, None, None]
    ei = (edge_index + offs).transpose(1, 0, 2).reshape(2, -1)
    src, dst = ei[0], ei[1]
    for l in range(L):
        h_res = h
        # GINConv (eps=0): mlp(x + sum_{j->i} x_j)
        agg = jnp.zeros_like(h).at[dst].add(h[src])
        t = h + agg
        t = jnp.maximum(t @ Wc1[l] + bc1[l], 0.0) @ Wc2[l] + bc2[l]
        # LayerNorm
        mu = jnp.mean(t, axis=-1, keepdims=True)
        var = jnp.mean((t - mu) ** 2, axis=-1, keepdims=True)
        t = (t - mu) / jnp.sqrt(var + 1e-5) * gamma[l] + beta[l]
        t = jnp.maximum(t, 0.0)
        h = h_res + t  # residual (dropout is identity in eval)
    h = h.reshape(Bb, Nn, HID)
    x_hat = jnp.maximum(h @ Wo1 + bo1, 0.0) @ Wo2 + bo2
    return x_hat

if __name__ == "__main__":
    import jax
    _d = setup_inputs()
    print(jax.jit(kernel)(*tuple(_d.values())))

</pallas_src>

<mosaic_0001>
#map = affine_map<(d0, d1) -> (0, 0)>
#map1 = affine_map<(d0, d1) -> (0, 0, 0)>
module attributes {stable_mosaic.version = 14 : i64} {
  func.func @_sc_agg_body(%arg0: i32, %arg1: i32, %arg2: memref<10240x128xf32, #tpu.memory_space<hbm>>, %arg3: memref<5120x64xi32, #tpu.memory_space<hbm>>, %arg4: memref<5120x64xi32, #tpu.memory_space<hbm>>, %arg5: memref<2x10240x128xf32, #tpu.memory_space<hbm>>, %arg6: memref<3x8x64xi32, #tpu.memory_space<vmem>>, %arg7: memref<3x8x64xi32, #tpu.memory_space<vmem>>, %arg8: memref<256x128xf32, #tpu.memory_space<vmem>>, %arg9: memref<1x64xi32, #tpu.memory_space<vmem>>, %arg10: memref<10240x128xf32, #tpu.memory_space<vmem_shared>>, %arg11: memref<!tpu.dma_semaphore, #tpu.memory_space<semaphore_mem>>, %arg12: memref<!tpu.dma_semaphore, #tpu.memory_space<semaphore_mem>>, %arg13: memref<!tpu.dma_semaphore, #tpu.memory_space<semaphore_mem>>, %arg14: memref<!tpu.dma_semaphore, #tpu.memory_space<semaphore_mem>>, %arg15: memref<!tpu.dma_semaphore, #tpu.memory_space<semaphore_mem>>, %arg16: memref<!tpu.dma_semaphore, #tpu.memory_space<semaphore_mem>>, %arg17: memref<!tpu.dma_semaphore, #tpu.memory_space<semaphore_mem>>, %arg18: memref<!tpu.dma_semaphore, #tpu.memory_space<semaphore_mem>>, %arg19: memref<!tpu.dma_semaphore, #tpu.memory_space<semaphore_mem>>, %arg20: memref<!tpu.dma_semaphore, #tpu.memory_space<semaphore_mem>>) attributes {dimension_semantics = [#tpu.dimension_semantics<core_parallel>, #tpu.dimension_semantics<subcore_parallel>], iteration_bounds = array<i64: 2, 16>, scalar_prefetch = 0 : i64, scratch_operands = 15 : i64, tpu.core_type = #tpu.core_type<sc_vector_subcore>, window_params = [{transform_indices = #map}, {transform_indices = #map}, {transform_indices = #map}, {transform_indices = #map1}]} {
    %mul3A = arith.constant 16 : i32
    %mul3A_0 = arith.muli %arg0, %mul3A : i32
    %add3A = arith.addi %mul3A_0, %arg1 : i32
    %mul3A_1 = arith.constant 160 : i32
    %mul3A_2 = arith.muli %add3A, %mul3A_1 : i32
    %scan3A = arith.constant 0 : i32
    %scan3A_3 = arith.constant 0 : i32
    %scan3A_4 = arith.constant 128 : i32
    %scan3A_5 = arith.addi %scan3A_3, %scan3A_4 : i32
    %scan3A_6 = arith.constant 1 : i32
    scf.for %scan3A_415 = %scan3A_3 to %scan3A_5 step %scan3A_6  : i32 {
      %broadcast_in_dim3A_416 = arith.constant 0.000000e+00 : f32
      %broadcast_in_dim3A_417 = vector.broadcast %broadcast_in_dim3A_416 : f32 to vector<16xf32>
      %swap3A_418 = arith.index_cast %scan3A_415 : i32 to index
      %swap3A_419 = arith.constant 0 : index
      %swap3A_420 = tpu.vector_load %arg8[%swap3A_418, %swap3A_419] {strides = array<i32>} : memref<256x128xf32, #tpu.memory_space<vmem>>, vector<1x16xf32>,
      %swap3A_421 = vector.shape_cast %swap3A_420 : vector<1x16xf32> to vector<16xf32>
      %swap3A_422 = vector.shape_cast %broadcast_in_dim3A_417 : vector<16xf32> to vector<1x16xf32>
      tpu.vector_store %arg8[%swap3A_418, %swap3A_419], %swap3A_422 {strides = array<i32>} : memref<256x128xf32, #tpu.memory_space<vmem>>, vector<1x16xf32>,
      %broadcast_in_dim3A_423 = arith.constant 0.000000e+00 : f32
      %broadcast_in_dim3A_424 = vector.broadcast %broadcast_in_dim3A_423 : f32 to vector<16xf32>
      %swap3A_425 = arith.index_cast %scan3A_415 : i32 to index
      %swap3A_426 = arith.constant 16 : index
      %swap3A_427 = tpu.vector_load %arg8[%swap3A_425, %swap3A_426] {strides = array<i32>} : memref<256x128xf32, #tpu.memory_space<vmem>>, vector<1x16xf32>,
      %swap3A_428 = vector.shape_cast %swap3A_427 : vector<1x16xf32> to vector<16xf32>
      %swap3A_429 = vector.shape_cast %broadcast_in_dim3A_424 : vector<16xf32> to vector<1x16xf32>
      tpu.vector_store %arg8[%swap3A_425, %swap3A_426], %swap3A_429 {strides = array<i32>} : memref<256x128xf32, #tpu.memory_space<vmem>>, vector<1x16xf32>,
      %broadcast_in_dim3A_430 = arith.constant 0.000000e+00 : f32
      %broadcast_in_dim3A_431 = vector.broadcast %broadcast_in_dim3A_430 : f32 to vector<16xf32>
      %swap3A_432 = arith.index_cast %scan3A_415 : i32 to index
      %swap3A_433 = arith.constant 32 : index
      %swap3A_434 = tpu.vector_load %arg8[%swap3A_432, %swap3A_433] {strides = array<i32>} : memref<256x128xf32, #tpu.memory_space<vmem>>, vector<1x16xf32>,
      %swap3A_435 = vector.shape_cast %swap3A_434 : vector<1x16xf32> to vector<16xf32>
      %swap3A_436 = vector.shape_cast %broadcast_in_dim3A_431 : vector<16xf32> to vector<1x16xf32>
      tpu.vector_store %arg8[%swap3A_432, %swap3A_433], %swap3A_436 {strides = array<i32>} : memref<256x128xf32, #tpu.memory_space<vmem>>, vector<1x16xf32>,
      %broadcast_in_dim3A_437 = arith.constant 0.000000e+00 : f32
      %broadcast_in_dim3A_438 = vector.broadcast %broadcast_in_dim3A_437 : f32 to vector<16xf32>
      %swap3A_439 = arith.index_cast %scan3A_415 : i32 to index
      %swap3A_440 = arith.constant 48 : index
      %swap3A_441 = tpu.vector_load %arg8[%swap3A_439, %swap3A_440] {strides = array<i32>} : memref<256x128xf32, #tpu.memory_space<vmem>>, vector<1x16xf32>,
      %swap3A_442 = vector.shape_cast %swap3A_441 : vector<1x16xf32> to vector<16xf32>
      %swap3A_443 = vector.shape_cast %broadcast_in_dim3A_438 : vector<16xf32> to vector<1x16xf32>
      tpu.vector_store %arg8[%swap3A_439, %swap3A_440], %swap3A_443 {strides = array<i32>} : memref<256x128xf32, #tpu.memory_space<vmem>>, vector<1x16xf32>,
      %broadcast_in_dim3A_444 = arith.constant 0.000000e+00 : f32
      %broadcast_in_dim3A_445 = vector.broadcast %broadcast_in_dim3A_444 : f32 to vector<16xf32>
      %swap3A_446 = arith.index_cast %scan3A_415 : i32 to index
      %swap3A_447 = arith.constant 64 : index
      %swap3A_448 = tpu.vector_load %arg8[%swap3A_446, %swap3A_447] {strides = array<i32>} : memref<256x128xf32, #tpu.memory_space<vmem>>, vector<1x16xf32>,
      %swap3A_449 = vector.shape_cast %swap3A_448 : vector<1x16xf32> to vector<16xf32>
      %swap3A_450 = vector.shape_cast %broadcast_in_dim3A_445 : vector<16xf32> to vector<1x16xf32>
      tpu.vector_store %arg8[%swap3A_446, %swap3A_447], %swap3A_450 {strides = array<i32>} : memref<256x128xf32, #tpu.memory_space<vmem>>, vector<1x16xf32>,
      %broadcast_in_dim3A_451 = arith.constant 0.000000e+00 : f32
      %broadcast_in_dim3A_452 = vector.broadcast %broadcast_in_dim3A_451 : f32 to vector<16xf32>
      %swap3A_453 = arith.index_cast %scan3A_415 : i32 to index
      %swap3A_454 = arith.constant 80 : index
      %swap3A_455 = tpu.vector_load %arg8[%swap3A_453, %swap3A_454] {strides = array<i32>} : memref<256x128xf32, #tpu.memory_space<vmem>>, vector<1x16xf32>,
      %swap3A_456 = vector.shape_cast %swap3A_455 : vector<1x16xf32> to vector<16xf32>
      %swap3A_457 = vector.shape_cast %broadcast_in_dim3A_452 : vector<16xf32> to vector<1x16xf32>
      tpu.vector_store %arg8[%swap3A_453, %swap3A_454], %swap3A_457 {strides = array<i32>} : memref<256x128xf32, #tpu.memory_space<vmem>>, vector<1x16xf32>,
      %broadcast_in_dim3A_458 = arith.constant 0.000000e+00 : f32
      %broadcast_in_dim3A_459 = vector.broadcast %broadcast_in_dim3A_458 : f32 to vector<16xf32>
      %swap3A_460 = arith.index_cast %scan3A_415 : i32 to index
      %swap3A_461 = arith.constant 96 : index
      %swap3A_462 = tpu.vector_load %arg8[%swap3A_460, %swap3A_461] {strides = array<i32>} : memref<256x128xf32, #tpu.memory_space<vmem>>, vector<1x16xf32>,
      %swap3A_463 = vector.shape_cast %swap3A_462 : vector<1x16xf32> to vector<16xf32>
      %swap3A_464 = vector.shape_cast %broadcast_in_dim3A_459 : vector<16xf32> to vector<1x16xf32>
      tpu.vector_store %arg8[%swap3A_460, %swap3A_461], %swap3A_464 {strides = array<i32>} : memref<256x128xf32, #tpu.memory_space<vmem>>, vector<1x16xf32>,
      %broadcast_in_dim3A_465 = arith.constant 0.000000e+00 : f32
      %broadcast_in_dim3A_466 = vector.broadcast %broadcast_in_dim3A_465 : f32 to vector<16xf32>
      %swap3A_467 = arith.index_cast %scan3A_415 : i32 to index
      %swap3A_468 = arith.constant 112 : index
      %swap3A_469 = tpu.vector_load %arg8[%swap3A_467, %swap3A_468] {strides = array<i32>} : memref<256x128xf32, #tpu.memory_space<vmem>>, vector<1x16xf32>,
      %swap3A_470 = vector.shape_cast %swap3A_469 : vector<1x16xf32> to vector<16xf32>
      %swap3A_471 = vector.shape_cast %broadcast_in_dim3A_466 : vector<16xf32> to vector<1x16xf32>
      tpu.vector_store %arg8[%swap3A_467, %swap3A_468], %swap3A_471 {strides = array<i32>} : memref<256x128xf32, #tpu.memory_space<vmem>>, vector<1x16xf32>,
    }
    %scan3A_7 = arith.constant 128 : i32
    %mul3A_8 = arith.constant 640 : i32
    %mul3A_9 = arith.muli %arg1, %mul3A_8 : i32
    %add3A_10 = arith.constant 0 : i32
    %add3A_11 = arith.addi %mul3A_9, %add3A_10 : i32
    %dma_start3A = arith.constant 0 : i32
    %dma_start3A_12 = arith.constant 0 : i32
    %dma_start3A_13 = tpu.memref_slice %arg8[%dma_start3A, %dma_start3A_12] : memref<256x128xf32, #tpu.memory_space<vmem>> -> memref<128x128xf32, #tpu.memory_space<vmem>>
    %dma_start3A_14 = arith.constant 0 : i32
    %dma_start3A_15 = tpu.memref_slice %arg10[%add3A_11, %dma_start3A_14] : memref<10240x128xf32, #tpu.memory_space<vmem_shared>> -> memref<128x128xf32, #tpu.memory_space<vmem_shared>>
    %dma_start3A_16 = arith.constant 0 : i32
    %dma_start3A_17 = tpu.memref_slice %arg10[%add3A_11, %dma_start3A_16] : memref<10240x128xf32, #tpu.memory_space<vmem_shared>> -> memref<128x128xf32, #tpu.memory_space<vmem_shared>>
    %dma_start3A_18 = arith.constant 0 : i32
    %dma_start3A_19 = arith.constant 0 : i32
    %dma_start3A_20 = tpu.memref_slice %arg8[%dma_start3A_18, %dma_start3A_19] : memref<256x128xf32, #tpu.memory_space<vmem>> -> memref<128x128xf32, #tpu.memory_space<vmem>>
    tpu.enqueue_dma source(%dma_start3A_20 : memref<128x128xf32, #tpu.memory_space<vmem>>) target(%dma_start3A_17 : memref<128x128xf32, #tpu.memory_space<vmem_shared>>) target_semaphore(%arg19 : memref<!tpu.dma_semaphore, #tpu.memory_space<semaphore_mem>>)
    %mul3A_21 = arith.constant 640 : i32
    %mul3A_22 = arith.muli %arg1, %mul3A_21 : i32
    %add3A_23 = arith.constant 128 : i32
    %add3A_24 = arith.addi %mul3A_22, %add3A_23 : i32
    %dma_start3A_25 = arith.constant 0 : i32
    %dma_start3A_26 = arith.constant 0 : i32
    %dma_start3A_27 = tpu.memref_slice %arg8[%dma_start3A_25, %dma_start3A_26] : memref<256x128xf32, #tpu.memory_space<vmem>> -> memref<128x128xf32, #tpu.memory_space<vmem>>
    %dma_start3A_28 = arith.constant 0 : i32
    %dma_start3A_29 = tpu.memref_slice %arg10[%add3A_24, %dma_start3A_28] : memref<10240x128xf32, #tpu.memory_space<vmem_shared>> -> memref<128x128xf32, #tpu.memory_space<vmem_shared>>
    %dma_start3A_30 = arith.constant 0 : i32
    %dma_start3A_31 = tpu.memref_slice %arg10[%add3A_24, %dma_start3A_30] : memref<10240x128xf32, #tpu.memory_space<vmem_shared>> -> memref<128x128xf32, #tpu.memory_space<vmem_shared>>
    %dma_start3A_32 = arith.constant 0 : i32
    %dma_start3A_33 = arith.constant 0 : i32
    %dma_start3A_34 = tpu.memref_slice %arg8[%dma_start3A_32, %dma_start3A_33] : memref<256x128xf32, #tpu.memory_space<vmem>> -> memref<128x128xf32, #tpu.memory_space<vmem>>
    tpu.enqueue_dma source(%dma_start3A_34 : memref<128x128xf32, #tpu.memory_space<vmem>>) target(%dma_start3A_31 : memref<128x128xf32, #tpu.memory_space<vmem_shared>>) target_semaphore(%arg19 : memref<!tpu.dma_semaphore, #tpu.memory_space<semaphore_mem>>)
    %mul3A_35 = arith.constant 640 : i32
    %mul3A_36 = arith.muli %arg1, %mul3A_35 : i32
    %add3A_37 = arith.constant 256 : i32
    %add3A_38 = arith.addi %mul3A_36, %add3A_37 : i32
    %dma_start3A_39 = arith.constant 0 : i32
    %dma_start3A_40 = arith.constant 0 : i32
    %dma_start3A_41 = tpu.memref_slice %arg8[%dma_start3A_39, %dma_start3A_40] : memref<256x128xf32, #tpu.memory_space<vmem>> -> memref<128x128xf32, #tpu.memory_space<vmem>>
    %dma_start3A_42 = arith.constant 0 : i32
    %dma_start3A_43 = tpu.memref_slice %arg10[%add3A_38, %dma_start3A_42] : memref<10240x128xf32, #tpu.memory_space<vmem_shared>> -> memref<128x128xf32, #tpu.memory_space<vmem_shared>>
    %dma_start3A_44 = arith.constant 0 : i32
    %dma_start3A_45 = tpu.memref_slice %arg10[%add3A_38, %dma_start3A_44] : memref<10240x128xf32, #tpu.memory_space<vmem_shared>> -> memref<128x128xf32, #tpu.memory_space<vmem_shared>>
    %dma_start3A_46 = arith.constant 0 : i32
    %dma_start3A_47 = arith.constant 0 : i32
    %dma_start3A_48 = tpu.memref_slice %arg8[%dma_start3A_46, %dma_start3A_47] : memref<256x128xf32, #tpu.memory_space<vmem>> -> memref<128x128xf32, #tpu.memory_space<vmem>>
    tpu.enqueue_dma source(%dma_start3A_48 : memref<128x128xf32, #tpu.memory_space<vmem>>) target(%dma_start3A_45 : memref<128x128xf32, #tpu.memory_space<vmem_shared>>) target_semaphore(%arg19 : memref<!tpu.dma_semaphore, #tpu.memory_space<semaphore_mem>>)
    %mul3A_49 = arith.constant 640 : i32
    %mul3A_50 = arith.muli %arg1, %mul3A_49 : i32
    %add3A_51 = arith.constant 384 : i32
    %add3A_52 = arith.addi %mul3A_50, %add3A_51 : i32
    %dma_start3A_53 = arith.constant 0 : i32
    %dma_start3A_54 = arith.constant 0 : i32
    %dma_start3A_55 = tpu.memref_slice %arg8[%dma_start3A_53, %dma_start3A_54] : memref<256x128xf32, #tpu.memory_space<vmem>> -> memref<128x128xf32, #tpu.memory_space<vmem>>
    %dma_start3A_56 = arith.constant 0 : i32
    %dma_start3A_57 = tpu.memref_slice %arg10[%add3A_52, %dma_start3A_56] : memref<10240x128xf32, #tpu.memory_space<vmem_shared>> -> memref<128x128xf32, #tpu.memory_space<vmem_shared>>
    %dma_start3A_58 = arith.constant 0 : i32
    %dma_start3A_59 = tpu.memref_slice %arg10[%add3A_52, %dma_start3A_58] : memref<10240x128xf32, #tpu.memory_space<vmem_shared>> -> memref<128x128xf32, #tpu.memory_space<vmem_shared>>
    %dma_start3A_60 = arith.constant 0 : i32
    %dma_start3A_61 = arith.constant 0 : i32
    %dma_start3A_62 = tpu.memref_slice %arg8[%dma_start3A_60, %dma_start3A_61] : memref<256x128xf32, #tpu.memory_space<vmem>> -> memref<128x128xf32, #tpu.memory_space<vmem>>
    tpu.enqueue_dma source(%dma_start3A_62 : memref<128x128xf32, #tpu.memory_space<vmem>>) target(%dma_start3A_59 : memref<128x128xf32, #tpu.memory_space<vmem_shared>>) target_semaphore(%arg19 : memref<!tpu.dma_semaphore, #tpu.memory_space<semaphore_mem>>)
    %mul3A_63 = arith.constant 640 : i32
    %mul3A_64 = arith.muli %arg1, %mul3A_63 : i32
    %add3A_65 = arith.constant 512 : i32
    %add3A_66 = arith.addi %mul3A_64, %add3A_65 : i32
    %dma_start3A_67 = arith.constant 0 : i32
    %dma_start3A_68 = arith.constant 0 : i32
    %dma_start3A_69 = tpu.memref_slice %arg8[%dma_start3A_67, %dma_start3A_68] : memref<256x128xf32, #tpu.memory_space<vmem>> -> memref<128x128xf32, #tpu.memory_space<vmem>>
    %dma_start3A_70 = arith.constant 0 : i32
    %dma_start3A_71 = tpu.memref_slice %arg10[%add3A_66, %dma_start3A_70] : memref<10240x128xf32, #tpu.memory_space<vmem_shared>> -> memref<128x128xf32, #tpu.memory_space<vmem_shared>>
    %dma_start3A_72 = arith.constant 0 : i32
    %dma_start3A_73 = tpu.memref_slice %arg10[%add3A_66, %dma_start3A_72] : memref<10240x128xf32, #tpu.memory_space<vmem_shared>> -> memref<128x128xf32, #tpu.memory_space<vmem_shared>>
    %dma_start3A_74 = arith.constant 0 : i32
    %dma_start3A_75 = arith.constant 0 : i32
    %dma_start3A_76 = tpu.memref_slice %arg8[%dma_start3A_74, %dma_start3A_75] : memref<256x128xf32, #tpu.memory_space<vmem>> -> memref<128x128xf32, #tpu.memory_space<vmem>>
    tpu.enqueue_dma source(%dma_start3A_76 : memref<128x128xf32, #tpu.memory_space<vmem>>) target(%dma_start3A_73 : memref<128x128xf32, #tpu.memory_space<vmem_shared>>) target_semaphore(%arg19 : memref<!tpu.dma_semaphore, #tpu.memory_space<semaphore_mem>>)
    %mul3A_77 = arith.constant 640 : i32
    %mul3A_78 = arith.muli %arg1, %mul3A_77 : i32
    %dma_wait3A = arith.constant 0 : i32
    %dma_wait3A_79 = arith.constant 0 : i32
    %dma_wait3A_80 = tpu.memref_slice %arg8[%dma_wait3A, %dma_wait3A_79] : memref<256x128xf32, #tpu.memory_space<vmem>> -> memref<128x128xf32, #tpu.memory_space<vmem>>
    %dma_wait3A_81 = arith.constant 0 : i32
    %dma_wait3A_82 = tpu.memref_slice %arg10[%mul3A_78, %dma_wait3A_81] : memref<10240x128xf32, #tpu.memory_space<vmem_shared>> -> memref<128x128xf32, #tpu.memory_space<vmem_shared>>
    %dma_wait3A_83 = arith.constant 0 : i32
    %dma_wait3A_84 = tpu.memref_slice %arg10[%mul3A_78, %dma_wait3A_83] : memref<10240x128xf32, #tpu.memory_space<vmem_shared>> -> memref<128x128xf32, #tpu.memory_space<vmem_shared>>
    %dma_wait3A_85 = arith.constant 0 : i32
    %dma_wait3A_86 = arith.constant 0 : i32
    %dma_wait3A_87 = tpu.memref_slice %arg8[%dma_wait3A_85, %dma_wait3A_86] : memref<256x128xf32, #tpu.memory_space<vmem>> -> memref<128x128xf32, #tpu.memory_space<vmem>>
    tpu.wait_dma2 semaphore(%arg19 : memref<!tpu.dma_semaphore, #tpu.memory_space<semaphore_mem>>) src(%dma_wait3A_87 : memref<128x128xf32, #tpu.memory_space<vmem>>) dst(%dma_wait3A_84 : memref<128x128xf32, #tpu.memory_space<vmem_shared>>)
    %mul3A_88 = arith.constant 640 : i32
    %mul3A_89 = arith.muli %arg1, %mul3A_88 : i32
    %dma_wait3A_90 = arith.constant 0 : i32
    %dma_wait3A_91 = arith.constant 0 : i32
    %dma_wait3A_92 = tpu.memref_slice %arg8[%dma_wait3A_90, %dma_wait3A_91] : memref<256x128xf32, #tpu.memory_space<vmem>> -> memref<128x128xf32, #tpu.memory_space<vmem>>
    %dma_wait3A_93 = arith.constant 0 : i32
    %dma_wait3A_94 = tpu.memref_slice %arg10[%mul3A_89, %dma_wait3A_93] : memref<10240x128xf32, #tpu.memory_space<vmem_shared>> -> memref<128x128xf32, #tpu.memory_space<vmem_shared>>
    %dma_wait3A_95 = arith.constant 0 : i32
    %dma_wait3A_96 = tpu.memref_slice %arg10[%mul3A_89, %dma_wait3A_95] : memref<10240x128xf32, #tpu.memory_space<vmem_shared>> -> memref<128x128xf32, #tpu.memory_space<vmem_shared>>
    %dma_wait3A_97 = arith.constant 0 : i32
    %dma_wait3A_98 = arith.constant 0 : i32
    %dma_wait3A_99 = tpu.memref_slice %arg8[%dma_wait3A_97, %dma_wait3A_98] : memref<256x128xf32, #tpu.memory_space<vmem>> -> memref<128x128xf32, #tpu.memory_space<vmem>>
    tpu.wait_dma2 semaphore(%arg19 : memref<!tpu.dma_semaphore, #tpu.memory_space<semaphore_mem>>) src(%dma_wait3A_99 : memref<128x128xf32, #tpu.memory_space<vmem>>) dst(%dma_wait3A_96 : memref<128x128xf32, #tpu.memory_space<vmem_shared>>)
    %mul3A_100 = arith.constant 640 : i32
    %mul3A_101 = arith.muli %arg1, %mul3A_100 : i32
    %dma_wait3A_102 = arith.constant 0 : i32
    %dma_wait3A_103 = arith.constant 0 : i32
    %dma_wait3A_104 = tpu.memref_slice %arg8[%dma_wait3A_102, %dma_wait3A_103] : memref<256x128xf32, #tpu.memory_space<vmem>> -> memref<128x128xf32, #tpu.memory_space<vmem>>
    %dma_wait3A_105 = arith.constant 0 : i32
    %dma_wait3A_106 = tpu.memref_slice %arg10[%mul3A_101, %dma_wait3A_105] : memref<10240x128xf32, #tpu.memory_space<vmem_shared>> -> memref<128x128xf32, #tpu.memory_space<vmem_shared>>
    %dma_wait3A_107 = arith.constant 0 : i32
    %dma_wait3A_108 = tpu.memref_slice %arg10[%mul3A_101, %dma_wait3A_107] : memref<10240x128xf32, #tpu.memory_space<vmem_shared>> -> memref<128x128xf32, #tpu.memory_space<vmem_shared>>
    %dma_wait3A_109 = arith.constant 0 : i32
    %dma_wait3A_110 = arith.constant 0 : i32
    %dma_wait3A_111 = tpu.memref_slice %arg8[%dma_wait3A_109, %dma_wait3A_110] : memref<256x128xf32, #tpu.memory_space<vmem>> -> memref<128x128xf32, #tpu.memory_space<vmem>>
    tpu.wait_dma2 semaphore(%arg19 : memref<!tpu.dma_semaphore, #tpu.memory_space<semaphore_mem>>) src(%dma_wait3A_111 : memref<128x128xf32, #tpu.memory_space<vmem>>) dst(%dma_wait3A_108 : memref<128x128xf32, #tpu.memory_space<vmem_shared>>)
    %mul3A_112 = arith.constant 640 : i32
    %mul3A_113 = arith.muli %arg1, %mul3A_112 : i32
    %dma_wait3A_114 = arith.constant 0 : i32
    %dma_wait3A_115 = arith.constant 0 : i32
    %dma_wait3A_116 = tpu.memref_slice %arg8[%dma_wait3A_114, %dma_wait3A_115] : memref<256x128xf32, #tpu.memory_space<vmem>> -> memref<128x128xf32, #tpu.memory_space<vmem>>
    %dma_wait3A_117 = arith.constant 0 : i32
    %dma_wait3A_118 = tpu.memref_slice %arg10[%mul3A_113, %dma_wait3A_117] : memref<10240x128xf32, #tpu.memory_space<vmem_shared>> -> memref<128x128xf32, #tpu.memory_space<vmem_shared>>
    %dma_wait3A_119 = arith.constant 0 : i32
    %dma_wait3A_120 = tpu.memref_slice %arg10[%mul3A_113, %dma_wait3A_119] : memref<10240x128xf32, #tpu.memory_space<vmem_shared>> -> memref<128x128xf32, #tpu.memory_space<vmem_shared>>
    %dma_wait3A_121 = arith.constant 0 : i32
    %dma_wait3A_122 = arith.constant 0 : i32
    %dma_wait3A_123 = tpu.memref_slice %arg8[%dma_wait3A_121, %dma_wait3A_122] : memref<256x128xf32, #tpu.memory_space<vmem>> -> memref<128x128xf32, #tpu.memory_space<vmem>>
    tpu.wait_dma2 semaphore(%arg19 : memref<!tpu.dma_semaphore, #tpu.memory_space<semaphore_mem>>) src(%dma_wait3A_123 : memref<128x128xf32, #tpu.memory_space<vmem>>) dst(%dma_wait3A_120 : memref<128x128xf32, #tpu.memory_space<vmem_shared>>)
    %mul3A_124 = arith.constant 640 : i32
    %mul3A_125 = arith.muli %arg1, %mul3A_124 : i32
    %dma_wait3A_126 = arith.constant 0 : i32
    %dma_wait3A_127 = arith.constant 0 : i32
    %dma_wait3A_128 = tpu.memref_slice %arg8[%dma_wait3A_126, %dma_wait3A_127] : memref<256x128xf32, #tpu.memory_space<vmem>> -> memref<128x128xf32, #tpu.memory_space<vmem>>
    %dma_wait3A_129 = arith.constant 0 : i32
    %dma_wait3A_130 = tpu.memref_slice %arg10[%mul3A_125, %dma_wait3A_129] : memref<10240x128xf32, #tpu.memory_space<vmem_shared>> -> memref<128x128xf32, #tpu.memory_space<vmem_shared>>
    %dma_wait3A_131 = arith.constant 0 : i32
    %dma_wait3A_132 = tpu.memref_slice %arg10[%mul3A_125, %dma_wait3A_131] : memref<10240x128xf32, #tpu.memory_space<vmem_shared>> -> memref<128x128xf32, #tpu.memory_space<vmem_shared>>
    %dma_wait3A_133 = arith.constant 0 : i32
    %dma_wait3A_134 = arith.constant 0 : i32
    %dma_wait3A_135 = tpu.memref_slice %arg8[%dma_wait3A_133, %dma_wait3A_134] : memref<256x128xf32, #tpu.memory_space<vmem>> -> memref<128x128xf32, #tpu.memory_space<vmem>>
    tpu.wait_dma2 semaphore(%arg19 : memref<!tpu.dma_semaphore, #tpu.memory_space<semaphore_mem>>) src(%dma_wait3A_135 : memref<128x128xf32, #tpu.memory_space<vmem>>) dst(%dma_wait3A_132 : memref<128x128xf32, #tpu.memory_space<vmem_shared>>)
    %broadcast_in_dim3A = arith.constant 10128 : i32
    %broadcast_in_dim3A_136 = vector.broadcast %broadcast_in_dim3A : i32 to vector<16xi32>
    %iota3A = tpu.iota {dimensions = array<i32: 0>} : vector<16xi32>
    %add3A_137 = arith.addi %broadcast_in_dim3A_136, %iota3A : vector<16xi32>
    %swap3A = arith.constant 0 : i32
    %swap3A_138 = arith.index_cast %swap3A : i32 to index
    %swap3A_139 = arith.constant 0 : index
    %swap3A_140 = tpu.vector_load %arg9[%swap3A_138, %swap3A_139] {strides = array<i32>} : memref<1x64xi32, #tpu.memory_space<vmem>>, vector<1x16xi32>,
    %swap3A_141 = vector.shape_cast %swap3A_140 : vector<1x16xi32> to vector<16xi32>
    %swap3A_142 = vector.shape_cast %add3A_137 : vector<16xi32> to vector<1x16xi32>
    tpu.vector_store %arg9[%swap3A_138, %swap3A_139], %swap3A_142 {strides = array<i32>} : memref<1x64xi32, #tpu.memory_space<vmem>>, vector<1x16xi32>,
    %broadcast_in_dim3A_143 = arith.constant 10144 : i32
    %broadcast_in_dim3A_144 = vector.broadcast %broadcast_in_dim3A_143 : i32 to vector<16xi32>
    %iota3A_145 = tpu.iota {dimensions = array<i32: 0>} : vector<16xi32>
    %add3A_146 = arith.addi %broadcast_in_dim3A_144, %iota3A_145 : vector<16xi32>
    %swap3A_147 = arith.constant 0 : i32
    %swap3A_148 = arith.index_cast %swap3A_147 : i32 to index
    %swap3A_149 = arith.constant 16 : index
    %swap3A_150 = tpu.vector_load %arg9[%swap3A_148, %swap3A_149] {strides = array<i32>} : memref<1x64xi32, #tpu.memory_space<vmem>>, vector<1x16xi32>,
    %swap3A_151 = vector.shape_cast %swap3A_150 : vector<1x16xi32> to vector<16xi32>
    %swap3A_152 = vector.shape_cast %add3A_146 : vector<16xi32> to vector<1x16xi32>
    tpu.vector_store %arg9[%swap3A_148, %swap3A_149], %swap3A_152 {strides = array<i32>} : memref<1x64xi32, #tpu.memory_space<vmem>>, vector<1x16xi32>,
    %broadcast_in_dim3A_153 = arith.constant 10160 : i32
    %broadcast_in_dim3A_154 = vector.broadcast %broadcast_in_dim3A_153 : i32 to vector<16xi32>
    %iota3A_155 = tpu.iota {dimensions = array<i32: 0>} : vector<16xi32>
    %add3A_156 = arith.addi %broadcast_in_dim3A_154, %iota3A_155 : vector<16xi32>
    %swap3A_157 = arith.constant 0 : i32
    %swap3A_158 = arith.index_cast %swap3A_157 : i32 to index
    %swap3A_159 = arith.constant 32 : index
    %swap3A_160 = tpu.vector_load %arg9[%swap3A_158, %swap3A_159] {strides = array<i32>} : memref<1x64xi32, #tpu.memory_space<vmem>>, vector<1x16xi32>,
    %swap3A_161 = vector.shape_cast %swap3A_160 : vector<1x16xi32> to vector<16xi32>
    %swap3A_162 = vector.shape_cast %add3A_156 : vector<16xi32> to vector<1x16xi32>
    tpu.vector_store %arg9[%swap3A_158, %swap3A_159], %swap3A_162 {strides = array<i32>} : memref<1x64xi32, #tpu.memory_space<vmem>>, vector<1x16xi32>,
    %broadcast_in_dim3A_163 = arith.constant 10176 : i32
    %broadcast_in_dim3A_164 = vector.broadcast %broadcast_in_dim3A_163 : i32 to vector<16xi32>
    %iota3A_165 = tpu.iota {dimensions = array<i32: 0>} : vector<16xi32>
    %add3A_166 = arith.addi %broadcast_in_dim3A_164, %iota3A_165 : vector<16xi32>
    %swap3A_167 = arith.constant 0 : i32
    %swap3A_168 = arith.index_cast %swap3A_167 : i32 to index
    %swap3A_169 = arith.constant 48 : index
    %swap3A_170 = tpu.vector_load %arg9[%swap3A_168, %swap3A_169] {strides = array<i32>} : memref<1x64xi32, #tpu.memory_space<vmem>>, vector<1x16xi32>,
    %swap3A_171 = vector.shape_cast %swap3A_170 : vector<1x16xi32> to vector<16xi32>
    %swap3A_172 = vector.shape_cast %add3A_166 : vector<16xi32> to vector<1x16xi32>
    tpu.vector_store %arg9[%swap3A_168, %swap3A_169], %swap3A_172 {strides = array<i32>} : memref<1x64xi32, #tpu.memory_space<vmem>>, vector<1x16xi32>,
    %run_scoped3A = arith.constant 0 : i32
    "tpu.region"() ({
      %run_scoped3A_415 = tpu.sem_alloc : memref<!tpu.dma_semaphore, #tpu.memory_space<semaphore_mem>>
      %dma_start3A_416 = arith.constant 0 : i32
      %dma_start3A_417 = arith.constant 0 : i32
      %dma_start3A_418 = tpu.memref_slice %arg6[%run_scoped3A, %dma_start3A_416, %dma_start3A_417] : memref<3x8x64xi32, #tpu.memory_space<vmem>> -> memref<1x8x64xi32, #tpu.memory_space<vmem>>
      %dma_start3A_419 = tpu.memref_squeeze %dma_start3A_418 : memref<1x8x64xi32, #tpu.memory_space<vmem>> -> memref<8x64xi32, #tpu.memory_space<vmem>>
      %dma_start3A_420 = arith.constant 0 : i32
      %dma_start3A_421 = tpu.memref_slice %arg3[%mul3A_2, %dma_start3A_420] : memref<5120x64xi32, #tpu.memory_space<hbm>> -> memref<8x64xi32, #tpu.memory_space<hbm>>
      %dma_start3A_422 = arith.constant 0 : i32
      %dma_start3A_423 = arith.constant 0 : i32
      %dma_start3A_424 = tpu.memref_slice %arg6[%run_scoped3A, %dma_start3A_422, %dma_start3A_423] : memref<3x8x64xi32, #tpu.memory_space<vmem>> -> memref<1x8x64xi32, #tpu.memory_space<vmem>>
      %dma_start3A_425 = tpu.memref_squeeze %dma_start3A_424 : memref<1x8x64xi32, #tpu.memory_space<vmem>> -> memref<8x64xi32, #tpu.memory_space<vmem>>
      %dma_start3A_426 = arith.constant 0 : i32
      %dma_start3A_427 = tpu.memref_slice %arg3[%mul3A_2, %dma_start3A_426] : memref<5120x64xi32, #tpu.memory_space<hbm>> -> memref<8x64xi32, #tpu.memory_space<hbm>>
      tpu.enqueue_dma source(%dma_start3A_427 : memref<8x64xi32, #tpu.memory_space<hbm>>) target(%dma_start3A_425 : memref<8x64xi32, #tpu.memory_space<vmem>>) target_semaphore(%run_scoped3A_415 : memref<!tpu.dma_semaphore, #tpu.memory_space<semaphore_mem>>)
      %dma_wait3A_428 = arith.constant 0 : i32
      %dma_wait3A_429 = arith.constant 0 : i32
      %dma_wait3A_430 = tpu.memref_slice %arg6[%run_scoped3A, %dma_wait3A_428, %dma_wait3A_429] : memref<3x8x64xi32, #tpu.memory_space<vmem>> -> memref<1x8x64xi32, #tpu.memory_space<vmem>>
      %dma_wait3A_431 = tpu.memref_squeeze %dma_wait3A_430 : memref<1x8x64xi32, #tpu.memory_space<vmem>> -> memref<8x64xi32, #tpu.memory_space<vmem>>
      %dma_wait3A_432 = arith.constant 0 : i32
      %dma_wait3A_433 = tpu.memref_slice %arg3[%mul3A_2, %dma_wait3A_432] : memref<5120x64xi32, #tpu.memory_space<hbm>> -> memref<8x64xi32, #tpu.memory_space<hbm>>
      %dma_wait3A_434 = arith.constant 0 : i32
      %dma_wait3A_435 = arith.constant 0 : i32
      %dma_wait3A_436 = tpu.memref_slice %arg6[%run_scoped3A, %dma_wait3A_434, %dma_wait3A_435] : memref<3x8x64xi32, #tpu.memory_space<vmem>> -> memref<1x8x64xi32, #tpu.memory_space<vmem>>
      %dma_wait3A_437 = tpu.memref_squeeze %dma_wait3A_436 : memref<1x8x64xi32, #tpu.memory_space<vmem>> -> memref<8x64xi32, #tpu.memory_space<vmem>>
      %dma_wait3A_438 = arith.constant 0 : i32
      %dma_wait3A_439 = tpu.memref_slice %arg3[%mul3A_2, %dma_wait3A_438] : memref<5120x64xi32, #tpu.memory_space<hbm>> -> memref<8x64xi32, #tpu.memory_space<hbm>>
      tpu.wait_dma2 semaphore(%run_scoped3A_415 : memref<!tpu.dma_semaphore, #tpu.memory_space<semaphore_mem>>) src(%dma_wait3A_439 : memref<8x64xi32, #tpu.memory_space<hbm>>) dst(%dma_wait3A_437 : memref<8x64xi32, #tpu.memory_space<vmem>>)
      tpu.yield
    }) : () -> ()
    %run_scoped3A_173 = arith.constant 0 : i32
    "tpu.region"() ({
      %run_scoped3A_415 = tpu.sem_alloc : memref<!tpu.dma_semaphore, #tpu.memory_space<semaphore_mem>>
      %dma_start3A_416 = arith.constant 0 : i32
      %dma_start3A_417 = arith.constant 0 : i32
      %dma_start3A_418 = tpu.memref_slice %arg7[%run_scoped3A_173, %dma_start3A_416, %dma_start3A_417] : memref<3x8x64xi32, #tpu.memory_space<vmem>> -> memref<1x8x64xi32, #tpu.memory_space<vmem>>
      %dma_start3A_419 = tpu.memref_squeeze %dma_start3A_418 : memref<1x8x64xi32, #tpu.memory_space<vmem>> -> memref<8x64xi32, #tpu.memory_space<vmem>>
      %dma_start3A_420 = arith.constant 0 : i32
      %dma_start3A_421 = tpu.memref_slice %arg4[%mul3A_2, %dma_start3A_420] : memref<5120x64xi32, #tpu.memory_space<hbm>> -> memref<8x64xi32, #tpu.memory_space<hbm>>
      %dma_start3A_422 = arith.constant 0 : i32
      %dma_start3A_423 = arith.constant 0 : i32
      %dma_start3A_424 = tpu.memref_slice %arg7[%run_scoped3A_173, %dma_start3A_422, %dma_start3A_423] : memref<3x8x64xi32, #tpu.memory_space<vmem>> -> memref<1x8x64xi32, #tpu.memory_space<vmem>>
      %dma_start3A_425 = tpu.memref_squeeze %dma_start3A_424 : memref<1x8x64xi32, #tpu.memory_space<vmem>> -> memref<8x64xi32, #tpu.memory_space<vmem>>
      %dma_start3A_426 = arith.constant 0 : i32
      %dma_start3A_427 = tpu.memref_slice %arg4[%mul3A_2, %dma_start3A_426] : memref<5120x64xi32, #tpu.memory_space<hbm>> -> memref<8x64xi32, #tpu.memory_space<hbm>>
      tpu.enqueue_dma source(%dma_start3A_427 : memref<8x64xi32, #tpu.memory_space<hbm>>) target(%dma_start3A_425 : memref<8x64xi32, #tpu.memory_space<vmem>>) target_semaphore(%run_scoped3A_415 : memref<!tpu.dma_semaphore, #tpu.memory_space<semaphore_mem>>)
      %dma_wait3A_428 = arith.constant 0 : i32
      %dma_wait3A_429 = arith.constant 0 : i32
      %dma_wait3A_430 = tpu.memref_slice %arg7[%run_scoped3A_173, %dma_wait3A_428, %dma_wait3A_429] : memref<3x8x64xi32, #tpu.memory_space<vmem>> -> memref<1x8x64xi32, #tpu.memory_space<vmem>>
      %dma_wait3A_431 = tpu.memref_squeeze %dma_wait3A_430 : memref<1x8x64xi32, #tpu.memory_space<vmem>> -> memref<8x64xi32, #tpu.memory_space<vmem>>
      %dma_wait3A_432 = arith.constant 0 : i32
      %dma_wait3A_433 = tpu.memref_slice %arg4[%mul3A_2, %dma_wait3A_432] : memref<5120x64xi32, #tpu.memory_space<hbm>> -> memref<8x64xi32, #tpu.memory_space<hbm>>
      %dma_wait3A_434 = arith.constant 0 : i32
      %dma_wait3A_435 = arith.constant 0 : i32
      %dma_wait3A_436 = tpu.memref_slice %arg7[%run_scoped3A_173, %dma_wait3A_434, %dma_wait3A_435] : memref<3x8x64xi32, #tpu.memory_space<vmem>> -> memref<1x8x64xi32, #tpu.memory_space<vmem>>
      %dma_wait3A_437 = tpu.memref_squeeze %dma_wait3A_436 : memref<1x8x64xi32, #tpu.memory_space<vmem>> -> memref<8x64xi32, #tpu.memory_space<vmem>>
      %dma_wait3A_438 = arith.constant 0 : i32
      %dma_wait3A_439 = tpu.memref_slice %arg4[%mul3A_2, %dma_wait3A_438] : memref<5120x64xi32, #tpu.memory_space<hbm>> -> memref<8x64xi32, #tpu.memory_space<hbm>>
      tpu.wait_dma2 semaphore(%run_scoped3A_415 : memref<!tpu.dma_semaphore, #tpu.memory_space<semaphore_mem>>) src(%dma_wait3A_439 : memref<8x64xi32, #tpu.memory_space<hbm>>) dst(%dma_wait3A_437 : memref<8x64xi32, #tpu.memory_space<vmem>>)
      tpu.yield
    }) : () -> ()
    %dma_start3A_174 = arith.constant 0 : i32
    %dma_start3A_175 = arith.constant 128 : i32
    %dma_start3A_176 = arith.constant 0 : i32
    %dma_start3A_177 = tpu.memref_slice %arg8[%dma_start3A_175, %dma_start3A_176] : memref<256x128xf32, #tpu.memory_space<vmem>> -> memref<64x128xf32, #tpu.memory_space<vmem>>
    %dma_start3A_178 = arith.constant 0 : i32
    %dma_start3A_179 = tpu.memref_slice %arg9[%dma_start3A_174, %dma_start3A_178] : memref<1x64xi32, #tpu.memory_space<vmem>> -> memref<1x64xi32, #tpu.memory_space<vmem>>
    %dma_start3A_180 = tpu.memref_squeeze %dma_start3A_179 : memref<1x64xi32, #tpu.memory_space<vmem>> -> memref<64xi32, #tpu.memory_space<vmem>>
    %dma_start3A_181 = arith.constant 0 : i32
    %dma_start3A_182 = arith.constant 0 : i32
    %dma_start3A_183 = tpu.memref_slice %arg10[%dma_start3A_181, %dma_start3A_182] : memref<10240x128xf32, #tpu.memory_space<vmem_shared>> -> memref<10240x128xf32, #tpu.memory_space<vmem_shared>>
    tpu.enqueue_indirect_dma source(%dma_start3A_177 : memref<64x128xf32, #tpu.memory_space<vmem>>) target(%dma_start3A_183 : memref<10240x128xf32, #tpu.memory_space<vmem_shared>>) offsets(%dma_start3A_180 : memref<64xi32, #tpu.memory_space<vmem>>) semaphore(%arg17 : memref<!tpu.dma_semaphore, #tpu.memory_space<semaphore_mem>>) {add = true}
    %dma_start3A_184 = arith.constant 0 : i32
    %dma_start3A_185 = arith.constant 192 : i32
    %dma_start3A_186 = arith.constant 0 : i32
    %dma_start3A_187 = tpu.memref_slice %arg8[%dma_start3A_185, %dma_start3A_186] : memref<256x128xf32, #tpu.memory_space<vmem>> -> memref<64x128xf32, #tpu.memory_space<vmem>>
    %dma_start3A_188 = arith.constant 0 : i32
    %dma_start3A_189 = tpu.memref_slice %arg9[%dma_start3A_184, %dma_start3A_188] : memref<1x64xi32, #tpu.memory_space<vmem>> -> memref<1x64xi32, #tpu.memory_space<vmem>>
    %dma_start3A_190 = tpu.memref_squeeze %dma_start3A_189 : memref<1x64xi32, #tpu.memory_space<vmem>> -> memref<64xi32, #tpu.memory_space<vmem>>
    %dma_start3A_191 = arith.constant 0 : i32
    %dma_start3A_192 = arith.constant 0 : i32
    %dma_start3A_193 = tpu.memref_slice %arg10[%dma_start3A_191, %dma_start3A_192] : memref<10240x128xf32, #tpu.memory_space<vmem_shared>> -> memref<10240x128xf32, #tpu.memory_space<vmem_shared>>
    tpu.enqueue_indirect_dma source(%dma_start3A_187 : memref<64x128xf32, #tpu.memory_space<vmem>>) target(%dma_start3A_193 : memref<10240x128xf32, #tpu.memory_space<vmem_shared>>) offsets(%dma_start3A_190 : memref<64xi32, #tpu.memory_space<vmem>>) semaphore(%arg18 : memref<!tpu.dma_semaphore, #tpu.memory_space<semaphore_mem>>) {add = true}
    %dma_start3A_194 = arith.constant 0 : i32
    %dma_start3A_195 = arith.constant 0 : i32
    %dma_start3A_196 = arith.constant 0 : i32
    %dma_start3A_197 = arith.constant 0 : i32
    %dma_start3A_198 = tpu.memref_slice %arg8[%dma_start3A_196, %dma_start3A_197] : memref<256x128xf32, #tpu.memory_space<vmem>> -> memref<64x128xf32, #tpu.memory_space<vmem>>
    %dma_start3A_199 = arith.constant 0 : i32
    %dma_start3A_200 = tpu.memref_slice %arg6[%dma_start3A_194, %dma_start3A_195, %dma_start3A_199] : memref<3x8x64xi32, #tpu.memory_space<vmem>> -> memref<1x1x64xi32, #tpu.memory_space<vmem>>
    %dma_start3A_201 = tpu.memref_squeeze %dma_start3A_200 : memref<1x1x64xi32, #tpu.memory_space<vmem>> -> memref<64xi32, #tpu.memory_space<vmem>>
    %dma_start3A_202 = arith.constant 0 : i32
    %dma_start3A_203 = arith.constant 0 : i32
    %dma_start3A_204 = tpu.memref_slice %arg2[%dma_start3A_202, %dma_start3A_203] : memref<10240x128xf32, #tpu.memory_space<hbm>> -> memref<10240x128xf32, #tpu.memory_space<hbm>>
    tpu.enqueue_indirect_dma source(%dma_start3A_204 : memref<10240x128xf32, #tpu.memory_space<hbm>>) target(%dma_start3A_198 : memref<64x128xf32, #tpu.memory_space<vmem>>) offsets(%dma_start3A_201 : memref<64xi32, #tpu.memory_space<vmem>>) semaphore(%arg11 : memref<!tpu.dma_semaphore, #tpu.memory_space<semaphore_mem>>)
    %dma_start3A_205 = arith.constant 0 : i32
    %dma_start3A_206 = arith.constant 1 : i32
    %dma_start3A_207 = arith.constant 64 : i32
    %dma_start3A_208 = arith.constant 0 : i32
    %dma_start3A_209 = tpu.memref_slice %arg8[%dma_start3A_207, %dma_start3A_208] : memref<256x128xf32, #tpu.memory_space<vmem>> -> memref<64x128xf32, #tpu.memory_space<vmem>>
    %dma_start3A_210 = arith.constant 0 : i32
    %dma_start3A_211 = tpu.memref_slice %arg6[%dma_start3A_205, %dma_start3A_206, %dma_start3A_210] : memref<3x8x64xi32, #tpu.memory_space<vmem>> -> memref<1x1x64xi32, #tpu.memory_space<vmem>>
    %dma_start3A_212 = tpu.memref_squeeze %dma_start3A_211 : memref<1x1x64xi32, #tpu.memory_space<vmem>> -> memref<64xi32, #tpu.memory_space<vmem>>
    %dma_start3A_213 = arith.constant 0 : i32
    %dma_start3A_214 = arith.constant 0 : i32
    %dma_start3A_215 = tpu.memref_slice %arg2[%dma_start3A_213, %dma_start3A_214] : memref<10240x128xf32, #tpu.memory_space<hbm>> -> memref<10240x128xf32, #tpu.memory_space<hbm>>
    tpu.enqueue_indirect_dma source(%dma_start3A_215 : memref<10240x128xf32, #tpu.memory_space<hbm>>) target(%dma_start3A_209 : memref<64x128xf32, #tpu.memory_space<vmem>>) offsets(%dma_start3A_212 : memref<64xi32, #tpu.memory_space<vmem>>) semaphore(%arg12 : memref<!tpu.dma_semaphore, #tpu.memory_space<semaphore_mem>>)
    %barrier3A = arith.constant 0 : index
    tpu.barrier barrier_id(%barrier3A)
    %scan3A_216 = arith.constant 0 : i32
    %scan3A_217 = arith.constant 0 : i32
    %scan3A_218 = arith.constant 20 : i32
    %scan3A_219 = arith.addi %scan3A_217, %scan3A_218 : i32
    %scan3A_220 = arith.constant 1 : i32
    scf.for %scan3A_415 = %scan3A_217 to %scan3A_219 step %scan3A_220  : i32 {
      %rem3A = arith.constant 3 : i32
      %rem3A_416 = arith.remsi %scan3A_415, %rem3A : i32
      %add3A_417 = arith.constant 1 : i32
      %add3A_418 = arith.addi %scan3A_415, %add3A_417 : i32
      %rem3A_419 = arith.constant 3 : i32
      %rem3A_420 = arith.remsi %add3A_418, %rem3A_419 : i32
      %add3A_421 = arith.constant 1 : i32
      %add3A_422 = arith.addi %scan3A_415, %add3A_421 : i32
      %min3A = arith.constant 19 : i32
      %min3A_423 = arith.minsi %add3A_422, %min3A : i32
      %mul3A_424 = arith.constant 8 : i32
      %mul3A_425 = arith.muli %min3A_423, %mul3A_424 : i32
      %add3A_426 = arith.addi %mul3A_2, %mul3A_425 : i32
      %dma_start3A_427 = arith.constant 0 : i32
      %dma_start3A_428 = arith.constant 0 : i32
      %dma_start3A_429 = tpu.memref_slice %arg6[%rem3A_420, %dma_start3A_427, %dma_start3A_428] : memref<3x8x64xi32, #tpu.memory_space<vmem>> -> memref<1x8x64xi32, #tpu.memory_space<vmem>>
      %dma_start3A_430 = tpu.memref_squeeze %dma_start3A_429 : memref<1x8x64xi32, #tpu.memory_space<vmem>> -> memref<8x64xi32, #tpu.memory_space<vmem>>
      %dma_start3A_431 = arith.constant 0 : i32
      %dma_start3A_432 = tpu.memref_slice %arg3[%add3A_426, %dma_start3A_431] : memref<5120x64xi32, #tpu.memory_space<hbm>> -> memref<8x64xi32, #tpu.memory_space<hbm>>
      %dma_start3A_433 = arith.constant 0 : i32
      %dma_start3A_434 = arith.constant 0 : i32
      %dma_start3A_435 = tpu.memref_slice %arg6[%rem3A_420, %dma_start3A_433, %dma_start3A_434] : memref<3x8x64xi32, #tpu.memory_space<vmem>> -> memref<1x8x64xi32, #tpu.memory_space<vmem>>
      %dma_start3A_436 = tpu.memref_squeeze %dma_start3A_435 : memref<1x8x64xi32, #tpu.memory_space<vmem>> -> memref<8x64xi32, #tpu.memory_space<vmem>>
      %dma_start3A_437 = arith.constant 0 : i32
      %dma_start3A_438 = tpu.memref_slice %arg3[%add3A_426, %dma_start3A_437] : memref<5120x64xi32, #tpu.memory_space<hbm>> -> memref<8x64xi32, #tpu.memory_space<hbm>>
      tpu.enqueue_dma source(%dma_start3A_438 : memref<8x64xi32, #tpu.memory_space<hbm>>) target(%dma_start3A_436 : memref<8x64xi32, #tpu.memory_space<vmem>>) target_semaphore(%arg19 : memref<!tpu.dma_semaphore, #tpu.memory_space<semaphore_mem>>)
      %mul3A_439 = arith.constant 8 : i32
      %mul3A_440 = arith.muli %min3A_423, %mul3A_439 : i32
      %add3A_441 = arith.addi %mul3A_2, %mul3A_440 : i32
      %dma_start3A_442 = arith.constant 0 : i32
      %dma_start3A_443 = arith.constant 0 : i32
      %dma_start3A_444 = tpu.memref_slice %arg7[%rem3A_420, %dma_start3A_442, %dma_start3A_443] : memref<3x8x64xi32, #tpu.memory_space<vmem>> -> memref<1x8x64xi32, #tpu.memory_space<vmem>>
      %dma_start3A_445 = tpu.memref_squeeze %dma_start3A_444 : memref<1x8x64xi32, #tpu.memory_space<vmem>> -> memref<8x64xi32, #tpu.memory_space<vmem>>
      %dma_start3A_446 = arith.constant 0 : i32
      %dma_start3A_447 = tpu.memref_slice %arg4[%add3A_441, %dma_start3A_446] : memref<5120x64xi32, #tpu.memory_space<hbm>> -> memref<8x64xi32, #tpu.memory_space<hbm>>
      %dma_start3A_448 = arith.constant 0 : i32
      %dma_start3A_449 = arith.constant 0 : i32
      %dma_start3A_450 = tpu.memref_slice %arg7[%rem3A_420, %dma_start3A_448, %dma_start3A_449] : memref<3x8x64xi32, #tpu.memory_space<vmem>> -> memref<1x8x64xi32, #tpu.memory_space<vmem>>
      %dma_start3A_451 = tpu.memref_squeeze %dma_start3A_450 : memref<1x8x64xi32, #tpu.memory_space<vmem>> -> memref<8x64xi32, #tpu.memory_space<vmem>>
      %dma_start3A_452 = arith.constant 0 : i32
      %dma_start3A_453 = tpu.memref_slice %arg4[%add3A_441, %dma_start3A_452] : memref<5120x64xi32, #tpu.memory_space<hbm>> -> memref<8x64xi32, #tpu.memory_space<hbm>>
      tpu.enqueue_dma source(%dma_start3A_453 : memref<8x64xi32, #tpu.memory_space<hbm>>) target(%dma_start3A_451 : memref<8x64xi32, #tpu.memory_space<vmem>>) target_semaphore(%arg20 : memref<!tpu.dma_semaphore, #tpu.memory_space<semaphore_mem>>)
      %dma_wait3A_454 = arith.constant 0 : i32
      %dma_wait3A_455 = arith.constant 0 : i32
      %dma_wait3A_456 = arith.constant 0 : i32
      %dma_wait3A_457 = arith.constant 0 : i32
      %dma_wait3A_458 = tpu.memref_slice %arg8[%dma_wait3A_456, %dma_wait3A_457] : memref<256x128xf32, #tpu.memory_space<vmem>> -> memref<64x128xf32, #tpu.memory_space<vmem>>
      %dma_wait3A_459 = arith.constant 0 : i32
      %dma_wait3A_460 = tpu.memref_slice %arg6[%dma_wait3A_454, %dma_wait3A_455, %dma_wait3A_459] : memref<3x8x64xi32, #tpu.memory_space<vmem>> -> memref<1x1x64xi32, #tpu.memory_space<vmem>>
      %dma_wait3A_461 = tpu.memref_squeeze %dma_wait3A_460 : memref<1x1x64xi32, #tpu.memory_space<vmem>> -> memref<64xi32, #tpu.memory_space<vmem>>
      %dma_wait3A_462 = arith.constant 0 : i32
      %dma_wait3A_463 = arith.constant 0 : i32
      %dma_wait3A_464 = tpu.memref_slice %arg2[%dma_wait3A_462, %dma_wait3A_463] : memref<10240x128xf32, #tpu.memory_space<hbm>> -> memref<10240x128xf32, #tpu.memory_space<hbm>>
      tpu.wait_indirect_dma semaphore(%arg11 : memref<!tpu.dma_semaphore, #tpu.memory_space<semaphore_mem>>) src(%dma_wait3A_464 : memref<10240x128xf32, #tpu.memory_space<hbm>>) dst(%dma_wait3A_458 : memref<64x128xf32, #tpu.memory_space<vmem>>)
      %dma_start3A_465 = arith.constant 0 : i32
      %dma_start3A_466 = arith.constant 0 : i32
      %dma_start3A_467 = arith.constant 0 : i32
      %dma_start3A_468 = tpu.memref_slice %arg8[%dma_start3A_466, %dma_start3A_467] : memref<256x128xf32, #tpu.memory_space<vmem>> -> memref<64x128xf32, #tpu.memory_space<vmem>>
      %dma_start3A_469 = arith.constant 0 : i32
      %dma_start3A_470 = tpu.memref_slice %arg7[%rem3A_416, %dma_start3A_465, %dma_start3A_469] : memref<3x8x64xi32, #tpu.memory_space<vmem>> -> memref<1x1x64xi32, #tpu.memory_space<vmem>>
      %dma_start3A_471 = tpu.memref_squeeze %dma_start3A_470 : memref<1x1x64xi32, #tpu.memory_space<vmem>> -> memref<64xi32, #tpu.memory_space<vmem>>
      %dma_start3A_472 = arith.constant 0 : i32
      %dma_start3A_473 = arith.constant 0 : i32
      %dma_start3A_474 = tpu.memref_slice %arg10[%dma_start3A_472, %dma_start3A_473] : memref<10240x128xf32, #tpu.memory_space<vmem_shared>> -> memref<10240x128xf32, #tpu.memory_space<vmem_shared>>
      tpu.enqueue_indirect_dma source(%dma_start3A_468 : memref<64x128xf32, #tpu.memory_space<vmem>>) target(%dma_start3A_474 : memref<10240x128xf32, #tpu.memory_space<vmem_shared>>) offsets(%dma_start3A_471 : memref<64xi32, #tpu.memory_space<vmem>>) semaphore(%arg15 : memref<!tpu.dma_semaphore, #tpu.memory_space<semaphore_mem>>) {add = true}
      %dma_wait3A_475 = arith.constant 0 : i32
      %dma_wait3A_476 = arith.constant 128 : i32
      %dma_wait3A_477 = arith.constant 0 : i32
      %dma_wait3A_478 = tpu.memref_slice %arg8[%dma_wait3A_476, %dma_wait3A_477] : memref<256x128xf32, #tpu.memory_space<vmem>> -> memref<64x128xf32, #tpu.memory_space<vmem>>
      %dma_wait3A_479 = arith.constant 0 : i32
      %dma_wait3A_480 = tpu.memref_slice %arg9[%dma_wait3A_475, %dma_wait3A_479] : memref<1x64xi32, #tpu.memory_space<vmem>> -> memref<1x64xi32, #tpu.memory_space<vmem>>
      %dma_wait3A_481 = tpu.memref_squeeze %dma_wait3A_480 : memref<1x64xi32, #tpu.memory_space<vmem>> -> memref<64xi32, #tpu.memory_space<vmem>>
      %dma_wait3A_482 = arith.constant 0 : i32
      %dma_wait3A_483 = arith.constant 0 : i32
      %dma_wait3A_484 = tpu.memref_slice %arg10[%dma_wait3A_482, %dma_wait3A_483] : memref<10240x128xf32, #tpu.memory_space<vmem_shared>> -> memref<10240x128xf32, #tpu.memory_space<vmem_shared>>
      tpu.wait_indirect_dma semaphore(%arg17 : memref<!tpu.dma_semaphore, #tpu.memory_space<semaphore_mem>>) src(%dma_wait3A_478 : memref<64x128xf32, #tpu.memory_space<vmem>>) dst(%dma_wait3A_484 : memref<10240x128xf32, #tpu.memory_space<vmem_shared>>)
      %dma_start3A_485 = arith.constant 2 : i32
      %dma_start3A_486 = arith.constant 128 : i32
      %dma_start3A_487 = arith.constant 0 : i32
      %dma_start3A_488 = tpu.memref_slice %arg8[%dma_start3A_486, %dma_start3A_487] : memref<256x128xf32, #tpu.memory_space<vmem>> -> memref<64x128xf32, #tpu.memory_space<vmem>>
      %dma_start3A_489 = arith.constant 0 : i32
      %dma_start3A_490 = tpu.memref_slice %arg6[%rem3A_416, %dma_start3A_485, %dma_start3A_489] : memref<3x8x64xi32, #tpu.memory_space<vmem>> -> memref<1x1x64xi32, #tpu.memory_space<vmem>>
      %dma_start3A_491 = tpu.memref_squeeze %dma_start3A_490 : memref<1x1x64xi32, #tpu.memory_space<vmem>> -> memref<64xi32, #tpu.memory_space<vmem>>
      %dma_start3A_492 = arith.constant 0 : i32
      %dma_start3A_493 = arith.constant 0 : i32
      %dma_start3A_494 = tpu.memref_slice %arg2[%dma_start3A_492, %dma_start3A_493] : memref<10240x128xf32, #tpu.memory_space<hbm>> -> memref<10240x128xf32, #tpu.memory_space<hbm>>
      tpu.enqueue_indirect_dma source(%dma_start3A_494 : memref<10240x128xf32, #tpu.memory_space<hbm>>) target(%dma_start3A_488 : memref<64x128xf32, #tpu.memory_space<vmem>>) offsets(%dma_start3A_491 : memref<64xi32, #tpu.memory_space<vmem>>) semaphore(%arg13 : memref<!tpu.dma_semaphore, #tpu.memory_space<semaphore_mem>>)
      %dma_wait3A_495 = arith.constant 0 : i32
      %dma_wait3A_496 = arith.constant 0 : i32
      %dma_wait3A_497 = arith.constant 64 : i32
      %dma_wait3A_498 = arith.constant 0 : i32
      %dma_wait3A_499 = tpu.memref_slice %arg8[%dma_wait3A_497, %dma_wait3A_498] : memref<256x128xf32, #tpu.memory_space<vmem>> -> memref<64x128xf32, #tpu.memory_space<vmem>>
      %dma_wait3A_500 = arith.constant 0 : i32
      %dma_wait3A_501 = tpu.memref_slice %arg6[%dma_wait3A_495, %dma_wait3A_496, %dma_wait3A_500] : memref<3x8x64xi32, #tpu.memory_space<vmem>> -> memref<1x1x64xi32, #tpu.memory_space<vmem>>
      %dma_wait3A_502 = tpu.memref_squeeze %dma_wait3A_501 : memref<1x1x64xi32, #tpu.memory_space<vmem>> -> memref<64xi32, #tpu.memory_space<vmem>>
      %dma_wait3A_503 = arith.constant 0 : i32
      %dma_wait3A_504 = arith.constant 0 : i32
      %dma_wait3A_505 = tpu.memref_slice %arg2[%dma_wait3A_503, %dma_wait3A_504] : memref<10240x128xf32, #tpu.memory_space<hbm>> -> memref<10240x128xf32, #tpu.memory_space<hbm>>
      tpu.wait_indirect_dma semaphore(%arg12 : memref<!tpu.dma_semaphore, #tpu.memory_space<semaphore_mem>>) src(%dma_wait3A_505 : memref<10240x128xf32, #tpu.memory_space<hbm>>) dst(%dma_wait3A_499 : memref<64x128xf32, #tpu.memory_space<vmem>>)
      %dma_start3A_506 = arith.constant 1 : i32
      %dma_start3A_507 = arith.constant 64 : i32
      %dma_start3A_508 = arith.constant 0 : i32
      %dma_start3A_509 = tpu.memref_slice %arg8[%dma_start3A_507, %dma_start3A_508] : memref<256x128xf32, #tpu.memory_space<vmem>> -> memref<64x128xf32, #tpu.memory_space<vmem>>
      %dma_start3A_510 = arith.constant 0 : i32
      %dma_start3A_511 = tpu.memref_slice %arg7[%rem3A_416, %dma_start3A_506, %dma_start3A_510] : memref<3x8x64xi32, #tpu.memory_space<vmem>> -> memref<1x1x64xi32, #tpu.memory_space<vmem>>
      %dma_start3A_512 = tpu.memref_squeeze %dma_start3A_511 : memref<1x1x64xi32, #tpu.memory_space<vmem>> -> memref<64xi32, #tpu.memory_space<vmem>>
      %dma_start3A_513 = arith.constant 0 : i32
      %dma_start3A_514 = arith.constant 0 : i32
      %dma_start3A_515 = tpu.memref_slice %arg10[%dma_start3A_513, %dma_start3A_514] : memref<10240x128xf32, #tpu.memory_space<vmem_shared>> -> memref<10240x128xf32, #tpu.memory_space<vmem_shared>>
      tpu.enqueue_indirect_dma source(%dma_start3A_509 : memref<64x128xf32, #tpu.memory_space<vmem>>) target(%dma_start3A_515 : memref<10240x128xf32, #tpu.memory_space<vmem_shared>>) offsets(%dma_start3A_512 : memref<64xi32, #tpu.memory_space<vmem>>) semaphore(%arg16 : memref<!tpu.dma_semaphore, #tpu.memory_space<semaphore_mem>>) {add = true}
      %dma_wait3A_516 = arith.constant 0 : i32
      %dma_wait3A_517 = arith.constant 192 : i32
      %dma_wait3A_518 = arith.constant 0 : i32
      %dma_wait3A_519 = tpu.memref_slice %arg8[%dma_wait3A_517, %dma_wait3A_518] : memref<256x128xf32, #tpu.memory_space<vmem>> -> memref<64x128xf32, #tpu.memory_space<vmem>>
      %dma_wait3A_520 = arith.constant 0 : i32
      %dma_wait3A_521 = tpu.memref_slice %arg9[%dma_wait3A_516, %dma_wait3A_520] : memref<1x64xi32, #tpu.memory_space<vmem>> -> memref<1x64xi32, #tpu.memory_space<vmem>>
      %dma_wait3A_522 = tpu.memref_squeeze %dma_wait3A_521 : memref<1x64xi32, #tpu.memory_space<vmem>> -> memref<64xi32, #tpu.memory_space<vmem>>
      %dma_wait3A_523 = arith.constant 0 : i32
      %dma_wait3A_524 = arith.constant 0 : i32
      %dma_wait3A_525 = tpu.memref_slice %arg10[%dma_wait3A_523, %dma_wait3A_524] : memref<10240x128xf32, #tpu.memory_space<vmem_shared>> -> memref<10240x128xf32, #tpu.memory_space<vmem_shared>>
      tpu.wait_indirect_dma semaphore(%arg18 : memref<!tpu.dma_semaphore, #tpu.memory_space<semaphore_mem>>) src(%dma_wait3A_519 : memref<64x128xf32, #tpu.memory_space<vmem>>) dst(%dma_wait3A_525 : memref<10240x128xf32, #tpu.memory_space<vmem_shared>>)
      %dma_start3A_526 = arith.constant 3 : i32
      %dma_start3A_527 = arith.constant 192 : i32
      %dma_start3A_528 = arith.constant 0 : i32
      %dma_start3A_529 = tpu.memref_slice %arg8[%dma_start3A_527, %dma_start3A_528] : memref<256x128xf32, #tpu.memory_space<vmem>> -> memref<64x128xf32, #tpu.memory_space<vmem>>
      %dma_start3A_530 = arith.constant 0 : i32
      %dma_start3A_531 = tpu.memref_slice %arg6[%rem3A_416, %dma_start3A_526, %dma_start3A_530] : memref<3x8x64xi32, #tpu.memory_space<vmem>> -> memref<1x1x64xi32, #tpu.memory_space<vmem>>
      %dma_start3A_532 = tpu.memref_squeeze %dma_start3A_531 : memref<1x1x64xi32, #tpu.memory_space<vmem>> -> memref<64xi32, #tpu.memory_space<vmem>>
      %dma_start3A_533 = arith.constant 0 : i32
      %dma_start3A_534 = arith.constant 0 : i32
      %dma_start3A_535 = tpu.memref_slice %arg2[%dma_start3A_533, %dma_start3A_534] : memref<10240x128xf32, #tpu.memory_space<hbm>> -> memref<10240x128xf32, #tpu.memory_space<hbm>>
      tpu.enqueue_indirect_dma source(%dma_start3A_535 : memref<10240x128xf32, #tpu.memory_space<hbm>>) target(%dma_start3A_529 : memref<64x128xf32, #tpu.memory_space<vmem>>) offsets(%dma_start3A_532 : memref<64xi32, #tpu.memory_space<vmem>>) semaphore(%arg14 : memref<!tpu.dma_semaphore, #tpu.memory_space<semaphore_mem>>)
      %dma_wait3A_536 = arith.constant 0 : i32
      %dma_wait3A_537 = arith.constant 0 : i32
      %dma_wait3A_538 = arith.constant 128 : i32
      %dma_wait3A_539 = arith.constant 0 : i32
      %dma_wait3A_540 = tpu.memref_slice %arg8[%dma_wait3A_538, %dma_wait3A_539] : memref<256x128xf32, #tpu.memory_space<vmem>> -> memref<64x128xf32, #tpu.memory_space<vmem>>
      %dma_wait3A_541 = arith.constant 0 : i32
      %dma_wait3A_542 = tpu.memref_slice %arg6[%dma_wait3A_536, %dma_wait3A_537, %dma_wait3A_541] : memref<3x8x64xi32, #tpu.memory_space<vmem>> -> memref<1x1x64xi32, #tpu.memory_space<vmem>>
      %dma_wait3A_543 = tpu.memref_squeeze %dma_wait3A_542 : memref<1x1x64xi32, #tpu.memory_space<vmem>> -> memref<64xi32, #tpu.memory_space<vmem>>
      %dma_wait3A_544 = arith.constant 0 : i32
      %dma_wait3A_545 = arith.constant 0 : i32
      %dma_wait3A_546 = tpu.memref_slice %arg2[%dma_wait3A_544, %dma_wait3A_545] : memref<10240x128xf32, #tpu.memory_space<hbm>> -> memref<10240x128xf32, #tpu.memory_space<hbm>>
      tpu.wait_indirect_dma semaphore(%arg13 : memref<!tpu.dma_semaphore, #tpu.memory_space<semaphore_mem>>) src(%dma_wait3A_546 : memref<10240x128xf32, #tpu.memory_space<hbm>>) dst(%dma_wait3A_540 : memref<64x128xf32, #tpu.memory_space<vmem>>)
      %dma_start3A_547 = arith.constant 2 : i32
      %dma_start3A_548 = arith.constant 128 : i32
      %dma_start3A_549 = arith.constant 0 : i32
      %dma_start3A_550 = tpu.memref_slice %arg8[%dma_start3A_548, %dma_start3A_549] : memref<256x128xf32, #tpu.memory_space<vmem>> -> memref<64x128xf32, #tpu.memory_space<vmem>>
      %dma_start3A_551 = arith.constant 0 : i32
      %dma_start3A_552 = tpu.memref_slice %arg7[%rem3A_416, %dma_start3A_547, %dma_start3A_551] : memref<3x8x64xi32, #tpu.memory_space<vmem>> -> memref<1x1x64xi32, #tpu.memory_space<vmem>>
      %dma_start3A_553 = tpu.memref_squeeze %dma_start3A_552 : memref<1x1x64xi32, #tpu.memory_space<vmem>> -> memref<64xi32, #tpu.memory_space<vmem>>
      %dma_start3A_554 = arith.constant 0 : i32
      %dma_start3A_555 = arith.constant 0 : i32
      %dma_start3A_556 = tpu.memref_slice %arg10[%dma_start3A_554, %dma_start3A_555] : memref<10240x128xf32, #tpu.memory_space<vmem_shared>> -> memref<10240x128xf32, #tpu.memory_space<vmem_shared>>
      tpu.enqueue_indirect_dma source(%dma_start3A_550 : memref<64x128xf32, #tpu.memory_space<vmem>>) target(%dma_start3A_556 : memref<10240x128xf32, #tpu.memory_space<vmem_shared>>) offsets(%dma_start3A_553 : memref<64xi32, #tpu.memory_space<vmem>>) semaphore(%arg17 : memref<!tpu.dma_semaphore, #tpu.memory_space<semaphore_mem>>) {add = true}
      %dma_wait3A_557 = arith.constant 0 : i32
      %dma_wait3A_558 = arith.constant 0 : i32
      %dma_wait3A_559 = arith.constant 0 : i32
      %dma_wait3A_560 = tpu.memref_slice %arg8[%dma_wait3A_558, %dma_wait3A_559] : memref<256x128xf32, #tpu.memory_space<vmem>> -> memref<64x128xf32, #tpu.memory_space<vmem>>
      %dma_wait3A_561 = arith.constant 0 : i32
      %dma_wait3A_562 = tpu.memref_slice %arg9[%dma_wait3A_557, %dma_wait3A_561] : memref<1x64xi32, #tpu.memory_space<vmem>> -> memref<1x64xi32, #tpu.memory_space<vmem>>
      %dma_wait3A_563 = tpu.memref_squeeze %dma_wait3A_562 : memref<1x64xi32, #tpu.memory_space<vmem>> -> memref<64xi32, #tpu.memory_space<vmem>>
      %dma_wait3A_564 = arith.constant 0 : i32
      %dma_wait3A_565 = arith.constant 0 : i32
      %dma_wait3A_566 = tpu.memref_slice %arg10[%dma_wait3A_564, %dma_wait3A_565] : memref<10240x128xf32, #tpu.memory_space<vmem_shared>> -> memref<10240x128xf32, #tpu.memory_space<vmem_shared>>
      tpu.wait_indirect_dma semaphore(%arg15 : memref<!tpu.dma_semaphore, #tpu.memory_space<semaphore_mem>>) src(%dma_wait3A_560 : memref<64x128xf32, #tpu.memory_space<vmem>>) dst(%dma_wait3A_566 : memref<10240x128xf32, #tpu.memory_space<vmem_shared>>)
      %dma_start3A_567 = arith.constant 4 : i32
      %dma_start3A_568 = arith.constant 0 : i32
      %dma_start3A_569 = arith.constant 0 : i32
      %dma_start3A_570 = tpu.memref_slice %arg8[%dma_start3A_568, %dma_start3A_569] : memref<256x128xf32, #tpu.memory_space<vmem>> -> memref<64x128xf32, #tpu.memory_space<vmem>>
      %dma_start3A_571 = arith.constant 0 : i32
      %dma_start3A_572 = tpu.memref_slice %arg6[%rem3A_416, %dma_start3A_567, %dma_start3A_571] : memref<3x8x64xi32, #tpu.memory_space<vmem>> -> memref<1x1x64xi32, #tpu.memory_space<vmem>>
      %dma_start3A_573 = tpu.memref_squeeze %dma_start3A_572 : memref<1x1x64xi32, #tpu.memory_space<vmem>> -> memref<64xi32, #tpu.memory_space<vmem>>
      %dma_start3A_574 = arith.constant 0 : i32
      %dma_start3A_575 = arith.constant 0 : i32
      %dma_start3A_576 = tpu.memref_slice %arg2[%dma_start3A_574, %dma_start3A_575] : memref<10240x128xf32, #tpu.memory_space<hbm>> -> memref<10240x128xf32, #tpu.memory_space<hbm>>
      tpu.enqueue_indirect_dma source(%dma_start3A_576 : memref<10240x128xf32, #tpu.memory_space<hbm>>) target(%dma_start3A_570 : memref<64x128xf32, #tpu.memory_space<vmem>>) offsets(%dma_start3A_573 : memref<64xi32, #tpu.memory_space<vmem>>) semaphore(%arg11 : memref<!tpu.dma_semaphore, #tpu.memory_space<semaphore_mem>>)
      %dma_wait3A_577 = arith.constant 0 : i32
      %dma_wait3A_578 = arith.constant 0 : i32
      %dma_wait3A_579 = arith.constant 192 : i32
      %dma_wait3A_580 = arith.constant 0 : i32
      %dma_wait3A_581 = tpu.memref_slice %arg8[%dma_wait3A_579, %dma_wait3A_580] : memref<256x128xf32, #tpu.memory_space<vmem>> -> memref<64x128xf32, #tpu.memory_space<vmem>>
      %dma_wait3A_582 = arith.constant 0 : i32
      %dma_wait3A_583 = tpu.memref_slice %arg6[%dma_wait3A_577, %dma_wait3A_578, %dma_wait3A_582] : memref<3x8x64xi32, #tpu.memory_space<vmem>> -> memref<1x1x64xi32, #tpu.memory_space<vmem>>
      %dma_wait3A_584 = tpu.memref_squeeze %dma_wait3A_583 : memref<1x1x64xi32, #tpu.memory_space<vmem>> -> memref<64xi32, #tpu.memory_space<vmem>>
      %dma_wait3A_585 = arith.constant 0 : i32
      %dma_wait3A_586 = arith.constant 0 : i32
      %dma_wait3A_587 = tpu.memref_slice %arg2[%dma_wait3A_585, %dma_wait3A_586] : memref<10240x128xf32, #tpu.memory_space<hbm>> -> memref<10240x128xf32, #tpu.memory_space<hbm>>
      tpu.wait_indirect_dma semaphore(%arg14 : memref<!tpu.dma_semaphore, #tpu.memory_space<semaphore_mem>>) src(%dma_wait3A_587 : memref<10240x128xf32, #tpu.memory_space<hbm>>) dst(%dma_wait3A_581 : memref<64x128xf32, #tpu.memory_space<vmem>>)
      %dma_start3A_588 = arith.constant 3 : i32
      %dma_start3A_589 = arith.constant 192 : i32
      %dma_start3A_590 = arith.constant 0 : i32
      %dma_start3A_591 = tpu.memref_slice %arg8[%dma_start3A_589, %dma_start3A_590] : memref<256x128xf32, #tpu.memory_space<vmem>> -> memref<64x128xf32, #tpu.memory_space<vmem>>
      %dma_start3A_592 = arith.constant 0 : i32
      %dma_start3A_593 = tpu.memref_slice %arg7[%rem3A_416, %dma_start3A_588, %dma_start3A_592] : memref<3x8x64xi32, #tpu.memory_space<vmem>> -> memref<1x1x64xi32, #tpu.memory_space<vmem>>
      %dma_start3A_594 = tpu.memref_squeeze %dma_start3A_593 : memref<1x1x64xi32, #tpu.memory_space<vmem>> -> memref<64xi32, #tpu.memory_space<vmem>>
      %dma_start3A_595 = arith.constant 0 : i32
      %dma_start3A_596 = arith.constant 0 : i32
      %dma_start3A_597 = tpu.memref_slice %arg10[%dma_start3A_595, %dma_start3A_596] : memref<10240x128xf32, #tpu.memory_space<vmem_shared>> -> memref<10240x128xf32, #tpu.memory_space<vmem_shared>>
      tpu.enqueue_indirect_dma source(%dma_start3A_591 : memref<64x128xf32, #tpu.memory_space<vmem>>) target(%dma_start3A_597 : memref<10240x128xf32, #tpu.memory_space<vmem_shared>>) offsets(%dma_start3A_594 : memref<64xi32, #tpu.memory_space<vmem>>) semaphore(%arg18 : memref<!tpu.dma_semaphore, #tpu.memory_space<semaphore_mem>>) {add = true}
      %dma_wait3A_598 = arith.constant 0 : i32
      %dma_wait3A_599 = arith.constant 64 : i32
      %dma_wait3A_600 = arith.constant 0 : i32
      %dma_wait3A_601 = tpu.memref_slice %arg8[%dma_wait3A_599, %dma_wait3A_600] : memref<256x128xf32, #tpu.memory_space<vmem>> -> memref<64x128xf32, #tpu.memory_space<vmem>>
      %dma_wait3A_602 = arith.constant 0 : i32
      %dma_wait3A_603 = tpu.memref_slice %arg9[%dma_wait3A_598, %dma_wait3A_602] : memref<1x64xi32, #tpu.memory_space<vmem>> -> memref<1x64xi32, #tpu.memory_space<vmem>>
      %dma_wait3A_604 = tpu.memref_squeeze %dma_wait3A_603 : memref<1x64xi32, #tpu.memory_space<vmem>> -> memref<64xi32, #tpu.memory_space<vmem>>
      %dma_wait3A_605 = arith.constant 0 : i32
      %dma_wait3A_606 = arith.constant 0 : i32
      %dma_wait3A_607 = tpu.memref_slice %arg10[%dma_wait3A_605, %dma_wait3A_606] : memref<10240x128xf32, #tpu.memory_space<vmem_shared>> -> memref<10240x128xf32, #tpu.memory_space<vmem_shared>>
      tpu.wait_indirect_dma semaphore(%arg16 : memref<!tpu.dma_semaphore, #tpu.memory_space<semaphore_mem>>) src(%dma_wait3A_601 : memref<64x128xf32, #tpu.memory_space<vmem>>) dst(%dma_wait3A_607 : memref<10240x128xf32, #tpu.memory_space<vmem_shared>>)
      %dma_start3A_608 = arith.constant 5 : i32
      %dma_start3A_609 = arith.constant 64 : i32
      %dma_start3A_610 = arith.constant 0 : i32
      %dma_start3A_611 = tpu.memref_slice %arg8[%dma_start3A_609, %dma_start3A_610] : memref<256x128xf32, #tpu.memory_space<vmem>> -> memref<64x128xf32, #tpu.memory_space<vmem>>
      %dma_start3A_612 = arith.constant 0 : i32
      %dma_start3A_613 = tpu.memref_slice %arg6[%rem3A_416, %dma_start3A_608, %dma_start3A_612] : memref<3x8x64xi32, #tpu.memory_space<vmem>> -> memref<1x1x64xi32, #tpu.memory_space<vmem>>
      %dma_start3A_614 = tpu.memref_squeeze %dma_start3A_613 : memref<1x1x64xi32, #tpu.memory_space<vmem>> -> memref<64xi32, #tpu.memory_space<vmem>>
      %dma_start3A_615 = arith.constant 0 : i32
      %dma_start3A_616 = arith.constant 0 : i32
      %dma_start3A_617 = tpu.memref_slice %arg2[%dma_start3A_615, %dma_start3A_616] : memref<10240x128xf32, #tpu.memory_space<hbm>> -> memref<10240x128xf32, #tpu.memory_space<hbm>>
      tpu.enqueue_indirect_dma source(%dma_start3A_617 : memref<10240x128xf32, #tpu.memory_space<hbm>>) target(%dma_start3A_611 : memref<64x128xf32, #tpu.memory_space<vmem>>) offsets(%dma_start3A_614 : memref<64xi32, #tpu.memory_space<vmem>>) semaphore(%arg12 : memref<!tpu.dma_semaphore, #tpu.memory_space<semaphore_mem>>)
      %dma_wait3A_618 = arith.constant 0 : i32
      %dma_wait3A_619 = arith.constant 0 : i32
      %dma_wait3A_620 = arith.constant 0 : i32
      %dma_wait3A_621 = arith.constant 0 : i32
      %dma_wait3A_622 = tpu.memref_slice %arg8[%dma_wait3A_620, %dma_wait3A_621] : memref<256x128xf32, #tpu.memory_space<vmem>> -> memref<64x128xf32, #tpu.memory_space<vmem>>
      %dma_wait3A_623 = arith.constant 0 : i32
      %dma_wait3A_624 = tpu.memref_slice %arg6[%dma_wait3A_618, %dma_wait3A_619, %dma_wait3A_623] : memref<3x8x64xi32, #tpu.memory_space<vmem>> -> memref<1x1x64xi32, #tpu.memory_space<vmem>>
      %dma_wait3A_625 = tpu.memref_squeeze %dma_wait3A_624 : memref<1x1x64xi32, #tpu.memory_space<vmem>> -> memref<64xi32, #tpu.memory_space<vmem>>
      %dma_wait3A_626 = arith.constant 0 : i32
      %dma_wait3A_627 = arith.constant 0 : i32
      %dma_wait3A_628 = tpu.memref_slice %arg2[%dma_wait3A_626, %dma_wait3A_627] : memref<10240x128xf32, #tpu.memory_space<hbm>> -> memref<10240x128xf32, #tpu.memory_space<hbm>>
      tpu.wait_indirect_dma semaphore(%arg11 : memref<!tpu.dma_semaphore, #tpu.memory_space<semaphore_mem>>) src(%dma_wait3A_628 : memref<10240x128xf32, #tpu.memory_space<hbm>>) dst(%dma_wait3A_622 : memref<64x128xf32, #tpu.memory_space<vmem>>)
      %dma_start3A_629 = arith.constant 4 : i32
      %dma_start3A_630 = arith.constant 0 : i32
      %dma_start3A_631 = arith.constant 0 : i32
      %dma_start3A_632 = tpu.memref_slice %arg8[%dma_start3A_630, %dma_start3A_631] : memref<256x128xf32, #tpu.memory_space<vmem>> -> memref<64x128xf32, #tpu.memory_space<vmem>>
      %dma_start3A_633 = arith.constant 0 : i32
      %dma_start3A_634 = tpu.memref_slice %arg7[%rem3A_416, %dma_start3A_629, %dma_start3A_633] : memref<3x8x64xi32, #tpu.memory_space<vmem>> -> memref<1x1x64xi32, #tpu.memory_space<vmem>>
      %dma_start3A_635 = tpu.memref_squeeze %dma_start3A_634 : memref<1x1x64xi32, #tpu.memory_space<vmem>> -> memref<64xi32, #tpu.memory_space<vmem>>
      %dma_start3A_636 = arith.constant 0 : i32
      %dma_start3A_637 = arith.constant 0 : i32
      %dma_start3A_638 = tpu.memref_slice %arg10[%dma_start3A_636, %dma_start3A_637] : memref<10240x128xf32, #tpu.memory_space<vmem_shared>> -> memref<10240x128xf32, #tpu.memory_space<vmem_shared>>
      tpu.enqueue_indirect_dma source(%dma_start3A_632 : memref<64x128xf32, #tpu.memory_space<vmem>>) target(%dma_start3A_638 : memref<10240x128xf32, #tpu.memory_space<vmem_shared>>) offsets(%dma_start3A_635 : memref<64xi32, #tpu.memory_space<vmem>>) semaphore(%arg15 : memref<!tpu.dma_semaphore, #tpu.memory_space<semaphore_mem>>) {add = true}
      %dma_wait3A_639 = arith.constant 0 : i32
      %dma_wait3A_640 = arith.constant 128 : i32
      %dma_wait3A_641 = arith.constant 0 : i32
      %dma_wait3A_642 = tpu.memref_slice %arg8[%dma_wait3A_640, %dma_wait3A_641] : memref<256x128xf32, #tpu.memory_space<vmem>> -> memref<64x128xf32, #tpu.memory_space<vmem>>
      %dma_wait3A_643 = arith.constant 0 : i32
      %dma_wait3A_644 = tpu.memref_slice %arg9[%dma_wait3A_639, %dma_wait3A_643] : memref<1x64xi32, #tpu.memory_space<vmem>> -> memref<1x64xi32, #tpu.memory_space<vmem>>
      %dma_wait3A_645 = tpu.memref_squeeze %dma_wait3A_644 : memref<1x64xi32, #tpu.memory_space<vmem>> -> memref<64xi32, #tpu.memory_space<vmem>>
      %dma_wait3A_646 = arith.constant 0 : i32
      %dma_wait3A_647 = arith.constant 0 : i32
      %dma_wait3A_648 = tpu.memref_slice %arg10[%dma_wait3A_646, %dma_wait3A_647] : memref<10240x128xf32, #tpu.memory_space<vmem_shared>> -> memref<10240x128xf32, #tpu.memory_space<vmem_shared>>
      tpu.wait_indirect_dma semaphore(%arg17 : memref<!tpu.dma_semaphore, #tpu.memory_space<semaphore_mem>>) src(%dma_wait3A_642 : memref<64x128xf32, #tpu.memory_space<vmem>>) dst(%dma_wait3A_648 : memref<10240x128xf32, #tpu.memory_space<vmem_shared>>)
      %dma_start3A_649 = arith.constant 6 : i32
      %dma_start3A_650 = arith.constant 128 : i32
      %dma_start3A_651 = arith.constant 0 : i32
      %dma_start3A_652 = tpu.memref_slice %arg8[%dma_start3A_650, %dma_start3A_651] : memref<256x128xf32, #tpu.memory_space<vmem>> -> memref<64x128xf32, #tpu.memory_space<vmem>>
      %dma_start3A_653 = arith.constant 0 : i32
      %dma_start3A_654 = tpu.memref_slice %arg6[%rem3A_416, %dma_start3A_649, %dma_start3A_653] : memref<3x8x64xi32, #tpu.memory_space<vmem>> -> memref<1x1x64xi32, #tpu.memory_space<vmem>>
      %dma_start3A_655 = tpu.memref_squeeze %dma_start3A_654 : memref<1x1x64xi32, #tpu.memory_space<vmem>> -> memref<64xi32, #tpu.memory_space<vmem>>
      %dma_start3A_656 = arith.constant 0 : i32
      %dma_start3A_657 = arith.constant 0 : i32
      %dma_start3A_658 = tpu.memref_slice %arg2[%dma_start3A_656, %dma_start3A_657] : memref<10240x128xf32, #tpu.memory_space<hbm>> -> memref<10240x128xf32, #tpu.memory_space<hbm>>
      tpu.enqueue_indirect_dma source(%dma_start3A_658 : memref<10240x128xf32, #tpu.memory_space<hbm>>) target(%dma_start3A_652 : memref<64x128xf32, #tpu.memory_space<vmem>>) offsets(%dma_start3A_655 : memref<64xi32, #tpu.memory_space<vmem>>) semaphore(%arg13 : memref<!tpu.dma_semaphore, #tpu.memory_space<semaphore_mem>>)
      %dma_wait3A_659 = arith.constant 0 : i32
      %dma_wait3A_660 = arith.constant 0 : i32
      %dma_wait3A_661 = arith.constant 64 : i32
      %dma_wait3A_662 = arith.constant 0 : i32
      %dma_wait3A_663 = tpu.memref_slice %arg8[%dma_wait3A_661, %dma_wait3A_662] : memref<256x128xf32, #tpu.memory_space<vmem>> -> memref<64x128xf32, #tpu.memory_space<vmem>>
      %dma_wait3A_664 = arith.constant 0 : i32
      %dma_wait3A_665 = tpu.memref_slice %arg6[%dma_wait3A_659, %dma_wait3A_660, %dma_wait3A_664] : memref<3x8x64xi32, #tpu.memory_space<vmem>> -> memref<1x1x64xi32, #tpu.memory_space<vmem>>
      %dma_wait3A_666 = tpu.memref_squeeze %dma_wait3A_665 : memref<1x1x64xi32, #tpu.memory_space<vmem>> -> memref<64xi32, #tpu.memory_space<vmem>>
      %dma_wait3A_667 = arith.constant 0 : i32
      %dma_wait3A_668 = arith.constant 0 : i32
      %dma_wait3A_669 = tpu.memref_slice %arg2[%dma_wait3A_667, %dma_wait3A_668] : memref<10240x128xf32, #tpu.memory_space<hbm>> -> memref<10240x128xf32, #tpu.memory_space<hbm>>
      tpu.wait_indirect_dma semaphore(%arg12 : memref<!tpu.dma_semaphore, #tpu.memory_space<semaphore_mem>>) src(%dma_wait3A_669 : memref<10240x128xf32, #tpu.memory_space<hbm>>) dst(%dma_wait3A_663 : memref<64x128xf32, #tpu.memory_space<vmem>>)
      %dma_start3A_670 = arith.constant 5 : i32
      %dma_start3A_671 = arith.constant 64 : i32
      %dma_start3A_672 = arith.constant 0 : i32
      %dma_start3A_673 = tpu.memref_slice %arg8[%dma_start3A_671, %dma_start3A_672] : memref<256x128xf32, #tpu.memory_space<vmem>> -> memref<64x128xf32, #tpu.memory_space<vmem>>
      %dma_start3A_674 = arith.constant 0 : i32
      %dma_start3A_675 = tpu.memref_slice %arg7[%rem3A_416, %dma_start3A_670, %dma_start3A_674] : memref<3x8x64xi32, #tpu.memory_space<vmem>> -> memref<1x1x64xi32, #tpu.memory_space<vmem>>
      %dma_start3A_676 = tpu.memref_squeeze %dma_start3A_675 : memref<1x1x64xi32, #tpu.memory_space<vmem>> -> memref<64xi32, #tpu.memory_space<vmem>>
      %dma_start3A_677 = arith.constant 0 : i32
      %dma_start3A_678 = arith.constant 0 : i32
      %dma_start3A_679 = tpu.memref_slice %arg10[%dma_start3A_677, %dma_start3A_678] : memref<10240x128xf32, #tpu.memory_space<vmem_shared>> -> memref<10240x128xf32, #tpu.memory_space<vmem_shared>>
      tpu.enqueue_indirect_dma source(%dma_start3A_673 : memref<64x128xf32, #tpu.memory_space<vmem>>) target(%dma_start3A_679 : memref<10240x128xf32, #tpu.memory_space<vmem_shared>>) offsets(%dma_start3A_676 : memref<64xi32, #tpu.memory_space<vmem>>) semaphore(%arg16 : memref<!tpu.dma_semaphore, #tpu.memory_space<semaphore_mem>>) {add = true}
      %dma_wait3A_680 = arith.constant 0 : i32
      %dma_wait3A_681 = arith.constant 192 : i32
      %dma_wait3A_682 = arith.constant 0 : i32
      %dma_wait3A_683 = tpu.memref_slice %arg8[%dma_wait3A_681, %dma_wait3A_682] : memref<256x128xf32, #tpu.memory_space<vmem>> -> memref<64x128xf32, #tpu.memory_space<vmem>>
      %dma_wait3A_684 = arith.constant 0 : i32
      %dma_wait3A_685 = tpu.memref_slice %arg9[%dma_wait3A_680, %dma_wait3A_684] : memref<1x64xi32, #tpu.memory_space<vmem>> -> memref<1x64xi32, #tpu.memory_space<vmem>>
      %dma_wait3A_686 = tpu.memref_squeeze %dma_wait3A_685 : memref<1x64xi32, #tpu.memory_space<vmem>> -> memref<64xi32, #tpu.memory_space<vmem>>
      %dma_wait3A_687 = arith.constant 0 : i32
      %dma_wait3A_688 = arith.constant 0 : i32
      %dma_wait3A_689 = tpu.memref_slice %arg10[%dma_wait3A_687, %dma_wait3A_688] : memref<10240x128xf32, #tpu.memory_space<vmem_shared>> -> memref<10240x128xf32, #tpu.memory_space<vmem_shared>>
      tpu.wait_indirect_dma semaphore(%arg18 : memref<!tpu.dma_semaphore, #tpu.memory_space<semaphore_mem>>) src(%dma_wait3A_683 : memref<64x128xf32, #tpu.memory_space<vmem>>) dst(%dma_wait3A_689 : memref<10240x128xf32, #tpu.memory_space<vmem_shared>>)
      %dma_start3A_690 = arith.constant 7 : i32
      %dma_start3A_691 = arith.constant 192 : i32
      %dma_start3A_692 = arith.constant 0 : i32
      %dma_start3A_693 = tpu.memref_slice %arg8[%dma_start3A_691, %dma_start3A_692] : memref<256x128xf32, #tpu.memory_space<vmem>> -> memref<64x128xf32, #tpu.memory_space<vmem>>
      %dma_start3A_694 = arith.constant 0 : i32
      %dma_start3A_695 = tpu.memref_slice %arg6[%rem3A_416, %dma_start3A_690, %dma_start3A_694] : memref<3x8x64xi32, #tpu.memory_space<vmem>> -> memref<1x1x64xi32, #tpu.memory_space<vmem>>
      %dma_start3A_696 = tpu.memref_squeeze %dma_start3A_695 : memref<1x1x64xi32, #tpu.memory_space<vmem>> -> memref<64xi32, #tpu.memory_space<vmem>>
      %dma_start3A_697 = arith.constant 0 : i32
      %dma_start3A_698 = arith.constant 0 : i32
      %dma_start3A_699 = tpu.memref_slice %arg2[%dma_start3A_697, %dma_start3A_698] : memref<10240x128xf32, #tpu.memory_space<hbm>> -> memref<10240x128xf32, #tpu.memory_space<hbm>>
      tpu.enqueue_indirect_dma source(%dma_start3A_699 : memref<10240x128xf32, #tpu.memory_space<hbm>>) target(%dma_start3A_693 : memref<64x128xf32, #tpu.memory_space<vmem>>) offsets(%dma_start3A_696 : memref<64xi32, #tpu.memory_space<vmem>>) semaphore(%arg14 : memref<!tpu.dma_semaphore, #tpu.memory_space<semaphore_mem>>)
      %dma_wait3A_700 = arith.constant 0 : i32
      %dma_wait3A_701 = arith.constant 0 : i32
      %dma_wait3A_702 = arith.constant 128 : i32
      %dma_wait3A_703 = arith.constant 0 : i32
      %dma_wait3A_704 = tpu.memref_slice %arg8[%dma_wait3A_702, %dma_wait3A_703] : memref<256x128xf32, #tpu.memory_space<vmem>> -> memref<64x128xf32, #tpu.memory_space<vmem>>
      %dma_wait3A_705 = arith.constant 0 : i32
      %dma_wait3A_706 = tpu.memref_slice %arg6[%dma_wait3A_700, %dma_wait3A_701, %dma_wait3A_705] : memref<3x8x64xi32, #tpu.memory_space<vmem>> -> memref<1x1x64xi32, #tpu.memory_space<vmem>>
      %dma_wait3A_707 = tpu.memref_squeeze %dma_wait3A_706 : memref<1x1x64xi32, #tpu.memory_space<vmem>> -> memref<64xi32, #tpu.memory_space<vmem>>
      %dma_wait3A_708 = arith.constant 0 : i32
      %dma_wait3A_709 = arith.constant 0 : i32
      %dma_wait3A_710 = tpu.memref_slice %arg2[%dma_wait3A_708, %dma_wait3A_709] : memref<10240x128xf32, #tpu.memory_space<hbm>> -> memref<10240x128xf32, #tpu.memory_space<hbm>>
      tpu.wait_indirect_dma semaphore(%arg13 : memref<!tpu.dma_semaphore, #tpu.memory_space<semaphore_mem>>) src(%dma_wait3A_710 : memref<10240x128xf32, #tpu.memory_space<hbm>>) dst(%dma_wait3A_704 : memref<64x128xf32, #tpu.memory_space<vmem>>)
      %dma_start3A_711 = arith.constant 6 : i32
      %dma_start3A_712 = arith.constant 128 : i32
      %dma_start3A_713 = arith.constant 0 : i32
      %dma_start3A_714 = tpu.memref_slice %arg8[%dma_start3A_712, %dma_start3A_713] : memref<256x128xf32, #tpu.memory_space<vmem>> -> memref<64x128xf32, #tpu.memory_space<vmem>>
      %dma_start3A_715 = arith.constant 0 : i32
      %dma_start3A_716 = tpu.memref_slice %arg7[%rem3A_416, %dma_start3A_711, %dma_start3A_715] : memref<3x8x64xi32, #tpu.memory_space<vmem>> -> memref<1x1x64xi32, #tpu.memory_space<vmem>>
      %dma_start3A_717 = tpu.memref_squeeze %dma_start3A_716 : memref<1x1x64xi32, #tpu.memory_space<vmem>> -> memref<64xi32, #tpu.memory_space<vmem>>
      %dma_start3A_718 = arith.constant 0 : i32
      %dma_start3A_719 = arith.constant 0 : i32
      %dma_start3A_720 = tpu.memref_slice %arg10[%dma_start3A_718, %dma_start3A_719] : memref<10240x128xf32, #tpu.memory_space<vmem_shared>> -> memref<10240x128xf32, #tpu.memory_space<vmem_shared>>
      tpu.enqueue_indirect_dma source(%dma_start3A_714 : memref<64x128xf32, #tpu.memory_space<vmem>>) target(%dma_start3A_720 : memref<10240x128xf32, #tpu.memory_space<vmem_shared>>) offsets(%dma_start3A_717 : memref<64xi32, #tpu.memory_space<vmem>>) semaphore(%arg17 : memref<!tpu.dma_semaphore, #tpu.memory_space<semaphore_mem>>) {add = true}
      %dma_wait3A_721 = arith.constant 0 : i32
      %dma_wait3A_722 = arith.constant 0 : i32
      %dma_wait3A_723 = arith.constant 0 : i32
      %dma_wait3A_724 = tpu.memref_slice %arg8[%dma_wait3A_722, %dma_wait3A_723] : memref<256x128xf32, #tpu.memory_space<vmem>> -> memref<64x128xf32, #tpu.memory_space<vmem>>
      %dma_wait3A_725 = arith.constant 0 : i32
      %dma_wait3A_726 = tpu.memref_slice %arg9[%dma_wait3A_721, %dma_wait3A_725] : memref<1x64xi32, #tpu.memory_space<vmem>> -> memref<1x64xi32, #tpu.memory_space<vmem>>
      %dma_wait3A_727 = tpu.memref_squeeze %dma_wait3A_726 : memref<1x64xi32, #tpu.memory_space<vmem>> -> memref<64xi32, #tpu.memory_space<vmem>>
      %dma_wait3A_728 = arith.constant 0 : i32
      %dma_wait3A_729 = arith.constant 0 : i32
      %dma_wait3A_730 = tpu.memref_slice %arg10[%dma_wait3A_728, %dma_wait3A_729] : memref<10240x128xf32, #tpu.memory_space<vmem_shared>> -> memref<10240x128xf32, #tpu.memory_space<vmem_shared>>
      tpu.wait_indirect_dma semaphore(%arg15 : memref<!tpu.dma_semaphore, #tpu.memory_space<semaphore_mem>>) src(%dma_wait3A_724 : memref<64x128xf32, #tpu.memory_space<vmem>>) dst(%dma_wait3A_730 : memref<10240x128xf32, #tpu.memory_space<vmem_shared>>)
      %dma_wait3A_731 = arith.constant 0 : i32
      %dma_wait3A_732 = arith.constant 0 : i32
      %dma_wait3A_733 = tpu.memref_slice %arg6[%rem3A_420, %dma_wait3A_731, %dma_wait3A_732] : memref<3x8x64xi32, #tpu.memory_space<vmem>> -> memref<1x8x64xi32, #tpu.memory_space<vmem>>
      %dma_wait3A_734 = tpu.memref_squeeze %dma_wait3A_733 : memref<1x8x64xi32, #tpu.memory_space<vmem>> -> memref<8x64xi32, #tpu.memory_space<vmem>>
      %dma_wait3A_735 = arith.constant 0 : i32
      %dma_wait3A_736 = tpu.memref_slice %arg3[%add3A_426, %dma_wait3A_735] : memref<5120x64xi32, #tpu.memory_space<hbm>> -> memref<8x64xi32, #tpu.memory_space<hbm>>
      %dma_wait3A_737 = arith.constant 0 : i32
      %dma_wait3A_738 = arith.constant 0 : i32
      %dma_wait3A_739 = tpu.memref_slice %arg6[%rem3A_420, %dma_wait3A_737, %dma_wait3A_738] : memref<3x8x64xi32, #tpu.memory_space<vmem>> -> memref<1x8x64xi32, #tpu.memory_space<vmem>>
      %dma_wait3A_740 = tpu.memref_squeeze %dma_wait3A_739 : memref<1x8x64xi32, #tpu.memory_space<vmem>> -> memref<8x64xi32, #tpu.memory_space<vmem>>
      %dma_wait3A_741 = arith.constant 0 : i32
      %dma_wait3A_742 = tpu.memref_slice %arg3[%add3A_426, %dma_wait3A_741] : memref<5120x64xi32, #tpu.memory_space<hbm>> -> memref<8x64xi32, #tpu.memory_space<hbm>>
      tpu.wait_dma2 semaphore(%arg19 : memref<!tpu.dma_semaphore, #tpu.memory_space<semaphore_mem>>) src(%dma_wait3A_742 : memref<8x64xi32, #tpu.memory_space<hbm>>) dst(%dma_wait3A_740 : memref<8x64xi32, #tpu.memory_space<vmem>>)
      %dma_wait3A_743 = arith.constant 0 : i32
      %dma_wait3A_744 = arith.constant 0 : i32
      %dma_wait3A_745 = tpu.memref_slice %arg7[%rem3A_420, %dma_wait3A_743, %dma_wait3A_744] : memref<3x8x64xi32, #tpu.memory_space<vmem>> -> memref<1x8x64xi32, #tpu.memory_space<vmem>>
      %dma_wait3A_746 = tpu.memref_squeeze %dma_wait3A_745 : memref<1x8x64xi32, #tpu.memory_space<vmem>> -> memref<8x64xi32, #tpu.memory_space<vmem>>
      %dma_wait3A_747 = arith.constant 0 : i32
      %dma_wait3A_748 = tpu.memref_slice %arg4[%add3A_441, %dma_wait3A_747] : memref<5120x64xi32, #tpu.memory_space<hbm>> -> memref<8x64xi32, #tpu.memory_space<hbm>>
      %dma_wait3A_749 = arith.constant 0 : i32
      %dma_wait3A_750 = arith.constant 0 : i32
      %dma_wait3A_751 = tpu.memref_slice %arg7[%rem3A_420, %dma_wait3A_749, %dma_wait3A_750] : memref<3x8x64xi32, #tpu.memory_space<vmem>> -> memref<1x8x64xi32, #tpu.memory_space<vmem>>
      %dma_wait3A_752 = tpu.memref_squeeze %dma_wait3A_751 : memref<1x8x64xi32, #tpu.memory_space<vmem>> -> memref<8x64xi32, #tpu.memory_space<vmem>>
      %dma_wait3A_753 = arith.constant 0 : i32
      %dma_wait3A_754 = tpu.memref_slice %arg4[%add3A_441, %dma_wait3A_753] : memref<5120x64xi32, #tpu.memory_space<hbm>> -> memref<8x64xi32, #tpu.memory_space<hbm>>
      tpu.wait_dma2 semaphore(%arg20 : memref<!tpu.dma_semaphore, #tpu.memory_space<semaphore_mem>>) src(%dma_wait3A_754 : memref<8x64xi32, #tpu.memory_space<hbm>>) dst(%dma_wait3A_752 : memref<8x64xi32, #tpu.memory_space<vmem>>)
      %dma_start3A_755 = arith.constant 0 : i32
      %dma_start3A_756 = arith.constant 0 : i32
      %dma_start3A_757 = arith.constant 0 : i32
      %dma_start3A_758 = tpu.memref_slice %arg8[%dma_start3A_756, %dma_start3A_757] : memref<256x128xf32, #tpu.memory_space<vmem>> -> memref<64x128xf32, #tpu.memory_space<vmem>>
      %dma_start3A_759 = arith.constant 0 : i32
      %dma_start3A_760 = tpu.memref_slice %arg6[%rem3A_420, %dma_start3A_755, %dma_start3A_759] : memref<3x8x64xi32, #tpu.memory_space<vmem>> -> memref<1x1x64xi32, #tpu.memory_space<vmem>>
      %dma_start3A_761 = tpu.memref_squeeze %dma_start3A_760 : memref<1x1x64xi32, #tpu.memory_space<vmem>> -> memref<64xi32, #tpu.memory_space<vmem>>
      %dma_start3A_762 = arith.constant 0 : i32
      %dma_start3A_763 = arith.constant 0 : i32
      %dma_start3A_764 = tpu.memref_slice %arg2[%dma_start3A_762, %dma_start3A_763] : memref<10240x128xf32, #tpu.memory_space<hbm>> -> memref<10240x128xf32, #tpu.memory_space<hbm>>
      tpu.enqueue_indirect_dma source(%dma_start3A_764 : memref<10240x128xf32, #tpu.memory_space<hbm>>) target(%dma_start3A_758 : memref<64x128xf32, #tpu.memory_space<vmem>>) offsets(%dma_start3A_761 : memref<64xi32, #tpu.memory_space<vmem>>) semaphore(%arg11 : memref<!tpu.dma_semaphore, #tpu.memory_space<semaphore_mem>>)
      %dma_wait3A_765 = arith.constant 0 : i32
      %dma_wait3A_766 = arith.constant 0 : i32
      %dma_wait3A_767 = arith.constant 192 : i32
      %dma_wait3A_768 = arith.constant 0 : i32
      %dma_wait3A_769 = tpu.memref_slice %arg8[%dma_wait3A_767, %dma_wait3A_768] : memref<256x128xf32, #tpu.memory_space<vmem>> -> memref<64x128xf32, #tpu.memory_space<vmem>>
      %dma_wait3A_770 = arith.constant 0 : i32
      %dma_wait3A_771 = tpu.memref_slice %arg6[%dma_wait3A_765, %dma_wait3A_766, %dma_wait3A_770] : memref<3x8x64xi32, #tpu.memory_space<vmem>> -> memref<1x1x64xi32, #tpu.memory_space<vmem>>
      %dma_wait3A_772 = tpu.memref_squeeze %dma_wait3A_771 : memref<1x1x64xi32, #tpu.memory_space<vmem>> -> memref<64xi32, #tpu.memory_space<vmem>>
      %dma_wait3A_773 = arith.constant 0 : i32
      %dma_wait3A_774 = arith.constant 0 : i32
      %dma_wait3A_775 = tpu.memref_slice %arg2[%dma_wait3A_773, %dma_wait3A_774] : memref<10240x128xf32, #tpu.memory_space<hbm>> -> memref<10240x128xf32, #tpu.memory_space<hbm>>
      tpu.wait_indirect_dma semaphore(%arg14 : memref<!tpu.dma_semaphore, #tpu.memory_space<semaphore_mem>>) src(%dma_wait3A_775 : memref<10240x128xf32, #tpu.memory_space<hbm>>) dst(%dma_wait3A_769 : memref<64x128xf32, #tpu.memory_space<vmem>>)
      %dma_start3A_776 = arith.constant 7 : i32
      %dma_start3A_777 = arith.constant 192 : i32
      %dma_start3A_778 = arith.constant 0 : i32
      %dma_start3A_779 = tpu.memref_slice %arg8[%dma_start3A_777, %dma_start3A_778] : memref<256x128xf32, #tpu.memory_space<vmem>> -> memref<64x128xf32, #tpu.memory_space<vmem>>
      %dma_start3A_780 = arith.constant 0 : i32
      %dma_start3A_781 = tpu.memref_slice %arg7[%rem3A_416, %dma_start3A_776, %dma_start3A_780] : memref<3x8x64xi32, #tpu.memory_space<vmem>> -> memref<1x1x64xi32, #tpu.memory_space<vmem>>
      %dma_start3A_782 = tpu.memref_squeeze %dma_start3A_781 : memref<1x1x64xi32, #tpu.memory_space<vmem>> -> memref<64xi32, #tpu.memory_space<vmem>>
      %dma_start3A_783 = arith.constant 0 : i32
      %dma_start3A_784 = arith.constant 0 : i32
      %dma_start3A_785 = tpu.memref_slice %arg10[%dma_start3A_783, %dma_start3A_784] : memref<10240x128xf32, #tpu.memory_space<vmem_shared>> -> memref<10240x128xf32, #tpu.memory_space<vmem_shared>>
      tpu.enqueue_indirect_dma source(%dma_start3A_779 : memref<64x128xf32, #tpu.memory_space<vmem>>) target(%dma_start3A_785 : memref<10240x128xf32, #tpu.memory_space<vmem_shared>>) offsets(%dma_start3A_782 : memref<64xi32, #tpu.memory_space<vmem>>) semaphore(%arg18 : memref<!tpu.dma_semaphore, #tpu.memory_space<semaphore_mem>>) {add = true}
      %dma_wait3A_786 = arith.constant 0 : i32
      %dma_wait3A_787 = arith.constant 64 : i32
      %dma_wait3A_788 = arith.constant 0 : i32
      %dma_wait3A_789 = tpu.memref_slice %arg8[%dma_wait3A_787, %dma_wait3A_788] : memref<256x128xf32, #tpu.memory_space<vmem>> -> memref<64x128xf32, #tpu.memory_space<vmem>>
      %dma_wait3A_790 = arith.constant 0 : i32
      %dma_wait3A_791 = tpu.memref_slice %arg9[%dma_wait3A_786, %dma_wait3A_790] : memref<1x64xi32, #tpu.memory_space<vmem>> -> memref<1x64xi32, #tpu.memory_space<vmem>>
      %dma_wait3A_792 = tpu.memref_squeeze %dma_wait3A_791 : memref<1x64xi32, #tpu.memory_space<vmem>> -> memref<64xi32, #tpu.memory_space<vmem>>
      %dma_wait3A_793 = arith.constant 0 : i32
      %dma_wait3A_794 = arith.constant 0 : i32
      %dma_wait3A_795 = tpu.memref_slice %arg10[%dma_wait3A_793, %dma_wait3A_794] : memref<10240x128xf32, #tpu.memory_space<vmem_shared>> -> memref<10240x128xf32, #tpu.memory_space<vmem_shared>>
      tpu.wait_indirect_dma semaphore(%arg16 : memref<!tpu.dma_semaphore, #tpu.memory_space<semaphore_mem>>) src(%dma_wait3A_789 : memref<64x128xf32, #tpu.memory_space<vmem>>) dst(%dma_wait3A_795 : memref<10240x128xf32, #tpu.memory_space<vmem_shared>>)
      %dma_start3A_796 = arith.constant 1 : i32
      %dma_start3A_797 = arith.constant 64 : i32
      %dma_start3A_798 = arith.constant 0 : i32
      %dma_start3A_799 = tpu.memref_slice %arg8[%dma_start3A_797, %dma_start3A_798] : memref<256x128xf32, #tpu.memory_space<vmem>> -> memref<64x128xf32, #tpu.memory_space<vmem>>
      %dma_start3A_800 = arith.constant 0 : i32
      %dma_start3A_801 = tpu.memref_slice %arg6[%rem3A_420, %dma_start3A_796, %dma_start3A_800] : memref<3x8x64xi32, #tpu.memory_space<vmem>> -> memref<1x1x64xi32, #tpu.memory_space<vmem>>
      %dma_start3A_802 = tpu.memref_squeeze %dma_start3A_801 : memref<1x1x64xi32, #tpu.memory_space<vmem>> -> memref<64xi32, #tpu.memory_space<vmem>>
      %dma_start3A_803 = arith.constant 0 : i32
      %dma_start3A_804 = arith.constant 0 : i32
      %dma_start3A_805 = tpu.memref_slice %arg2[%dma_start3A_803, %dma_start3A_804] : memref<10240x128xf32, #tpu.memory_space<hbm>> -> memref<10240x128xf32, #tpu.memory_space<hbm>>
      tpu.enqueue_indirect_dma source(%dma_start3A_805 : memref<10240x128xf32, #tpu.memory_space<hbm>>) target(%dma_start3A_799 : memref<64x128xf32, #tpu.memory_space<vmem>>) offsets(%dma_start3A_802 : memref<64xi32, #tpu.memory_space<vmem>>) semaphore(%arg12 : memref<!tpu.dma_semaphore, #tpu.memory_space<semaphore_mem>>)
    }
    %scan3A_221 = arith.constant 20 : i32
    %dma_wait3A_222 = arith.constant 0 : i32
    %dma_wait3A_223 = arith.constant 0 : i32
    %dma_wait3A_224 = arith.constant 0 : i32
    %dma_wait3A_225 = arith.constant 0 : i32
    %dma_wait3A_226 = tpu.memref_slice %arg8[%dma_wait3A_224, %dma_wait3A_225] : memref<256x128xf32, #tpu.memory_space<vmem>> -> memref<64x128xf32, #tpu.memory_space<vmem>>
    %dma_wait3A_227 = arith.constant 0 : i32
    %dma_wait3A_228 = tpu.memref_slice %arg6[%dma_wait3A_222, %dma_wait3A_223, %dma_wait3A_227] : memref<3x8x64xi32, #tpu.memory_space<vmem>> -> memref<1x1x64xi32, #tpu.memory_space<vmem>>
    %dma_wait3A_229 = tpu.memref_squeeze %dma_wait3A_228 : memref<1x1x64xi32, #tpu.memory_space<vmem>> -> memref<64xi32, #tpu.memory_space<vmem>>
    %dma_wait3A_230 = arith.constant 0 : i32
    %dma_wait3A_231 = arith.constant 0 : i32
    %dma_wait3A_232 = tpu.memref_slice %arg2[%dma_wait3A_230, %dma_wait3A_231] : memref<10240x128xf32, #tpu.memory_space<hbm>> -> memref<10240x128xf32, #tpu.memory_space<hbm>>
    tpu.wait_indirect_dma semaphore(%arg11 : memref<!tpu.dma_semaphore, #tpu.memory_space<semaphore_mem>>) src(%dma_wait3A_232 : memref<10240x128xf32, #tpu.memory_space<hbm>>) dst(%dma_wait3A_226 : memref<64x128xf32, #tpu.memory_space<vmem>>)
    %dma_wait3A_233 = arith.constant 0 : i32
    %dma_wait3A_234 = arith.constant 0 : i32
    %dma_wait3A_235 = arith.constant 64 : i32
    %dma_wait3A_236 = arith.constant 0 : i32
    %dma_wait3A_237 = tpu.memref_slice %arg8[%dma_wait3A_235, %dma_wait3A_236] : memref<256x128xf32, #tpu.memory_space<vmem>> -> memref<64x128xf32, #tpu.memory_space<vmem>>
    %dma_wait3A_238 = arith.constant 0 : i32
    %dma_wait3A_239 = tpu.memref_slice %arg6[%dma_wait3A_233, %dma_wait3A_234, %dma_wait3A_238] : memref<3x8x64xi32, #tpu.memory_space<vmem>> -> memref<1x1x64xi32, #tpu.memory_space<vmem>>
    %dma_wait3A_240 = tpu.memref_squeeze %dma_wait3A_239 : memref<1x1x64xi32, #tpu.memory_space<vmem>> -> memref<64xi32, #tpu.memory_space<vmem>>
    %dma_wait3A_241 = arith.constant 0 : i32
    %dma_wait3A_242 = arith.constant 0 : i32
    %dma_wait3A_243 = tpu.memref_slice %arg2[%dma_wait3A_241, %dma_wait3A_242] : memref<10240x128xf32, #tpu.memory_space<hbm>> -> memref<10240x128xf32, #tpu.memory_space<hbm>>
    tpu.wait_indirect_dma semaphore(%arg12 : memref<!tpu.dma_semaphore, #tpu.memory_space<semaphore_mem>>) src(%dma_wait3A_243 : memref<10240x128xf32, #tpu.memory_space<hbm>>) dst(%dma_wait3A_237 : memref<64x128xf32, #tpu.memory_space<vmem>>)
    %dma_wait3A_244 = arith.constant 0 : i32
    %dma_wait3A_245 = arith.constant 128 : i32
    %dma_wait3A_246 = arith.constant 0 : i32
    %dma_wait3A_247 = tpu.memref_slice %arg8[%dma_wait3A_245, %dma_wait3A_246] : memref<256x128xf32, #tpu.memory_space<vmem>> -> memref<64x128xf32, #tpu.memory_space<vmem>>
    %dma_wait3A_248 = arith.constant 0 : i32
    %dma_wait3A_249 = tpu.memref_slice %arg9[%dma_wait3A_244, %dma_wait3A_248] : memref<1x64xi32, #tpu.memory_space<vmem>> -> memref<1x64xi32, #tpu.memory_space<vmem>>
    %dma_wait3A_250 = tpu.memref_squeeze %dma_wait3A_249 : memref<1x64xi32, #tpu.memory_space<vmem>> -> memref<64xi32, #tpu.memory_space<vmem>>
    %dma_wait3A_251 = arith.constant 0 : i32
    %dma_wait3A_252 = arith.constant 0 : i32
    %dma_wait3A_253 = tpu.memref_slice %arg10[%dma_wait3A_251, %dma_wait3A_252] : memref<10240x128xf32, #tpu.memory_space<vmem_shared>> -> memref<10240x128xf32, #tpu.memory_space<vmem_shared>>
    tpu.wait_indirect_dma semaphore(%arg17 : memref<!tpu.dma_semaphore, #tpu.memory_space<semaphore_mem>>) src(%dma_wait3A_247 : memref<64x128xf32, #tpu.memory_space<vmem>>) dst(%dma_wait3A_253 : memref<10240x128xf32, #tpu.memory_space<vmem_shared>>)
    %dma_wait3A_254 = arith.constant 0 : i32
    %dma_wait3A_255 = arith.constant 192 : i32
    %dma_wait3A_256 = arith.constant 0 : i32
    %dma_wait3A_257 = tpu.memref_slice %arg8[%dma_wait3A_255, %dma_wait3A_256] : memref<256x128xf32, #tpu.memory_space<vmem>> -> memref<64x128xf32, #tpu.memory_space<vmem>>
    %dma_wait3A_258 = arith.constant 0 : i32
    %dma_wait3A_259 = tpu.memref_slice %arg9[%dma_wait3A_254, %dma_wait3A_258] : memref<1x64xi32, #tpu.memory_space<vmem>> -> memref<1x64xi32, #tpu.memory_space<vmem>>
    %dma_wait3A_260 = tpu.memref_squeeze %dma_wait3A_259 : memref<1x64xi32, #tpu.memory_space<vmem>> -> memref<64xi32, #tpu.memory_space<vmem>>
    %dma_wait3A_261 = arith.constant 0 : i32
    %dma_wait3A_262 = arith.constant 0 : i32
    %dma_wait3A_263 = tpu.memref_slice %arg10[%dma_wait3A_261, %dma_wait3A_262] : memref<10240x128xf32, #tpu.memory_space<vmem_shared>> -> memref<10240x128xf32, #tpu.memory_space<vmem_shared>>
    tpu.wait_indirect_dma semaphore(%arg18 : memref<!tpu.dma_semaphore, #tpu.memory_space<semaphore_mem>>) src(%dma_wait3A_257 : memref<64x128xf32, #tpu.memory_space<vmem>>) dst(%dma_wait3A_263 : memref<10240x128xf32, #tpu.memory_space<vmem_shared>>)
    %barrier3A_264 = arith.constant 0 : index
    tpu.barrier barrier_id(%barrier3A_264)
    %mul3A_265 = arith.constant 640 : i32
    %mul3A_266 = arith.muli %arg1, %mul3A_265 : i32
    %add3A_267 = arith.constant 0 : i32
    %add3A_268 = arith.addi %mul3A_266, %add3A_267 : i32
    "tpu.region"() ({
      %run_scoped3A_415 = tpu.sem_alloc : memref<!tpu.dma_semaphore, #tpu.memory_space<semaphore_mem>>
      %dma_start3A_416 = arith.constant 0 : i32
      %dma_start3A_417 = arith.constant 0 : i32
      %dma_start3A_418 = tpu.memref_slice %arg8[%dma_start3A_416, %dma_start3A_417] : memref<256x128xf32, #tpu.memory_space<vmem>> -> memref<128x128xf32, #tpu.memory_space<vmem>>
      %dma_start3A_419 = arith.constant 0 : i32
      %dma_start3A_420 = tpu.memref_slice %arg10[%add3A_268, %dma_start3A_419] : memref<10240x128xf32, #tpu.memory_space<vmem_shared>> -> memref<128x128xf32, #tpu.memory_space<vmem_shared>>
      %dma_start3A_421 = arith.constant 0 : i32
      %dma_start3A_422 = arith.constant 0 : i32
      %dma_start3A_423 = tpu.memref_slice %arg8[%dma_start3A_421, %dma_start3A_422] : memref<256x128xf32, #tpu.memory_space<vmem>> -> memref<128x128xf32, #tpu.memory_space<vmem>>
      %dma_start3A_424 = arith.constant 0 : i32
      %dma_start3A_425 = tpu.memref_slice %arg10[%add3A_268, %dma_start3A_424] : memref<10240x128xf32, #tpu.memory_space<vmem_shared>> -> memref<128x128xf32, #tpu.memory_space<vmem_shared>>
      tpu.enqueue_dma source(%dma_start3A_425 : memref<128x128xf32, #tpu.memory_space<vmem_shared>>) target(%dma_start3A_423 : memref<128x128xf32, #tpu.memory_space<vmem>>) target_semaphore(%run_scoped3A_415 : memref<!tpu.dma_semaphore, #tpu.memory_space<semaphore_mem>>)
      %dma_wait3A_426 = arith.constant 0 : i32
      %dma_wait3A_427 = arith.constant 0 : i32
      %dma_wait3A_428 = tpu.memref_slice %arg8[%dma_wait3A_426, %dma_wait3A_427] : memref<256x128xf32, #tpu.memory_space<vmem>> -> memref<128x128xf32, #tpu.memory_space<vmem>>
      %dma_wait3A_429 = arith.constant 0 : i32
      %dma_wait3A_430 = tpu.memref_slice %arg10[%add3A_268, %dma_wait3A_429] : memref<10240x128xf32, #tpu.memory_space<vmem_shared>> -> memref<128x128xf32, #tpu.memory_space<vmem_shared>>
      %dma_wait3A_431 = arith.constant 0 : i32
      %dma_wait3A_432 = arith.constant 0 : i32
      %dma_wait3A_433 = tpu.memref_slice %arg8[%dma_wait3A_431, %dma_wait3A_432] : memref<256x128xf32, #tpu.memory_space<vmem>> -> memref<128x128xf32, #tpu.memory_space<vmem>>
      %dma_wait3A_434 = arith.constant 0 : i32
      %dma_wait3A_435 = tpu.memref_slice %arg10[%add3A_268, %dma_wait3A_434] : memref<10240x128xf32, #tpu.memory_space<vmem_shared>> -> memref<128x128xf32, #tpu.memory_space<vmem_shared>>
      tpu.wait_dma2 semaphore(%run_scoped3A_415 : memref<!tpu.dma_semaphore, #tpu.memory_space<semaphore_mem>>) src(%dma_wait3A_435 : memref<128x128xf32, #tpu.memory_space<vmem_shared>>) dst(%dma_wait3A_433 : memref<128x128xf32, #tpu.memory_space<vmem>>)
      tpu.yield
    }) : () -> ()
    %dma_start3A_269 = arith.constant 0 : i32
    %dma_start3A_270 = arith.constant 0 : i32
    %dma_start3A_271 = tpu.memref_slice %arg8[%dma_start3A_269, %dma_start3A_270] : memref<256x128xf32, #tpu.memory_space<vmem>> -> memref<128x128xf32, #tpu.memory_space<vmem>>
    %dma_start3A_272 = arith.constant 0 : i32
    %dma_start3A_273 = tpu.memref_slice %arg5[%arg0, %add3A_268, %dma_start3A_272] : memref<2x10240x128xf32, #tpu.memory_space<hbm>> -> memref<1x128x128xf32, #tpu.memory_space<hbm>>
    %dma_start3A_274 = tpu.memref_squeeze %dma_start3A_273 : memref<1x128x128xf32, #tpu.memory_space<hbm>> -> memref<128x128xf32, #tpu.memory_space<hbm>>
    %dma_start3A_275 = arith.constant 0 : i32
    %dma_start3A_276 = tpu.memref_slice %arg5[%arg0, %add3A_268, %dma_start3A_275] : memref<2x10240x128xf32, #tpu.memory_space<hbm>> -> memref<1x128x128xf32, #tpu.memory_space<hbm>>
    %dma_start3A_277 = tpu.memref_squeeze %dma_start3A_276 : memref<1x128x128xf32, #tpu.memory_space<hbm>> -> memref<128x128xf32, #tpu.memory_space<hbm>>
    %dma_start3A_278 = arith.constant 0 : i32
    %dma_start3A_279 = arith.constant 0 : i32
    %dma_start3A_280 = tpu.memref_slice %arg8[%dma_start3A_278, %dma_start3A_279] : memref<256x128xf32, #tpu.memory_space<vmem>> -> memref<128x128xf32, #tpu.memory_space<vmem>>
    tpu.enqueue_dma source(%dma_start3A_280 : memref<128x128xf32, #tpu.memory_space<vmem>>) target(%dma_start3A_277 : memref<128x128xf32, #tpu.memory_space<hbm>>) target_semaphore(%arg20 : memref<!tpu.dma_semaphore, #tpu.memory_space<semaphore_mem>>)
    %mul3A_281 = arith.constant 640 : i32
    %mul3A_282 = arith.muli %arg1, %mul3A_281 : i32
    %add3A_283 = arith.constant 128 : i32
    %add3A_284 = arith.addi %mul3A_282, %add3A_283 : i32
    "tpu.region"() ({
      %run_scoped3A_415 = tpu.sem_alloc : memref<!tpu.dma_semaphore, #tpu.memory_space<semaphore_mem>>
      %dma_start3A_416 = arith.constant 128 : i32
      %dma_start3A_417 = arith.constant 0 : i32
      %dma_start3A_418 = tpu.memref_slice %arg8[%dma_start3A_416, %dma_start3A_417] : memref<256x128xf32, #tpu.memory_space<vmem>> -> memref<128x128xf32, #tpu.memory_space<vmem>>
      %dma_start3A_419 = arith.constant 0 : i32
      %dma_start3A_420 = tpu.memref_slice %arg10[%add3A_284, %dma_start3A_419] : memref<10240x128xf32, #tpu.memory_space<vmem_shared>> -> memref<128x128xf32, #tpu.memory_space<vmem_shared>>
      %dma_start3A_421 = arith.constant 128 : i32
      %dma_start3A_422 = arith.constant 0 : i32
      %dma_start3A_423 = tpu.memref_slice %arg8[%dma_start3A_421, %dma_start3A_422] : memref<256x128xf32, #tpu.memory_space<vmem>> -> memref<128x128xf32, #tpu.memory_space<vmem>>
      %dma_start3A_424 = arith.constant 0 : i32
      %dma_start3A_425 = tpu.memref_slice %arg10[%add3A_284, %dma_start3A_424] : memref<10240x128xf32, #tpu.memory_space<vmem_shared>> -> memref<128x128xf32, #tpu.memory_space<vmem_shared>>
      tpu.enqueue_dma source(%dma_start3A_425 : memref<128x128xf32, #tpu.memory_space<vmem_shared>>) target(%dma_start3A_423 : memref<128x128xf32, #tpu.memory_space<vmem>>) target_semaphore(%run_scoped3A_415 : memref<!tpu.dma_semaphore, #tpu.memory_space<semaphore_mem>>)
      %dma_wait3A_426 = arith.constant 128 : i32
      %dma_wait3A_427 = arith.constant 0 : i32
      %dma_wait3A_428 = tpu.memref_slice %arg8[%dma_wait3A_426, %dma_wait3A_427] : memref<256x128xf32, #tpu.memory_space<vmem>> -> memref<128x128xf32, #tpu.memory_space<vmem>>
      %dma_wait3A_429 = arith.constant 0 : i32
      %dma_wait3A_430 = tpu.memref_slice %arg10[%add3A_284, %dma_wait3A_429] : memref<10240x128xf32, #tpu.memory_space<vmem_shared>> -> memref<128x128xf32, #tpu.memory_space<vmem_shared>>
      %dma_wait3A_431 = arith.constant 128 : i32
      %dma_wait3A_432 = arith.constant 0 : i32
      %dma_wait3A_433 = tpu.memref_slice %arg8[%dma_wait3A_431, %dma_wait3A_432] : memref<256x128xf32, #tpu.memory_space<vmem>> -> memref<128x128xf32, #tpu.memory_space<vmem>>
      %dma_wait3A_434 = arith.constant 0 : i32
      %dma_wait3A_435 = tpu.memref_slice %arg10[%add3A_284, %dma_wait3A_434] : memref<10240x128xf32, #tpu.memory_space<vmem_shared>> -> memref<128x128xf32, #tpu.memory_space<vmem_shared>>
      tpu.wait_dma2 semaphore(%run_scoped3A_415 : memref<!tpu.dma_semaphore, #tpu.memory_space<semaphore_mem>>) src(%dma_wait3A_435 : memref<128x128xf32, #tpu.memory_space<vmem_shared>>) dst(%dma_wait3A_433 : memref<128x128xf32, #tpu.memory_space<vmem>>)
      tpu.yield
    }) : () -> ()
    %dma_start3A_285 = arith.constant 128 : i32
    %dma_start3A_286 = arith.constant 0 : i32
    %dma_start3A_287 = tpu.memref_slice %arg8[%dma_start3A_285, %dma_start3A_286] : memref<256x128xf32, #tpu.memory_space<vmem>> -> memref<128x128xf32, #tpu.memory_space<vmem>>
    %dma_start3A_288 = arith.constant 0 : i32
    %dma_start3A_289 = tpu.memref_slice %arg5[%arg0, %add3A_284, %dma_start3A_288] : memref<2x10240x128xf32, #tpu.memory_space<hbm>> -> memref<1x128x128xf32, #tpu.memory_space<hbm>>
    %dma_start3A_290 = tpu.memref_squeeze %dma_start3A_289 : memref<1x128x128xf32, #tpu.memory_space<hbm>> -> memref<128x128xf32, #tpu.memory_space<hbm>>
    %dma_start3A_291 = arith.constant 0 : i32
    %dma_start3A_292 = tpu.memref_slice %arg5[%arg0, %add3A_284, %dma_start3A_291] : memref<2x10240x128xf32, #tpu.memory_space<hbm>> -> memref<1x128x128xf32, #tpu.memory_space<hbm>>
    %dma_start3A_293 = tpu.memref_squeeze %dma_start3A_292 : memref<1x128x128xf32, #tpu.memory_space<hbm>> -> memref<128x128xf32, #tpu.memory_space<hbm>>
    %dma_start3A_294 = arith.constant 128 : i32
    %dma_start3A_295 = arith.constant 0 : i32
    %dma_start3A_296 = tpu.memref_slice %arg8[%dma_start3A_294, %dma_start3A_295] : memref<256x128xf32, #tpu.memory_space<vmem>> -> memref<128x128xf32, #tpu.memory_space<vmem>>
    tpu.enqueue_dma source(%dma_start3A_296 : memref<128x128xf32, #tpu.memory_space<vmem>>) target(%dma_start3A_293 : memref<128x128xf32, #tpu.memory_space<hbm>>) target_semaphore(%arg20 : memref<!tpu.dma_semaphore, #tpu.memory_space<semaphore_mem>>)
    %mul3A_297 = arith.constant 640 : i32
    %mul3A_298 = arith.muli %arg1, %mul3A_297 : i32
    %add3A_299 = arith.constant 256 : i32
    %add3A_300 = arith.addi %mul3A_298, %add3A_299 : i32
    %mul3A_301 = arith.constant 640 : i32
    %mul3A_302 = arith.muli %arg1, %mul3A_301 : i32
    %dma_wait3A_303 = arith.constant 0 : i32
    %dma_wait3A_304 = arith.constant 0 : i32
    %dma_wait3A_305 = tpu.memref_slice %arg8[%dma_wait3A_303, %dma_wait3A_304] : memref<256x128xf32, #tpu.memory_space<vmem>> -> memref<128x128xf32, #tpu.memory_space<vmem>>
    %dma_wait3A_306 = arith.constant 0 : i32
    %dma_wait3A_307 = tpu.memref_slice %arg5[%arg0, %mul3A_302, %dma_wait3A_306] : memref<2x10240x128xf32, #tpu.memory_space<hbm>> -> memref<1x128x128xf32, #tpu.memory_space<hbm>>
    %dma_wait3A_308 = tpu.memref_squeeze %dma_wait3A_307 : memref<1x128x128xf32, #tpu.memory_space<hbm>> -> memref<128x128xf32, #tpu.memory_space<hbm>>
    %dma_wait3A_309 = arith.constant 0 : i32
    %dma_wait3A_310 = tpu.memref_slice %arg5[%arg0, %mul3A_302, %dma_wait3A_309] : memref<2x10240x128xf32, #tpu.memory_space<hbm>> -> memref<1x128x128xf32, #tpu.memory_space<hbm>>
    %dma_wait3A_311 = tpu.memref_squeeze %dma_wait3A_310 : memref<1x128x128xf32, #tpu.memory_space<hbm>> -> memref<128x128xf32, #tpu.memory_space<hbm>>
    %dma_wait3A_312 = arith.constant 0 : i32
    %dma_wait3A_313 = arith.constant 0 : i32
    %dma_wait3A_314 = tpu.memref_slice %arg8[%dma_wait3A_312, %dma_wait3A_313] : memref<256x128xf32, #tpu.memory_space<vmem>> -> memref<128x128xf32, #tpu.memory_space<vmem>>
    tpu.wait_dma2 semaphore(%arg20 : memref<!tpu.dma_semaphore, #tpu.memory_space<semaphore_mem>>) src(%dma_wait3A_314 : memref<128x128xf32, #tpu.memory_space<vmem>>) dst(%dma_wait3A_311 : memref<128x128xf32, #tpu.memory_space<hbm>>)
    "tpu.region"() ({
      %run_scoped3A_415 = tpu.sem_alloc : memref<!tpu.dma_semaphore, #tpu.memory_space<semaphore_mem>>
      %dma_start3A_416 = arith.constant 0 : i32
      %dma_start3A_417 = arith.constant 0 : i32
      %dma_start3A_418 = tpu.memref_slice %arg8[%dma_start3A_416, %dma_start3A_417] : memref<256x128xf32, #tpu.memory_space<vmem>> -> memref<128x128xf32, #tpu.memory_space<vmem>>
      %dma_start3A_419 = arith.constant 0 : i32
      %dma_start3A_420 = tpu.memref_slice %arg10[%add3A_300, %dma_start3A_419] : memref<10240x128xf32, #tpu.memory_space<vmem_shared>> -> memref<128x128xf32, #tpu.memory_space<vmem_shared>>
      %dma_start3A_421 = arith.constant 0 : i32
      %dma_start3A_422 = arith.constant 0 : i32
      %dma_start3A_423 = tpu.memref_slice %arg8[%dma_start3A_421, %dma_start3A_422] : memref<256x128xf32, #tpu.memory_space<vmem>> -> memref<128x128xf32, #tpu.memory_space<vmem>>
      %dma_start3A_424 = arith.constant 0 : i32
      %dma_start3A_425 = tpu.memref_slice %arg10[%add3A_300, %dma_start3A_424] : memref<10240x128xf32, #tpu.memory_space<vmem_shared>> -> memref<128x128xf32, #tpu.memory_space<vmem_shared>>
      tpu.enqueue_dma source(%dma_start3A_425 : memref<128x128xf32, #tpu.memory_space<vmem_shared>>) target(%dma_start3A_423 : memref<128x128xf32, #tpu.memory_space<vmem>>) target_semaphore(%run_scoped3A_415 : memref<!tpu.dma_semaphore, #tpu.memory_space<semaphore_mem>>)
      %dma_wait3A_426 = arith.constant 0 : i32
      %dma_wait3A_427 = arith.constant 0 : i32
      %dma_wait3A_428 = tpu.memref_slice %arg8[%dma_wait3A_426, %dma_wait3A_427] : memref<256x128xf32, #tpu.memory_space<vmem>> -> memref<128x128xf32, #tpu.memory_space<vmem>>
      %dma_wait3A_429 = arith.constant 0 : i32
      %dma_wait3A_430 = tpu.memref_slice %arg10[%add3A_300, %dma_wait3A_429] : memref<10240x128xf32, #tpu.memory_space<vmem_shared>> -> memref<128x128xf32, #tpu.memory_space<vmem_shared>>
      %dma_wait3A_431 = arith.constant 0 : i32
      %dma_wait3A_432 = arith.constant 0 : i32
      %dma_wait3A_433 = tpu.memref_slice %arg8[%dma_wait3A_431, %dma_wait3A_432] : memref<256x128xf32, #tpu.memory_space<vmem>> -> memref<128x128xf32, #tpu.memory_space<vmem>>
      %dma_wait3A_434 = arith.constant 0 : i32
      %dma_wait3A_435 = tpu.memref_slice %arg10[%add3A_300, %dma_wait3A_434] : memref<10240x128xf32, #tpu.memory_space<vmem_shared>> -> memref<128x128xf32, #tpu.memory_space<vmem_shared>>
      tpu.wait_dma2 semaphore(%run_scoped3A_415 : memref<!tpu.dma_semaphore, #tpu.memory_space<semaphore_mem>>) src(%dma_wait3A_435 : memref<128x128xf32, #tpu.memory_space<vmem_shared>>) dst(%dma_wait3A_433 : memref<128x128xf32, #tpu.memory_space<vmem>>)
      tpu.yield
    }) : () -> ()
    %dma_start3A_315 = arith.constant 0 : i32
    %dma_start3A_316 = arith.constant 0 : i32
    %dma_start3A_317 = tpu.memref_slice %arg8[%dma_start3A_315, %dma_start3A_316] : memref<256x128xf32, #tpu.memory_space<vmem>> -> memref<128x128xf32, #tpu.memory_space<vmem>>
    %dma_start3A_318 = arith.constant 0 : i32
    %dma_start3A_319 = tpu.memref_slice %arg5[%arg0, %add3A_300, %dma_start3A_318] : memref<2x10240x128xf32, #tpu.memory_space<hbm>> -> memref<1x128x128xf32, #tpu.memory_space<hbm>>
    %dma_start3A_320 = tpu.memref_squeeze %dma_start3A_319 : memref<1x128x128xf32, #tpu.memory_space<hbm>> -> memref<128x128xf32, #tpu.memory_space<hbm>>
    %dma_start3A_321 = arith.constant 0 : i32
    %dma_start3A_322 = tpu.memref_slice %arg5[%arg0, %add3A_300, %dma_start3A_321] : memref<2x10240x128xf32, #tpu.memory_space<hbm>> -> memref<1x128x128xf32, #tpu.memory_space<hbm>>
    %dma_start3A_323 = tpu.memref_squeeze %dma_start3A_322 : memref<1x128x128xf32, #tpu.memory_space<hbm>> -> memref<128x128xf32, #tpu.memory_space<hbm>>
    %dma_start3A_324 = arith.constant 0 : i32
    %dma_start3A_325 = arith.constant 0 : i32
    %dma_start3A_326 = tpu.memref_slice %arg8[%dma_start3A_324, %dma_start3A_325] : memref<256x128xf32, #tpu.memory_space<vmem>> -> memref<128x128xf32, #tpu.memory_space<vmem>>
    tpu.enqueue_dma source(%dma_start3A_326 : memref<128x128xf32, #tpu.memory_space<vmem>>) target(%dma_start3A_323 : memref<128x128xf32, #tpu.memory_space<hbm>>) target_semaphore(%arg20 : memref<!tpu.dma_semaphore, #tpu.memory_space<semaphore_mem>>)
    %mul3A_327 = arith.constant 640 : i32
    %mul3A_328 = arith.muli %arg1, %mul3A_327 : i32
    %add3A_329 = arith.constant 384 : i32
    %add3A_330 = arith.addi %mul3A_328, %add3A_329 : i32
    %mul3A_331 = arith.constant 640 : i32
    %mul3A_332 = arith.muli %arg1, %mul3A_331 : i32
    %dma_wait3A_333 = arith.constant 128 : i32
    %dma_wait3A_334 = arith.constant 0 : i32
    %dma_wait3A_335 = tpu.memref_slice %arg8[%dma_wait3A_333, %dma_wait3A_334] : memref<256x128xf32, #tpu.memory_space<vmem>> -> memref<128x128xf32, #tpu.memory_space<vmem>>
    %dma_wait3A_336 = arith.constant 0 : i32
    %dma_wait3A_337 = tpu.memref_slice %arg5[%arg0, %mul3A_332, %dma_wait3A_336] : memref<2x10240x128xf32, #tpu.memory_space<hbm>> -> memref<1x128x128xf32, #tpu.memory_space<hbm>>
    %dma_wait3A_338 = tpu.memref_squeeze %dma_wait3A_337 : memref<1x128x128xf32, #tpu.memory_space<hbm>> -> memref<128x128xf32, #tpu.memory_space<hbm>>
    %dma_wait3A_339 = arith.constant 0 : i32
    %dma_wait3A_340 = tpu.memref_slice %arg5[%arg0, %mul3A_332, %dma_wait3A_339] : memref<2x10240x128xf32, #tpu.memory_space<hbm>> -> memref<1x128x128xf32, #tpu.memory_space<hbm>>
    %dma_wait3A_341 = tpu.memref_squeeze %dma_wait3A_340 : memref<1x128x128xf32, #tpu.memory_space<hbm>> -> memref<128x128xf32, #tpu.memory_space<hbm>>
    %dma_wait3A_342 = arith.constant 128 : i32
    %dma_wait3A_343 = arith.constant 0 : i32
    %dma_wait3A_344 = tpu.memref_slice %arg8[%dma_wait3A_342, %dma_wait3A_343] : memref<256x128xf32, #tpu.memory_space<vmem>> -> memref<128x128xf32, #tpu.memory_space<vmem>>
    tpu.wait_dma2 semaphore(%arg20 : memref<!tpu.dma_semaphore, #tpu.memory_space<semaphore_mem>>) src(%dma_wait3A_344 : memref<128x128xf32, #tpu.memory_space<vmem>>) dst(%dma_wait3A_341 : memref<128x128xf32, #tpu.memory_space<hbm>>)
    "tpu.region"() ({
      %run_scoped3A_415 = tpu.sem_alloc : memref<!tpu.dma_semaphore, #tpu.memory_space<semaphore_mem>>
      %dma_start3A_416 = arith.constant 128 : i32
      %dma_start3A_417 = arith.constant 0 : i32
      %dma_start3A_418 = tpu.memref_slice %arg8[%dma_start3A_416, %dma_start3A_417] : memref<256x128xf32, #tpu.memory_space<vmem>> -> memref<128x128xf32, #tpu.memory_space<vmem>>
      %dma_start3A_419 = arith.constant 0 : i32
      %dma_start3A_420 = tpu.memref_slice %arg10[%add3A_330, %dma_start3A_419] : memref<10240x128xf32, #tpu.memory_space<vmem_shared>> -> memref<128x128xf32, #tpu.memory_space<vmem_shared>>
      %dma_start3A_421 = arith.constant 128 : i32
      %dma_start3A_422 = arith.constant 0 : i32
      %dma_start3A_423 = tpu.memref_slice %arg8[%dma_start3A_421, %dma_start3A_422] : memref<256x128xf32, #tpu.memory_space<vmem>> -> memref<128x128xf32, #tpu.memory_space<vmem>>
      %dma_start3A_424 = arith.constant 0 : i32
      %dma_start3A_425 = tpu.memref_slice %arg10[%add3A_330, %dma_start3A_424] : memref<10240x128xf32, #tpu.memory_space<vmem_shared>> -> memref<128x128xf32, #tpu.memory_space<vmem_shared>>
      tpu.enqueue_dma source(%dma_start3A_425 : memref<128x128xf32, #tpu.memory_space<vmem_shared>>) target(%dma_start3A_423 : memref<128x128xf32, #tpu.memory_space<vmem>>) target_semaphore(%run_scoped3A_415 : memref<!tpu.dma_semaphore, #tpu.memory_space<semaphore_mem>>)
      %dma_wait3A_426 = arith.constant 128 : i32
      %dma_wait3A_427 = arith.constant 0 : i32
      %dma_wait3A_428 = tpu.memref_slice %arg8[%dma_wait3A_426, %dma_wait3A_427] : memref<256x128xf32, #tpu.memory_space<vmem>> -> memref<128x128xf32, #tpu.memory_space<vmem>>
      %dma_wait3A_429 = arith.constant 0 : i32
      %dma_wait3A_430 = tpu.memref_slice %arg10[%add3A_330, %dma_wait3A_429] : memref<10240x128xf32, #tpu.memory_space<vmem_shared>> -> memref<128x128xf32, #tpu.memory_space<vmem_shared>>
      %dma_wait3A_431 = arith.constant 128 : i32
      %dma_wait3A_432 = arith.constant 0 : i32
      %dma_wait3A_433 = tpu.memref_slice %arg8[%dma_wait3A_431, %dma_wait3A_432] : memref<256x128xf32, #tpu.memory_space<vmem>> -> memref<128x128xf32, #tpu.memory_space<vmem>>
      %dma_wait3A_434 = arith.constant 0 : i32
      %dma_wait3A_435 = tpu.memref_slice %arg10[%add3A_330, %dma_wait3A_434] : memref<10240x128xf32, #tpu.memory_space<vmem_shared>> -> memref<128x128xf32, #tpu.memory_space<vmem_shared>>
      tpu.wait_dma2 semaphore(%run_scoped3A_415 : memref<!tpu.dma_semaphore, #tpu.memory_space<semaphore_mem>>) src(%dma_wait3A_435 : memref<128x128xf32, #tpu.memory_space<vmem_shared>>) dst(%dma_wait3A_433 : memref<128x128xf32, #tpu.memory_space<vmem>>)
      tpu.yield
    }) : () -> ()
    %dma_start3A_345 = arith.constant 128 : i32
    %dma_start3A_346 = arith.constant 0 : i32
    %dma_start3A_347 = tpu.memref_slice %arg8[%dma_start3A_345, %dma_start3A_346] : memref<256x128xf32, #tpu.memory_space<vmem>> -> memref<128x128xf32, #tpu.memory_space<vmem>>
    %dma_start3A_348 = arith.constant 0 : i32
    %dma_start3A_349 = tpu.memref_slice %arg5[%arg0, %add3A_330, %dma_start3A_348] : memref<2x10240x128xf32, #tpu.memory_space<hbm>> -> memref<1x128x128xf32, #tpu.memory_space<hbm>>
    %dma_start3A_350 = tpu.memref_squeeze %dma_start3A_349 : memref<1x128x128xf32, #tpu.memory_space<hbm>> -> memref<128x128xf32, #tpu.memory_space<hbm>>
    %dma_start3A_351 = arith.constant 0 : i32
    %dma_start3A_352 = tpu.memref_slice %arg5[%arg0, %add3A_330, %dma_start3A_351] : memref<2x10240x128xf32, #tpu.memory_space<hbm>> -> memref<1x128x128xf32, #tpu.memory_space<hbm>>
    %dma_start3A_353 = tpu.memref_squeeze %dma_start3A_352 : memref<1x128x128xf32, #tpu.memory_space<hbm>> -> memref<128x128xf32, #tpu.memory_space<hbm>>
    %dma_start3A_354 = arith.constant 128 : i32
    %dma_start3A_355 = arith.constant 0 : i32
    %dma_start3A_356 = tpu.memref_slice %arg8[%dma_start3A_354, %dma_start3A_355] : memref<256x128xf32, #tpu.memory_space<vmem>> -> memref<128x128xf32, #tpu.memory_space<vmem>>
    tpu.enqueue_dma source(%dma_start3A_356 : memref<128x128xf32, #tpu.memory_space<vmem>>) target(%dma_start3A_353 : memref<128x128xf32, #tpu.memory_space<hbm>>) target_semaphore(%arg20 : memref<!tpu.dma_semaphore, #tpu.memory_space<semaphore_mem>>)
    %mul3A_357 = arith.constant 640 : i32
    %mul3A_358 = arith.muli %arg1, %mul3A_357 : i32
    %add3A_359 = arith.constant 512 : i32
    %add3A_360 = arith.addi %mul3A_358, %add3A_359 : i32
    %mul3A_361 = arith.constant 640 : i32
    %mul3A_362 = arith.muli %arg1, %mul3A_361 : i32
    %dma_wait3A_363 = arith.constant 0 : i32
    %dma_wait3A_364 = arith.constant 0 : i32
    %dma_wait3A_365 = tpu.memref_slice %arg8[%dma_wait3A_363, %dma_wait3A_364] : memref<256x128xf32, #tpu.memory_space<vmem>> -> memref<128x128xf32, #tpu.memory_space<vmem>>
    %dma_wait3A_366 = arith.constant 0 : i32
    %dma_wait3A_367 = tpu.memref_slice %arg5[%arg0, %mul3A_362, %dma_wait3A_366] : memref<2x10240x128xf32, #tpu.memory_space<hbm>> -> memref<1x128x128xf32, #tpu.memory_space<hbm>>
    %dma_wait3A_368 = tpu.memref_squeeze %dma_wait3A_367 : memref<1x128x128xf32, #tpu.memory_space<hbm>> -> memref<128x128xf32, #tpu.memory_space<hbm>>
    %dma_wait3A_369 = arith.constant 0 : i32
    %dma_wait3A_370 = tpu.memref_slice %arg5[%arg0, %mul3A_362, %dma_wait3A_369] : memref<2x10240x128xf32, #tpu.memory_space<hbm>> -> memref<1x128x128xf32, #tpu.memory_space<hbm>>
    %dma_wait3A_371 = tpu.memref_squeeze %dma_wait3A_370 : memref<1x128x128xf32, #tpu.memory_space<hbm>> -> memref<128x128xf32, #tpu.memory_space<hbm>>
    %dma_wait3A_372 = arith.constant 0 : i32
    %dma_wait3A_373 = arith.constant 0 : i32
    %dma_wait3A_374 = tpu.memref_slice %arg8[%dma_wait3A_372, %dma_wait3A_373] : memref<256x128xf32, #tpu.memory_space<vmem>> -> memref<128x128xf32, #tpu.memory_space<vmem>>
    tpu.wait_dma2 semaphore(%arg20 : memref<!tpu.dma_semaphore, #tpu.memory_space<semaphore_mem>>) src(%dma_wait3A_374 : memref<128x128xf32, #tpu.memory_space<vmem>>) dst(%dma_wait3A_371 : memref<128x128xf32, #tpu.memory_space<hbm>>)
    "tpu.region"() ({
      %run_scoped3A_415 = tpu.sem_alloc : memref<!tpu.dma_semaphore, #tpu.memory_space<semaphore_mem>>
      %dma_start3A_416 = arith.constant 0 : i32
      %dma_start3A_417 = arith.constant 0 : i32
      %dma_start3A_418 = tpu.memref_slice %arg8[%dma_start3A_416, %dma_start3A_417] : memref<256x128xf32, #tpu.memory_space<vmem>> -> memref<128x128xf32, #tpu.memory_space<vmem>>
      %dma_start3A_419 = arith.constant 0 : i32
      %dma_start3A_420 = tpu.memref_slice %arg10[%add3A_360, %dma_start3A_419] : memref<10240x128xf32, #tpu.memory_space<vmem_shared>> -> memref<128x128xf32, #tpu.memory_space<vmem_shared>>
      %dma_start3A_421 = arith.constant 0 : i32
      %dma_start3A_422 = arith.constant 0 : i32
      %dma_start3A_423 = tpu.memref_slice %arg8[%dma_start3A_421, %dma_start3A_422] : memref<256x128xf32, #tpu.memory_space<vmem>> -> memref<128x128xf32, #tpu.memory_space<vmem>>
      %dma_start3A_424 = arith.constant 0 : i32
      %dma_start3A_425 = tpu.memref_slice %arg10[%add3A_360, %dma_start3A_424] : memref<10240x128xf32, #tpu.memory_space<vmem_shared>> -> memref<128x128xf32, #tpu.memory_space<vmem_shared>>
      tpu.enqueue_dma source(%dma_start3A_425 : memref<128x128xf32, #tpu.memory_space<vmem_shared>>) target(%dma_start3A_423 : memref<128x128xf32, #tpu.memory_space<vmem>>) target_semaphore(%run_scoped3A_415 : memref<!tpu.dma_semaphore, #tpu.memory_space<semaphore_mem>>)
      %dma_wait3A_426 = arith.constant 0 : i32
      %dma_wait3A_427 = arith.constant 0 : i32
      %dma_wait3A_428 = tpu.memref_slice %arg8[%dma_wait3A_426, %dma_wait3A_427] : memref<256x128xf32, #tpu.memory_space<vmem>> -> memref<128x128xf32, #tpu.memory_space<vmem>>
      %dma_wait3A_429 = arith.constant 0 : i32
      %dma_wait3A_430 = tpu.memref_slice %arg10[%add3A_360, %dma_wait3A_429] : memref<10240x128xf32, #tpu.memory_space<vmem_shared>> -> memref<128x128xf32, #tpu.memory_space<vmem_shared>>
      %dma_wait3A_431 = arith.constant 0 : i32
      %dma_wait3A_432 = arith.constant 0 : i32
      %dma_wait3A_433 = tpu.memref_slice %arg8[%dma_wait3A_431, %dma_wait3A_432] : memref<256x128xf32, #tpu.memory_space<vmem>> -> memref<128x128xf32, #tpu.memory_space<vmem>>
      %dma_wait3A_434 = arith.constant 0 : i32
      %dma_wait3A_435 = tpu.memref_slice %arg10[%add3A_360, %dma_wait3A_434] : memref<10240x128xf32, #tpu.memory_space<vmem_shared>> -> memref<128x128xf32, #tpu.memory_space<vmem_shared>>
      tpu.wait_dma2 semaphore(%run_scoped3A_415 : memref<!tpu.dma_semaphore, #tpu.memory_space<semaphore_mem>>) src(%dma_wait3A_435 : memref<128x128xf32, #tpu.memory_space<vmem_shared>>) dst(%dma_wait3A_433 : memref<128x128xf32, #tpu.memory_space<vmem>>)
      tpu.yield
    }) : () -> ()
    %dma_start3A_375 = arith.constant 0 : i32
    %dma_start3A_376 = arith.constant 0 : i32
    %dma_start3A_377 = tpu.memref_slice %arg8[%dma_start3A_375, %dma_start3A_376] : memref<256x128xf32, #tpu.memory_space<vmem>> -> memref<128x128xf32, #tpu.memory_space<vmem>>
    %dma_start3A_378 = arith.constant 0 : i32
    %dma_start3A_379 = tpu.memref_slice %arg5[%arg0, %add3A_360, %dma_start3A_378] : memref<2x10240x128xf32, #tpu.memory_space<hbm>> -> memref<1x128x128xf32, #tpu.memory_space<hbm>>
    %dma_start3A_380 = tpu.memref_squeeze %dma_start3A_379 : memref<1x128x128xf32, #tpu.memory_space<hbm>> -> memref<128x128xf32, #tpu.memory_space<hbm>>
    %dma_start3A_381 = arith.constant 0 : i32
    %dma_start3A_382 = tpu.memref_slice %arg5[%arg0, %add3A_360, %dma_start3A_381] : memref<2x10240x128xf32, #tpu.memory_space<hbm>> -> memref<1x128x128xf32, #tpu.memory_space<hbm>>
    %dma_start3A_383 = tpu.memref_squeeze %dma_start3A_382 : memref<1x128x128xf32, #tpu.memory_space<hbm>> -> memref<128x128xf32, #tpu.memory_space<hbm>>
    %dma_start3A_384 = arith.constant 0 : i32
    %dma_start3A_385 = arith.constant 0 : i32
    %dma_start3A_386 = tpu.memref_slice %arg8[%dma_start3A_384, %dma_start3A_385] : memref<256x128xf32, #tpu.memory_space<vmem>> -> memref<128x128xf32, #tpu.memory_space<vmem>>
    tpu.enqueue_dma source(%dma_start3A_386 : memref<128x128xf32, #tpu.memory_space<vmem>>) target(%dma_start3A_383 : memref<128x128xf32, #tpu.memory_space<hbm>>) target_semaphore(%arg20 : memref<!tpu.dma_semaphore, #tpu.memory_space<semaphore_mem>>)
    %mul3A_387 = arith.constant 640 : i32
    %mul3A_388 = arith.muli %arg1, %mul3A_387 : i32
    %dma_wait3A_389 = arith.constant 0 : i32
    %dma_wait3A_390 = arith.constant 0 : i32
    %dma_wait3A_391 = tpu.memref_slice %arg8[%dma_wait3A_389, %dma_wait3A_390] : memref<256x128xf32, #tpu.memory_space<vmem>> -> memref<128x128xf32, #tpu.memory_space<vmem>>
    %dma_wait3A_392 = arith.constant 0 : i32
    %dma_wait3A_393 = tpu.memref_slice %arg5[%arg0, %mul3A_388, %dma_wait3A_392] : memref<2x10240x128xf32, #tpu.memory_space<hbm>> -> memref<1x128x128xf32, #tpu.memory_space<hbm>>
    %dma_wait3A_394 = tpu.memref_squeeze %dma_wait3A_393 : memref<1x128x128xf32, #tpu.memory_space<hbm>> -> memref<128x128xf32, #tpu.memory_space<hbm>>
    %dma_wait3A_395 = arith.constant 0 : i32
    %dma_wait3A_396 = tpu.memref_slice %arg5[%arg0, %mul3A_388, %dma_wait3A_395] : memref<2x10240x128xf32, #tpu.memory_space<hbm>> -> memref<1x128x128xf32, #tpu.memory_space<hbm>>
    %dma_wait3A_397 = tpu.memref_squeeze %dma_wait3A_396 : memref<1x128x128xf32, #tpu.memory_space<hbm>> -> memref<128x128xf32, #tpu.memory_space<hbm>>
    %dma_wait3A_398 = arith.constant 0 : i32
    %dma_wait3A_399 = arith.constant 0 : i32
    %dma_wait3A_400 = tpu.memref_slice %arg8[%dma_wait3A_398, %dma_wait3A_399] : memref<256x128xf32, #tpu.memory_space<vmem>> -> memref<128x128xf32, #tpu.memory_space<vmem>>
    tpu.wait_dma2 semaphore(%arg20 : memref<!tpu.dma_semaphore, #tpu.memory_space<semaphore_mem>>) src(%dma_wait3A_400 : memref<128x128xf32, #tpu.memory_space<vmem>>) dst(%dma_wait3A_397 : memref<128x128xf32, #tpu.memory_space<hbm>>)
    %mul3A_401 = arith.constant 640 : i32
    %mul3A_402 = arith.muli %arg1, %mul3A_401 : i32
    %dma_wait3A_403 = arith.constant 0 : i32
    %dma_wait3A_404 = arith.constant 0 : i32
    %dma_wait3A_405 = tpu.memref_slice %arg8[%dma_wait3A_403, %dma_wait3A_404] : memref<256x128xf32, #tpu.memory_space<vmem>> -> memref<128x128xf32, #tpu.memory_space<vmem>>
    %dma_wait3A_406 = arith.constant 0 : i32
    %dma_wait3A_407 = tpu.memref_slice %arg5[%arg0, %mul3A_402, %dma_wait3A_406] : memref<2x10240x128xf32, #tpu.memory_space<hbm>> -> memref<1x128x128xf32, #tpu.memory_space<hbm>>
    %dma_wait3A_408 = tpu.memref_squeeze %dma_wait3A_407 : memref<1x128x128xf32, #tpu.memory_space<hbm>> -> memref<128x128xf32, #tpu.memory_space<hbm>>
    %dma_wait3A_409 = arith.constant 0 : i32
    %dma_wait3A_410 = tpu.memref_slice %arg5[%arg0, %mul3A_402, %dma_wait3A_409] : memref<2x10240x128xf32, #tpu.memory_space<hbm>> -> memref<1x128x128xf32, #tpu.memory_space<hbm>>
    %dma_wait3A_411 = tpu.memref_squeeze %dma_wait3A_410 : memref<1x128x128xf32, #tpu.memory_space<hbm>> -> memref<128x128xf32, #tpu.memory_space<hbm>>
    %dma_wait3A_412 = arith.constant 0 : i32
    %dma_wait3A_413 = arith.constant 0 : i32
    %dma_wait3A_414 = tpu.memref_slice %arg8[%dma_wait3A_412, %dma_wait3A_413] : memref<256x128xf32, #tpu.memory_space<vmem>> -> memref<128x128xf32, #tpu.memory_space<vmem>>
    tpu.wait_dma2 semaphore(%arg20 : memref<!tpu.dma_semaphore, #tpu.memory_space<semaphore_mem>>) src(%dma_wait3A_414 : memref<128x128xf32, #tpu.memory_space<vmem>>) dst(%dma_wait3A_411 : memref<128x128xf32, #tpu.memory_space<hbm>>)
    return
  }
}

#map = affine_map<(d0, d1) -> (0, 0)>
#map1 = affine_map<(d0, d1) -> (0, 0, 0)>
module attributes {stable_mosaic.version = 14 : i64} {
  func.func @_sc_agg_body(%arg0: i32, %arg1: i32, %arg2: memref<10240x128xf32, #tpu.memory_space<hbm>>, %arg3: memref<5120x64xi32, #tpu.memory_space<hbm>>, %arg4: memref<5120x64xi32, #tpu.memory_space<hbm>>, %arg5: memref<2x10240x128xf32, #tpu.memory_space<hbm>>, %arg6: memref<3x8x64xi32, #tpu.memory_space<vmem>>, %arg7: memref<3x8x64xi32, #tpu.memory_space<vmem>>, %arg8: memref<256x128xf32, #tpu.memory_space<vmem>>, %arg9: memref<1x64xi32, #tpu.memory_space<vmem>>, %arg10: memref<10240x128xf32, #tpu.memory_space<vmem_shared>>, %arg11: memref<!tpu.dma_semaphore, #tpu.memory_space<semaphore_mem>>, %arg12: memref<!tpu.dma_semaphore, #tpu.memory_space<semaphore_mem>>, %arg13: memref<!tpu.dma_semaphore, #tpu.memory_space<semaphore_mem>>, %arg14: memref<!tpu.dma_semaphore, #tpu.memory_space<semaphore_mem>>, %arg15: memref<!tpu.dma_semaphore, #tpu.memory_space<semaphore_mem>>, %arg16: memref<!tpu.dma_semaphore, #tpu.memory_space<semaphore_mem>>, %arg17: memref<!tpu.dma_semaphore, #tpu.memory_space<semaphore_mem>>, %arg18: memref<!tpu.dma_semaphore, #tpu.memory_space<semaphore_mem>>, %arg19: memref<!tpu.dma_semaphore, #tpu.memory_space<semaphore_mem>>, %arg20: memref<!tpu.dma_semaphore, #tpu.memory_space<semaphore_mem>>) attributes {dimension_semantics = [#tpu.dimension_semantics<core_parallel>, #tpu.dimension_semantics<subcore_parallel>], iteration_bounds = array<i64: 2, 16>, scalar_prefetch = 0 : i64, scratch_operands = 15 : i64, tpu.core_type = #tpu.core_type<sc_vector_subcore>, window_params = [{transform_indices = #map}, {transform_indices = #map}, {transform_indices = #map}, {transform_indices = #map1}]} {
    %mul3A = arith.constant 16 : i32
    %mul3A_0 = arith.muli %arg0, %mul3A : i32
    %add3A = arith.addi %mul3A_0, %arg1 : i32
    %mul3A_1 = arith.constant 160 : i32
    %mul3A_2 = arith.muli %add3A, %mul3A_1 : i32
    %scan3A = arith.constant 0 : i32
    %scan3A_3 = arith.constant 0 : i32
    %scan3A_4 = arith.constant 128 : i32
    %scan3A_5 = arith.addi %scan3A_3, %scan3A_4 : i32
    %scan3A_6 = arith.constant 1 : i32
    scf.for %scan3A_415 = %scan3A_3 to %scan3A_5 step %scan3A_6  : i32 {
      %broadcast_in_dim3A_416 = arith.constant 0.000000e+00 : f32
      %broadcast_in_dim3A_417 = vector.broadcast %broadcast_in_dim3A_416 : f32 to vector<16xf32>
      %swap3A_418 = arith.index_cast %scan3A_415 : i32 to index
      %swap3A_419 = arith.constant 0 : index
      %swap3A_420 = tpu.vector_load %arg8[%swap3A_418, %swap3A_419] {strides = array<i32>} : memref<256x128xf32, #tpu.memory_space<vmem>>, vector<1x16xf32>,
      %swap3A_421 = vector.shape_cast %swap3A_420 : vector<1x16xf32> to vector<16xf32>
      %swap3A_422 = vector.shape_cast %broadcast_in_dim3A_417 : vector<16xf32> to vector<1x16xf32>
      tpu.vector_store %arg8[%swap3A_418, %swap3A_419], %swap3A_422 {strides = array<i32>} : memref<256x128xf32, #tpu.memory_space<vmem>>, vector<1x16xf32>,
      %broadcast_in_dim3A_423 = arith.constant 0.000000e+00 : f32
      %broadcast_in_dim3A_424 = vector.broadcast %broadcast_in_dim3A_423 : f32 to vector<16xf32>
      %swap3A_425 = arith.index_cast %scan3A_415 : i32 to index
      %swap3A_426 = arith.constant 16 : index
      %swap3A_427 = tpu.vector_load %arg8[%swap3A_425, %swap3A_426] {strides = array<i32>} : memref<256x128xf32, #tpu.memory_space<vmem>>, vector<1x16xf32>,
      %swap3A_428 = vector.shape_cast %swap3A_427 : vector<1x16xf32> to vector<16xf32>
      %swap3A_429 = vector.shape_cast %broadcast_in_dim3A_424 : vector<16xf32> to vector<1x16xf32>
      tpu.vector_store %arg8[%swap3A_425, %swap3A_426], %swap3A_429 {strides = array<i32>} : memref<256x128xf32, #tpu.memory_space<vmem>>, vector<1x16xf32>,
      %broadcast_in_dim3A_430 = arith.constant 0.000000e+00 : f32
      %broadcast_in_dim3A_431 = vector.broadcast %broadcast_in_dim3A_430 : f32 to vector<16xf32>
      %swap3A_432 = arith.index_cast %scan3A_415 : i32 to index
      %swap3A_433 = arith.constant 32 : index
      %swap3A_434 = tpu.vector_load %arg8[%swap3A_432, %swap3A_433] {strides = array<i32>} : memref<256x128xf32, #tpu.memory_space<vmem>>, vector<1x16xf32>,
      %swap3A_435 = vector.shape_cast %swap3A_434 : vector<1x16xf32> to vector<16xf32>
      %swap3A_436 = vector.shape_cast %broadcast_in_dim3A_431 : vector<16xf32> to vector<1x16xf32>
      tpu.vector_store %arg8[%swap3A_432, %swap3A_433], %swap3A_436 {strides = array<i32>} : memref<256x128xf32, #tpu.memory_space<vmem>>, vector<1x16xf32>,
      %broadcast_in_dim3A_437 = arith.constant 0.000000e+00 : f32
      %broadcast_in_dim3A_438 = vector.broadcast %broadcast_in_dim3A_437 : f32 to vector<16xf32>
      %swap3A_439 = arith.index_cast %scan3A_415 : i32 to index
      %swap3A_440 = arith.constant 48 : index
      %swap3A_441 = tpu.vector_load %arg8[%swap3A_439, %swap3A_440] {strides = array<i32>} : memref<256x128xf32, #tpu.memory_space<vmem>>, vector<1x16xf32>,
      %swap3A_442 = vector.shape_cast %swap3A_441 : vector<1x16xf32> to vector<16xf32>
      %swap3A_443 = vector.shape_cast %broadcast_in_dim3A_438 : vector<16xf32> to vector<1x16xf32>
      tpu.vector_store %arg8[%swap3A_439, %swap3A_440], %swap3A_443 {strides = array<i32>} : memref<256x128xf32, #tpu.memory_space<vmem>>, vector<1x16xf32>,
      %broadcast_in_dim3A_444 = arith.constant 0.000000e+00 : f32
      %broadcast_in_dim3A_445 = vector.broadcast %broadcast_in_dim3A_444 : f32 to vector<16xf32>
      %swap3A_446 = arith.index_cast %scan3A_415 : i32 to index
      %swap3A_447 = arith.constant 64 : index
      %swap3A_448 = tpu.vector_load %arg8[%swap3A_446, %swap3A_447] {strides = array<i32>} : memref<256x128xf32, #tpu.memory_space<vmem>>, vector<1x16xf32>,
      %swap3A_449 = vector.shape_cast %swap3A_448 : vector<1x16xf32> to vector<16xf32>
      %swap3A_450 = vector.shape_cast %broadcast_in_dim3A_445 : vector<16xf32> to vector<1x16xf32>
      tpu.vector_store %arg8[%swap3A_446, %swap3A_447], %swap3A_450 {strides = array<i32>} : memref<256x128xf32, #tpu.memory_space<vmem>>, vector<1x16xf32>,
      %broadcast_in_dim3A_451 = arith.constant 0.000000e+00 : f32
      %broadcast_in_dim3A_452 = vector.broadcast %broadcast_in_dim3A_451 : f32 to vector<16xf32>
      %swap3A_453 = arith.index_cast %scan3A_415 : i32 to index
      %swap3A_454 = arith.constant 80 : index
      %swap3A_455 = tpu.vector_load %arg8[%swap3A_453, %swap3A_454] {strides = array<i32>} : memref<256x128xf32, #tpu.memory_space<vmem>>, vector<1x16xf32>,
      %swap3A_456 = vector.shape_cast %swap3A_455 : vector<1x16xf32> to vector<16xf32>
      %swap3A_457 = vector.shape_cast %broadcast_in_dim3A_452 : vector<16xf32> to vector<1x16xf32>
      tpu.vector_store %arg8[%swap3A_453, %swap3A_454], %swap3A_457 {strides = array<i32>} : memref<256x128xf32, #tpu.memory_space<vmem>>, vector<1x16xf32>,
      %broadcast_in_dim3A_458 = arith.constant 0.000000e+00 : f32
      %broadcast_in_dim3A_459 = vector.broadcast %broadcast_in_dim3A_458 : f32 to vector<16xf32>
      %swap3A_460 = arith.index_cast %scan3A_415 : i32 to index
      %swap3A_461 = arith.constant 96 : index
      %swap3A_462 = tpu.vector_load %arg8[%swap3A_460, %swap3A_461] {strides = array<i32>} : memref<256x128xf32, #tpu.memory_space<vmem>>, vector<1x16xf32>,
      %swap3A_463 = vector.shape_cast %swap3A_462 : vector<1x16xf32> to vector<16xf32>
      %swap3A_464 = vector.shape_cast %broadcast_in_dim3A_459 : vector<16xf32> to vector<1x16xf32>
      tpu.vector_store %arg8[%swap3A_460, %swap3A_461], %swap3A_464 {strides = array<i32>} : memref<256x128xf32, #tpu.memory_space<vmem>>, vector<1x16xf32>,
      %broadcast_in_dim3A_465 = arith.constant 0.000000e+00 : f32
      %broadcast_in_dim3A_466 = vector.broadcast %broadcast_in_dim3A_465 : f32 to vector<16xf32>
      %swap3A_467 = arith.index_cast %scan3A_415 : i32 to index
      %swap3A_468 = arith.constant 112 : index
      %swap3A_469 = tpu.vector_load %arg8[%swap3A_467, %swap3A_468] {strides = array<i32>} : memref<256x128xf32, #tpu.memory_space<vmem>>, vector<1x16xf32>,
      %swap3A_470 = vector.shape_cast %swap3A_469 : vector<1x16xf32> to vector<16xf32>
      %swap3A_471 = vector.shape_cast %broadcast_in_dim3A_466 : vector<16xf32> to vector<1x16xf32>
      tpu.vector_store %arg8[%swap3A_467, %swap3A_468], %swap3A_471 {strides = array<i32>} : memref<256x128xf32, #tpu.memory_space<vmem>>, vector<1x16xf32>,
    }
    %scan3A_7 = arith.constant 128 : i32
    %mul3A_8 = arith.constant 640 : i32
    %mul3A_9 = arith.muli %arg1, %mul3A_8 : i32
    %add3A_10 = arith.constant 0 : i32
    %add3A_11 = arith.addi %mul3A_9, %add3A_10 : i32
    %dma_start3A = arith.constant 0 : i32
    %dma_start3A_12 = arith.constant 0 : i32
    %dma_start3A_13 = tpu.memref_slice %arg8[%dma_start3A, %dma_start3A_12] : memref<256x128xf32, #tpu.memory_space<vmem>> -> memref<128x128xf32, #tpu.memory_space<vmem>>
    %dma_start3A_14 = arith.constant 0 : i32
    %dma_start3A_15 = tpu.memref_slice %arg10[%add3A_11, %dma_start3A_14] : memref<10240x128xf32, #tpu.memory_space<vmem_shared>> -> memref<128x128xf32, #tpu.memory_space<vmem_shared>>
    %dma_start3A_16 = arith.constant 0 : i32
    %dma_start3A_17 = tpu.memref_slice %arg10[%add3A_11, %dma_start3A_16] : memref<10240x128xf32, #tpu.memory_space<vmem_shared>> -> memref<128x128xf32, #tpu.memory_space<vmem_shared>>
    %dma_start3A_18 = arith.constant 0 : i32
    %dma_start3A_19 = arith.constant 0 : i32
    %dma_start3A_20 = tpu.memref_slice %arg8[%dma_start3A_18, %dma_start3A_19] : memref<256x128xf32, #tpu.memory_space<vmem>> -> memref<128x128xf32, #tpu.memory_space<vmem>>
    tpu.enqueue_dma source(%dma_start3A_20 : memref<128x128xf32, #tpu.memory_space<vmem>>) target(%dma_start3A_17 : memref<128x128xf32, #tpu.memory_space<vmem_shared>>) target_semaphore(%arg19 : memref<!tpu.dma_semaphore, #tpu.memory_space<semaphore_mem>>)
    %mul3A_21 = arith.constant 640 : i32
    %mul3A_22 = arith.muli %arg1, %mul3A_21 : i32
    %add3A_23 = arith.constant 128 : i32
    %add3A_24 = arith.addi %mul3A_22, %add3A_23 : i32
    %dma_start3A_25 = arith.constant 0 : i32
    %dma_start3A_26 = arith.constant 0 : i32
    %dma_start3A_27 = tpu.memref_slice %arg8[%dma_start3A_25, %dma_start3A_26] : memref<256x128xf32, #tpu.memory_space<vmem>> -> memref<128x128xf32, #tpu.memory_space<vmem>>
    %dma_start3A_28 = arith.constant 0 : i32
    %dma_start3A_29 = tpu.memref_slice %arg10[%add3A_24, %dma_start3A_28] : memref<10240x128xf32, #tpu.memory_space<vmem_shared>> -> memref<128x128xf32, #tpu.memory_space<vmem_shared>>
    %dma_start3A_30 = arith.constant 0 : i32
    %dma_start3A_31 = tpu.memref_slice %arg10[%add3A_24, %dma_start3A_30] : memref<10240x128xf32, #tpu.memory_space<vmem_shared>> -> memref<128x128xf32, #tpu.memory_space<vmem_shared>>
    %dma_start3A_32 = arith.constant 0 : i32
    %dma_start3A_33 = arith.constant 0 : i32
    %dma_start3A_34 = tpu.memref_slice %arg8[%dma_start3A_32, %dma_start3A_33] : memref<256x128xf32, #tpu.memory_space<vmem>> -> memref<128x128xf32, #tpu.memory_space<vmem>>
    tpu.enqueue_dma source(%dma_start3A_34 : memref<128x128xf32, #tpu.memory_space<vmem>>) target(%dma_start3A_31 : memref<128x128xf32, #tpu.memory_space<vmem_shared>>) target_semaphore(%arg19 : memref<!tpu.dma_semaphore, #tpu.memory_space<semaphore_mem>>)
    %mul3A_35 = arith.constant 640 : i32
    %mul3A_36 = arith.muli %arg1, %mul3A_35 : i32
    %add3A_37 = arith.constant 256 : i32
    %add3A_38 = arith.addi %mul3A_36, %add3A_37 : i32
    %dma_start3A_39 = arith.constant 0 : i32
    %dma_start3A_40 = arith.constant 0 : i32
    %dma_start3A_41 = tpu.memref_slice %arg8[%dma_start3A_39, %dma_start3A_40] : memref<256x128xf32, #tpu.memory_space<vmem>> -> memref<128x128xf32, #tpu.memory_space<vmem>>
    %dma_start3A_42 = arith.constant 0 : i32
    %dma_start3A_43 = tpu.memref_slice %arg10[%add3A_38, %dma_start3A_42] : memref<10240x128xf32, #tpu.memory_space<vmem_shared>> -> memref<128x128xf32, #tpu.memory_space<vmem_shared>>
    %dma_start3A_44 = arith.constant 0 : i32
    %dma_start3A_45 = tpu.memref_slice %arg10[%add3A_38, %dma_start3A_44] : memref<10240x128xf32, #tpu.memory_space<vmem_shared>> -> memref<128x128xf32, #tpu.memory_space<vmem_shared>>
    %dma_start3A_46 = arith.constant 0 : i32
    %dma_start3A_47 = arith.constant 0 : i32
    %dma_start3A_48 = tpu.memref_slice %arg8[%dma_start3A_46, %dma_start3A_47] : memref<256x128xf32, #tpu.memory_space<vmem>> -> memref<128x128xf32, #tpu.memory_space<vmem>>
    tpu.enqueue_dma source(%dma_start3A_48 : memref<128x128xf32, #tpu.memory_space<vmem>>) target(%dma_start3A_45 : memref<128x128xf32, #tpu.memory_space<vmem_shared>>) target_semaphore(%arg19 : memref<!tpu.dma_semaphore, #tpu.memory_space<semaphore_mem>>)
    %mul3A_49 = arith.constant 640 : i32
    %mul3A_50 = arith.muli %arg1, %mul3A_49 : i32
    %add3A_51 = arith.constant 384 : i32
    %add3A_52 = arith.addi %mul3A_50, %add3A_51 : i32
    %dma_start3A_53 = arith.constant 0 : i32
    %dma_start3A_54 = arith.constant 0 : i32
    %dma_start3A_55 = tpu.memref_slice %arg8[%dma_start3A_53, %dma_start3A_54] : memref<256x128xf32, #tpu.memory_space<vmem>> -> memref<128x128xf32, #tpu.memory_space<vmem>>
    %dma_start3A_56 = arith.constant 0 : i32
    %dma_start3A_57 = tpu.memref_slice %arg10[%add3A_52, %dma_start3A_56] : memref<10240x128xf32, #tpu.memory_space<vmem_shared>> -> memref<128x128xf32, #tpu.memory_space<vmem_shared>>
    %dma_start3A_58 = arith.constant 0 : i32
    %dma_start3A_59 = tpu.memref_slice %arg10[%add3A_52, %dma_start3A_58] : memref<10240x128xf32, #tpu.memory_space<vmem_shared>> -> memref<128x128xf32, #tpu.memory_space<vmem_shared>>
    %dma_start3A_60 = arith.constant 0 : i32
    %dma_start3A_61 = arith.constant 0 : i32
    %dma_start3A_62 = tpu.memref_slice %arg8[%dma_start3A_60, %dma_start3A_61] : memref<256x128xf32, #tpu.memory_space<vmem>> -> memref<128x128xf32, #tpu.memory_space<vmem>>
    tpu.enqueue_dma source(%dma_start3A_62 : memref<128x128xf32, #tpu.memory_space<vmem>>) target(%dma_start3A_59 : memref<128x128xf32, #tpu.memory_space<vmem_shared>>) target_semaphore(%arg19 : memref<!tpu.dma_semaphore, #tpu.memory_space<semaphore_mem>>)
    %mul3A_63 = arith.constant 640 : i32
    %mul3A_64 = arith.muli %arg1, %mul3A_63 : i32
    %add3A_65 = arith.constant 512 : i32
    %add3A_66 = arith.addi %mul3A_64, %add3A_65 : i32
    %dma_start3A_67 = arith.constant 0 : i32
    %dma_start3A_68 = arith.constant 0 : i32
    %dma_start3A_69 = tpu.memref_slice %arg8[%dma_start3A_67, %dma_start3A_68] : memref<256x128xf32, #tpu.memory_space<vmem>> -> memref<128x128xf32, #tpu.memory_space<vmem>>
    %dma_start3A_70 = arith.constant 0 : i32
    %dma_start3A_71 = tpu.memref_slice %arg10[%add3A_66, %dma_start3A_70] : memref<10240x128xf32, #tpu.memory_space<vmem_shared>> -> memref<128x128xf32, #tpu.memory_space<vmem_shared>>
    %dma_start3A_72 = arith.constant 0 : i32
    %dma_start3A_73 = tpu.memref_slice %arg10[%add3A_66, %dma_start3A_72] : memref<10240x128xf32, #tpu.memory_space<vmem_shared>> -> memref<128x128xf32, #tpu.memory_space<vmem_shared>>
    %dma_start3A_74 = arith.constant 0 : i32
    %dma_start3A_75 = arith.constant 0 : i32
    %dma_start3A_76 = tpu.memref_slice %arg8[%dma_start3A_74, %dma_start3A_75] : memref<256x128xf32, #tpu.memory_space<vmem>> -> memref<128x128xf32, #tpu.memory_space<vmem>>
    tpu.enqueue_dma source(%dma_start3A_76 : memref<128x128xf32, #tpu.memory_space<vmem>>) target(%dma_start3A_73 : memref<128x128xf32, #tpu.memory_space<vmem_shared>>) target_semaphore(%arg19 : memref<!tpu.dma_semaphore, #tpu.memory_space<semaphore_mem>>)
    %mul3A_77 = arith.constant 640 : i32
    %mul3A_78 = arith.muli %arg1, %mul3A_77 : i32
    %dma_wait3A = arith.constant 0 : i32
    %dma_wait3A_79 = arith.constant 0 : i32
    %dma_wait3A_80 = tpu.memref_slice %arg8[%dma_wait3A, %dma_wait3A_79] : memref<256x128xf32, #tpu.memory_space<vmem>> -> memref<128x128xf32, #tpu.memory_space<vmem>>
    %dma_wait3A_81 = arith.constant 0 : i32
    %dma_wait3A_82 = tpu.memref_slice %arg10[%mul3A_78, %dma_wait3A_81] : memref<10240x128xf32, #tpu.memory_space<vmem_shared>> -> memref<128x128xf32, #tpu.memory_space<vmem_shared>>
    %dma_wait3A_83 = arith.constant 0 : i32
    %dma_wait3A_84 = tpu.memref_slice %arg10[%mul3A_78, %dma_wait3A_83] : memref<10240x128xf32, #tpu.memory_space<vmem_shared>> -> memref<128x128xf32, #tpu.memory_space<vmem_shared>>
    %dma_wait3A_85 = arith.constant 0 : i32
    %dma_wait3A_86 = arith.constant 0 : i32
    %dma_wait3A_87 = tpu.memref_slice %arg8[%dma_wait3A_85, %dma_wait3A_86] : memref<256x128xf32, #tpu.memory_space<vmem>> -> memref<128x128xf32, #tpu.memory_space<vmem>>
    tpu.wait_dma2 semaphore(%arg19 : memref<!tpu.dma_semaphore, #tpu.memory_space<semaphore_mem>>) src(%dma_wait3A_87 : memref<128x128xf32, #tpu.memory_space<vmem>>) dst(%dma_wait3A_84 : memref<128x128xf32, #tpu.memory_space<vmem_shared>>)
    %mul3A_88 = arith.constant 640 : i32
    %mul3A_89 = arith.muli %arg1, %mul3A_88 : i32
    %dma_wait3A_90 = arith.constant 0 : i32
    %dma_wait3A_91 = arith.constant 0 : i32
    %dma_wait3A_92 = tpu.memref_slice %arg8[%dma_wait3A_90, %dma_wait3A_91] : memref<256x128xf32, #tpu.memory_space<vmem>> -> memref<128x128xf32, #tpu.memory_space<vmem>>
    %dma_wait3A_93 = arith.constant 0 : i32
    %dma_wait3A_94 = tpu.memref_slice %arg10[%mul3A_89, %dma_wait3A_93] : memref<10240x128xf32, #tpu.memory_space<vmem_shared>> -> memref<128x128xf32, #tpu.memory_space<vmem_shared>>
    %dma_wait3A_95 = arith.constant 0 : i32
    %dma_wait3A_96 = tpu.memref_slice %arg10[%mul3A_89, %dma_wait3A_95] : memref<10240x128xf32, #tpu.memory_space<vmem_shared>> -> memref<128x128xf32, #tpu.memory_space<vmem_shared>>
    %dma_wait3A_97 = arith.constant 0 : i32
    %dma_wait3A_98 = arith.constant 0 : i32
    %dma_wait3A_99 = tpu.memref_slice %arg8[%dma_wait3A_97, %dma_wait3A_98] : memref<256x128xf32, #tpu.memory_space<vmem>> -> memref<128x128xf32, #tpu.memory_space<vmem>>
    tpu.wait_dma2 semaphore(%arg19 : memref<!tpu.dma_semaphore, #tpu.memory_space<semaphore_mem>>) src(%dma_wait3A_99 : memref<128x128xf32, #tpu.memory_space<vmem>>) dst(%dma_wait3A_96 : memref<128x128xf32, #tpu.memory_space<vmem_shared>>)
    %mul3A_100 = arith.constant 640 : i32
    %mul3A_101 = arith.muli %arg1, %mul3A_100 : i32
    %dma_wait3A_102 = arith.constant 0 : i32
    %dma_wait3A_103 = arith.constant 0 : i32
    %dma_wait3A_104 = tpu.memref_slice %arg8[%dma_wait3A_102, %dma_wait3A_103] : memref<256x128xf32, #tpu.memory_space<vmem>> -> memref<128x128xf32, #tpu.memory_space<vmem>>
    %dma_wait3A_105 = arith.constant 0 : i32
    %dma_wait3A_106 = tpu.memref_slice %arg10[%mul3A_101, %dma_wait3A_105] : memref<10240x128xf32, #tpu.memory_space<vmem_shared>> -> memref<128x128xf32, #tpu.memory_space<vmem_shared>>
    %dma_wait3A_107 = arith.constant 0 : i32
    %dma_wait3A_108 = tpu.memref_slice %arg10[%mul3A_101, %dma_wait3A_107] : memref<10240x128xf32, #tpu.memory_space<vmem_shared>> -> memref<128x128xf32, #tpu.memory_space<vmem_shared>>
    %dma_wait3A_109 = arith.constant 0 : i32
    %dma_wait3A_110 = arith.constant 0 : i32
    %dma_wait3A_111 = tpu.memref_slice %arg8[%dma_wait3A_109, %dma_wait3A_110] : memref<256x128xf32, #tpu.memory_space<vmem>> -> memref<128x128xf32, #tpu.memory_space<vmem>>
    tpu.wait_dma2 semaphore(%arg19 : memref<!tpu.dma_semaphore, #tpu.memory_space<semaphore_mem>>) src(%dma_wait3A_111 : memref<128x128xf32, #tpu.memory_space<vmem>>) dst(%dma_wait3A_108 : memref<128x128xf32, #tpu.memory_space<vmem_shared>>)
    %mul3A_112 = arith.constant 640 : i32
    %mul3A_113 = arith.muli %arg1, %mul3A_112 : i32
    %dma_wait3A_114 = arith.constant 0 : i32
    %dma_wait3A_115 = arith.constant 0 : i32
    %dma_wait3A_116 = tpu.memref_slice %arg8[%dma_wait3A_114, %dma_wait3A_115] : memref<256x128xf32, #tpu.memory_space<vmem>> -> memref<128x128xf32, #tpu.memory_space<vmem>>
    %dma_wait3A_117 = arith.constant 0 : i32
    %dma_wait3A_118 = tpu.memref_slice %arg10[%mul3A_113, %dma_wait3A_117] : memref<10240x128xf32, #tpu.memory_space<vmem_shared>> -> memref<128x128xf32, #tpu.memory_space<vmem_shared>>
    %dma_wait3A_119 = arith.constant 0 : i32
    %dma_wait3A_120 = tpu.memref_slice %arg10[%mul3A_113, %dma_wait3A_119] : memref<10240x128xf32, #tpu.memory_space<vmem_shared>> -> memref<128x128xf32, #tpu.memory_space<vmem_shared>>
    %dma_wait3A_121 = arith.constant 0 : i32
    %dma_wait3A_122 = arith.constant 0 : i32
    %dma_wait3A_123 = tpu.memref_slice %arg8[%dma_wait3A_121, %dma_wait3A_122] : memref<256x128xf32, #tpu.memory_space<vmem>> -> memref<128x128xf32, #tpu.memory_space<vmem>>
    tpu.wait_dma2 semaphore(%arg19 : memref<!tpu.dma_semaphore, #tpu.memory_space<semaphore_mem>>) src(%dma_wait3A_123 : memref<128x128xf32, #tpu.memory_space<vmem>>) dst(%dma_wait3A_120 : memref<128x128xf32, #tpu.memory_space<vmem_shared>>)
    %mul3A_124 = arith.constant 640 : i32
    %mul3A_125 = arith.muli %arg1, %mul3A_124 : i32
    %dma_wait3A_126 = arith.constant 0 : i32
    %dma_wait3A_127 = arith.constant 0 : i32
    %dma_wait3A_128 = tpu.memref_slice %arg8[%dma_wait3A_126, %dma_wait3A_127] : memref<256x128xf32, #tpu.memory_space<vmem>> -> memref<128x128xf32, #tpu.memory_space<vmem>>
    %dma_wait3A_129 = arith.constant 0 : i32
    %dma_wait3A_130 = tpu.memref_slice %arg10[%mul3A_125, %dma_wait3A_129] : memref<10240x128xf32, #tpu.memory_space<vmem_shared>> -> memref<128x128xf32, #tpu.memory_space<vmem_shared>>
    %dma_wait3A_131 = arith.constant 0 : i32
    %dma_wait3A_132 = tpu.memref_slice %arg10[%mul3A_125, %dma_wait3A_131] : memref<10240x128xf32, #tpu.memory_space<vmem_shared>> -> memref<128x128xf32, #tpu.memory_space<vmem_shared>>
    %dma_wait3A_133 = arith.constant 0 : i32
    %dma_wait3A_134 = arith.constant 0 : i32
    %dma_wait3A_135 = tpu.memref_slice %arg8[%dma_wait3A_133, %dma_wait3A_134] : memref<256x128xf32, #tpu.memory_space<vmem>> -> memref<128x128xf32, #tpu.memory_space<vmem>>
    tpu.wait_dma2 semaphore(%arg19 : memref<!tpu.dma_semaphore, #tpu.memory_space<semaphore_mem>>) src(%dma_wait3A_135 : memref<128x128xf32, #tpu.memory_space<vmem>>) dst(%dma_wait3A_132 : memref<128x128xf32, #tpu.memory_space<vmem_shared>>)
    %broadcast_in_dim3A = arith.constant 10128 : i32
    %broadcast_in_dim3A_136 = vector.broadcast %broadcast_in_dim3A : i32 to vector<16xi32>
    %iota3A = tpu.iota {dimensions = array<i32: 0>} : vector<16xi32>
    %add3A_137 = arith.addi %broadcast_in_dim3A_136, %iota3A : vector<16xi32>
    %swap3A = arith.constant 0 : i32
    %swap3A_138 = arith.index_cast %swap3A : i32 to index
    %swap3A_139 = arith.constant 0 : index
    %swap3A_140 = tpu.vector_load %arg9[%swap3A_138, %swap3A_139] {strides = array<i32>} : memref<1x64xi32, #tpu.memory_space<vmem>>, vector<1x16xi32>,
    %swap3A_141 = vector.shape_cast %swap3A_140 : vector<1x16xi32> to vector<16xi32>
    %swap3A_142 = vector.shape_cast %add3A_137 : vector<16xi32> to vector<1x16xi32>
    tpu.vector_store %arg9[%swap3A_138, %swap3A_139], %swap3A_142 {strides = array<i32>} : memref<1x64xi32, #tpu.memory_space<vmem>>, vector<1x16xi32>,
    %broadcast_in_dim3A_143 = arith.constant 10144 : i32
    %broadcast_in_dim3A_144 = vector.broadcast %broadcast_in_dim3A_143 : i32 to vector<16xi32>
    %iota3A_145 = tpu.iota {dimensions = array<i32: 0>} : vector<16xi32>
    %add3A_146 = arith.addi %broadcast_in_dim3A_144, %iota3A_145 : vector<16xi32>
    %swap3A_147 = arith.constant 0 : i32
    %swap3A_148 = arith.index_cast %swap3A_147 : i32 to index
    %swap3A_149 = arith.constant 16 : index
    %swap3A_150 = tpu.vector_load %arg9[%swap3A_148, %swap3A_149] {strides = array<i32>} : memref<1x64xi32, #tpu.memory_space<vmem>>, vector<1x16xi32>,
    %swap3A_151 = vector.shape_cast %swap3A_150 : vector<1x16xi32> to vector<16xi32>
    %swap3A_152 = vector.shape_cast %add3A_146 : vector<16xi32> to vector<1x16xi32>
    tpu.vector_store %arg9[%swap3A_148, %swap3A_149], %swap3A_152 {strides = array<i32>} : memref<1x64xi32, #tpu.memory_space<vmem>>, vector<1x16xi32>,
    %broadcast_in_dim3A_153 = arith.constant 10160 : i32
    %broadcast_in_dim3A_154 = vector.broadcast %broadcast_in_dim3A_153 : i32 to vector<16xi32>
    %iota3A_155 = tpu.iota {dimensions = array<i32: 0>} : vector<16xi32>
    %add3A_156 = arith.addi %broadcast_in_dim3A_154, %iota3A_155 : vector<16xi32>
    %swap3A_157 = arith.constant 0 : i32
    %swap3A_158 = arith.index_cast %swap3A_157 : i32 to index
    %swap3A_159 = arith.constant 32 : index
    %swap3A_160 = tpu.vector_load %arg9[%swap3A_158, %swap3A_159] {strides = array<i32>} : memref<1x64xi32, #tpu.memory_space<vmem>>, vector<1x16xi32>,
    %swap3A_161 = vector.shape_cast %swap3A_160 : vector<1x16xi32> to vector<16xi32>
    %swap3A_162 = vector.shape_cast %add3A_156 : vector<16xi32> to vector<1x16xi32>
    tpu.vector_store %arg9[%swap3A_158, %swap3A_159], %swap3A_162 {strides = array<i32>} : memref<1x64xi32, #tpu.memory_space<vmem>>, vector<1x16xi32>,
    %broadcast_in_dim3A_163 = arith.constant 10176 : i32
    %broadcast_in_dim3A_164 = vector.broadcast %broadcast_in_dim3A_163 : i32 to vector<16xi32>
    %iota3A_165 = tpu.iota {dimensions = array<i32: 0>} : vector<16xi32>
    %add3A_166 = arith.addi %broadcast_in_dim3A_164, %iota3A_165 : vector<16xi32>
    %swap3A_167 = arith.constant 0 : i32
    %swap3A_168 = arith.index_cast %swap3A_167 : i32 to index
    %swap3A_169 = arith.constant 48 : index
    %swap3A_170 = tpu.vector_load %arg9[%swap3A_168, %swap3A_169] {strides = array<i32>} : memref<1x64xi32, #tpu.memory_space<vmem>>, vector<1x16xi32>,
    %swap3A_171 = vector.shape_cast %swap3A_170 : vector<1x16xi32> to vector<16xi32>
    %swap3A_172 = vector.shape_cast %add3A_166 : vector<16xi32> to vector<1x16xi32>
    tpu.vector_store %arg9[%swap3A_168, %swap3A_169], %swap3A_172 {strides = array<i32>} : memref<1x64xi32, #tpu.memory_space<vmem>>, vector<1x16xi32>,
    %run_scoped3A = arith.constant 0 : i32
    "tpu.region"() ({
      %run_scoped3A_415 = tpu.sem_alloc : memref<!tpu.dma_semaphore, #tpu.memory_space<semaphore_mem>>
      %dma_start3A_416 = arith.constant 0 : i32
      %dma_start3A_417 = arith.constant 0 : i32
      %dma_start3A_418 = tpu.memref_slice %arg6[%run_scoped3A, %dma_start3A_416, %dma_start3A_417] : memref<3x8x64xi32, #tpu.memory_space<vmem>> -> memref<1x8x64xi32, #tpu.memory_space<vmem>>
      %dma_start3A_419 = tpu.memref_squeeze %dma_start3A_418 : memref<1x8x64xi32, #tpu.memory_space<vmem>> -> memref<8x64xi32, #tpu.memory_space<vmem>>
      %dma_start3A_420 = arith.constant 0 : i32
      %dma_start3A_421 = tpu.memref_slice %arg3[%mul3A_2, %dma_start3A_420] : memref<5120x64xi32, #tpu.memory_space<hbm>> -> memref<8x64xi32, #tpu.memory_space<hbm>>
      %dma_start3A_422 = arith.constant 0 : i32
      %dma_start3A_423 = arith.constant 0 : i32
      %dma_start3A_424 = tpu.memref_slice %arg6[%run_scoped3A, %dma_start3A_422, %dma_start3A_423] : memref<3x8x64xi32, #tpu.memory_space<vmem>> -> memref<1x8x64xi32, #tpu.memory_space<vmem>>
      %dma_start3A_425 = tpu.memref_squeeze %dma_start3A_424 : memref<1x8x64xi32, #tpu.memory_space<vmem>> -> memref<8x64xi32, #tpu.memory_space<vmem>>
      %dma_start3A_426 = arith.constant 0 : i32
      %dma_start3A_427 = tpu.memref_slice %arg3[%mul3A_2, %dma_start3A_426] : memref<5120x64xi32, #tpu.memory_space<hbm>> -> memref<8x64xi32, #tpu.memory_space<hbm>>
      tpu.enqueue_dma source(%dma_start3A_427 : memref<8x64xi32, #tpu.memory_space<hbm>>) target(%dma_start3A_425 : memref<8x64xi32, #tpu.memory_space<vmem>>) target_semaphore(%run_scoped3A_415 : memref<!tpu.dma_semaphore, #tpu.memory_space<semaphore_mem>>)
      %dma_wait3A_428 = arith.constant 0 : i32
      %dma_wait3A_429 = arith.constant 0 : i32
      %dma_wait3A_430 = tpu.memref_slice %arg6[%run_scoped3A, %dma_wait3A_428, %dma_wait3A_429] : memref<3x8x64xi32, #tpu.memory_space<vmem>> -> memref<1x8x64xi32, #tpu.memory_space<vmem>>
      %dma_wait3A_431 = tpu.memref_squeeze %dma_wait3A_430 : memref<1x8x64xi32, #tpu.memory_space<vmem>> -> memref<8x64xi32, #tpu.memory_space<vmem>>
      %dma_wait3A_432 = arith.constant 0 : i32
      %dma_wait3A_433 = tpu.memref_slice %arg3[%mul3A_2, %dma_wait3A_432] : memref<5120x64xi32, #tpu.memory_space<hbm>> -> memref<8x64xi32, #tpu.memory_space<hbm>>
      %dma_wait3A_434 = arith.constant 0 : i32
      %dma_wait3A_435 = arith.constant 0 : i32
      %dma_wait3A_436 = tpu.memref_slice %arg6[%run_scoped3A, %dma_wait3A_434, %dma_wait3A_435] : memref<3x8x64xi32, #tpu.memory_space<vmem>> -> memref<1x8x64xi32, #tpu.memory_space<vmem>>
      %dma_wait3A_437 = tpu.memref_squeeze %dma_wait3A_436 : memref<1x8x64xi32, #tpu.memory_space<vmem>> -> memref<8x64xi32, #tpu.memory_space<vmem>>
      %dma_wait3A_438 = arith.constant 0 : i32
      %dma_wait3A_439 = tpu.memref_slice %arg3[%mul3A_2, %dma_wait3A_438] : memref<5120x64xi32, #tpu.memory_space<hbm>> -> memref<8x64xi32, #tpu.memory_space<hbm>>
      tpu.wait_dma2 semaphore(%run_scoped3A_415 : memref<!tpu.dma_semaphore, #tpu.memory_space<semaphore_mem>>) src(%dma_wait3A_439 : memref<8x64xi32, #tpu.memory_space<hbm>>) dst(%dma_wait3A_437 : memref<8x64xi32, #tpu.memory_space<vmem>>)
      tpu.yield
    }) : () -> ()
    %run_scoped3A_173 = arith.constant 0 : i32
    "tpu.region"() ({
      %run_scoped3A_415 = tpu.sem_alloc : memref<!tpu.dma_semaphore, #tpu.memory_space<semaphore_mem>>
      %dma_start3A_416 = arith.constant 0 : i32
      %dma_start3A_417 = arith.constant 0 : i32
      %dma_start3A_418 = tpu.memref_slice %arg7[%run_scoped3A_173, %dma_start3A_416, %dma_start3A_417] : memref<3x8x64xi32, #tpu.memory_space<vmem>> -> memref<1x8x64xi32, #tpu.memory_space<vmem>>
      %dma_start3A_419 = tpu.memref_squeeze %dma_start3A_418 : memref<1x8x64xi32, #tpu.memory_space<vmem>> -> memref<8x64xi32, #tpu.memory_space<vmem>>
      %dma_start3A_420 = arith.constant 0 : i32
      %dma_start3A_421 = tpu.memref_slice %arg4[%mul3A_2, %dma_start3A_420] : memref<5120x64xi32, #tpu.memory_space<hbm>> -> memref<8x64xi32, #tpu.memory_space<hbm>>
      %dma_start3A_422 = arith.constant 0 : i32
      %dma_start3A_423 = arith.constant 0 : i32
      %dma_start3A_424 = tpu.memref_slice %arg7[%run_scoped3A_173, %dma_start3A_422, %dma_start3A_423] : memref<3x8x64xi32, #tpu.memory_space<vmem>> -> memref<1x8x64xi32, #tpu.memory_space<vmem>>
      %dma_start3A_425 = tpu.memref_squeeze %dma_start3A_424 : memref<1x8x64xi32, #tpu.memory_space<vmem>> -> memref<8x64xi32, #tpu.memory_space<vmem>>
      %dma_start3A_426 = arith.constant 0 : i32
      %dma_start3A_427 = tpu.memref_slice %arg4[%mul3A_2, %dma_start3A_426] : memref<5120x64xi32, #tpu.memory_space<hbm>> -> memref<8x64xi32, #tpu.memory_space<hbm>>
      tpu.enqueue_dma source(%dma_start3A_427 : memref<8x64xi32, #tpu.memory_space<hbm>>) target(%dma_start3A_425 : memref<8x64xi32, #tpu.memory_space<vmem>>) target_semaphore(%run_scoped3A_415 : memref<!tpu.dma_semaphore, #tpu.memory_space<semaphore_mem>>)
      %dma_wait3A_428 = arith.constant 0 : i32
      %dma_wait3A_429 = arith.constant 0 : i32
      %dma_wait3A_430 = tpu.memref_slice %arg7[%run_scoped3A_173, %dma_wait3A_428, %dma_wait3A_429] : memref<3x8x64xi32, #tpu.memory_space<vmem>> -> memref<1x8x64xi32, #tpu.memory_space<vmem>>
      %dma_wait3A_431 = tpu.memref_squeeze %dma_wait3A_430 : memref<1x8x64xi32, #tpu.memory_space<vmem>> -> memref<8x64xi32, #tpu.memory_space<vmem>>
      %dma_wait3A_432 = arith.constant 0 : i32
      %dma_wait3A_433 = tpu.memref_slice %arg4[%mul3A_2, %dma_wait3A_432] : memref<5120x64xi32, #tpu.memory_space<hbm>> -> memref<8x64xi32, #tpu.memory_space<hbm>>
      %dma_wait3A_434 = arith.constant 0 : i32
      %dma_wait3A_435 = arith.constant 0 : i32
      %dma_wait3A_436 = tpu.memref_slice %arg7[%run_scoped3A_173, %dma_wait3A_434, %dma_wait3A_435] : memref<3x8x64xi32, #tpu.memory_space<vmem>> -> memref<1x8x64xi32, #tpu.memory_space<vmem>>
      %dma_wait3A_437 = tpu.memref_squeeze %dma_wait3A_436 : memref<1x8x64xi32, #tpu.memory_space<vmem>> -> memref<8x64xi32, #tpu.memory_space<vmem>>
      %dma_wait3A_438 = arith.constant 0 : i32
      %dma_wait3A_439 = tpu.memref_slice %arg4[%mul3A_2, %dma_wait3A_438] : memref<5120x64xi32, #tpu.memory_space<hbm>> -> memref<8x64xi32, #tpu.memory_space<hbm>>
      tpu.wait_dma2 semaphore(%run_scoped3A_415 : memref<!tpu.dma_semaphore, #tpu.memory_space<semaphore_mem>>) src(%dma_wait3A_439 : memref<8x64xi32, #tpu.memory_space<hbm>>) dst(%dma_wait3A_437 : memref<8x64xi32, #tpu.memory_space<vmem>>)
      tpu.yield
    }) : () -> ()
    %dma_start3A_174 = arith.constant 0 : i32
    %dma_start3A_175 = arith.constant 128 : i32
    %dma_start3A_176 = arith.constant 0 : i32
    %dma_start3A_177 = tpu.memref_slice %arg8[%dma_start3A_175, %dma_start3A_176] : memref<256x128xf32, #tpu.memory_space<vmem>> -> memref<64x128xf32, #tpu.memory_space<vmem>>
    %dma_start3A_178 = arith.constant 0 : i32
    %dma_start3A_179 = tpu.memref_slice %arg9[%dma_start3A_174, %dma_start3A_178] : memref<1x64xi32, #tpu.memory_space<vmem>> -> memref<1x64xi32, #tpu.memory_space<vmem>>
    %dma_start3A_180 = tpu.memref_squeeze %dma_start3A_179 : memref<1x64xi32, #tpu.memory_space<vmem>> -> memref<64xi32, #tpu.memory_space<vmem>>
    %dma_start3A_181 = arith.constant 0 : i32
    %dma_start3A_182 = arith.constant 0 : i32
    %dma_start3A_183 = tpu.memref_slice %arg10[%dma_start3A_181, %dma_start3A_182] : memref<10240x128xf32, #tpu.memory_space<vmem_shared>> -> memref<10240x128xf32, #tpu.memory_space<vmem_shared>>
    tpu.enqueue_indirect_dma source(%dma_start3A_177 : memref<64x128xf32, #tpu.memory_space<vmem>>) target(%dma_start3A_183 : memref<10240x128xf32, #tpu.memory_space<vmem_shared>>) offsets(%dma_start3A_180 : memref<64xi32, #tpu.memory_space<vmem>>) semaphore(%arg17 : memref<!tpu.dma_semaphore, #tpu.memory_space<semaphore_mem>>) {add = true}
    %dma_start3A_184 = arith.constant 0 : i32
    %dma_start3A_185 = arith.constant 192 : i32
    %dma_start3A_186 = arith.constant 0 : i32
    %dma_start3A_187 = tpu.memref_slice %arg8[%dma_start3A_185, %dma_start3A_186] : memref<256x128xf32, #tpu.memory_space<vmem>> -> memref<64x128xf32, #tpu.memory_space<vmem>>
    %dma_start3A_188 = arith.constant 0 : i32
    %dma_start3A_189 = tpu.memref_slice %arg9[%dma_start3A_184, %dma_start3A_188] : memref<1x64xi32, #tpu.memory_space<vmem>> -> memref<1x64xi32, #tpu.memory_space<vmem>>
    %dma_start3A_190 = tpu.memref_squeeze %dma_start3A_189 : memref<1x64xi32, #tpu.memory_space<vmem>> -> memref<64xi32, #tpu.memory_space<vmem>>
    %dma_start3A_191 = arith.constant 0 : i32
    %dma_start3A_192 = arith.constant 0 : i32
    %dma_start3A_193 = tpu.memref_slice %arg10[%dma_start3A_191, %dma_start3A_192] : memref<10240x128xf32, #tpu.memory_space<vmem_shared>> -> memref<10240x128xf32, #tpu.memory_space<vmem_shared>>
    tpu.enqueue_indirect_dma source(%dma_start3A_187 : memref<64x128xf32, #tpu.memory_space<vmem>>) target(%dma_start3A_193 : memref<10240x128xf32, #tpu.memory_space<vmem_shared>>) offsets(%dma_start3A_190 : memref<64xi32, #tpu.memory_space<vmem>>) semaphore(%arg18 : memref<!tpu.dma_semaphore, #tpu.memory_space<semaphore_mem>>) {add = true}
    %dma_start3A_194 = arith.constant 0 : i32
    %dma_start3A_195 = arith.constant 0 : i32
    %dma_start3A_196 = arith.constant 0 : i32
    %dma_start3A_197 = arith.constant 0 : i32
    %dma_start3A_198 = tpu.memref_slice %arg8[%dma_start3A_196, %dma_start3A_197] : memref<256x128xf32, #tpu.memory_space<vmem>> -> memref<64x128xf32, #tpu.memory_space<vmem>>
    %dma_start3A_199 = arith.constant 0 : i32
    %dma_start3A_200 = tpu.memref_slice %arg6[%dma_start3A_194, %dma_start3A_195, %dma_start3A_199] : memref<3x8x64xi32, #tpu.memory_space<vmem>> -> memref<1x1x64xi32, #tpu.memory_space<vmem>>
    %dma_start3A_201 = tpu.memref_squeeze %dma_start3A_200 : memref<1x1x64xi32, #tpu.memory_space<vmem>> -> memref<64xi32, #tpu.memory_space<vmem>>
    %dma_start3A_202 = arith.constant 0 : i32
    %dma_start3A_203 = arith.constant 0 : i32
    %dma_start3A_204 = tpu.memref_slice %arg2[%dma_start3A_202, %dma_start3A_203] : memref<10240x128xf32, #tpu.memory_space<hbm>> -> memref<10240x128xf32, #tpu.memory_space<hbm>>
    tpu.enqueue_indirect_dma source(%dma_start3A_204 : memref<10240x128xf32, #tpu.memory_space<hbm>>) target(%dma_start3A_198 : memref<64x128xf32, #tpu.memory_space<vmem>>) offsets(%dma_start3A_201 : memref<64xi32, #tpu.memory_space<vmem>>) semaphore(%arg11 : memref<!tpu.dma_semaphore, #tpu.memory_space<semaphore_mem>>)
    %dma_start3A_205 = arith.constant 0 : i32
    %dma_start3A_206 = arith.constant 1 : i32
    %dma_start3A_207 = arith.constant 64 : i32
    %dma_start3A_208 = arith.constant 0 : i32
    %dma_start3A_209 = tpu.memref_slice %arg8[%dma_start3A_207, %dma_start3A_208] : memref<256x128xf32, #tpu.memory_space<vmem>> -> memref<64x128xf32, #tpu.memory_space<vmem>>
    %dma_start3A_210 = arith.constant 0 : i32
    %dma_start3A_211 = tpu.memref_slice %arg6[%dma_start3A_205, %dma_start3A_206, %dma_start3A_210] : memref<3x8x64xi32, #tpu.memory_space<vmem>> -> memref<1x1x64xi32, #tpu.memory_space<vmem>>
    %dma_start3A_212 = tpu.memref_squeeze %dma_start3A_211 : memref<1x1x64xi32, #tpu.memory_space<vmem>> -> memref<64xi32, #tpu.memory_space<vmem>>
    %dma_start3A_213 = arith.constant 0 : i32
    %dma_start3A_214 = arith.constant 0 : i32
    %dma_start3A_215 = tpu.memref_slice %arg2[%dma_start3A_213, %dma_start3A_214] : memref<10240x128xf32, #tpu.memory_space<hbm>> -> memref<10240x128xf32, #tpu.memory_space<hbm>>
    tpu.enqueue_indirect_dma source(%dma_start3A_215 : memref<10240x128xf32, #tpu.memory_space<hbm>>) target(%dma_start3A_209 : memref<64x128xf32, #tpu.memory_space<vmem>>) offsets(%dma_start3A_212 : memref<64xi32, #tpu.memory_space<vmem>>) semaphore(%arg12 : memref<!tpu.dma_semaphore, #tpu.memory_space<semaphore_mem>>)
    %barrier3A = arith.constant 0 : index
    tpu.barrier barrier_id(%barrier3A)
    %scan3A_216 = arith.constant 0 : i32
    %scan3A_217 = arith.constant 0 : i32
    %scan3A_218 = arith.constant 20 : i32
    %scan3A_219 = arith.addi %scan3A_217, %scan3A_218 : i32
    %scan3A_220 = arith.constant 1 : i32
    scf.for %scan3A_415 = %scan3A_217 to %scan3A_219 step %scan3A_220  : i32 {
      %rem3A = arith.constant 3 : i32
      %rem3A_416 = arith.remsi %scan3A_415, %rem3A : i32
      %add3A_417 = arith.constant 1 : i32
      %add3A_418 = arith.addi %scan3A_415, %add3A_417 : i32
      %rem3A_419 = arith.constant 3 : i32
      %rem3A_420 = arith.remsi %add3A_418, %rem3A_419 : i32
      %add3A_421 = arith.constant 1 : i32
      %add3A_422 = arith.addi %scan3A_415, %add3A_421 : i32
      %min3A = arith.constant 19 : i32
      %min3A_423 = arith.minsi %add3A_422, %min3A : i32
      %mul3A_424 = arith.constant 8 : i32
      %mul3A_425 = arith.muli %min3A_423, %mul3A_424 : i32
      %add3A_426 = arith.addi %mul3A_2, %mul3A_425 : i32
      %dma_start3A_427 = arith.constant 0 : i32
      %dma_start3A_428 = arith.constant 0 : i32
      %dma_start3A_429 = tpu.memref_slice %arg6[%rem3A_420, %dma_start3A_427, %dma_start3A_428] : memref<3x8x64xi32, #tpu.memory_space<vmem>> -> memref<1x8x64xi32, #tpu.memory_space<vmem>>
      %dma_start3A_430 = tpu.memref_squeeze %dma_start3A_429 : memref<1x8x64xi32, #tpu.memory_space<vmem>> -> memref<8x64xi32, #tpu.memory_space<vmem>>
      %dma_start3A_431 = arith.constant 0 : i32
      %dma_start3A_432 = tpu.memref_slice %arg3[%add3A_426, %dma_start3A_431] : memref<5120x64xi32, #tpu.memory_space<hbm>> -> memref<8x64xi32, #tpu.memory_space<hbm>>
      %dma_start3A_433 = arith.constant 0 : i32
      %dma_start3A_434 = arith.constant 0 : i32
      %dma_start3A_435 = tpu.memref_slice %arg6[%rem3A_420, %dma_start3A_433, %dma_start3A_434] : memref<3x8x64xi32, #tpu.memory_space<vmem>> -> memref<1x8x64xi32, #tpu.memory_space<vmem>>
      %dma_start3A_436 = tpu.memref_squeeze %dma_start3A_435 : memref<1x8x64xi32, #tpu.memory_space<vmem>> -> memref<8x64xi32, #tpu.memory_space<vmem>>
      %dma_start3A_437 = arith.constant 0 : i32
      %dma_start3A_438 = tpu.memref_slice %arg3[%add3A_426, %dma_start3A_437] : memref<5120x64xi32, #tpu.memory_space<hbm>> -> memref<8x64xi32, #tpu.memory_space<hbm>>
      tpu.enqueue_dma source(%dma_start3A_438 : memref<8x64xi32, #tpu.memory_space<hbm>>) target(%dma_start3A_436 : memref<8x64xi32, #tpu.memory_space<vmem>>) target_semaphore(%arg19 : memref<!tpu.dma_semaphore, #tpu.memory_space<semaphore_mem>>)
      %mul3A_439 = arith.constant 8 : i32
      %mul3A_440 = arith.muli %min3A_423, %mul3A_439 : i32
      %add3A_441 = arith.addi %mul3A_2, %mul3A_440 : i32
      %dma_start3A_442 = arith.constant 0 : i32
      %dma_start3A_443 = arith.constant 0 : i32
      %dma_start3A_444 = tpu.memref_slice %arg7[%rem3A_420, %dma_start3A_442, %dma_start3A_443] : memref<3x8x64xi32, #tpu.memory_space<vmem>> -> memref<1x8x64xi32, #tpu.memory_space<vmem>>
      %dma_start3A_445 = tpu.memref_squeeze %dma_start3A_444 : memref<1x8x64xi32, #tpu.memory_space<vmem>> -> memref<8x64xi32, #tpu.memory_space<vmem>>
      %dma_start3A_446 = arith.constant 0 : i32
      %dma_start3A_447 = tpu.memref_slice %arg4[%add3A_441, %dma_start3A_446] : memref<5120x64xi32, #tpu.memory_space<hbm>> -> memref<8x64xi32, #tpu.memory_space<hbm>>
      %dma_start3A_448 = arith.constant 0 : i32
      %dma_start3A_449 = arith.constant 0 : i32
      %dma_start3A_450 = tpu.memref_slice %arg7[%rem3A_420, %dma_start3A_448, %dma_start3A_449] : memref<3x8x64xi32, #tpu.memory_space<vmem>> -> memref<1x8x64xi32, #tpu.memory_space<vmem>>
      %dma_start3A_451 = tpu.memref_squeeze %dma_start3A_450 : memref<1x8x64xi32, #tpu.memory_space<vmem>> -> memref<8x64xi32, #tpu.memory_space<vmem>>
      %dma_start3A_452 = arith.constant 0 : i32
      %dma_start3A_453 = tpu.memref_slice %arg4[%add3A_441, %dma_start3A_452] : memref<5120x64xi32, #tpu.memory_space<hbm>> -> memref<8x64xi32, #tpu.memory_space<hbm>>
      tpu.enqueue_dma source(%dma_start3A_453 : memref<8x64xi32, #tpu.memory_space<hbm>>) target(%dma_start3A_451 : memref<8x64xi32, #tpu.memory_space<vmem>>) target_semaphore(%arg20 : memref<!tpu.dma_semaphore, #tpu.memory_space<semaphore_mem>>)
      %dma_wait3A_454 = arith.constant 0 : i32
      %dma_wait3A_455 = arith.constant 0 : i32
      %dma_wait3A_456 = arith.constant 0 : i32
      %dma_wait3A_457 = arith.constant 0 : i32
      %dma_wait3A_458 = tpu.memref_slice %arg8[%dma_wait3A_456, %dma_wait3A_457] : memref<256x128xf32, #tpu.memory_space<vmem>> -> memref<64x128xf32, #tpu.memory_space<vmem>>
      %dma_wait3A_459 = arith.constant 0 : i32
      %dma_wait3A_460 = tpu.memref_slice %arg6[%dma_wait3A_454, %dma_wait3A_455, %dma_wait3A_459] : memref<3x8x64xi32, #tpu.memory_space<vmem>> -> memref<1x1x64xi32, #tpu.memory_space<vmem>>
      %dma_wait3A_461 = tpu.memref_squeeze %dma_wait3A_460 : memref<1x1x64xi32, #tpu.memory_space<vmem>> -> memref<64xi32, #tpu.memory_space<vmem>>
      %dma_wait3A_462 = arith.constant 0 : i32
      %dma_wait3A_463 = arith.constant 0 : i32
      %dma_wait3A_464 = tpu.memref_slice %arg2[%dma_wait3A_462, %dma_wait3A_463] : memref<10240x128xf32, #tpu.memory_space<hbm>> -> memref<10240x128xf32, #tpu.memory_space<hbm>>
      tpu.wait_indirect_dma semaphore(%arg11 : memref<!tpu.dma_semaphore, #tpu.memory_space<semaphore_mem>>) src(%dma_wait3A_464 : memref<10240x128xf32, #tpu.memory_space<hbm>>) dst(%dma_wait3A_458 : memref<64x128xf32, #tpu.memory_space<vmem>>)
      %dma_start3A_465 = arith.constant 0 : i32
      %dma_start3A_466 = arith.constant 0 : i32
      %dma_start3A_467 = arith.constant 0 : i32
      %dma_start3A_468 = tpu.memref_slice %arg8[%dma_start3A_466, %dma_start3A_467] : memref<256x128xf32, #tpu.memory_space<vmem>> -> memref<64x128xf32, #tpu.memory_space<vmem>>
      %dma_start3A_469 = arith.constant 0 : i32
      %dma_start3A_470 = tpu.memref_slice %arg7[%rem3A_416, %dma_start3A_465, %dma_start3A_469] : memref<3x8x64xi32, #tpu.memory_space<vmem>> -> memref<1x1x64xi32, #tpu.memory_space<vmem>>
      %dma_start3A_471 = tpu.memref_squeeze %dma_start3A_470 : memref<1x1x64xi32, #tpu.memory_space<vmem>> -> memref<64xi32, #tpu.memory_space<vmem>>
      %dma_start3A_472 = arith.constant 0 : i32
      %dma_start3A_473 = arith.constant 0 : i32
      %dma_start3A_474 = tpu.memref_slice %arg10[%dma_start3A_472, %dma_start3A_473] : memref<10240x128xf32, #tpu.memory_space<vmem_shared>> -> memref<10240x128xf32, #tpu.memory_space<vmem_shared>>
      tpu.enqueue_indirect_dma source(%dma_start3A_468 : memref<64x128xf32, #tpu.memory_space<vmem>>) target(%dma_start3A_474 : memref<10240x128xf32, #tpu.memory_space<vmem_shared>>) offsets(%dma_start3A_471 : memref<64xi32, #tpu.memory_space<vmem>>) semaphore(%arg15 : memref<!tpu.dma_semaphore, #tpu.memory_space<semaphore_mem>>) {add = true}
      %dma_wait3A_475 = arith.constant 0 : i32
      %dma_wait3A_476 = arith.constant 128 : i32
      %dma_wait3A_477 = arith.constant 0 : i32
      %dma_wait3A_478 = tpu.memref_slice %arg8[%dma_wait3A_476, %dma_wait3A_477] : memref<256x128xf32, #tpu.memory_space<vmem>> -> memref<64x128xf32, #tpu.memory_space<vmem>>
      %dma_wait3A_479 = arith.constant 0 : i32
      %dma_wait3A_480 = tpu.memref_slice %arg9[%dma_wait3A_475, %dma_wait3A_479] : memref<1x64xi32, #tpu.memory_space<vmem>> -> memref<1x64xi32, #tpu.memory_space<vmem>>
      %dma_wait3A_481 = tpu.memref_squeeze %dma_wait3A_480 : memref<1x64xi32, #tpu.memory_space<vmem>> -> memref<64xi32, #tpu.memory_space<vmem>>
      %dma_wait3A_482 = arith.constant 0 : i32
      %dma_wait3A_483 = arith.constant 0 : i32
      %dma_wait3A_484 = tpu.memref_slice %arg10[%dma_wait3A_482, %dma_wait3A_483] : memref<10240x128xf32, #tpu.memory_space<vmem_shared>> -> memref<10240x128xf32, #tpu.memory_space<vmem_shared>>
      tpu.wait_indirect_dma semaphore(%arg17 : memref<!tpu.dma_semaphore, #tpu.memory_space<semaphore_mem>>) src(%dma_wait3A_478 : memref<64x128xf32, #tpu.memory_space<vmem>>) dst(%dma_wait3A_484 : memref<10240x128xf32, #tpu.memory_space<vmem_shared>>)
      %dma_start3A_485 = arith.constant 2 : i32
      %dma_start3A_486 = arith.constant 128 : i32
      %dma_start3A_487 = arith.constant 0 : i32
      %dma_start3A_488 = tpu.memref_slice %arg8[%dma_start3A_486, %dma_start3A_487] : memref<256x128xf32, #tpu.memory_space<vmem>> -> memref<64x128xf32, #tpu.memory_space<vmem>>
      %dma_start3A_489 = arith.constant 0 : i32
      %dma_start3A_490 = tpu.memref_slice %arg6[%rem3A_416, %dma_start3A_485, %dma_start3A_489] : memref<3x8x64xi32, #tpu.memory_space<vmem>> -> memref<1x1x64xi32, #tpu.memory_space<vmem>>
      %dma_start3A_491 = tpu.memref_squeeze %dma_start3A_490 : memref<1x1x64xi32, #tpu.memory_space<vmem>> -> memref<64xi32, #tpu.memory_space<vmem>>
      %dma_start3A_492 = arith.constant 0 : i32
      %dma_start3A_493 = arith.constant 0 : i32
      %dma_start3A_494 = tpu.memref_slice %arg2[%dma_start3A_492, %dma_start3A_493] : memref<10240x128xf32, #tpu.memory_space<hbm>> -> memref<10240x128xf32, #tpu.memory_space<hbm>>
      tpu.enqueue_indirect_dma source(%dma_start3A_494 : memref<10240x128xf32, #tpu.memory_space<hbm>>) target(%dma_start3A_488 : memref<64x128xf32, #tpu.memory_space<vmem>>) offsets(%dma_start3A_491 : memref<64xi32, #tpu.memory_space<vmem>>) semaphore(%arg13 : memref<!tpu.dma_semaphore, #tpu.memory_space<semaphore_mem>>)
      %dma_wait3A_495 = arith.constant 0 : i32
      %dma_wait3A_496 = arith.constant 0 : i32
      %dma_wait3A_497 = arith.constant 64 : i32
      %dma_wait3A_498 = arith.constant 0 : i32
      %dma_wait3A_499 = tpu.memref_slice %arg8[%dma_wait3A_497, %dma_wait3A_498] : memref<256x128xf32, #tpu.memory_space<vmem>> -> memref<64x128xf32, #tpu.memory_space<vmem>>
      %dma_wait3A_500 = arith.constant 0 : i32
      %dma_wait3A_501 = tpu.memref_slice %arg6[%dma_wait3A_495, %dma_wait3A_496, %dma_wait3A_500] : memref<3x8x64xi32, #tpu.memory_space<vmem>> -> memref<1x1x64xi32, #tpu.memory_space<vmem>>
      %dma_wait3A_502 = tpu.memref_squeeze %dma_wait3A_501 : memref<1x1x64xi32, #tpu.memory_space<vmem>> -> memref<64xi32, #tpu.memory_space<vmem>>
      %dma_wait3A_503 = arith.constant 0 : i32
      %dma_wait3A_504 = arith.constant 0 : i32
      %dma_wait3A_505 = tpu.memref_slice %arg2[%dma_wait3A_503, %dma_wait3A_504] : memref<10240x128xf32, #tpu.memory_space<hbm>> -> memref<10240x128xf32, #tpu.memory_space<hbm>>
      tpu.wait_indirect_dma semaphore(%arg12 : memref<!tpu.dma_semaphore, #tpu.memory_space<semaphore_mem>>) src(%dma_wait3A_505 : memref<10240x128xf32, #tpu.memory_space<hbm>>) dst(%dma_wait3A_499 : memref<64x128xf32, #tpu.memory_space<vmem>>)
      %dma_start3A_506 = arith.constant 1 : i32
      %dma_start3A_507 = arith.constant 64 : i32
      %dma_start3A_508 = arith.constant 0 : i32
      %dma_start3A_509 = tpu.memref_slice %arg8[%dma_start3A_507, %dma_start3A_508] : memref<256x128xf32, #tpu.memory_space<vmem>> -> memref<64x128xf32, #tpu.memory_space<vmem>>
      %dma_start3A_510 = arith.constant 0 : i32
      %dma_start3A_511 = tpu.memref_slice %arg7[%rem3A_416, %dma_start3A_506, %dma_start3A_510] : memref<3x8x64xi32, #tpu.memory_space<vmem>> -> memref<1x1x64xi32, #tpu.memory_space<vmem>>
      %dma_start3A_512 = tpu.memref_squeeze %dma_start3A_511 : memref<1x1x64xi32, #tpu.memory_space<vmem>> -> memref<64xi32, #tpu.memory_space<vmem>>
      %dma_start3A_513 = arith.constant 0 : i32
      %dma_start3A_514 = arith.constant 0 : i32
      %dma_start3A_515 = tpu.memref_slice %arg10[%dma_start3A_513, %dma_start3A_514] : memref<10240x128xf32, #tpu.memory_space<vmem_shared>> -> memref<10240x128xf32, #tpu.memory_space<vmem_shared>>
      tpu.enqueue_indirect_dma source(%dma_start3A_509 : memref<64x128xf32, #tpu.memory_space<vmem>>) target(%dma_start3A_515 : memref<10240x128xf32, #tpu.memory_space<vmem_shared>>) offsets(%dma_start3A_512 : memref<64xi32, #tpu.memory_space<vmem>>) semaphore(%arg16 : memref<!tpu.dma_semaphore, #tpu.memory_space<semaphore_mem>>) {add = true}
      %dma_wait3A_516 = arith.constant 0 : i32
      %dma_wait3A_517 = arith.constant 192 : i32
      %dma_wait3A_518 = arith.constant 0 : i32
      %dma_wait3A_519 = tpu.memref_slice %arg8[%dma_wait3A_517, %dma_wait3A_518] : memref<256x128xf32, #tpu.memory_space<vmem>> -> memref<64x128xf32, #tpu.memory_space<vmem>>
      %dma_wait3A_520 = arith.constant 0 : i32
      %dma_wait3A_521 = tpu.memref_slice %arg9[%dma_wait3A_516, %dma_wait3A_520] : memref<1x64xi32, #tpu.memory_space<vmem>> -> memref<1x64xi32, #tpu.memory_space<vmem>>
      %dma_wait3A_522 = tpu.memref_squeeze %dma_wait3A_521 : memref<1x64xi32, #tpu.memory_space<vmem>> -> memref<64xi32, #tpu.memory_space<vmem>>
      %dma_wait3A_523 = arith.constant 0 : i32
      %dma_wait3A_524 = arith.constant 0 : i32
      %dma_wait3A_525 = tpu.memref_slice %arg10[%dma_wait3A_523, %dma_wait3A_524] : memref<10240x128xf32, #tpu.memory_space<vmem_shared>> -> memref<10240x128xf32, #tpu.memory_space<vmem_shared>>
      tpu.wait_indirect_dma semaphore(%arg18 : memref<!tpu.dma_semaphore, #tpu.memory_space<semaphore_mem>>) src(%dma_wait3A_519 : memref<64x128xf32, #tpu.memory_space<vmem>>) dst(%dma_wait3A_525 : memref<10240x128xf32, #tpu.memory_space<vmem_shared>>)
      %dma_start3A_526 = arith.constant 3 : i32
      %dma_start3A_527 = arith.constant 192 : i32
      %dma_start3A_528 = arith.constant 0 : i32
      %dma_start3A_529 = tpu.memref_slice %arg8[%dma_start3A_527, %dma_start3A_528] : memref<256x128xf32, #tpu.memory_space<vmem>> -> memref<64x128xf32, #tpu.memory_space<vmem>>
      %dma_start3A_530 = arith.constant 0 : i32
      %dma_start3A_531 = tpu.memref_slice %arg6[%rem3A_416, %dma_start3A_526, %dma_start3A_530] : memref<3x8x64xi32, #tpu.memory_space<vmem>> -> memref<1x1x64xi32, #tpu.memory_space<vmem>>
      %dma_start3A_532 = tpu.memref_squeeze %dma_start3A_531 : memref<1x1x64xi32, #tpu.memory_space<vmem>> -> memref<64xi32, #tpu.memory_space<vmem>>
      %dma_start3A_533 = arith.constant 0 : i32
      %dma_start3A_534 = arith.constant 0 : i32
      %dma_start3A_535 = tpu.memref_slice %arg2[%dma_start3A_533, %dma_start3A_534] : memref<10240x128xf32, #tpu.memory_space<hbm>> -> memref<10240x128xf32, #tpu.memory_space<hbm>>
      tpu.enqueue_indirect_dma source(%dma_start3A_535 : memref<10240x128xf32, #tpu.memory_space<hbm>>) target(%dma_start3A_529 : memref<64x128xf32, #tpu.memory_space<vmem>>) offsets(%dma_start3A_532 : memref<64xi32, #tpu.memory_space<vmem>>) semaphore(%arg14 : memref<!tpu.dma_semaphore, #tpu.memory_space<semaphore_mem>>)
      %dma_wait3A_536 = arith.constant 0 : i32
      %dma_wait3A_537 = arith.constant 0 : i32
      %dma_wait3A_538 = arith.constant 128 : i32
      %dma_wait3A_539 = arith.constant 0 : i32
      %dma_wait3A_540 = tpu.memref_slice %arg8[%dma_wait3A_538, %dma_wait3A_539] : memref<256x128xf32, #tpu.memory_space<vmem>> -> memref<64x128xf32, #tpu.memory_space<vmem>>
      %dma_wait3A_541 = arith.constant 0 : i32
      %dma_wait3A_542 = tpu.memref_slice %arg6[%dma_wait3A_536, %dma_wait3A_537, %dma_wait3A_541] : memref<3x8x64xi32, #tpu.memory_space<vmem>> -> memref<1x1x64xi32, #tpu.memory_space<vmem>>
      %dma_wait3A_543 = tpu.memref_squeeze %dma_wait3A_542 : memref<1x1x64xi32, #tpu.memory_space<vmem>> -> memref<64xi32, #tpu.memory_space<vmem>>
      %dma_wait3A_544 = arith.constant 0 : i32
      %dma_wait3A_545 = arith.constant 0 : i32
      %dma_wait3A_546 = tpu.memref_slice %arg2[%dma_wait3A_544, %dma_wait3A_545] : memref<10240x128xf32, #tpu.memory_space<hbm>> -> memref<10240x128xf32, #tpu.memory_space<hbm>>
      tpu.wait_indirect_dma semaphore(%arg13 : memref<!tpu.dma_semaphore, #tpu.memory_space<semaphore_mem>>) src(%dma_wait3A_546 : memref<10240x128xf32, #tpu.memory_space<hbm>>) dst(%dma_wait3A_540 : memref<64x128xf32, #tpu.memory_space<vmem>>)
      %dma_start3A_547 = arith.constant 2 : i32
      %dma_start3A_548 = arith.constant 128 : i32
      %dma_start3A_549 = arith.constant 0 : i32
      %dma_start3A_550 = tpu.memref_slice %arg8[%dma_start3A_548, %dma_start3A_549] : memref<256x128xf32, #tpu.memory_space<vmem>> -> memref<64x128xf32, #tpu.memory_space<vmem>>
      %dma_start3A_551 = arith.constant 0 : i32
      %dma_start3A_552 = tpu.memref_slice %arg7[%rem3A_416, %dma_start3A_547, %dma_start3A_551] : memref<3x8x64xi32, #tpu.memory_space<vmem>> -> memref<1x1x64xi32, #tpu.memory_space<vmem>>
      %dma_start3A_553 = tpu.memref_squeeze %dma_start3A_552 : memref<1x1x64xi32, #tpu.memory_space<vmem>> -> memref<64xi32, #tpu.memory_space<vmem>>
      %dma_start3A_554 = arith.constant 0 : i32
      %dma_start3A_555 = arith.constant 0 : i32
      %dma_start3A_556 = tpu.memref_slice %arg10[%dma_start3A_554, %dma_start3A_555] : memref<10240x128xf32, #tpu.memory_space<vmem_shared>> -> memref<10240x128xf32, #tpu.memory_space<vmem_shared>>
      tpu.enqueue_indirect_dma source(%dma_start3A_550 : memref<64x128xf32, #tpu.memory_space<vmem>>) target(%dma_start3A_556 : memref<10240x128xf32, #tpu.memory_space<vmem_shared>>) offsets(%dma_start3A_553 : memref<64xi32, #tpu.memory_space<vmem>>) semaphore(%arg17 : memref<!tpu.dma_semaphore, #tpu.memory_space<semaphore_mem>>) {add = true}
      %dma_wait3A_557 = arith.constant 0 : i32
      %dma_wait3A_558 = arith.constant 0 : i32
      %dma_wait3A_559 = arith.constant 0 : i32
      %dma_wait3A_560 = tpu.memref_slice %arg8[%dma_wait3A_558, %dma_wait3A_559] : memref<256x128xf32, #tpu.memory_space<vmem>> -> memref<64x128xf32, #tpu.memory_space<vmem>>
      %dma_wait3A_561 = arith.constant 0 : i32
      %dma_wait3A_562 = tpu.memref_slice %arg9[%dma_wait3A_557, %dma_wait3A_561] : memref<1x64xi32, #tpu.memory_space<vmem>> -> memref<1x64xi32, #tpu.memory_space<vmem>>
      %dma_wait3A_563 = tpu.memref_squeeze %dma_wait3A_562 : memref<1x64xi32, #tpu.memory_space<vmem>> -> memref<64xi32, #tpu.memory_space<vmem>>
      %dma_wait3A_564 = arith.constant 0 : i32
      %dma_wait3A_565 = arith.constant 0 : i32
      %dma_wait3A_566 = tpu.memref_slice %arg10[%dma_wait3A_564, %dma_wait3A_565] : memref<10240x128xf32, #tpu.memory_space<vmem_shared>> -> memref<10240x128xf32, #tpu.memory_space<vmem_shared>>
      tpu.wait_indirect_dma semaphore(%arg15 : memref<!tpu.dma_semaphore, #tpu.memory_space<semaphore_mem>>) src(%dma_wait3A_560 : memref<64x128xf32, #tpu.memory_space<vmem>>) dst(%dma_wait3A_566 : memref<10240x128xf32, #tpu.memory_space<vmem_shared>>)
      %dma_start3A_567 = arith.constant 4 : i32
      %dma_start3A_568 = arith.constant 0 : i32
      %dma_start3A_569 = arith.constant 0 : i32
      %dma_start3A_570 = tpu.memref_slice %arg8[%dma_start3A_568, %dma_start3A_569] : memref<256x128xf32, #tpu.memory_space<vmem>> -> memref<64x128xf32, #tpu.memory_space<vmem>>
      %dma_start3A_571 = arith.constant 0 : i32
      %dma_start3A_572 = tpu.memref_slice %arg6[%rem3A_416, %dma_start3A_567, %dma_start3A_571] : memref<3x8x64xi32, #tpu.memory_space<vmem>> -> memref<1x1x64xi32, #tpu.memory_space<vmem>>
      %dma_start3A_573 = tpu.memref_squeeze %dma_start3A_572 : memref<1x1x64xi32, #tpu.memory_space<vmem>> -> memref<64xi32, #tpu.memory_space<vmem>>
      %dma_start3A_574 = arith.constant 0 : i32
      %dma_start3A_575 = arith.constant 0 : i32
      %dma_start3A_576 = tpu.memref_slice %arg2[%dma_start3A_574, %dma_start3A_575] : memref<10240x128xf32, #tpu.memory_space<hbm>> -> memref<10240x128xf32, #tpu.memory_space<hbm>>
      tpu.enqueue_indirect_dma source(%dma_start3A_576 : memref<10240x128xf32, #tpu.memory_space<hbm>>) target(%dma_start3A_570 : memref<64x128xf32, #tpu.memory_space<vmem>>) offsets(%dma_start3A_573 : memref<64xi32, #tpu.memory_space<vmem>>) semaphore(%arg11 : memref<!tpu.dma_semaphore, #tpu.memory_space<semaphore_mem>>)
      %dma_wait3A_577 = arith.constant 0 : i32
      %dma_wait3A_578 = arith.constant 0 : i32
      %dma_wait3A_579 = arith.constant 192 : i32
      %dma_wait3A_580 = arith.constant 0 : i32
      %dma_wait3A_581 = tpu.memref_slice %arg8[%dma_wait3A_579, %dma_wait3A_580] : memref<256x128xf32, #tpu.memory_space<vmem>> -> memref<64x128xf32, #tpu.memory_space<vmem>>
      %dma_wait3A_582 = arith.constant 0 : i32
      %dma_wait3A_583 = tpu.memref_slice %arg6[%dma_wait3A_577, %dma_wait3A_578, %dma_wait3A_582] : memref<3x8x64xi32, #tpu.memory_space<vmem>> -> memref<1x1x64xi32, #tpu.memory_space<vmem>>
      %dma_wait3A_584 = tpu.memref_squeeze %dma_wait3A_583 : memref<1x1x64xi32, #tpu.memory_space<vmem>> -> memref<64xi32, #tpu.memory_space<vmem>>
      %dma_wait3A_585 = arith.constant 0 : i32
      %dma_wait3A_586 = arith.constant 0 : i32
      %dma_wait3A_587 = tpu.memref_slice %arg2[%dma_wait3A_585, %dma_wait3A_586] : memref<10240x128xf32, #tpu.memory_space<hbm>> -> memref<10240x128xf32, #tpu.memory_space<hbm>>
      tpu.wait_indirect_dma semaphore(%arg14 : memref<!tpu.dma_semaphore, #tpu.memory_space<semaphore_mem>>) src(%dma_wait3A_587 : memref<10240x128xf32, #tpu.memory_space<hbm>>) dst(%dma_wait3A_581 : memref<64x128xf32, #tpu.memory_space<vmem>>)
      %dma_start3A_588 = arith.constant 3 : i32
      %dma_start3A_589 = arith.constant 192 : i32
      %dma_start3A_590 = arith.constant 0 : i32
      %dma_start3A_591 = tpu.memref_slice %arg8[%dma_start3A_589, %dma_start3A_590] : memref<256x128xf32, #tpu.memory_space<vmem>> -> memref<64x128xf32, #tpu.memory_space<vmem>>
      %dma_start3A_592 = arith.constant 0 : i32
      %dma_start3A_593 = tpu.memref_slice %arg7[%rem3A_416, %dma_start3A_588, %dma_start3A_592] : memref<3x8x64xi32, #tpu.memory_space<vmem>> -> memref<1x1x64xi32, #tpu.memory_space<vmem>>
      %dma_start3A_594 = tpu.memref_squeeze %dma_start3A_593 : memref<1x1x64xi32, #tpu.memory_space<vmem>> -> memref<64xi32, #tpu.memory_space<vmem>>
      %dma_start3A_595 = arith.constant 0 : i32
      %dma_start3A_596 = arith.constant 0 : i32
      %dma_start3A_597 = tpu.memref_slice %arg10[%dma_start3A_595, %dma_start3A_596] : memref<10240x128xf32, #tpu.memory_space<vmem_shared>> -> memref<10240x128xf32, #tpu.memory_space<vmem_shared>>
      tpu.enqueue_indirect_dma source(%dma_start3A_591 : memref<64x128xf32, #tpu.memory_space<vmem>>) target(%dma_start3A_597 : memref<10240x128xf32, #tpu.memory_space<vmem_shared>>) offsets(%dma_start3A_594 : memref<64xi32, #tpu.memory_space<vmem>>) semaphore(%arg18 : memref<!tpu.dma_semaphore, #tpu.memory_space<semaphore_mem>>) {add = true}
      %dma_wait3A_598 = arith.constant 0 : i32
      %dma_wait3A_599 = arith.constant 64 : i32
      %dma_wait3A_600 = arith.constant 0 : i32
      %dma_wait3A_601 = tpu.memref_slice %arg8[%dma_wait3A_599, %dma_wait3A_600] : memref<256x128xf32, #tpu.memory_space<vmem>> -> memref<64x128xf32, #tpu.memory_space<vmem>>
      %dma_wait3A_602 = arith.constant 0 : i32
      %dma_wait3A_603 = tpu.memref_slice %arg9[%dma_wait3A_598, %dma_wait3A_602] : memref<1x64xi32, #tpu.memory_space<vmem>> -> memref<1x64xi32, #tpu.memory_space<vmem>>
      %dma_wait3A_604 = tpu.memref_squeeze %dma_wait3A_603 : memref<1x64xi32, #tpu.memory_space<vmem>> -> memref<64xi32, #tpu.memory_space<vmem>>
      %dma_wait3A_605 = arith.constant 0 : i32
      %dma_wait3A_606 = arith.constant 0 : i32
      %dma_wait3A_607 = tpu.memref_slice %arg10[%dma_wait3A_605, %dma_wait3A_606] : memref<10240x128xf32, #tpu.memory_space<vmem_shared>> -> memref<10240x128xf32, #tpu.memory_space<vmem_shared>>
      tpu.wait_indirect_dma semaphore(%arg16 : memref<!tpu.dma_semaphore, #tpu.memory_space<semaphore_mem>>) src(%dma_wait3A_601 : memref<64x128xf32, #tpu.memory_space<vmem>>) dst(%dma_wait3A_607 : memref<10240x128xf32, #tpu.memory_space<vmem_shared>>)
      %dma_start3A_608 = arith.constant 5 : i32
      %dma_start3A_609 = arith.constant 64 : i32
      %dma_start3A_610 = arith.constant 0 : i32
      %dma_start3A_611 = tpu.memref_slice %arg8[%dma_start3A_609, %dma_start3A_610] : memref<256x128xf32, #tpu.memory_space<vmem>> -> memref<64x128xf32, #tpu.memory_space<vmem>>
      %dma_start3A_612 = arith.constant 0 : i32
      %dma_start3A_613 = tpu.memref_slice %arg6[%rem3A_416, %dma_start3A_608, %dma_start3A_612] : memref<3x8x64xi32, #tpu.memory_space<vmem>> -> memref<1x1x64xi32, #tpu.memory_space<vmem>>
      %dma_start3A_614 = tpu.memref_squeeze %dma_start3A_613 : memref<1x1x64xi32, #tpu.memory_space<vmem>> -> memref<64xi32, #tpu.memory_space<vmem>>
      %dma_start3A_615 = arith.constant 0 : i32
      %dma_start3A_616 = arith.constant 0 : i32
      %dma_start3A_617 = tpu.memref_slice %arg2[%dma_start3A_615, %dma_start3A_616] : memref<10240x128xf32, #tpu.memory_space<hbm>> -> memref<10240x128xf32, #tpu.memory_space<hbm>>
      tpu.enqueue_indirect_dma source(%dma_start3A_617 : memref<10240x128xf32, #tpu.memory_space<hbm>>) target(%dma_start3A_611 : memref<64x128xf32, #tpu.memory_space<vmem>>) offsets(%dma_start3A_614 : memref<64xi32, #tpu.memory_space<vmem>>) semaphore(%arg12 : memref<!tpu.dma_semaphore, #tpu.memory_space<semaphore_mem>>)
      %dma_wait3A_618 = arith.constant 0 : i32
      %dma_wait3A_619 = arith.constant 0 : i32
      %dma_wait3A_620 = arith.constant 0 : i32
      %dma_wait3A_621 = arith.constant 0 : i32
      %dma_wait3A_622 = tpu.memref_slice %arg8[%dma_wait3A_620, %dma_wait3A_621] : memref<256x128xf32, #tpu.memory_space<vmem>> -> memref<64x128xf32, #tpu.memory_space<vmem>>
      %dma_wait3A_623 = arith.constant 0 : i32
      %dma_wait3A_624 = tpu.memref_slice %arg6[%dma_wait3A_618, %dma_wait3A_619, %dma_wait3A_623] : memref<3x8x64xi32, #tpu.memory_space<vmem>> -> memref<1x1x64xi32, #tpu.memory_space<vmem>>
      %dma_wait3A_625 = tpu.memref_squeeze %dma_wait3A_624 : memref<1x1x64xi32, #tpu.memory_space<vmem>> -> memref<64xi32, #tpu.memory_space<vmem>>
      %dma_wait3A_626 = arith.constant 0 : i32
      %dma_wait3A_627 = arith.constant 0 : i32
      %dma_wait3A_628 = tpu.memref_slice %arg2[%dma_wait3A_626, %dma_wait3A_627] : memref<10240x128xf32, #tpu.memory_space<hbm>> -> memref<10240x128xf32, #tpu.memory_space<hbm>>
      tpu.wait_indirect_dma semaphore(%arg11 : memref<!tpu.dma_semaphore, #tpu.memory_space<semaphore_mem>>) src(%dma_wait3A_628 : memref<10240x128xf32, #tpu.memory_space<hbm>>) dst(%dma_wait3A_622 : memref<64x128xf32, #tpu.memory_space<vmem>>)
      %dma_start3A_629 = arith.constant 4 : i32
      %dma_start3A_630 = arith.constant 0 : i32
      %dma_start3A_631 = arith.constant 0 : i32
      %dma_start3A_632 = tpu.memref_slice %arg8[%dma_start3A_630, %dma_start3A_631] : memref<256x128xf32, #tpu.memory_space<vmem>> -> memref<64x128xf32, #tpu.memory_space<vmem>>
      %dma_start3A_633 = arith.constant 0 : i32
      %dma_start3A_634 = tpu.memref_slice %arg7[%rem3A_416, %dma_start3A_629, %dma_start3A_633] : memref<3x8x64xi32, #tpu.memory_space<vmem>> -> memref<1x1x64xi32, #tpu.memory_space<vmem>>
      %dma_start3A_635 = tpu.memref_squeeze %dma_start3A_634 : memref<1x1x64xi32, #tpu.memory_space<vmem>> -> memref<64xi32, #tpu.memory_space<vmem>>
      %dma_start3A_636 = arith.constant 0 : i32
      %dma_start3A_637 = arith.constant 0 : i32
      %dma_start3A_638 = tpu.memref_slice %arg10[%dma_start3A_636, %dma_start3A_637] : memref<10240x128xf32, #tpu.memory_space<vmem_shared>> -> memref<10240x128xf32, #tpu.memory_space<vmem_shared>>
      tpu.enqueue_indirect_dma source(%dma_start3A_632 : memref<64x128xf32, #tpu.memory_space<vmem>>) target(%dma_start3A_638 : memref<10240x128xf32, #tpu.memory_space<vmem_shared>>) offsets(%dma_start3A_635 : memref<64xi32, #tpu.memory_space<vmem>>) semaphore(%arg15 : memref<!tpu.dma_semaphore, #tpu.memory_space<semaphore_mem>>) {add = true}
      %dma_wait3A_639 = arith.constant 0 : i32
      %dma_wait3A_640 = arith.constant 128 : i32
      %dma_wait3A_641 = arith.constant 0 : i32
      %dma_wait3A_642 = tpu.memref_slice %arg8[%dma_wait3A_640, %dma_wait3A_641] : memref<256x128xf32, #tpu.memory_space<vmem>> -> memref<64x128xf32, #tpu.memory_space<vmem>>
      %dma_wait3A_643 = arith.constant 0 : i32
      %dma_wait3A_644 = tpu.memref_slice %arg9[%dma_wait3A_639, %dma_wait3A_643] : memref<1x64xi32, #tpu.memory_space<vmem>> -> memref<1x64xi32, #tpu.memory_space<vmem>>
      %dma_wait3A_645 = tpu.memref_squeeze %dma_wait3A_644 : memref<1x64xi32, #tpu.memory_space<vmem>> -> memref<64xi32, #tpu.memory_space<vmem>>
      %dma_wait3A_646 = arith.constant 0 : i32
      %dma_wait3A_647 = arith.constant 0 : i32
      %dma_wait3A_648 = tpu.memref_slice %arg10[%dma_wait3A_646, %dma_wait3A_647] : memref<10240x128xf32, #tpu.memory_space<vmem_shared>> -> memref<10240x128xf32, #tpu.memory_space<vmem_shared>>
      tpu.wait_indirect_dma semaphore(%arg17 : memref<!tpu.dma_semaphore, #tpu.memory_space<semaphore_mem>>) src(%dma_wait3A_642 : memref<64x128xf32, #tpu.memory_space<vmem>>) dst(%dma_wait3A_648 : memref<10240x128xf32, #tpu.memory_space<vmem_shared>>)
      %dma_start3A_649 = arith.constant 6 : i32
      %dma_start3A_650 = arith.constant 128 : i32
      %dma_start3A_651 = arith.constant 0 : i32
      %dma_start3A_652 = tpu.memref_slice %arg8[%dma_start3A_650, %dma_start3A_651] : memref<256x128xf32, #tpu.memory_space<vmem>> -> memref<64x128xf32, #tpu.memory_space<vmem>>
      %dma_start3A_653 = arith.constant 0 : i32
      %dma_start3A_654 = tpu.memref_slice %arg6[%rem3A_416, %dma_start3A_649, %dma_start3A_653] : memref<3x8x64xi32, #tpu.memory_space<vmem>> -> memref<1x1x64xi32, #tpu.memory_space<vmem>>
      %dma_start3A_655 = tpu.memref_squeeze %dma_start3A_654 : memref<1x1x64xi32, #tpu.memory_space<vmem>> -> memref<64xi32, #tpu.memory_space<vmem>>
      %dma_start3A_656 = arith.constant 0 : i32
      %dma_start3A_657 = arith.constant 0 : i32
      %dma_start3A_658 = tpu.memref_slice %arg2[%dma_start3A_656, %dma_start3A_657] : memref<10240x128xf32, #tpu.memory_space<hbm>> -> memref<10240x128xf32, #tpu.memory_space<hbm>>
      tpu.enqueue_indirect_dma source(%dma_start3A_658 : memref<10240x128xf32, #tpu.memory_space<hbm>>) target(%dma_start3A_652 : memref<64x128xf32, #tpu.memory_space<vmem>>) offsets(%dma_start3A_655 : memref<64xi32, #tpu.memory_space<vmem>>) semaphore(%arg13 : memref<!tpu.dma_semaphore, #tpu.memory_space<semaphore_mem>>)
      %dma_wait3A_659 = arith.constant 0 : i32
      %dma_wait3A_660 = arith.constant 0 : i32
      %dma_wait3A_661 = arith.constant 64 : i32
      %dma_wait3A_662 = arith.constant 0 : i32
      %dma_wait3A_663 = tpu.memref_slice %arg8[%dma_wait3A_661, %dma_wait3A_662] : memref<256x128xf32, #tpu.memory_space<vmem>> -> memref<64x128xf32, #tpu.memory_space<vmem>>
      %dma_wait3A_664 = arith.constant 0 : i32
      %dma_wait3A_665 = tpu.memref_slice %arg6[%dma_wait3A_659, %dma_wait3A_660, %dma_wait3A_664] : memref<3x8x64xi32, #tpu.memory_space<vmem>> -> memref<1x1x64xi32, #tpu.memory_space<vmem>>
      %dma_wait3A_666 = tpu.memref_squeeze %dma_wait3A_665 : memref<1x1x64xi32, #tpu.memory_space<vmem>> -> memref<64xi32, #tpu.memory_space<vmem>>
      %dma_wait3A_667 = arith.constant 0 : i32
      %dma_wait3A_668 = arith.constant 0 : i32
      %dma_wait3A_669 = tpu.memref_slice %arg2[%dma_wait3A_667, %dma_wait3A_668] : memref<10240x128xf32, #tpu.memory_space<hbm>> -> memref<10240x128xf32, #tpu.memory_space<hbm>>
      tpu.wait_indirect_dma semaphore(%arg12 : memref<!tpu.dma_semaphore, #tpu.memory_space<semaphore_mem>>) src(%dma_wait3A_669 : memref<10240x128xf32, #tpu.memory_space<hbm>>) dst(%dma_wait3A_663 : memref<64x128xf32, #tpu.memory_space<vmem>>)
      %dma_start3A_670 = arith.constant 5 : i32
      %dma_start3A_671 = arith.constant 64 : i32
      %dma_start3A_672 = arith.constant 0 : i32
      %dma_start3A_673 = tpu.memref_slice %arg8[%dma_start3A_671, %dma_start3A_672] : memref<256x128xf32, #tpu.memory_space<vmem>> -> memref<64x128xf32, #tpu.memory_space<vmem>>
      %dma_start3A_674 = arith.constant 0 : i32
      %dma_start3A_675 = tpu.memref_slice %arg7[%rem3A_416, %dma_start3A_670, %dma_start3A_674] : memref<3x8x64xi32, #tpu.memory_space<vmem>> -> memref<1x1x64xi32, #tpu.memory_space<vmem>>
      %dma_start3A_676 = tpu.memref_squeeze %dma_start3A_675 : memref<1x1x64xi32, #tpu.memory_space<vmem>> -> memref<64xi32, #tpu.memory_space<vmem>>
      %dma_start3A_677 = arith.constant 0 : i32
      %dma_start3A_678 = arith.constant 0 : i32
      %dma_start3A_679 = tpu.memref_slice %arg10[%dma_start3A_677, %dma_start3A_678] : memref<10240x128xf32, #tpu.memory_space<vmem_shared>> -> memref<10240x128xf32, #tpu.memory_space<vmem_shared>>
      tpu.enqueue_indirect_dma source(%dma_start3A_673 : memref<64x128xf32, #tpu.memory_space<vmem>>) target(%dma_start3A_679 : memref<10240x128xf32, #tpu.memory_space<vmem_shared>>) offsets(%dma_start3A_676 : memref<64xi32, #tpu.memory_space<vmem>>) semaphore(%arg16 : memref<!tpu.dma_semaphore, #tpu.memory_space<semaphore_mem>>) {add = true}
      %dma_wait3A_680 = arith.constant 0 : i32
      %dma_wait3A_681 = arith.constant 192 : i32
      %dma_wait3A_682 = arith.constant 0 : i32
      %dma_wait3A_683 = tpu.memref_slice %arg8[%dma_wait3A_681, %dma_wait3A_682] : memref<256x128xf32, #tpu.memory_space<vmem>> -> memref<64x128xf32, #tpu.memory_space<vmem>>
      %dma_wait3A_684 = arith.constant 0 : i32
      %dma_wait3A_685 = tpu.memref_slice %arg9[%dma_wait3A_680, %dma_wait3A_684] : memref<1x64xi32, #tpu.memory_space<vmem>> -> memref<1x64xi32, #tpu.memory_space<vmem>>
      %dma_wait3A_686 = tpu.memref_squeeze %dma_wait3A_685 : memref<1x64xi32, #tpu.memory_space<vmem>> -> memref<64xi32, #tpu.memory_space<vmem>>
      %dma_wait3A_687 = arith.constant 0 : i32
      %dma_wait3A_688 = arith.constant 0 : i32
      %dma_wait3A_689 = tpu.memref_slice %arg10[%dma_wait3A_687, %dma_wait3A_688] : memref<10240x128xf32, #tpu.memory_space<vmem_shared>> -> memref<10240x128xf32, #tpu.memory_space<vmem_shared>>
      tpu.wait_indirect_dma semaphore(%arg18 : memref<!tpu.dma_semaphore, #tpu.memory_space<semaphore_mem>>) src(%dma_wait3A_683 : memref<64x128xf32, #tpu.memory_space<vmem>>) dst(%dma_wait3A_689 : memref<10240x128xf32, #tpu.memory_space<vmem_shared>>)
      %dma_start3A_690 = arith.constant 7 : i32
      %dma_start3A_691 = arith.constant 192 : i32
      %dma_start3A_692 = arith.constant 0 : i32
      %dma_start3A_693 = tpu.memref_slice %arg8[%dma_start3A_691, %dma_start3A_692] : memref<256x128xf32, #tpu.memory_space<vmem>> -> memref<64x128xf32, #tpu.memory_space<vmem>>
      %dma_start3A_694 = arith.constant 0 : i32
      %dma_start3A_695 = tpu.memref_slice %arg6[%rem3A_416, %dma_start3A_690, %dma_start3A_694] : memref<3x8x64xi32, #tpu.memory_space<vmem>> -> memref<1x1x64xi32, #tpu.memory_space<vmem>>
      %dma_start3A_696 = tpu.memref_squeeze %dma_start3A_695 : memref<1x1x64xi32, #tpu.memory_space<vmem>> -> memref<64xi32, #tpu.memory_space<vmem>>
      %dma_start3A_697 = arith.constant 0 : i32
      %dma_start3A_698 = arith.constant 0 : i32
      %dma_start3A_699 = tpu.memref_slice %arg2[%dma_start3A_697, %dma_start3A_698] : memref<10240x128xf32, #tpu.memory_space<hbm>> -> memref<10240x128xf32, #tpu.memory_space<hbm>>
      tpu.enqueue_indirect_dma source(%dma_start3A_699 : memref<10240x128xf32, #tpu.memory_space<hbm>>) target(%dma_start3A_693 : memref<64x128xf32, #tpu.memory_space<vmem>>) offsets(%dma_start3A_696 : memref<64xi32, #tpu.memory_space<vmem>>) semaphore(%arg14 : memref<!tpu.dma_semaphore, #tpu.memory_space<semaphore_mem>>)
      %dma_wait3A_700 = arith.constant 0 : i32
      %dma_wait3A_701 = arith.constant 0 : i32
      %dma_wait3A_702 = arith.constant 128 : i32
      %dma_wait3A_703 = arith.constant 0 : i32
      %dma_wait3A_704 = tpu.memref_slice %arg8[%dma_wait3A_702, %dma_wait3A_703] : memref<256x128xf32, #tpu.memory_space<vmem>> -> memref<64x128xf32, #tpu.memory_space<vmem>>
      %dma_wait3A_705 = arith.constant 0 : i32
      %dma_wait3A_706 = tpu.memref_slice %arg6[%dma_wait3A_700, %dma_wait3A_701, %dma_wait3A_705] : memref<3x8x64xi32, #tpu.memory_space<vmem>> -> memref<1x1x64xi32, #tpu.memory_space<vmem>>
      %dma_wait3A_707 = tpu.memref_squeeze %dma_wait3A_706 : memref<1x1x64xi32, #tpu.memory_space<vmem>> -> memref<64xi32, #tpu.memory_space<vmem>>
      %dma_wait3A_708 = arith.constant 0 : i32
      %dma_wait3A_709 = arith.constant 0 : i32
      %dma_wait3A_710 = tpu.memref_slice %arg2[%dma_wait3A_708, %dma_wait3A_709] : memref<10240x128xf32, #tpu.memory_space<hbm>> -> memref<10240x128xf32, #tpu.memory_space<hbm>>
      tpu.wait_indirect_dma semaphore(%arg13 : memref<!tpu.dma_semaphore, #tpu.memory_space<semaphore_mem>>) src(%dma_wait3A_710 : memref<10240x128xf32, #tpu.memory_space<hbm>>) dst(%dma_wait3A_704 : memref<64x128xf32, #tpu.memory_space<vmem>>)
      %dma_start3A_711 = arith.constant 6 : i32
      %dma_start3A_712 = arith.constant 128 : i32
      %dma_start3A_713 = arith.constant 0 : i32
      %dma_start3A_714 = tpu.memref_slice %arg8[%dma_start3A_712, %dma_start3A_713] : memref<256x128xf32, #tpu.memory_space<vmem>> -> memref<64x128xf32, #tpu.memory_space<vmem>>
      %dma_start3A_715 = arith.constant 0 : i32
      %dma_start3A_716 = tpu.memref_slice %arg7[%rem3A_416, %dma_start3A_711, %dma_start3A_715] : memref<3x8x64xi32, #tpu.memory_space<vmem>> -> memref<1x1x64xi32, #tpu.memory_space<vmem>>
      %dma_start3A_717 = tpu.memref_squeeze %dma_start3A_716 : memref<1x1x64xi32, #tpu.memory_space<vmem>> -> memref<64xi32, #tpu.memory_space<vmem>>
      %dma_start3A_718 = arith.constant 0 : i32
      %dma_start3A_719 = arith.constant 0 : i32
      %dma_start3A_720 = tpu.memref_slice %arg10[%dma_start3A_718, %dma_start3A_719] : memref<10240x128xf32, #tpu.memory_space<vmem_shared>> -> memref<10240x128xf32, #tpu.memory_space<vmem_shared>>
      tpu.enqueue_indirect_dma source(%dma_start3A_714 : memref<64x128xf32, #tpu.memory_space<vmem>>) target(%dma_start3A_720 : memref<10240x128xf32, #tpu.memory_space<vmem_shared>>) offsets(%dma_start3A_717 : memref<64xi32, #tpu.memory_space<vmem>>) semaphore(%arg17 : memref<!tpu.dma_semaphore, #tpu.memory_space<semaphore_mem>>) {add = true}
      %dma_wait3A_721 = arith.constant 0 : i32
      %dma_wait3A_722 = arith.constant 0 : i32
      %dma_wait3A_723 = arith.constant 0 : i32
      %dma_wait3A_724 = tpu.memref_slice %arg8[%dma_wait3A_722, %dma_wait3A_723] : memref<256x128xf32, #tpu.memory_space<vmem>> -> memref<64x128xf32, #tpu.memory_space<vmem>>
      %dma_wait3A_725 = arith.constant 0 : i32
      %dma_wait3A_726 = tpu.memref_slice %arg9[%dma_wait3A_721, %dma_wait3A_725] : memref<1x64xi32, #tpu.memory_space<vmem>> -> memref<1x64xi32, #tpu.memory_space<vmem>>
      %dma_wait3A_727 = tpu.memref_squeeze %dma_wait3A_726 : memref<1x64xi32, #tpu.memory_space<vmem>> -> memref<64xi32, #tpu.memory_space<vmem>>
      %dma_wait3A_728 = arith.constant 0 : i32
      %dma_wait3A_729 = arith.constant 0 : i32
      %dma_wait3A_730 = tpu.memref_slice %arg10[%dma_wait3A_728, %dma_wait3A_729] : memref<10240x128xf32, #tpu.memory_space<vmem_shared>> -> memref<10240x128xf32, #tpu.memory_space<vmem_shared>>
      tpu.wait_indirect_dma semaphore(%arg15 : memref<!tpu.dma_semaphore, #tpu.memory_space<semaphore_mem>>) src(%dma_wait3A_724 : memref<64x128xf32, #tpu.memory_space<vmem>>) dst(%dma_wait3A_730 : memref<10240x128xf32, #tpu.memory_space<vmem_shared>>)
      %dma_wait3A_731 = arith.constant 0 : i32
      %dma_wait3A_732 = arith.constant 0 : i32
      %dma_wait3A_733 = tpu.memref_slice %arg6[%rem3A_420, %dma_wait3A_731, %dma_wait3A_732] : memref<3x8x64xi32, #tpu.memory_space<vmem>> -> memref<1x8x64xi32, #tpu.memory_space<vmem>>
      %dma_wait3A_734 = tpu.memref_squeeze %dma_wait3A_733 : memref<1x8x64xi32, #tpu.memory_space<vmem>> -> memref<8x64xi32, #tpu.memory_space<vmem>>
      %dma_wait3A_735 = arith.constant 0 : i32
      %dma_wait3A_736 = tpu.memref_slice %arg3[%add3A_426, %dma_wait3A_735] : memref<5120x64xi32, #tpu.memory_space<hbm>> -> memref<8x64xi32, #tpu.memory_space<hbm>>
      %dma_wait3A_737 = arith.constant 0 : i32
      %dma_wait3A_738 = arith.constant 0 : i32
      %dma_wait3A_739 = tpu.memref_slice %arg6[%rem3A_420, %dma_wait3A_737, %dma_wait3A_738] : memref<3x8x64xi32, #tpu.memory_space<vmem>> -> memref<1x8x64xi32, #tpu.memory_space<vmem>>
      %dma_wait3A_740 = tpu.memref_squeeze %dma_wait3A_739 : memref<1x8x64xi32, #tpu.memory_space<vmem>> -> memref<8x64xi32, #tpu.memory_space<vmem>>
      %dma_wait3A_741 = arith.constant 0 : i32
      %dma_wait3A_742 = tpu.memref_slice %arg3[%add3A_426, %dma_wait3A_741] : memref<5120x64xi32, #tpu.memory_space<hbm>> -> memref<8x64xi32, #tpu.memory_space<hbm>>
      tpu.wait_dma2 semaphore(%arg19 : memref<!tpu.dma_semaphore, #tpu.memory_space<semaphore_mem>>) src(%dma_wait3A_742 : memref<8x64xi32, #tpu.memory_space<hbm>>) dst(%dma_wait3A_740 : memref<8x64xi32, #tpu.memory_space<vmem>>)
      %dma_wait3A_743 = arith.constant 0 : i32
      %dma_wait3A_744 = arith.constant 0 : i32
      %dma_wait3A_745 = tpu.memref_slice %arg7[%rem3A_420, %dma_wait3A_743, %dma_wait3A_744] : memref<3x8x64xi32, #tpu.memory_space<vmem>> -> memref<1x8x64xi32, #tpu.memory_space<vmem>>
      %dma_wait3A_746 = tpu.memref_squeeze %dma_wait3A_745 : memref<1x8x64xi32, #tpu.memory_space<vmem>> -> memref<8x64xi32, #tpu.memory_space<vmem>>
      %dma_wait3A_747 = arith.constant 0 : i32
      %dma_wait3A_748 = tpu.memref_slice %arg4[%add3A_441, %dma_wait3A_747] : memref<5120x64xi32, #tpu.memory_space<hbm>> -> memref<8x64xi32, #tpu.memory_space<hbm>>
      %dma_wait3A_749 = arith.constant 0 : i32
      %dma_wait3A_750 = arith.constant 0 : i32
      %dma_wait3A_751 = tpu.memref_slice %arg7[%rem3A_420, %dma_wait3A_749, %dma_wait3A_750] : memref<3x8x64xi32, #tpu.memory_space<vmem>> -> memref<1x8x64xi32, #tpu.memory_space<vmem>>
      %dma_wait3A_752 = tpu.memref_squeeze %dma_wait3A_751 : memref<1x8x64xi32, #tpu.memory_space<vmem>> -> memref<8x64xi32, #tpu.memory_space<vmem>>
      %dma_wait3A_753 = arith.constant 0 : i32
      %dma_wait3A_754 = tpu.memref_slice %arg4[%add3A_441, %dma_wait3A_753] : memref<5120x64xi32, #tpu.memory_space<hbm>> -> memref<8x64xi32, #tpu.memory_space<hbm>>
      tpu.wait_dma2 semaphore(%arg20 : memref<!tpu.dma_semaphore, #tpu.memory_space<semaphore_mem>>) src(%dma_wait3A_754 : memref<8x64xi32, #tpu.memory_space<hbm>>) dst(%dma_wait3A_752 : memref<8x64xi32, #tpu.memory_space<vmem>>)
      %dma_start3A_755 = arith.constant 0 : i32
      %dma_start3A_756 = arith.constant 0 : i32
      %dma_start3A_757 = arith.constant 0 : i32
      %dma_start3A_758 = tpu.memref_slice %arg8[%dma_start3A_756, %dma_start3A_757] : memref<256x128xf32, #tpu.memory_space<vmem>> -> memref<64x128xf32, #tpu.memory_space<vmem>>
      %dma_start3A_759 = arith.constant 0 : i32
      %dma_start3A_760 = tpu.memref_slice %arg6[%rem3A_420, %dma_start3A_755, %dma_start3A_759] : memref<3x8x64xi32, #tpu.memory_space<vmem>> -> memref<1x1x64xi32, #tpu.memory_space<vmem>>
      %dma_start3A_761 = tpu.memref_squeeze %dma_start3A_760 : memref<1x1x64xi32, #tpu.memory_space<vmem>> -> memref<64xi32, #tpu.memory_space<vmem>>
      %dma_start3A_762 = arith.constant 0 : i32
      %dma_start3A_763 = arith.constant 0 : i32
      %dma_start3A_764 = tpu.memref_slice %arg2[%dma_start3A_762, %dma_start3A_763] : memref<10240x128xf32, #tpu.memory_space<hbm>> -> memref<10240x128xf32, #tpu.memory_space<hbm>>
      tpu.enqueue_indirect_dma source(%dma_start3A_764 : memref<10240x128xf32, #tpu.memory_space<hbm>>) target(%dma_start3A_758 : memref<64x128xf32, #tpu.memory_space<vmem>>) offsets(%dma_start3A_761 : memref<64xi32, #tpu.memory_space<vmem>>) semaphore(%arg11 : memref<!tpu.dma_semaphore, #tpu.memory_space<semaphore_mem>>)
      %dma_wait3A_765 = arith.constant 0 : i32
      %dma_wait3A_766 = arith.constant 0 : i32
      %dma_wait3A_767 = arith.constant 192 : i32
      %dma_wait3A_768 = arith.constant 0 : i32
      %dma_wait3A_769 = tpu.memref_slice %arg8[%dma_wait3A_767, %dma_wait3A_768] : memref<256x128xf32, #tpu.memory_space<vmem>> -> memref<64x128xf32, #tpu.memory_space<vmem>>
      %dma_wait3A_770 = arith.constant 0 : i32
      %dma_wait3A_771 = tpu.memref_slice %arg6[%dma_wait3A_765, %dma_wait3A_766, %dma_wait3A_770] : memref<3x8x64xi32, #tpu.memory_space<vmem>> -> memref<1x1x64xi32, #tpu.memory_space<vmem>>
      %dma_wait3A_772 = tpu.memref_squeeze %dma_wait3A_771 : memref<1x1x64xi32, #tpu.memory_space<vmem>> -> memref<64xi32, #tpu.memory_space<vmem>>
      %dma_wait3A_773 = arith.constant 0 : i32
      %dma_wait3A_774 = arith.constant 0 : i32
      %dma_wait3A_775 = tpu.memref_slice %arg2[%dma_wait3A_773, %dma_wait3A_774] : memref<10240x128xf32, #tpu.memory_space<hbm>> -> memref<10240x128xf32, #tpu.memory_space<hbm>>
      tpu.wait_indirect_dma semaphore(%arg14 : memref<!tpu.dma_semaphore, #tpu.memory_space<semaphore_mem>>) src(%dma_wait3A_775 : memref<10240x128xf32, #tpu.memory_space<hbm>>) dst(%dma_wait3A_769 : memref<64x128xf32, #tpu.memory_space<vmem>>)
      %dma_start3A_776 = arith.constant 7 : i32
      %dma_start3A_777 = arith.constant 192 : i32
      %dma_start3A_778 = arith.constant 0 : i32
      %dma_start3A_779 = tpu.memref_slice %arg8[%dma_start3A_777, %dma_start3A_778] : memref<256x128xf32, #tpu.memory_space<vmem>> -> memref<64x128xf32, #tpu.memory_space<vmem>>
      %dma_start3A_780 = arith.constant 0 : i32
      %dma_start3A_781 = tpu.memref_slice %arg7[%rem3A_416, %dma_start3A_776, %dma_start3A_780] : memref<3x8x64xi32, #tpu.memory_space<vmem>> -> memref<1x1x64xi32, #tpu.memory_space<vmem>>
      %dma_start3A_782 = tpu.memref_squeeze %dma_start3A_781 : memref<1x1x64xi32, #tpu.memory_space<vmem>> -> memref<64xi32, #tpu.memory_space<vmem>>
      %dma_start3A_783 = arith.constant 0 : i32
      %dma_start3A_784 = arith.constant 0 : i32
      %dma_start3A_785 = tpu.memref_slice %arg10[%dma_start3A_783, %dma_start3A_784] : memref<10240x128xf32, #tpu.memory_space<vmem_shared>> -> memref<10240x128xf32, #tpu.memory_space<vmem_shared>>
      tpu.enqueue_indirect_dma source(%dma_start3A_779 : memref<64x128xf32, #tpu.memory_space<vmem>>) target(%dma_start3A_785 : memref<10240x128xf32, #tpu.memory_space<vmem_shared>>) offsets(%dma_start3A_782 : memref<64xi32, #tpu.memory_space<vmem>>) semaphore(%arg18 : memref<!tpu.dma_semaphore, #tpu.memory_space<semaphore_mem>>) {add = true}
      %dma_wait3A_786 = arith.constant 0 : i32
      %dma_wait3A_787 = arith.constant 64 : i32
      %dma_wait3A_788 = arith.constant 0 : i32
      %dma_wait3A_789 = tpu.memref_slice %arg8[%dma_wait3A_787, %dma_wait3A_788] : memref<256x128xf32, #tpu.memory_space<vmem>> -> memref<64x128xf32, #tpu.memory_space<vmem>>
      %dma_wait3A_790 = arith.constant 0 : i32
      %dma_wait3A_791 = tpu.memref_slice %arg9[%dma_wait3A_786, %dma_wait3A_790] : memref<1x64xi32, #tpu.memory_space<vmem>> -> memref<1x64xi32, #tpu.memory_space<vmem>>
      %dma_wait3A_792 = tpu.memref_squeeze %dma_wait3A_791 : memref<1x64xi32, #tpu.memory_space<vmem>> -> memref<64xi32, #tpu.memory_space<vmem>>
      %dma_wait3A_793 = arith.constant 0 : i32
      %dma_wait3A_794 = arith.constant 0 : i32
      %dma_wait3A_795 = tpu.memref_slice %arg10[%dma_wait3A_793, %dma_wait3A_794] : memref<10240x128xf32, #tpu.memory_space<vmem_shared>> -> memref<10240x128xf32, #tpu.memory_space<vmem_shared>>
      tpu.wait_indirect_dma semaphore(%arg16 : memref<!tpu.dma_semaphore, #tpu.memory_space<semaphore_mem>>) src(%dma_wait3A_789 : memref<64x128xf32, #tpu.memory_space<vmem>>) dst(%dma_wait3A_795 : memref<10240x128xf32, #tpu.memory_space<vmem_shared>>)
      %dma_start3A_796 = arith.constant 1 : i32
      %dma_start3A_797 = arith.constant 64 : i32
      %dma_start3A_798 = arith.constant 0 : i32
      %dma_start3A_799 = tpu.memref_slice %arg8[%dma_start3A_797, %dma_start3A_798] : memref<256x128xf32, #tpu.memory_space<vmem>> -> memref<64x128xf32, #tpu.memory_space<vmem>>
      %dma_start3A_800 = arith.constant 0 : i32
      %dma_start3A_801 = tpu.memref_slice %arg6[%rem3A_420, %dma_start3A_796, %dma_start3A_800] : memref<3x8x64xi32, #tpu.memory_space<vmem>> -> memref<1x1x64xi32, #tpu.memory_space<vmem>>
      %dma_start3A_802 = tpu.memref_squeeze %dma_start3A_801 : memref<1x1x64xi32, #tpu.memory_space<vmem>> -> memref<64xi32, #tpu.memory_space<vmem>>
      %dma_start3A_803 = arith.constant 0 : i32
      %dma_start3A_804 = arith.constant 0 : i32
      %dma_start3A_805 = tpu.memref_slice %arg2[%dma_start3A_803, %dma_start3A_804] : memref<10240x128xf32, #tpu.memory_space<hbm>> -> memref<10240x128xf32, #tpu.memory_space<hbm>>
      tpu.enqueue_indirect_dma source(%dma_start3A_805 : memref<10240x128xf32, #tpu.memory_space<hbm>>) target(%dma_start3A_799 : memref<64x128xf32, #tpu.memory_space<vmem>>) offsets(%dma_start3A_802 : memref<64xi32, #tpu.memory_space<vmem>>) semaphore(%arg12 : memref<!tpu.dma_semaphore, #tpu.memory_space<semaphore_mem>>)
    }
    %scan3A_221 = arith.constant 20 : i32
    %dma_wait3A_222 = arith.constant 0 : i32
    %dma_wait3A_223 = arith.constant 0 : i32
    %dma_wait3A_224 = arith.constant 0 : i32
    %dma_wait3A_225 = arith.constant 0 : i32
    %dma_wait3A_226 = tpu.memref_slice %arg8[%dma_wait3A_224, %dma_wait3A_225] : memref<256x128xf32, #tpu.memory_space<vmem>> -> memref<64x128xf32, #tpu.memory_space<vmem>>
    %dma_wait3A_227 = arith.constant 0 : i32
    %dma_wait3A_228 = tpu.memref_slice %arg6[%dma_wait3A_222, %dma_wait3A_223, %dma_wait3A_227] : memref<3x8x64xi32, #tpu.memory_space<vmem>> -> memref<1x1x64xi32, #tpu.memory_space<vmem>>
    %dma_wait3A_229 = tpu.memref_squeeze %dma_wait3A_228 : memref<1x1x64xi32, #tpu.memory_space<vmem>> -> memref<64xi32, #tpu.memory_space<vmem>>
    %dma_wait3A_230 = arith.constant 0 : i32
    %dma_wait3A_231 = arith.constant 0 : i32
    %dma_wait3A_232 = tpu.memref_slice %arg2[%dma_wait3A_230, %dma_wait3A_231] : memref<10240x128xf32, #tpu.memory_space<hbm>> -> memref<10240x128xf32, #tpu.memory_space<hbm>>
    tpu.wait_indirect_dma semaphore(%arg11 : memref<!tpu.dma_semaphore, #tpu.memory_space<semaphore_mem>>) src(%dma_wait3A_232 : memref<10240x128xf32, #tpu.memory_space<hbm>>) dst(%dma_wait3A_226 : memref<64x128xf32, #tpu.memory_space<vmem>>)
    %dma_wait3A_233 = arith.constant 0 : i32
    %dma_wait3A_234 = arith.constant 0 : i32
    %dma_wait3A_235 = arith.constant 64 : i32
    %dma_wait3A_236 = arith.constant 0 : i32
    %dma_wait3A_237 = tpu.memref_slice %arg8[%dma_wait3A_235, %dma_wait3A_236] : memref<256x128xf32, #tpu.memory_space<vmem>> -> memref<64x128xf32, #tpu.memory_space<vmem>>
    %dma_wait3A_238 = arith.constant 0 : i32
    %dma_wait3A_239 = tpu.memref_slice %arg6[%dma_wait3A_233, %dma_wait3A_234, %dma_wait3A_238] : memref<3x8x64xi32, #tpu.memory_space<vmem>> -> memref<1x1x64xi32, #tpu.memory_space<vmem>>
    %dma_wait3A_240 = tpu.memref_squeeze %dma_wait3A_239 : memref<1x1x64xi32, #tpu.memory_space<vmem>> -> memref<64xi32, #tpu.memory_space<vmem>>
    %dma_wait3A_241 = arith.constant 0 : i32
    %dma_wait3A_242 = arith.constant 0 : i32
    %dma_wait3A_243 = tpu.memref_slice %arg2[%dma_wait3A_241, %dma_wait3A_242] : memref<10240x128xf32, #tpu.memory_space<hbm>> -> memref<10240x128xf32, #tpu.memory_space<hbm>>
    tpu.wait_indirect_dma semaphore(%arg12 : memref<!tpu.dma_semaphore, #tpu.memory_space<semaphore_mem>>) src(%dma_wait3A_243 : memref<10240x128xf32, #tpu.memory_space<hbm>>) dst(%dma_wait3A_237 : memref<64x128xf32, #tpu.memory_space<vmem>>)
    %dma_wait3A_244 = arith.constant 0 : i32
    %dma_wait3A_245 = arith.constant 128 : i32
    %dma_wait3A_246 = arith.constant 0 : i32
    %dma_wait3A_247 = tpu.memref_slice %arg8[%dma_wait3A_245, %dma_wait3A_246] : memref<256x128xf32, #tpu.memory_space<vmem>> -> memref<64x128xf32, #tpu.memory_space<vmem>>
    %dma_wait3A_248 = arith.constant 0 : i32
    %dma_wait3A_249 = tpu.memref_slice %arg9[%dma_wait3A_244, %dma_wait3A_248] : memref<1x64xi32, #tpu.memory_space<vmem>> -> memref<1x64xi32, #tpu.memory_space<vmem>>
    %dma_wait3A_250 = tpu.memref_squeeze %dma_wait3A_249 : memref<1x64xi32, #tpu.memory_space<vmem>> -> memref<64xi32, #tpu.memory_space<vmem>>
    %dma_wait3A_251 = arith.constant 0 : i32
    %dma_wait3A_252 = arith.constant 0 : i32
    %dma_wait3A_253 = tpu.memref_slice %arg10[%dma_wait3A_251, %dma_wait3A_252] : memref<10240x128xf32, #tpu.memory_space<vmem_shared>> -> memref<10240x128xf32, #tpu.memory_space<vmem_shared>>
    tpu.wait_indirect_dma semaphore(%arg17 : memref<!tpu.dma_semaphore, #tpu.memory_space<semaphore_mem>>) src(%dma_wait3A_247 : memref<64x128xf32, #tpu.memory_space<vmem>>) dst(%dma_wait3A_253 : memref<10240x128xf32, #tpu.memory_space<vmem_shared>>)
    %dma_wait3A_254 = arith.constant 0 : i32
    %dma_wait3A_255 = arith.constant 192 : i32
    %dma_wait3A_256 = arith.constant 0 : i32
    %dma_wait3A_257 = tpu.memref_slice %arg8[%dma_wait3A_255, %dma_wait3A_256] : memref<256x128xf32, #tpu.memory_space<vmem>> -> memref<64x128xf32, #tpu.memory_space<vmem>>
    %dma_wait3A_258 = arith.constant 0 : i32
    %dma_wait3A_259 = tpu.memref_slice %arg9[%dma_wait3A_254, %dma_wait3A_258] : memref<1x64xi32, #tpu.memory_space<vmem>> -> memref<1x64xi32, #tpu.memory_space<vmem>>
    %dma_wait3A_260 = tpu.memref_squeeze %dma_wait3A_259 : memref<1x64xi32, #tpu.memory_space<vmem>> -> memref<64xi32, #tpu.memory_space<vmem>>
    %dma_wait3A_261 = arith.constant 0 : i32
    %dma_wait3A_262 = arith.constant 0 : i32
    %dma_wait3A_263 = tpu.memref_slice %arg10[%dma_wait3A_261, %dma_wait3A_262] : memref<10240x128xf32, #tpu.memory_space<vmem_shared>> -> memref<10240x128xf32, #tpu.memory_space<vmem_shared>>
    tpu.wait_indirect_dma semaphore(%arg18 : memref<!tpu.dma_semaphore, #tpu.memory_space<semaphore_mem>>) src(%dma_wait3A_257 : memref<64x128xf32, #tpu.memory_space<vmem>>) dst(%dma_wait3A_263 : memref<10240x128xf32, #tpu.memory_space<vmem_shared>>)
    %barrier3A_264 = arith.constant 0 : index
    tpu.barrier barrier_id(%barrier3A_264)
    %mul3A_265 = arith.constant 640 : i32
    %mul3A_266 = arith.muli %arg1, %mul3A_265 : i32
    %add3A_267 = arith.constant 0 : i32
    %add3A_268 = arith.addi %mul3A_266, %add3A_267 : i32
    "tpu.region"() ({
      %run_scoped3A_415 = tpu.sem_alloc : memref<!tpu.dma_semaphore, #tpu.memory_space<semaphore_mem>>
      %dma_start3A_416 = arith.constant 0 : i32
      %dma_start3A_417 = arith.constant 0 : i32
      %dma_start3A_418 = tpu.memref_slice %arg8[%dma_start3A_416, %dma_start3A_417] : memref<256x128xf32, #tpu.memory_space<vmem>> -> memref<128x128xf32, #tpu.memory_space<vmem>>
      %dma_start3A_419 = arith.constant 0 : i32
      %dma_start3A_420 = tpu.memref_slice %arg10[%add3A_268, %dma_start3A_419] : memref<10240x128xf32, #tpu.memory_space<vmem_shared>> -> memref<128x128xf32, #tpu.memory_space<vmem_shared>>
      %dma_start3A_421 = arith.constant 0 : i32
      %dma_start3A_422 = arith.constant 0 : i32
      %dma_start3A_423 = tpu.memref_slice %arg8[%dma_start3A_421, %dma_start3A_422] : memref<256x128xf32, #tpu.memory_space<vmem>> -> memref<128x128xf32, #tpu.memory_space<vmem>>
      %dma_start3A_424 = arith.constant 0 : i32
      %dma_start3A_425 = tpu.memref_slice %arg10[%add3A_268, %dma_start3A_424] : memref<10240x128xf32, #tpu.memory_space<vmem_shared>> -> memref<128x128xf32, #tpu.memory_space<vmem_shared>>
      tpu.enqueue_dma source(%dma_start3A_425 : memref<128x128xf32, #tpu.memory_space<vmem_shared>>) target(%dma_start3A_423 : memref<128x128xf32, #tpu.memory_space<vmem>>) target_semaphore(%run_scoped3A_415 : memref<!tpu.dma_semaphore, #tpu.memory_space<semaphore_mem>>)
      %dma_wait3A_426 = arith.constant 0 : i32
      %dma_wait3A_427 = arith.constant 0 : i32
      %dma_wait3A_428 = tpu.memref_slice %arg8[%dma_wait3A_426, %dma_wait3A_427] : memref<256x128xf32, #tpu.memory_space<vmem>> -> memref<128x128xf32, #tpu.memory_space<vmem>>
      %dma_wait3A_429 = arith.constant 0 : i32
      %dma_wait3A_430 = tpu.memref_slice %arg10[%add3A_268, %dma_wait3A_429] : memref<10240x128xf32, #tpu.memory_space<vmem_shared>> -> memref<128x128xf32, #tpu.memory_space<vmem_shared>>
      %dma_wait3A_431 = arith.constant 0 : i32
      %dma_wait3A_432 = arith.constant 0 : i32
      %dma_wait3A_433 = tpu.memref_slice %arg8[%dma_wait3A_431, %dma_wait3A_432] : memref<256x128xf32, #tpu.memory_space<vmem>> -> memref<128x128xf32, #tpu.memory_space<vmem>>
      %dma_wait3A_434 = arith.constant 0 : i32
      %dma_wait3A_435 = tpu.memref_slice %arg10[%add3A_268, %dma_wait3A_434] : memref<10240x128xf32, #tpu.memory_space<vmem_shared>> -> memref<128x128xf32, #tpu.memory_space<vmem_shared>>
      tpu.wait_dma2 semaphore(%run_scoped3A_415 : memref<!tpu.dma_semaphore, #tpu.memory_space<semaphore_mem>>) src(%dma_wait3A_435 : memref<128x128xf32, #tpu.memory_space<vmem_shared>>) dst(%dma_wait3A_433 : memref<128x128xf32, #tpu.memory_space<vmem>>)
      tpu.yield
    }) : () -> ()
    %dma_start3A_269 = arith.constant 0 : i32
    %dma_start3A_270 = arith.constant 0 : i32
    %dma_start3A_271 = tpu.memref_slice %arg8[%dma_start3A_269, %dma_start3A_270] : memref<256x128xf32, #tpu.memory_space<vmem>> -> memref<128x128xf32, #tpu.memory_space<vmem>>
    %dma_start3A_272 = arith.constant 0 : i32
    %dma_start3A_273 = tpu.memref_slice %arg5[%arg0, %add3A_268, %dma_start3A_272] : memref<2x10240x128xf32, #tpu.memory_space<hbm>> -> memref<1x128x128xf32, #tpu.memory_space<hbm>>
    %dma_start3A_274 = tpu.memref_squeeze %dma_start3A_273 : memref<1x128x128xf32, #tpu.memory_space<hbm>> -> memref<128x128xf32, #tpu.memory_space<hbm>>
    %dma_start3A_275 = arith.constant 0 : i32
    %dma_start3A_276 = tpu.memref_slice %arg5[%arg0, %add3A_268, %dma_start3A_275] : memref<2x10240x128xf32, #tpu.memory_space<hbm>> -> memref<1x128x128xf32, #tpu.memory_space<hbm>>
    %dma_start3A_277 = tpu.memref_squeeze %dma_start3A_276 : memref<1x128x128xf32, #tpu.memory_space<hbm>> -> memref<128x128xf32, #tpu.memory_space<hbm>>
    %dma_start3A_278 = arith.constant 0 : i32
    %dma_start3A_279 = arith.constant 0 : i32
    %dma_start3A_280 = tpu.memref_slice %arg8[%dma_start3A_278, %dma_start3A_279] : memref<256x128xf32, #tpu.memory_space<vmem>> -> memref<128x128xf32, #tpu.memory_space<vmem>>
    tpu.enqueue_dma source(%dma_start3A_280 : memref<128x128xf32, #tpu.memory_space<vmem>>) target(%dma_start3A_277 : memref<128x128xf32, #tpu.memory_space<hbm>>) target_semaphore(%arg20 : memref<!tpu.dma_semaphore, #tpu.memory_space<semaphore_mem>>)
    %mul3A_281 = arith.constant 640 : i32
    %mul3A_282 = arith.muli %arg1, %mul3A_281 : i32
    %add3A_283 = arith.constant 128 : i32
    %add3A_284 = arith.addi %mul3A_282, %add3A_283 : i32
    "tpu.region"() ({
      %run_scoped3A_415 = tpu.sem_alloc : memref<!tpu.dma_semaphore, #tpu.memory_space<semaphore_mem>>
      %dma_start3A_416 = arith.constant 128 : i32
      %dma_start3A_417 = arith.constant 0 : i32
      %dma_start3A_418 = tpu.memref_slice %arg8[%dma_start3A_416, %dma_start3A_417] : memref<256x128xf32, #tpu.memory_space<vmem>> -> memref<128x128xf32, #tpu.memory_space<vmem>>
      %dma_start3A_419 = arith.constant 0 : i32
      %dma_start3A_420 = tpu.memref_slice %arg10[%add3A_284, %dma_start3A_419] : memref<10240x128xf32, #tpu.memory_space<vmem_shared>> -> memref<128x128xf32, #tpu.memory_space<vmem_shared>>
      %dma_start3A_421 = arith.constant 128 : i32
      %dma_start3A_422 = arith.constant 0 : i32
      %dma_start3A_423 = tpu.memref_slice %arg8[%dma_start3A_421, %dma_start3A_422] : memref<256x128xf32, #tpu.memory_space<vmem>> -> memref<128x128xf32, #tpu.memory_space<vmem>>
      %dma_start3A_424 = arith.constant 0 : i32
      %dma_start3A_425 = tpu.memref_slice %arg10[%add3A_284, %dma_start3A_424] : memref<10240x128xf32, #tpu.memory_space<vmem_shared>> -> memref<128x128xf32, #tpu.memory_space<vmem_shared>>
      tpu.enqueue_dma source(%dma_start3A_425 : memref<128x128xf32, #tpu.memory_space<vmem_shared>>) target(%dma_start3A_423 : memref<128x128xf32, #tpu.memory_space<vmem>>) target_semaphore(%run_scoped3A_415 : memref<!tpu.dma_semaphore, #tpu.memory_space<semaphore_mem>>)
      %dma_wait3A_426 = arith.constant 128 : i32
      %dma_wait3A_427 = arith.constant 0 : i32
      %dma_wait3A_428 = tpu.memref_slice %arg8[%dma_wait3A_426, %dma_wait3A_427] : memref<256x128xf32, #tpu.memory_space<vmem>> -> memref<128x128xf32, #tpu.memory_space<vmem>>
      %dma_wait3A_429 = arith.constant 0 : i32
      %dma_wait3A_430 = tpu.memref_slice %arg10[%add3A_284, %dma_wait3A_429] : memref<10240x128xf32, #tpu.memory_space<vmem_shared>> -> memref<128x128xf32, #tpu.memory_space<vmem_shared>>
      %dma_wait3A_431 = arith.constant 128 : i32
      %dma_wait3A_432 = arith.constant 0 : i32
      %dma_wait3A_433 = tpu.memref_slice %arg8[%dma_wait3A_431, %dma_wait3A_432] : memref<256x128xf32, #tpu.memory_space<vmem>> -> memref<128x128xf32, #tpu.memory_space<vmem>>
      %dma_wait3A_434 = arith.constant 0 : i32
      %dma_wait3A_435 = tpu.memref_slice %arg10[%add3A_284, %dma_wait3A_434] : memref<10240x128xf32, #tpu.memory_space<vmem_shared>> -> memref<128x128xf32, #tpu.memory_space<vmem_shared>>
      tpu.wait_dma2 semaphore(%run_scoped3A_415 : memref<!tpu.dma_semaphore, #tpu.memory_space<semaphore_mem>>) src(%dma_wait3A_435 : memref<128x128xf32, #tpu.memory_space<vmem_shared>>) dst(%dma_wait3A_433 : memref<128x128xf32, #tpu.memory_space<vmem>>)
      tpu.yield
    }) : () -> ()
    %dma_start3A_285 = arith.constant 128 : i32
    %dma_start3A_286 = arith.constant 0 : i32
    %dma_start3A_287 = tpu.memref_slice %arg8[%dma_start3A_285, %dma_start3A_286] : memref<256x128xf32, #tpu.memory_space<vmem>> -> memref<128x128xf32, #tpu.memory_space<vmem>>
    %dma_start3A_288 = arith.constant 0 : i32
    %dma_start3A_289 = tpu.memref_slice %arg5[%arg0, %add3A_284, %dma_start3A_288] : memref<2x10240x128xf32, #tpu.memory_space<hbm>> -> memref<1x128x128xf32, #tpu.memory_space<hbm>>
    %dma_start3A_290 = tpu.memref_squeeze %dma_start3A_289 : memref<1x128x128xf32, #tpu.memory_space<hbm>> -> memref<128x128xf32, #tpu.memory_space<hbm>>
    %dma_start3A_291 = arith.constant 0 : i32
    %dma_start3A_292 = tpu.memref_slice %arg5[%arg0, %add3A_284, %dma_start3A_291] : memref<2x10240x128xf32, #tpu.memory_space<hbm>> -> memref<1x128x128xf32, #tpu.memory_space<hbm>>
    %dma_start3A_293 = tpu.memref_squeeze %dma_start3A_292 : memref<1x128x128xf32, #tpu.memory_space<hbm>> -> memref<128x128xf32, #tpu.memory_space<hbm>>
    %dma_start3A_294 = arith.constant 128 : i32
    %dma_start3A_295 = arith.constant 0 : i32
    %dma_start3A_296 = tpu.memref_slice %arg8[%dma_start3A_294, %dma_start3A_295] : memref<256x128xf32, #tpu.memory_space<vmem>> -> memref<128x128xf32, #tpu.memory_space<vmem>>
    tpu.enqueue_dma source(%dma_start3A_296 : memref<128x128xf32, #tpu.memory_space<vmem>>) target(%dma_start3A_293 : memref<128x128xf32, #tpu.memory_space<hbm>>) target_semaphore(%arg20 : memref<!tpu.dma_semaphore, #tpu.memory_space<semaphore_mem>>)
    %mul3A_297 = arith.constant 640 : i32
    %mul3A_298 = arith.muli %arg1, %mul3A_297 : i32
    %add3A_299 = arith.constant 256 : i32
    %add3A_300 = arith.addi %mul3A_298, %add3A_299 : i32
    %mul3A_301 = arith.constant 640 : i32
    %mul3A_302 = arith.muli %arg1, %mul3A_301 : i32
    %dma_wait3A_303 = arith.constant 0 : i32
    %dma_wait3A_304 = arith.constant 0 : i32
    %dma_wait3A_305 = tpu.memref_slice %arg8[%dma_wait3A_303, %dma_wait3A_304] : memref<256x128xf32, #tpu.memory_space<vmem>> -> memref<128x128xf32, #tpu.memory_space<vmem>>
    %dma_wait3A_306 = arith.constant 0 : i32
    %dma_wait3A_307 = tpu.memref_slice %arg5[%arg0, %mul3A_302, %dma_wait3A_306] : memref<2x10240x128xf32, #tpu.memory_space<hbm>> -> memref<1x128x128xf32, #tpu.memory_space<hbm>>
    %dma_wait3A_308 = tpu.memref_squeeze %dma_wait3A_307 : memref<1x128x128xf32, #tpu.memory_space<hbm>> -> memref<128x128xf32, #tpu.memory_space<hbm>>
    %dma_wait3A_309 = arith.constant 0 : i32
    %dma_wait3A_310 = tpu.memref_slice %arg5[%arg0, %mul3A_302, %dma_wait3A_309] : memref<2x10240x128xf32, #tpu.memory_space<hbm>> -> memref<1x128x128xf32, #tpu.memory_space<hbm>>
    %dma_wait3A_311 = tpu.memref_squeeze %dma_wait3A_310 : memref<1x128x128xf32, #tpu.memory_space<hbm>> -> memref<128x128xf32, #tpu.memory_space<hbm>>
    %dma_wait3A_312 = arith.constant 0 : i32
    %dma_wait3A_313 = arith.constant 0 : i32
    %dma_wait3A_314 = tpu.memref_slice %arg8[%dma_wait3A_312, %dma_wait3A_313] : memref<256x128xf32, #tpu.memory_space<vmem>> -> memref<128x128xf32, #tpu.memory_space<vmem>>
    tpu.wait_dma2 semaphore(%arg20 : memref<!tpu.dma_semaphore, #tpu.memory_space<semaphore_mem>>) src(%dma_wait3A_314 : memref<128x128xf32, #tpu.memory_space<vmem>>) dst(%dma_wait3A_311 : memref<128x128xf32, #tpu.memory_space<hbm>>)
    "tpu.region"() ({
      %run_scoped3A_415 = tpu.sem_alloc : memref<!tpu.dma_semaphore, #tpu.memory_space<semaphore_mem>>
      %dma_start3A_416 = arith.constant 0 : i32
      %dma_start3A_417 = arith.constant 0 : i32
      %dma_start3A_418 = tpu.memref_slice %arg8[%dma_start3A_416, %dma_start3A_417] : memref<256x128xf32, #tpu.memory_space<vmem>> -> memref<128x128xf32, #tpu.memory_space<vmem>>
      %dma_start3A_419 = arith.constant 0 : i32
      %dma_start3A_420 = tpu.memref_slice %arg10[%add3A_300, %dma_start3A_419] : memref<10240x128xf32, #tpu.memory_space<vmem_shared>> -> memref<128x128xf32, #tpu.memory_space<vmem_shared>>
      %dma_start3A_421 = arith.constant 0 : i32
      %dma_start3A_422 = arith.constant 0 : i32
      %dma_start3A_423 = tpu.memref_slice %arg8[%dma_start3A_421, %dma_start3A_422] : memref<256x128xf32, #tpu.memory_space<vmem>> -> memref<128x128xf32, #tpu.memory_space<vmem>>
      %dma_start3A_424 = arith.constant 0 : i32
      %dma_start3A_425 = tpu.memref_slice %arg10[%add3A_300, %dma_start3A_424] : memref<10240x128xf32, #tpu.memory_space<vmem_shared>> -> memref<128x128xf32, #tpu.memory_space<vmem_shared>>
      tpu.enqueue_dma source(%dma_start3A_425 : memref<128x128xf32, #tpu.memory_space<vmem_shared>>) target(%dma_start3A_423 : memref<128x128xf32, #tpu.memory_space<vmem>>) target_semaphore(%run_scoped3A_415 : memref<!tpu.dma_semaphore, #tpu.memory_space<semaphore_mem>>)
      %dma_wait3A_426 = arith.constant 0 : i32
      %dma_wait3A_427 = arith.constant 0 : i32
      %dma_wait3A_428 = tpu.memref_slice %arg8[%dma_wait3A_426, %dma_wait3A_427] : memref<256x128xf32, #tpu.memory_space<vmem>> -> memref<128x128xf32, #tpu.memory_space<vmem>>
      %dma_wait3A_429 = arith.constant 0 : i32
      %dma_wait3A_430 = tpu.memref_slice %arg10[%add3A_300, %dma_wait3A_429] : memref<10240x128xf32, #tpu.memory_space<vmem_shared>> -> memref<128x128xf32, #tpu.memory_space<vmem_shared>>
      %dma_wait3A_431 = arith.constant 0 : i32
      %dma_wait3A_432 = arith.constant 0 : i32
      %dma_wait3A_433 = tpu.memref_slice %arg8[%dma_wait3A_431, %dma_wait3A_432] : memref<256x128xf32, #tpu.memory_space<vmem>> -> memref<128x128xf32, #tpu.memory_space<vmem>>
      %dma_wait3A_434 = arith.constant 0 : i32
      %dma_wait3A_435 = tpu.memref_slice %arg10[%add3A_300, %dma_wait3A_434] : memref<10240x128xf32, #tpu.memory_space<vmem_shared>> -> memref<128x128xf32, #tpu.memory_space<vmem_shared>>
      tpu.wait_dma2 semaphore(%run_scoped3A_415 : memref<!tpu.dma_semaphore, #tpu.memory_space<semaphore_mem>>) src(%dma_wait3A_435 : memref<128x128xf32, #tpu.memory_space<vmem_shared>>) dst(%dma_wait3A_433 : memref<128x128xf32, #tpu.memory_space<vmem>>)
      tpu.yield
    }) : () -> ()
    %dma_start3A_315 = arith.constant 0 : i32
    %dma_start3A_316 = arith.constant 0 : i32
    %dma_start3A_317 = tpu.memref_slice %arg8[%dma_start3A_315, %dma_start3A_316] : memref<256x128xf32, #tpu.memory_space<vmem>> -> memref<128x128xf32, #tpu.memory_space<vmem>>
    %dma_start3A_318 = arith.constant 0 : i32
    %dma_start3A_319 = tpu.memref_slice %arg5[%arg0, %add3A_300, %dma_start3A_318] : memref<2x10240x128xf32, #tpu.memory_space<hbm>> -> memref<1x128x128xf32, #tpu.memory_space<hbm>>
    %dma_start3A_320 = tpu.memref_squeeze %dma_start3A_319 : memref<1x128x128xf32, #tpu.memory_space<hbm>> -> memref<128x128xf32, #tpu.memory_space<hbm>>
    %dma_start3A_321 = arith.constant 0 : i32
    %dma_start3A_322 = tpu.memref_slice %arg5[%arg0, %add3A_300, %dma_start3A_321] : memref<2x10240x128xf32, #tpu.memory_space<hbm>> -> memref<1x128x128xf32, #tpu.memory_space<hbm>>
    %dma_start3A_323 = tpu.memref_squeeze %dma_start3A_322 : memref<1x128x128xf32, #tpu.memory_space<hbm>> -> memref<128x128xf32, #tpu.memory_space<hbm>>
    %dma_start3A_324 = arith.constant 0 : i32
    %dma_start3A_325 = arith.constant 0 : i32
    %dma_start3A_326 = tpu.memref_slice %arg8[%dma_start3A_324, %dma_start3A_325] : memref<256x128xf32, #tpu.memory_space<vmem>> -> memref<128x128xf32, #tpu.memory_space<vmem>>
    tpu.enqueue_dma source(%dma_start3A_326 : memref<128x128xf32, #tpu.memory_space<vmem>>) target(%dma_start3A_323 : memref<128x128xf32, #tpu.memory_space<hbm>>) target_semaphore(%arg20 : memref<!tpu.dma_semaphore, #tpu.memory_space<semaphore_mem>>)
    %mul3A_327 = arith.constant 640 : i32
    %mul3A_328 = arith.muli %arg1, %mul3A_327 : i32
    %add3A_329 = arith.constant 384 : i32
    %add3A_330 = arith.addi %mul3A_328, %add3A_329 : i32
    %mul3A_331 = arith.constant 640 : i32
    %mul3A_332 = arith.muli %arg1, %mul3A_331 : i32
    %dma_wait3A_333 = arith.constant 128 : i32
    %dma_wait3A_334 = arith.constant 0 : i32
    %dma_wait3A_335 = tpu.memref_slice %arg8[%dma_wait3A_333, %dma_wait3A_334] : memref<256x128xf32, #tpu.memory_space<vmem>> -> memref<128x128xf32, #tpu.memory_space<vmem>>
    %dma_wait3A_336 = arith.constant 0 : i32
    %dma_wait3A_337 = tpu.memref_slice %arg5[%arg0, %mul3A_332, %dma_wait3A_336] : memref<2x10240x128xf32, #tpu.memory_space<hbm>> -> memref<1x128x128xf32, #tpu.memory_space<hbm>>
    %dma_wait3A_338 = tpu.memref_squeeze %dma_wait3A_337 : memref<1x128x128xf32, #tpu.memory_space<hbm>> -> memref<128x128xf32, #tpu.memory_space<hbm>>
    %dma_wait3A_339 = arith.constant 0 : i32
    %dma_wait3A_340 = tpu.memref_slice %arg5[%arg0, %mul3A_332, %dma_wait3A_339] : memref<2x10240x128xf32, #tpu.memory_space<hbm>> -> memref<1x128x128xf32, #tpu.memory_space<hbm>>
    %dma_wait3A_341 = tpu.memref_squeeze %dma_wait3A_340 : memref<1x128x128xf32, #tpu.memory_space<hbm>> -> memref<128x128xf32, #tpu.memory_space<hbm>>
    %dma_wait3A_342 = arith.constant 128 : i32
    %dma_wait3A_343 = arith.constant 0 : i32
    %dma_wait3A_344 = tpu.memref_slice %arg8[%dma_wait3A_342, %dma_wait3A_343] : memref<256x128xf32, #tpu.memory_space<vmem>> -> memref<128x128xf32, #tpu.memory_space<vmem>>
    tpu.wait_dma2 semaphore(%arg20 : memref<!tpu.dma_semaphore, #tpu.memory_space<semaphore_mem>>) src(%dma_wait3A_344 : memref<128x128xf32, #tpu.memory_space<vmem>>) dst(%dma_wait3A_341 : memref<128x128xf32, #tpu.memory_space<hbm>>)
    "tpu.region"() ({
      %run_scoped3A_415 = tpu.sem_alloc : memref<!tpu.dma_semaphore, #tpu.memory_space<semaphore_mem>>
      %dma_start3A_416 = arith.constant 128 : i32
      %dma_start3A_417 = arith.constant 0 : i32
      %dma_start3A_418 = tpu.memref_slice %arg8[%dma_start3A_416, %dma_start3A_417] : memref<256x128xf32, #tpu.memory_space<vmem>> -> memref<128x128xf32, #tpu.memory_space<vmem>>
      %dma_start3A_419 = arith.constant 0 : i32
      %dma_start3A_420 = tpu.memref_slice %arg10[%add3A_330, %dma_start3A_419] : memref<10240x128xf32, #tpu.memory_space<vmem_shared>> -> memref<128x128xf32, #tpu.memory_space<vmem_shared>>
      %dma_start3A_421 = arith.constant 128 : i32
      %dma_start3A_422 = arith.constant 0 : i32
      %dma_start3A_423 = tpu.memref_slice %arg8[%dma_start3A_421, %dma_start3A_422] : memref<256x128xf32, #tpu.memory_space<vmem>> -> memref<128x128xf32, #tpu.memory_space<vmem>>
      %dma_start3A_424 = arith.constant 0 : i32
      %dma_start3A_425 = tpu.memref_slice %arg10[%add3A_330, %dma_start3A_424] : memref<10240x128xf32, #tpu.memory_space<vmem_shared>> -> memref<128x128xf32, #tpu.memory_space<vmem_shared>>
      tpu.enqueue_dma source(%dma_start3A_425 : memref<128x128xf32, #tpu.memory_space<vmem_shared>>) target(%dma_start3A_423 : memref<128x128xf32, #tpu.memory_space<vmem>>) target_semaphore(%run_scoped3A_415 : memref<!tpu.dma_semaphore, #tpu.memory_space<semaphore_mem>>)
      %dma_wait3A_426 = arith.constant 128 : i32
      %dma_wait3A_427 = arith.constant 0 : i32
      %dma_wait3A_428 = tpu.memref_slice %arg8[%dma_wait3A_426, %dma_wait3A_427] : memref<256x128xf32, #tpu.memory_space<vmem>> -> memref<128x128xf32, #tpu.memory_space<vmem>>
      %dma_wait3A_429 = arith.constant 0 : i32
      %dma_wait3A_430 = tpu.memref_slice %arg10[%add3A_330, %dma_wait3A_429] : memref<10240x128xf32, #tpu.memory_space<vmem_shared>> -> memref<128x128xf32, #tpu.memory_space<vmem_shared>>
      %dma_wait3A_431 = arith.constant 128 : i32
      %dma_wait3A_432 = arith.constant 0 : i32
      %dma_wait3A_433 = tpu.memref_slice %arg8[%dma_wait3A_431, %dma_wait3A_432] : memref<256x128xf32, #tpu.memory_space<vmem>> -> memref<128x128xf32, #tpu.memory_space<vmem>>
      %dma_wait3A_434 = arith.constant 0 : i32
      %dma_wait3A_435 = tpu.memref_slice %arg10[%add3A_330, %dma_wait3A_434] : memref<10240x128xf32, #tpu.memory_space<vmem_shared>> -> memref<128x128xf32, #tpu.memory_space<vmem_shared>>
      tpu.wait_dma2 semaphore(%run_scoped3A_415 : memref<!tpu.dma_semaphore, #tpu.memory_space<semaphore_mem>>) src(%dma_wait3A_435 : memref<128x128xf32, #tpu.memory_space<vmem_shared>>) dst(%dma_wait3A_433 : memref<128x128xf32, #tpu.memory_space<vmem>>)
      tpu.yield
    }) : () -> ()
    %dma_start3A_345 = arith.constant 128 : i32
    %dma_start3A_346 = arith.constant 0 : i32
    %dma_start3A_347 = tpu.memref_slice %arg8[%dma_start3A_345, %dma_start3A_346] : memref<256x128xf32, #tpu.memory_space<vmem>> -> memref<128x128xf32, #tpu.memory_space<vmem>>
    %dma_start3A_348 = arith.constant 0 : i32
    %dma_start3A_349 = tpu.memref_slice %arg5[%arg0, %add3A_330, %dma_start3A_348] : memref<2x10240x128xf32, #tpu.memory_space<hbm>> -> memref<1x128x128xf32, #tpu.memory_space<hbm>>
    %dma_start3A_350 = tpu.memref_squeeze %dma_start3A_349 : memref<1x128x128xf32, #tpu.memory_space<hbm>> -> memref<128x128xf32, #tpu.memory_space<hbm>>
    %dma_start3A_351 = arith.constant 0 : i32
    %dma_start3A_352 = tpu.memref_slice %arg5[%arg0, %add3A_330, %dma_start3A_351] : memref<2x10240x128xf32, #tpu.memory_space<hbm>> -> memref<1x128x128xf32, #tpu.memory_space<hbm>>
    %dma_start3A_353 = tpu.memref_squeeze %dma_start3A_352 : memref<1x128x128xf32, #tpu.memory_space<hbm>> -> memref<128x128xf32, #tpu.memory_space<hbm>>
    %dma_start3A_354 = arith.constant 128 : i32
    %dma_start3A_355 = arith.constant 0 : i32
    %dma_start3A_356 = tpu.memref_slice %arg8[%dma_start3A_354, %dma_start3A_355] : memref<256x128xf32, #tpu.memory_space<vmem>> -> memref<128x128xf32, #tpu.memory_space<vmem>>
    tpu.enqueue_dma source(%dma_start3A_356 : memref<128x128xf32, #tpu.memory_space<vmem>>) target(%dma_start3A_353 : memref<128x128xf32, #tpu.memory_space<hbm>>) target_semaphore(%arg20 : memref<!tpu.dma_semaphore, #tpu.memory_space<semaphore_mem>>)
    %mul3A_357 = arith.constant 640 : i32
    %mul3A_358 = arith.muli %arg1, %mul3A_357 : i32
    %add3A_359 = arith.constant 512 : i32
    %add3A_360 = arith.addi %mul3A_358, %add3A_359 : i32
    %mul3A_361 = arith.constant 640 : i32
    %mul3A_362 = arith.muli %arg1, %mul3A_361 : i32
    %dma_wait3A_363 = arith.constant 0 : i32
    %dma_wait3A_364 = arith.constant 0 : i32
    %dma_wait3A_365 = tpu.memref_slice %arg8[%dma_wait3A_363, %dma_wait3A_364] : memref<256x128xf32, #tpu.memory_space<vmem>> -> memref<128x128xf32, #tpu.memory_space<vmem>>
    %dma_wait3A_366 = arith.constant 0 : i32
    %dma_wait3A_367 = tpu.memref_slice %arg5[%arg0, %mul3A_362, %dma_wait3A_366] : memref<2x10240x128xf32, #tpu.memory_space<hbm>> -> memref<1x128x128xf32, #tpu.memory_space<hbm>>
    %dma_wait3A_368 = tpu.memref_squeeze %dma_wait3A_367 : memref<1x128x128xf32, #tpu.memory_space<hbm>> -> memref<128x128xf32, #tpu.memory_space<hbm>>
    %dma_wait3A_369 = arith.constant 0 : i32
    %dma_wait3A_370 = tpu.memref_slice %arg5[%arg0, %mul3A_362, %dma_wait3A_369] : memref<2x10240x128xf32, #tpu.memory_space<hbm>> -> memref<1x128x128xf32, #tpu.memory_space<hbm>>
    %dma_wait3A_371 = tpu.memref_squeeze %dma_wait3A_370 : memref<1x128x128xf32, #tpu.memory_space<hbm>> -> memref<128x128xf32, #tpu.memory_space<hbm>>
    %dma_wait3A_372 = arith.constant 0 : i32
    %dma_wait3A_373 = arith.constant 0 : i32
    %dma_wait3A_374 = tpu.memref_slice %arg8[%dma_wait3A_372, %dma_wait3A_373] : memref<256x128xf32, #tpu.memory_space<vmem>> -> memref<128x128xf32, #tpu.memory_space<vmem>>
    tpu.wait_dma2 semaphore(%arg20 : memref<!tpu.dma_semaphore, #tpu.memory_space<semaphore_mem>>) src(%dma_wait3A_374 : memref<128x128xf32, #tpu.memory_space<vmem>>) dst(%dma_wait3A_371 : memref<128x128xf32, #tpu.memory_space<hbm>>)
    "tpu.region"() ({
      %run_scoped3A_415 = tpu.sem_alloc : memref<!tpu.dma_semaphore, #tpu.memory_space<semaphore_mem>>
      %dma_start3A_416 = arith.constant 0 : i32
      %dma_start3A_417 = arith.constant 0 : i32
      %dma_start3A_418 = tpu.memref_slice %arg8[%dma_start3A_416, %dma_start3A_417] : memref<256x128xf32, #tpu.memory_space<vmem>> -> memref<128x128xf32, #tpu.memory_space<vmem>>
      %dma_start3A_419 = arith.constant 0 : i32
      %dma_start3A_420 = tpu.memref_slice %arg10[%add3A_360, %dma_start3A_419] : memref<10240x128xf32, #tpu.memory_space<vmem_shared>> -> memref<128x128xf32, #tpu.memory_space<vmem_shared>>
      %dma_start3A_421 = arith.constant 0 : i32
      %dma_start3A_422 = arith.constant 0 : i32
      %dma_start3A_423 = tpu.memref_slice %arg8[%dma_start3A_421, %dma_start3A_422] : memref<256x128xf32, #tpu.memory_space<vmem>> -> memref<128x128xf32, #tpu.memory_space<vmem>>
      %dma_start3A_424 = arith.constant 0 : i32
      %dma_start3A_425 = tpu.memref_slice %arg10[%add3A_360, %dma_start3A_424] : memref<10240x128xf32, #tpu.memory_space<vmem_shared>> -> memref<128x128xf32, #tpu.memory_space<vmem_shared>>
      tpu.enqueue_dma source(%dma_start3A_425 : memref<128x128xf32, #tpu.memory_space<vmem_shared>>) target(%dma_start3A_423 : memref<128x128xf32, #tpu.memory_space<vmem>>) target_semaphore(%run_scoped3A_415 : memref<!tpu.dma_semaphore, #tpu.memory_space<semaphore_mem>>)
      %dma_wait3A_426 = arith.constant 0 : i32
      %dma_wait3A_427 = arith.constant 0 : i32
      %dma_wait3A_428 = tpu.memref_slice %arg8[%dma_wait3A_426, %dma_wait3A_427] : memref<256x128xf32, #tpu.memory_space<vmem>> -> memref<128x128xf32, #tpu.memory_space<vmem>>
      %dma_wait3A_429 = arith.constant 0 : i32
      %dma_wait3A_430 = tpu.memref_slice %arg10[%add3A_360, %dma_wait3A_429] : memref<10240x128xf32, #tpu.memory_space<vmem_shared>> -> memref<128x128xf32, #tpu.memory_space<vmem_shared>>
      %dma_wait3A_431 = arith.constant 0 : i32
      %dma_wait3A_432 = arith.constant 0 : i32
      %dma_wait3A_433 = tpu.memref_slice %arg8[%dma_wait3A_431, %dma_wait3A_432] : memref<256x128xf32, #tpu.memory_space<vmem>> -> memref<128x128xf32, #tpu.memory_space<vmem>>
      %dma_wait3A_434 = arith.constant 0 : i32
      %dma_wait3A_435 = tpu.memref_slice %arg10[%add3A_360, %dma_wait3A_434] : memref<10240x128xf32, #tpu.memory_space<vmem_shared>> -> memref<128x128xf32, #tpu.memory_space<vmem_shared>>
      tpu.wait_dma2 semaphore(%run_scoped3A_415 : memref<!tpu.dma_semaphore, #tpu.memory_space<semaphore_mem>>) src(%dma_wait3A_435 : memref<128x128xf32, #tpu.memory_space<vmem_shared>>) dst(%dma_wait3A_433 : memref<128x128xf32, #tpu.memory_space<vmem>>)
      tpu.yield
    }) : () -> ()
    %dma_start3A_375 = arith.constant 0 : i32
    %dma_start3A_376 = arith.constant 0 : i32
    %dma_start3A_377 = tpu.memref_slice %arg8[%dma_start3A_375, %dma_start3A_376] : memref<256x128xf32, #tpu.memory_space<vmem>> -> memref<128x128xf32, #tpu.memory_space<vmem>>
    %dma_start3A_378 = arith.constant 0 : i32
    %dma_start3A_379 = tpu.memref_slice %arg5[%arg0, %add3A_360, %dma_start3A_378] : memref<2x10240x128xf32, #tpu.memory_space<hbm>> -> memref<1x128x128xf32, #tpu.memory_space<hbm>>
    %dma_start3A_380 = tpu.memref_squeeze %dma_start3A_379 : memref<1x128x128xf32, #tpu.memory_space<hbm>> -> memref<128x128xf32, #tpu.memory_space<hbm>>
    %dma_start3A_381 = arith.constant 0 : i32
    %dma_start3A_382 = tpu.memref_slice %arg5[%arg0, %add3A_360, %dma_start3A_381] : memref<2x10240x128xf32, #tpu.memory_space<hbm>> -> memref<1x128x128xf32, #tpu.memory_space<hbm>>
    %dma_start3A_383 = tpu.memref_squeeze %dma_start3A_382 : memref<1x128x128xf32, #tpu.memory_space<hbm>> -> memref<128x128xf32, #tpu.memory_space<hbm>>
    %dma_start3A_384 = arith.constant 0 : i32
    %dma_start3A_385 = arith.constant 0 : i32
    %dma_start3A_386 = tpu.memref_slice %arg8[%dma_start3A_384, %dma_start3A_385] : memref<256x128xf32, #tpu.memory_space<vmem>> -> memref<128x128xf32, #tpu.memory_space<vmem>>
    tpu.enqueue_dma source(%dma_start3A_386 : memref<128x128xf32, #tpu.memory_space<vmem>>) target(%dma_start3A_383 : memref<128x128xf32, #tpu.memory_space<hbm>>) target_semaphore(%arg20 : memref<!tpu.dma_semaphore, #tpu.memory_space<semaphore_mem>>)
    %mul3A_387 = arith.constant 640 : i32
    %mul3A_388 = arith.muli %arg1, %mul3A_387 : i32
    %dma_wait3A_389 = arith.constant 0 : i32
    %dma_wait3A_390 = arith.constant 0 : i32
    %dma_wait3A_391 = tpu.memref_slice %arg8[%dma_wait3A_389, %dma_wait3A_390] : memref<256x128xf32, #tpu.memory_space<vmem>> -> memref<128x128xf32, #tpu.memory_space<vmem>>
    %dma_wait3A_392 = arith.constant 0 : i32
    %dma_wait3A_393 = tpu.memref_slice %arg5[%arg0, %mul3A_388, %dma_wait3A_392] : memref<2x10240x128xf32, #tpu.memory_space<hbm>> -> memref<1x128x128xf32, #tpu.memory_space<hbm>>
    %dma_wait3A_394 = tpu.memref_squeeze %dma_wait3A_393 : memref<1x128x128xf32, #tpu.memory_space<hbm>> -> memref<128x128xf32, #tpu.memory_space<hbm>>
    %dma_wait3A_395 = arith.constant 0 : i32
    %dma_wait3A_396 = tpu.memref_slice %arg5[%arg0, %mul3A_388, %dma_wait3A_395] : memref<2x10240x128xf32, #tpu.memory_space<hbm>> -> memref<1x128x128xf32, #tpu.memory_space<hbm>>
    %dma_wait3A_397 = tpu.memref_squeeze %dma_wait3A_396 : memref<1x128x128xf32, #tpu.memory_space<hbm>> -> memref<128x128xf32, #tpu.memory_space<hbm>>
    %dma_wait3A_398 = arith.constant 0 : i32
    %dma_wait3A_399 = arith.constant 0 : i32
    %dma_wait3A_400 = tpu.memref_slice %arg8[%dma_wait3A_398, %dma_wait3A_399] : memref<256x128xf32, #tpu.memory_space<vmem>> -> memref<128x128xf32, #tpu.memory_space<vmem>>
    tpu.wait_dma2 semaphore(%arg20 : memref<!tpu.dma_semaphore, #tpu.memory_space<semaphore_mem>>) src(%dma_wait3A_400 : memref<128x128xf32, #tpu.memory_space<vmem>>) dst(%dma_wait3A_397 : memref<128x128xf32, #tpu.memory_space<hbm>>)
    %mul3A_401 = arith.constant 640 : i32
    %mul3A_402 = arith.muli %arg1, %mul3A_401 : i32
    %dma_wait3A_403 = arith.constant 0 : i32
    %dma_wait3A_404 = arith.constant 0 : i32
    %dma_wait3A_405 = tpu.memref_slice %arg8[%dma_wait3A_403, %dma_wait3A_404] : memref<256x128xf32, #tpu.memory_space<vmem>> -> memref<128x128xf32, #tpu.memory_space<vmem>>
    %dma_wait3A_406 = arith.constant 0 : i32
    %dma_wait3A_407 = tpu.memref_slice %arg5[%arg0, %mul3A_402, %dma_wait3A_406] : memref<2x10240x128xf32, #tpu.memory_space<hbm>> -> memref<1x128x128xf32, #tpu.memory_space<hbm>>
    %dma_wait3A_408 = tpu.memref_squeeze %dma_wait3A_407 : memref<1x128x128xf32, #tpu.memory_space<hbm>> -> memref<128x128xf32, #tpu.memory_space<hbm>>
    %dma_wait3A_409 = arith.constant 0 : i32
    %dma_wait3A_410 = tpu.memref_slice %arg5[%arg0, %mul3A_402, %dma_wait3A_409] : memref<2x10240x128xf32, #tpu.memory_space<hbm>> -> memref<1x128x128xf32, #tpu.memory_space<hbm>>
    %dma_wait3A_411 = tpu.memref_squeeze %dma_wait3A_410 : memref<1x128x128xf32, #tpu.memory_space<hbm>> -> memref<128x128xf32, #tpu.memory_space<hbm>>
    %dma_wait3A_412 = arith.constant 0 : i32
    %dma_wait3A_413 = arith.constant 0 : i32
    %dma_wait3A_414 = tpu.memref_slice %arg8[%dma_wait3A_412, %dma_wait3A_413] : memref<256x128xf32, #tpu.memory_space<vmem>> -> memref<128x128xf32, #tpu.memory_space<vmem>>
    tpu.wait_dma2 semaphore(%arg20 : memref<!tpu.dma_semaphore, #tpu.memory_space<semaphore_mem>>) src(%dma_wait3A_414 : memref<128x128xf32, #tpu.memory_space<vmem>>) dst(%dma_wait3A_411 : memref<128x128xf32, #tpu.memory_space<hbm>>)
    return
  }
}

#map = affine_map<(d0, d1) -> (0, 0)>
#map1 = affine_map<(d0, d1) -> (0, 0, 0)>
module attributes {stable_mosaic.version = 14 : i64} {
  func.func @_sc_agg_body(%arg0: i32, %arg1: i32, %arg2: memref<10240x128xf32, #tpu.memory_space<hbm>>, %arg3: memref<5120x64xi32, #tpu.memory_space<hbm>>, %arg4: memref<5120x64xi32, #tpu.memory_space<hbm>>, %arg5: memref<2x10240x128xf32, #tpu.memory_space<hbm>>, %arg6: memref<3x8x64xi32, #tpu.memory_space<vmem>>, %arg7: memref<3x8x64xi32, #tpu.memory_space<vmem>>, %arg8: memref<256x128xf32, #tpu.memory_space<vmem>>, %arg9: memref<1x64xi32, #tpu.memory_space<vmem>>, %arg10: memref<10240x128xf32, #tpu.memory_space<vmem_shared>>, %arg11: memref<!tpu.dma_semaphore, #tpu.memory_space<semaphore_mem>>, %arg12: memref<!tpu.dma_semaphore, #tpu.memory_space<semaphore_mem>>, %arg13: memref<!tpu.dma_semaphore, #tpu.memory_space<semaphore_mem>>, %arg14: memref<!tpu.dma_semaphore, #tpu.memory_space<semaphore_mem>>, %arg15: memref<!tpu.dma_semaphore, #tpu.memory_space<semaphore_mem>>, %arg16: memref<!tpu.dma_semaphore, #tpu.memory_space<semaphore_mem>>, %arg17: memref<!tpu.dma_semaphore, #tpu.memory_space<semaphore_mem>>, %arg18: memref<!tpu.dma_semaphore, #tpu.memory_space<semaphore_mem>>, %arg19: memref<!tpu.dma_semaphore, #tpu.memory_space<semaphore_mem>>, %arg20: memref<!tpu.dma_semaphore, #tpu.memory_space<semaphore_mem>>) attributes {dimension_semantics = [#tpu.dimension_semantics<core_parallel>, #tpu.dimension_semantics<subcore_parallel>], iteration_bounds = array<i64: 2, 16>, scalar_prefetch = 0 : i64, scratch_operands = 15 : i64, tpu.core_type = #tpu.core_type<sc_vector_subcore>, window_params = [{transform_indices = #map}, {transform_indices = #map}, {transform_indices = #map}, {transform_indices = #map1}]} {
    %mul3A = arith.constant 16 : i32
    %mul3A_0 = arith.muli %arg0, %mul3A : i32
    %add3A = arith.addi %mul3A_0, %arg1 : i32
    %mul3A_1 = arith.constant 160 : i32
    %mul3A_2 = arith.muli %add3A, %mul3A_1 : i32
    %scan3A = arith.constant 0 : i32
    %scan3A_3 = arith.constant 0 : i32
    %scan3A_4 = arith.constant 128 : i32
    %scan3A_5 = arith.addi %scan3A_3, %scan3A_4 : i32
    %scan3A_6 = arith.constant 1 : i32
    scf.for %scan3A_415 = %scan3A_3 to %scan3A_5 step %scan3A_6  : i32 {
      %broadcast_in_dim3A_416 = arith.constant 0.000000e+00 : f32
      %broadcast_in_dim3A_417 = vector.broadcast %broadcast_in_dim3A_416 : f32 to vector<16xf32>
      %swap3A_418 = arith.index_cast %scan3A_415 : i32 to index
      %swap3A_419 = arith.constant 0 : index
      %swap3A_420 = tpu.vector_load %arg8[%swap3A_418, %swap3A_419] {strides = array<i32>} : memref<256x128xf32, #tpu.memory_space<vmem>>, vector<1x16xf32>,
      %swap3A_421 = vector.shape_cast %swap3A_420 : vector<1x16xf32> to vector<16xf32>
      %swap3A_422 = vector.shape_cast %broadcast_in_dim3A_417 : vector<16xf32> to vector<1x16xf32>
      tpu.vector_store %arg8[%swap3A_418, %swap3A_419], %swap3A_422 {strides = array<i32>} : memref<256x128xf32, #tpu.memory_space<vmem>>, vector<1x16xf32>,
      %broadcast_in_dim3A_423 = arith.constant 0.000000e+00 : f32
      %broadcast_in_dim3A_424 = vector.broadcast %broadcast_in_dim3A_423 : f32 to vector<16xf32>
      %swap3A_425 = arith.index_cast %scan3A_415 : i32 to index
      %swap3A_426 = arith.constant 16 : index
      %swap3A_427 = tpu.vector_load %arg8[%swap3A_425, %swap3A_426] {strides = array<i32>} : memref<256x128xf32, #tpu.memory_space<vmem>>, vector<1x16xf32>,
      %swap3A_428 = vector.shape_cast %swap3A_427 : vector<1x16xf32> to vector<16xf32>
      %swap3A_429 = vector.shape_cast %broadcast_in_dim3A_424 : vector<16xf32> to vector<1x16xf32>
      tpu.vector_store %arg8[%swap3A_425, %swap3A_426], %swap3A_429 {strides = array<i32>} : memref<256x128xf32, #tpu.memory_space<vmem>>, vector<1x16xf32>,
      %broadcast_in_dim3A_430 = arith.constant 0.000000e+00 : f32
      %broadcast_in_dim3A_431 = vector.broadcast %broadcast_in_dim3A_430 : f32 to vector<16xf32>
      %swap3A_432 = arith.index_cast %scan3A_415 : i32 to index
      %swap3A_433 = arith.constant 32 : index
      %swap3A_434 = tpu.vector_load %arg8[%swap3A_432, %swap3A_433] {strides = array<i32>} : memref<256x128xf32, #tpu.memory_space<vmem>>, vector<1x16xf32>,
      %swap3A_435 = vector.shape_cast %swap3A_434 : vector<1x16xf32> to vector<16xf32>
      %swap3A_436 = vector.shape_cast %broadcast_in_dim3A_431 : vector<16xf32> to vector<1x16xf32>
      tpu.vector_store %arg8[%swap3A_432, %swap3A_433], %swap3A_436 {strides = array<i32>} : memref<256x128xf32, #tpu.memory_space<vmem>>, vector<1x16xf32>,
      %broadcast_in_dim3A_437 = arith.constant 0.000000e+00 : f32
      %broadcast_in_dim3A_438 = vector.broadcast %broadcast_in_dim3A_437 : f32 to vector<16xf32>
      %swap3A_439 = arith.index_cast %scan3A_415 : i32 to index
      %swap3A_440 = arith.constant 48 : index
      %swap3A_441 = tpu.vector_load %arg8[%swap3A_439, %swap3A_440] {strides = array<i32>} : memref<256x128xf32, #tpu.memory_space<vmem>>, vector<1x16xf32>,
      %swap3A_442 = vector.shape_cast %swap3A_441 : vector<1x16xf32> to vector<16xf32>
      %swap3A_443 = vector.shape_cast %broadcast_in_dim3A_438 : vector<16xf32> to vector<1x16xf32>
      tpu.vector_store %arg8[%swap3A_439, %swap3A_440], %swap3A_443 {strides = array<i32>} : memref<256x128xf32, #tpu.memory_space<vmem>>, vector<1x16xf32>,
      %broadcast_in_dim3A_444 = arith.constant 0.000000e+00 : f32
      %broadcast_in_dim3A_445 = vector.broadcast %broadcast_in_dim3A_444 : f32 to vector<16xf32>
      %swap3A_446 = arith.index_cast %scan3A_415 : i32 to index
      %swap3A_447 = arith.constant 64 : index
      %swap3A_448 = tpu.vector_load %arg8[%swap3A_446, %swap3A_447] {strides = array<i32>} : memref<256x128xf32, #tpu.memory_space<vmem>>, vector<1x16xf32>,
      %swap3A_449 = vector.shape_cast %swap3A_448 : vector<1x16xf32> to vector<16xf32>
      %swap3A_450 = vector.shape_cast %broadcast_in_dim3A_445 : vector<16xf32> to vector<1x16xf32>
      tpu.vector_store %arg8[%swap3A_446, %swap3A_447], %swap3A_450 {strides = array<i32>} : memref<256x128xf32, #tpu.memory_space<vmem>>, vector<1x16xf32>,
      %broadcast_in_dim3A_451 = arith.constant 0.000000e+00 : f32
      %broadcast_in_dim3A_452 = vector.broadcast %broadcast_in_dim3A_451 : f32 to vector<16xf32>
      %swap3A_453 = arith.index_cast %scan3A_415 : i32 to index
      %swap3A_454 = arith.constant 80 : index
      %swap3A_455 = tpu.vector_load %arg8[%swap3A_453, %swap3A_454] {strides = array<i32>} : memref<256x128xf32, #tpu.memory_space<vmem>>, vector<1x16xf32>,
      %swap3A_456 = vector.shape_cast %swap3A_455 : vector<1x16xf32> to vector<16xf32>
      %swap3A_457 = vector.shape_cast %broadcast_in_dim3A_452 : vector<16xf32> to vector<1x16xf32>
      tpu.vector_store %arg8[%swap3A_453, %swap3A_454], %swap3A_457 {strides = array<i32>} : memref<256x128xf32, #tpu.memory_space<vmem>>, vector<1x16xf32>,
      %broadcast_in_dim3A_458 = arith.constant 0.000000e+00 : f32
      %broadcast_in_dim3A_459 = vector.broadcast %broadcast_in_dim3A_458 : f32 to vector<16xf32>
      %swap3A_460 = arith.index_cast %scan3A_415 : i32 to index
      %swap3A_461 = arith.constant 96 : index
      %swap3A_462 = tpu.vector_load %arg8[%swap3A_460, %swap3A_461] {strides = array<i32>} : memref<256x128xf32, #tpu.memory_space<vmem>>, vector<1x16xf32>,
      %swap3A_463 = vector.shape_cast %swap3A_462 : vector<1x16xf32> to vector<16xf32>
      %swap3A_464 = vector.shape_cast %broadcast_in_dim3A_459 : vector<16xf32> to vector<1x16xf32>
      tpu.vector_store %arg8[%swap3A_460, %swap3A_461], %swap3A_464 {strides = array<i32>} : memref<256x128xf32, #tpu.memory_space<vmem>>, vector<1x16xf32>,
      %broadcast_in_dim3A_465 = arith.constant 0.000000e+00 : f32
      %broadcast_in_dim3A_466 = vector.broadcast %broadcast_in_dim3A_465 : f32 to vector<16xf32>
      %swap3A_467 = arith.index_cast %scan3A_415 : i32 to index
      %swap3A_468 = arith.constant 112 : index
      %swap3A_469 = tpu.vector_load %arg8[%swap3A_467, %swap3A_468] {strides = array<i32>} : memref<256x128xf32, #tpu.memory_space<vmem>>, vector<1x16xf32>,
      %swap3A_470 = vector.shape_cast %swap3A_469 : vector<1x16xf32> to vector<16xf32>
      %swap3A_471 = vector.shape_cast %broadcast_in_dim3A_466 : vector<16xf32> to vector<1x16xf32>
      tpu.vector_store %arg8[%swap3A_467, %swap3A_468], %swap3A_471 {strides = array<i32>} : memref<256x128xf32, #tpu.memory_space<vmem>>, vector<1x16xf32>,
    }
    %scan3A_7 = arith.constant 128 : i32
    %mul3A_8 = arith.constant 640 : i32
    %mul3A_9 = arith.muli %arg1, %mul3A_8 : i32
    %add3A_10 = arith.constant 0 : i32
    %add3A_11 = arith.addi %mul3A_9, %add3A_10 : i32
    %dma_start3A = arith.constant 0 : i32
    %dma_start3A_12 = arith.constant 0 : i32
    %dma_start3A_13 = tpu.memref_slice %arg8[%dma_start3A, %dma_start3A_12] : memref<256x128xf32, #tpu.memory_space<vmem>> -> memref<128x128xf32, #tpu.memory_space<vmem>>
    %dma_start3A_14 = arith.constant 0 : i32
    %dma_start3A_15 = tpu.memref_slice %arg10[%add3A_11, %dma_start3A_14] : memref<10240x128xf32, #tpu.memory_space<vmem_shared>> -> memref<128x128xf32, #tpu.memory_space<vmem_shared>>
    %dma_start3A_16 = arith.constant 0 : i32
    %dma_start3A_17 = tpu.memref_slice %arg10[%add3A_11, %dma_start3A_16] : memref<10240x128xf32, #tpu.memory_space<vmem_shared>> -> memref<128x128xf32, #tpu.memory_space<vmem_shared>>
    %dma_start3A_18 = arith.constant 0 : i32
    %dma_start3A_19 = arith.constant 0 : i32
    %dma_start3A_20 = tpu.memref_slice %arg8[%dma_start3A_18, %dma_start3A_19] : memref<256x128xf32, #tpu.memory_space<vmem>> -> memref<128x128xf32, #tpu.memory_space<vmem>>
    tpu.enqueue_dma source(%dma_start3A_20 : memref<128x128xf32, #tpu.memory_space<vmem>>) target(%dma_start3A_17 : memref<128x128xf32, #tpu.memory_space<vmem_shared>>) target_semaphore(%arg19 : memref<!tpu.dma_semaphore, #tpu.memory_space<semaphore_mem>>)
    %mul3A_21 = arith.constant 640 : i32
    %mul3A_22 = arith.muli %arg1, %mul3A_21 : i32
    %add3A_23 = arith.constant 128 : i32
    %add3A_24 = arith.addi %mul3A_22, %add3A_23 : i32
    %dma_start3A_25 = arith.constant 0 : i32
    %dma_start3A_26 = arith.constant 0 : i32
    %dma_start3A_27 = tpu.memref_slice %arg8[%dma_start3A_25, %dma_start3A_26] : memref<256x128xf32, #tpu.memory_space<vmem>> -> memref<128x128xf32, #tpu.memory_space<vmem>>
    %dma_start3A_28 = arith.constant 0 : i32
    %dma_start3A_29 = tpu.memref_slice %arg10[%add3A_24, %dma_start3A_28] : memref<10240x128xf32, #tpu.memory_space<vmem_shared>> -> memref<128x128xf32, #tpu.memory_space<vmem_shared>>
    %dma_start3A_30 = arith.constant 0 : i32
    %dma_start3A_31 = tpu.memref_slice %arg10[%add3A_24, %dma_start3A_30] : memref<10240x128xf32, #tpu.memory_space<vmem_shared>> -> memref<128x128xf32, #tpu.memory_space<vmem_shared>>
    %dma_start3A_32 = arith.constant 0 : i32
    %dma_start3A_33 = arith.constant 0 : i32
    %dma_start3A_34 = tpu.memref_slice %arg8[%dma_start3A_32, %dma_start3A_33] : memref<256x128xf32, #tpu.memory_space<vmem>> -> memref<128x128xf32, #tpu.memory_space<vmem>>
    tpu.enqueue_dma source(%dma_start3A_34 : memref<128x128xf32, #tpu.memory_space<vmem>>) target(%dma_start3A_31 : memref<128x128xf32, #tpu.memory_space<vmem_shared>>) target_semaphore(%arg19 : memref<!tpu.dma_semaphore, #tpu.memory_space<semaphore_mem>>)
    %mul3A_35 = arith.constant 640 : i32
    %mul3A_36 = arith.muli %arg1, %mul3A_35 : i32
    %add3A_37 = arith.constant 256 : i32
    %add3A_38 = arith.addi %mul3A_36, %add3A_37 : i32
    %dma_start3A_39 = arith.constant 0 : i32
    %dma_start3A_40 = arith.constant 0 : i32
    %dma_start3A_41 = tpu.memref_slice %arg8[%dma_start3A_39, %dma_start3A_40] : memref<256x128xf32, #tpu.memory_space<vmem>> -> memref<128x128xf32, #tpu.memory_space<vmem>>
    %dma_start3A_42 = arith.constant 0 : i32
    %dma_start3A_43 = tpu.memref_slice %arg10[%add3A_38, %dma_start3A_42] : memref<10240x128xf32, #tpu.memory_space<vmem_shared>> -> memref<128x128xf32, #tpu.memory_space<vmem_shared>>
    %dma_start3A_44 = arith.constant 0 : i32
    %dma_start3A_45 = tpu.memref_slice %arg10[%add3A_38, %dma_start3A_44] : memref<10240x128xf32, #tpu.memory_space<vmem_shared>> -> memref<128x128xf32, #tpu.memory_space<vmem_shared>>
    %dma_start3A_46 = arith.constant 0 : i32
    %dma_start3A_47 = arith.constant 0 : i32
    %dma_start3A_48 = tpu.memref_slice %arg8[%dma_start3A_46, %dma_start3A_47] : memref<256x128xf32, #tpu.memory_space<vmem>> -> memref<128x128xf32, #tpu.memory_space<vmem>>
    tpu.enqueue_dma source(%dma_start3A_48 : memref<128x128xf32, #tpu.memory_space<vmem>>) target(%dma_start3A_45 : memref<128x128xf32, #tpu.memory_space<vmem_shared>>) target_semaphore(%arg19 : memref<!tpu.dma_semaphore, #tpu.memory_space<semaphore_mem>>)
    %mul3A_49 = arith.constant 640 : i32
    %mul3A_50 = arith.muli %arg1, %mul3A_49 : i32
    %add3A_51 = arith.constant 384 : i32
    %add3A_52 = arith.addi %mul3A_50, %add3A_51 : i32
    %dma_start3A_53 = arith.constant 0 : i32
    %dma_start3A_54 = arith.constant 0 : i32
    %dma_start3A_55 = tpu.memref_slice %arg8[%dma_start3A_53, %dma_start3A_54] : memref<256x128xf32, #tpu.memory_space<vmem>> -> memref<128x128xf32, #tpu.memory_space<vmem>>
    %dma_start3A_56 = arith.constant 0 : i32
    %dma_start3A_57 = tpu.memref_slice %arg10[%add3A_52, %dma_start3A_56] : memref<10240x128xf32, #tpu.memory_space<vmem_shared>> -> memref<128x128xf32, #tpu.memory_space<vmem_shared>>
    %dma_start3A_58 = arith.constant 0 : i32
    %dma_start3A_59 = tpu.memref_slice %arg10[%add3A_52, %dma_start3A_58] : memref<10240x128xf32, #tpu.memory_space<vmem_shared>> -> memref<128x128xf32, #tpu.memory_space<vmem_shared>>
    %dma_start3A_60 = arith.constant 0 : i32
    %dma_start3A_61 = arith.constant 0 : i32
    %dma_start3A_62 = tpu.memref_slice %arg8[%dma_start3A_60, %dma_start3A_61] : memref<256x128xf32, #tpu.memory_space<vmem>> -> memref<128x128xf32, #tpu.memory_space<vmem>>
    tpu.enqueue_dma source(%dma_start3A_62 : memref<128x128xf32, #tpu.memory_space<vmem>>) target(%dma_start3A_59 : memref<128x128xf32, #tpu.memory_space<vmem_shared>>) target_semaphore(%arg19 : memref<!tpu.dma_semaphore, #tpu.memory_space<semaphore_mem>>)
    %mul3A_63 = arith.constant 640 : i32
    %mul3A_64 = arith.muli %arg1, %mul3A_63 : i32
    %add3A_65 = arith.constant 512 : i32
    %add3A_66 = arith.addi %mul3A_64, %add3A_65 : i32
    %dma_start3A_67 = arith.constant 0 : i32
    %dma_start3A_68 = arith.constant 0 : i32
    %dma_start3A_69 = tpu.memref_slice %arg8[%dma_start3A_67, %dma_start3A_68] : memref<256x128xf32, #tpu.memory_space<vmem>> -> memref<128x128xf32, #tpu.memory_space<vmem>>
    %dma_start3A_70 = arith.constant 0 : i32
    %dma_start3A_71 = tpu.memref_slice %arg10[%add3A_66, %dma_start3A_70] : memref<10240x128xf32, #tpu.memory_space<vmem_shared>> -> memref<128x128xf32, #tpu.memory_space<vmem_shared>>
    %dma_start3A_72 = arith.constant 0 : i32
    %dma_start3A_73 = tpu.memref_slice %arg10[%add3A_66, %dma_start3A_72] : memref<10240x128xf32, #tpu.memory_space<vmem_shared>> -> memref<128x128xf32, #tpu.memory_space<vmem_shared>>
    %dma_start3A_74 = arith.constant 0 : i32
    %dma_start3A_75 = arith.constant 0 : i32
    %dma_start3A_76 = tpu.memref_slice %arg8[%dma_start3A_74, %dma_start3A_75] : memref<256x128xf32, #tpu.memory_space<vmem>> -> memref<128x128xf32, #tpu.memory_space<vmem>>
    tpu.enqueue_dma source(%dma_start3A_76 : memref<128x128xf32, #tpu.memory_space<vmem>>) target(%dma_start3A_73 : memref<128x128xf32, #tpu.memory_space<vmem_shared>>) target_semaphore(%arg19 : memref<!tpu.dma_semaphore, #tpu.memory_space<semaphore_mem>>)
    %mul3A_77 = arith.constant 640 : i32
    %mul3A_78 = arith.muli %arg1, %mul3A_77 : i32
    %dma_wait3A = arith.constant 0 : i32
    %dma_wait3A_79 = arith.constant 0 : i32
    %dma_wait3A_80 = tpu.memref_slice %arg8[%dma_wait3A, %dma_wait3A_79] : memref<256x128xf32, #tpu.memory_space<vmem>> -> memref<128x128xf32, #tpu.memory_space<vmem>>
    %dma_wait3A_81 = arith.constant 0 : i32
    %dma_wait3A_82 = tpu.memref_slice %arg10[%mul3A_78, %dma_wait3A_81] : memref<10240x128xf32, #tpu.memory_space<vmem_shared>> -> memref<128x128xf32, #tpu.memory_space<vmem_shared>>
    %dma_wait3A_83 = arith.constant 0 : i32
    %dma_wait3A_84 = tpu.memref_slice %arg10[%mul3A_78, %dma_wait3A_83] : memref<10240x128xf32, #tpu.memory_space<vmem_shared>> -> memref<128x128xf32, #tpu.memory_space<vmem_shared>>
    %dma_wait3A_85 = arith.constant 0 : i32
    %dma_wait3A_86 = arith.constant 0 : i32
    %dma_wait3A_87 = tpu.memref_slice %arg8[%dma_wait3A_85, %dma_wait3A_86] : memref<256x128xf32, #tpu.memory_space<vmem>> -> memref<128x128xf32, #tpu.memory_space<vmem>>
    tpu.wait_dma2 semaphore(%arg19 : memref<!tpu.dma_semaphore, #tpu.memory_space<semaphore_mem>>) src(%dma_wait3A_87 : memref<128x128xf32, #tpu.memory_space<vmem>>) dst(%dma_wait3A_84 : memref<128x128xf32, #tpu.memory_space<vmem_shared>>)
    %mul3A_88 = arith.constant 640 : i32
    %mul3A_89 = arith.muli %arg1, %mul3A_88 : i32
    %dma_wait3A_90 = arith.constant 0 : i32
    %dma_wait3A_91 = arith.constant 0 : i32
    %dma_wait3A_92 = tpu.memref_slice %arg8[%dma_wait3A_90, %dma_wait3A_91] : memref<256x128xf32, #tpu.memory_space<vmem>> -> memref<128x128xf32, #tpu.memory_space<vmem>>
    %dma_wait3A_93 = arith.constant 0 : i32
    %dma_wait3A_94 = tpu.memref_slice %arg10[%mul3A_89, %dma_wait3A_93] : memref<10240x128xf32, #tpu.memory_space<vmem_shared>> -> memref<128x128xf32, #tpu.memory_space<vmem_shared>>
    %dma_wait3A_95 = arith.constant 0 : i32
    %dma_wait3A_96 = tpu.memref_slice %arg10[%mul3A_89, %dma_wait3A_95] : memref<10240x128xf32, #tpu.memory_space<vmem_shared>> -> memref<128x128xf32, #tpu.memory_space<vmem_shared>>
    %dma_wait3A_97 = arith.constant 0 : i32
    %dma_wait3A_98 = arith.constant 0 : i32
    %dma_wait3A_99 = tpu.memref_slice %arg8[%dma_wait3A_97, %dma_wait3A_98] : memref<256x128xf32, #tpu.memory_space<vmem>> -> memref<128x128xf32, #tpu.memory_space<vmem>>
    tpu.wait_dma2 semaphore(%arg19 : memref<!tpu.dma_semaphore, #tpu.memory_space<semaphore_mem>>) src(%dma_wait3A_99 : memref<128x128xf32, #tpu.memory_space<vmem>>) dst(%dma_wait3A_96 : memref<128x128xf32, #tpu.memory_space<vmem_shared>>)
    %mul3A_100 = arith.constant 640 : i32
    %mul3A_101 = arith.muli %arg1, %mul3A_100 : i32
    %dma_wait3A_102 = arith.constant 0 : i32
    %dma_wait3A_103 = arith.constant 0 : i32
    %dma_wait3A_104 = tpu.memref_slice %arg8[%dma_wait3A_102, %dma_wait3A_103] : memref<256x128xf32, #tpu.memory_space<vmem>> -> memref<128x128xf32, #tpu.memory_space<vmem>>
    %dma_wait3A_105 = arith.constant 0 : i32
    %dma_wait3A_106 = tpu.memref_slice %arg10[%mul3A_101, %dma_wait3A_105] : memref<10240x128xf32, #tpu.memory_space<vmem_shared>> -> memref<128x128xf32, #tpu.memory_space<vmem_shared>>
    %dma_wait3A_107 = arith.constant 0 : i32
    %dma_wait3A_108 = tpu.memref_slice %arg10[%mul3A_101, %dma_wait3A_107] : memref<10240x128xf32, #tpu.memory_space<vmem_shared>> -> memref<128x128xf32, #tpu.memory_space<vmem_shared>>
    %dma_wait3A_109 = arith.constant 0 : i32
    %dma_wait3A_110 = arith.constant 0 : i32
    %dma_wait3A_111 = tpu.memref_slice %arg8[%dma_wait3A_109, %dma_wait3A_110] : memref<256x128xf32, #tpu.memory_space<vmem>> -> memref<128x128xf32, #tpu.memory_space<vmem>>
    tpu.wait_dma2 semaphore(%arg19 : memref<!tpu.dma_semaphore, #tpu.memory_space<semaphore_mem>>) src(%dma_wait3A_111 : memref<128x128xf32, #tpu.memory_space<vmem>>) dst(%dma_wait3A_108 : memref<128x128xf32, #tpu.memory_space<vmem_shared>>)
    %mul3A_112 = arith.constant 640 : i32
    %mul3A_113 = arith.muli %arg1, %mul3A_112 : i32
    %dma_wait3A_114 = arith.constant 0 : i32
    %dma_wait3A_115 = arith.constant 0 : i32
    %dma_wait3A_116 = tpu.memref_slice %arg8[%dma_wait3A_114, %dma_wait3A_115] : memref<256x128xf32, #tpu.memory_space<vmem>> -> memref<128x128xf32, #tpu.memory_space<vmem>>
    %dma_wait3A_117 = arith.constant 0 : i32
    %dma_wait3A_118 = tpu.memref_slice %arg10[%mul3A_113, %dma_wait3A_117] : memref<10240x128xf32, #tpu.memory_space<vmem_shared>> -> memref<128x128xf32, #tpu.memory_space<vmem_shared>>
    %dma_wait3A_119 = arith.constant 0 : i32
    %dma_wait3A_120 = tpu.memref_slice %arg10[%mul3A_113, %dma_wait3A_119] : memref<10240x128xf32, #tpu.memory_space<vmem_shared>> -> memref<128x128xf32, #tpu.memory_space<vmem_shared>>
    %dma_wait3A_121 = arith.constant 0 : i32
    %dma_wait3A_122 = arith.constant 0 : i32
    %dma_wait3A_123 = tpu.memref_slice %arg8[%dma_wait3A_121, %dma_wait3A_122] : memref<256x128xf32, #tpu.memory_space<vmem>> -> memref<128x128xf32, #tpu.memory_space<vmem>>
    tpu.wait_dma2 semaphore(%arg19 : memref<!tpu.dma_semaphore, #tpu.memory_space<semaphore_mem>>) src(%dma_wait3A_123 : memref<128x128xf32, #tpu.memory_space<vmem>>) dst(%dma_wait3A_120 : memref<128x128xf32, #tpu.memory_space<vmem_shared>>)
    %mul3A_124 = arith.constant 640 : i32
    %mul3A_125 = arith.muli %arg1, %mul3A_124 : i32
    %dma_wait3A_126 = arith.constant 0 : i32
    %dma_wait3A_127 = arith.constant 0 : i32
    %dma_wait3A_128 = tpu.memref_slice %arg8[%dma_wait3A_126, %dma_wait3A_127] : memref<256x128xf32, #tpu.memory_space<vmem>> -> memref<128x128xf32, #tpu.memory_space<vmem>>
    %dma_wait3A_129 = arith.constant 0 : i32
    %dma_wait3A_130 = tpu.memref_slice %arg10[%mul3A_125, %dma_wait3A_129] : memref<10240x128xf32, #tpu.memory_space<vmem_shared>> -> memref<128x128xf32, #tpu.memory_space<vmem_shared>>
    %dma_wait3A_131 = arith.constant 0 : i32
    %dma_wait3A_132 = tpu.memref_slice %arg10[%mul3A_125, %dma_wait3A_131] : memref<10240x128xf32, #tpu.memory_space<vmem_shared>> -> memref<128x128xf32, #tpu.memory_space<vmem_shared>>
    %dma_wait3A_133 = arith.constant 0 : i32
    %dma_wait3A_134 = arith.constant 0 : i32
    %dma_wait3A_135 = tpu.memref_slice %arg8[%dma_wait3A_133, %dma_wait3A_134] : memref<256x128xf32, #tpu.memory_space<vmem>> -> memref<128x128xf32, #tpu.memory_space<vmem>>
    tpu.wait_dma2 semaphore(%arg19 : memref<!tpu.dma_semaphore, #tpu.memory_space<semaphore_mem>>) src(%dma_wait3A_135 : memref<128x128xf32, #tpu.memory_space<vmem>>) dst(%dma_wait3A_132 : memref<128x128xf32, #tpu.memory_space<vmem_shared>>)
    %broadcast_in_dim3A = arith.constant 10128 : i32
    %broadcast_in_dim3A_136 = vector.broadcast %broadcast_in_dim3A : i32 to vector<16xi32>
    %iota3A = tpu.iota {dimensions = array<i32: 0>} : vector<16xi32>
    %add3A_137 = arith.addi %broadcast_in_dim3A_136, %iota3A : vector<16xi32>
    %swap3A = arith.constant 0 : i32
    %swap3A_138 = arith.index_cast %swap3A : i32 to index
    %swap3A_139 = arith.constant 0 : index
    %swap3A_140 = tpu.vector_load %arg9[%swap3A_138, %swap3A_139] {strides = array<i32>} : memref<1x64xi32, #tpu.memory_space<vmem>>, vector<1x16xi32>,
    %swap3A_141 = vector.shape_cast %swap3A_140 : vector<1x16xi32> to vector<16xi32>
    %swap3A_142 = vector.shape_cast %add3A_137 : vector<16xi32> to vector<1x16xi32>
    tpu.vector_store %arg9[%swap3A_138, %swap3A_139], %swap3A_142 {strides = array<i32>} : memref<1x64xi32, #tpu.memory_space<vmem>>, vector<1x16xi32>,
    %broadcast_in_dim3A_143 = arith.constant 10144 : i32
    %broadcast_in_dim3A_144 = vector.broadcast %broadcast_in_dim3A_143 : i32 to vector<16xi32>
    %iota3A_145 = tpu.iota {dimensions = array<i32: 0>} : vector<16xi32>
    %add3A_146 = arith.addi %broadcast_in_dim3A_144, %iota3A_145 : vector<16xi32>
    %swap3A_147 = arith.constant 0 : i32
    %swap3A_148 = arith.index_cast %swap3A_147 : i32 to index
    %swap3A_149 = arith.constant 16 : index
    %swap3A_150 = tpu.vector_load %arg9[%swap3A_148, %swap3A_149] {strides = array<i32>} : memref<1x64xi32, #tpu.memory_space<vmem>>, vector<1x16xi32>,
    %swap3A_151 = vector.shape_cast %swap3A_150 : vector<1x16xi32> to vector<16xi32>
    %swap3A_152 = vector.shape_cast %add3A_146 : vector<16xi32> to vector<1x16xi32>
    tpu.vector_store %arg9[%swap3A_148, %swap3A_149], %swap3A_152 {strides = array<i32>} : memref<1x64xi32, #tpu.memory_space<vmem>>, vector<1x16xi32>,
    %broadcast_in_dim3A_153 = arith.constant 10160 : i32
    %broadcast_in_dim3A_154 = vector.broadcast %broadcast_in_dim3A_153 : i32 to vector<16xi32>
    %iota3A_155 = tpu.iota {dimensions = array<i32: 0>} : vector<16xi32>
    %add3A_156 = arith.addi %broadcast_in_dim3A_154, %iota3A_155 : vector<16xi32>
    %swap3A_157 = arith.constant 0 : i32
    %swap3A_158 = arith.index_cast %swap3A_157 : i32 to index
    %swap3A_159 = arith.constant 32 : index
    %swap3A_160 = tpu.vector_load %arg9[%swap3A_158, %swap3A_159] {strides = array<i32>} : memref<1x64xi32, #tpu.memory_space<vmem>>, vector<1x16xi32>,
    %swap3A_161 = vector.shape_cast %swap3A_160 : vector<1x16xi32> to vector<16xi32>
    %swap3A_162 = vector.shape_cast %add3A_156 : vector<16xi32> to vector<1x16xi32>
    tpu.vector_store %arg9[%swap3A_158, %swap3A_159], %swap3A_162 {strides = array<i32>} : memref<1x64xi32, #tpu.memory_space<vmem>>, vector<1x16xi32>,
    %broadcast_in_dim3A_163 = arith.constant 10176 : i32
    %broadcast_in_dim3A_164 = vector.broadcast %broadcast_in_dim3A_163 : i32 to vector<16xi32>
    %iota3A_165 = tpu.iota {dimensions = array<i32: 0>} : vector<16xi32>
    %add3A_166 = arith.addi %broadcast_in_dim3A_164, %iota3A_165 : vector<16xi32>
    %swap3A_167 = arith.constant 0 : i32
    %swap3A_168 = arith.index_cast %swap3A_167 : i32 to index
    %swap3A_169 = arith.constant 48 : index
    %swap3A_170 = tpu.vector_load %arg9[%swap3A_168, %swap3A_169] {strides = array<i32>} : memref<1x64xi32, #tpu.memory_space<vmem>>, vector<1x16xi32>,
    %swap3A_171 = vector.shape_cast %swap3A_170 : vector<1x16xi32> to vector<16xi32>
    %swap3A_172 = vector.shape_cast %add3A_166 : vector<16xi32> to vector<1x16xi32>
    tpu.vector_store %arg9[%swap3A_168, %swap3A_169], %swap3A_172 {strides = array<i32>} : memref<1x64xi32, #tpu.memory_space<vmem>>, vector<1x16xi32>,
    %run_scoped3A = arith.constant 0 : i32
    "tpu.region"() ({
      %run_scoped3A_415 = tpu.sem_alloc : memref<!tpu.dma_semaphore, #tpu.memory_space<semaphore_mem>>
      %dma_start3A_416 = arith.constant 0 : i32
      %dma_start3A_417 = arith.constant 0 : i32
      %dma_start3A_418 = tpu.memref_slice %arg6[%run_scoped3A, %dma_start3A_416, %dma_start3A_417] : memref<3x8x64xi32, #tpu.memory_space<vmem>> -> memref<1x8x64xi32, #tpu.memory_space<vmem>>
      %dma_start3A_419 = tpu.memref_squeeze %dma_start3A_418 : memref<1x8x64xi32, #tpu.memory_space<vmem>> -> memref<8x64xi32, #tpu.memory_space<vmem>>
      %dma_start3A_420 = arith.constant 0 : i32
      %dma_start3A_421 = tpu.memref_slice %arg3[%mul3A_2, %dma_start3A_420] : memref<5120x64xi32, #tpu.memory_space<hbm>> -> memref<8x64xi32, #tpu.memory_space<hbm>>
      %dma_start3A_422 = arith.constant 0 : i32
      %dma_start3A_423 = arith.constant 0 : i32
      %dma_start3A_424 = tpu.memref_slice %arg6[%run_scoped3A, %dma_start3A_422, %dma_start3A_423] : memref<3x8x64xi32, #tpu.memory_space<vmem>> -> memref<1x8x64xi32, #tpu.memory_space<vmem>>
      %dma_start3A_425 = tpu.memref_squeeze %dma_start3A_424 : memref<1x8x64xi32, #tpu.memory_space<vmem>> -> memref<8x64xi32, #tpu.memory_space<vmem>>
      %dma_start3A_426 = arith.constant 0 : i32
      %dma_start3A_427 = tpu.memref_slice %arg3[%mul3A_2, %dma_start3A_426] : memref<5120x64xi32, #tpu.memory_space<hbm>> -> memref<8x64xi32, #tpu.memory_space<hbm>>
      tpu.enqueue_dma source(%dma_start3A_427 : memref<8x64xi32, #tpu.memory_space<hbm>>) target(%dma_start3A_425 : memref<8x64xi32, #tpu.memory_space<vmem>>) target_semaphore(%run_scoped3A_415 : memref<!tpu.dma_semaphore, #tpu.memory_space<semaphore_mem>>)
      %dma_wait3A_428 = arith.constant 0 : i32
      %dma_wait3A_429 = arith.constant 0 : i32
      %dma_wait3A_430 = tpu.memref_slice %arg6[%run_scoped3A, %dma_wait3A_428, %dma_wait3A_429] : memref<3x8x64xi32, #tpu.memory_space<vmem>> -> memref<1x8x64xi32, #tpu.memory_space<vmem>>
      %dma_wait3A_431 = tpu.memref_squeeze %dma_wait3A_430 : memref<1x8x64xi32, #tpu.memory_space<vmem>> -> memref<8x64xi32, #tpu.memory_space<vmem>>
      %dma_wait3A_432 = arith.constant 0 : i32
      %dma_wait3A_433 = tpu.memref_slice %arg3[%mul3A_2, %dma_wait3A_432] : memref<5120x64xi32, #tpu.memory_space<hbm>> -> memref<8x64xi32, #tpu.memory_space<hbm>>
      %dma_wait3A_434 = arith.constant 0 : i32
      %dma_wait3A_435 = arith.constant 0 : i32
      %dma_wait3A_436 = tpu.memref_slice %arg6[%run_scoped3A, %dma_wait3A_434, %dma_wait3A_435] : memref<3x8x64xi32, #tpu.memory_space<vmem>> -> memref<1x8x64xi32, #tpu.memory_space<vmem>>
      %dma_wait3A_437 = tpu.memref_squeeze %dma_wait3A_436 : memref<1x8x64xi32, #tpu.memory_space<vmem>> -> memref<8x64xi32, #tpu.memory_space<vmem>>
      %dma_wait3A_438 = arith.constant 0 : i32
      %dma_wait3A_439 = tpu.memref_slice %arg3[%mul3A_2, %dma_wait3A_438] : memref<5120x64xi32, #tpu.memory_space<hbm>> -> memref<8x64xi32, #tpu.memory_space<hbm>>
      tpu.wait_dma2 semaphore(%run_scoped3A_415 : memref<!tpu.dma_semaphore, #tpu.memory_space<semaphore_mem>>) src(%dma_wait3A_439 : memref<8x64xi32, #tpu.memory_space<hbm>>) dst(%dma_wait3A_437 : memref<8x64xi32, #tpu.memory_space<vmem>>)
      tpu.yield
    }) : () -> ()
    %run_scoped3A_173 = arith.constant 0 : i32
    "tpu.region"() ({
      %run_scoped3A_415 = tpu.sem_alloc : memref<!tpu.dma_semaphore, #tpu.memory_space<semaphore_mem>>
      %dma_start3A_416 = arith.constant 0 : i32
      %dma_start3A_417 = arith.constant 0 : i32
      %dma_start3A_418 = tpu.memref_slice %arg7[%run_scoped3A_173, %dma_start3A_416, %dma_start3A_417] : memref<3x8x64xi32, #tpu.memory_space<vmem>> -> memref<1x8x64xi32, #tpu.memory_space<vmem>>
      %dma_start3A_419 = tpu.memref_squeeze %dma_start3A_418 : memref<1x8x64xi32, #tpu.memory_space<vmem>> -> memref<8x64xi32, #tpu.memory_space<vmem>>
      %dma_start3A_420 = arith.constant 0 : i32
      %dma_start3A_421 = tpu.memref_slice %arg4[%mul3A_2, %dma_start3A_420] : memref<5120x64xi32, #tpu.memory_space<hbm>> -> memref<8x64xi32, #tpu.memory_space<hbm>>
      %dma_start3A_422 = arith.constant 0 : i32
      %dma_start3A_423 = arith.constant 0 : i32
      %dma_start3A_424 = tpu.memref_slice %arg7[%run_scoped3A_173, %dma_start3A_422, %dma_start3A_423] : memref<3x8x64xi32, #tpu.memory_space<vmem>> -> memref<1x8x64xi32, #tpu.memory_space<vmem>>
      %dma_start3A_425 = tpu.memref_squeeze %dma_start3A_424 : memref<1x8x64xi32, #tpu.memory_space<vmem>> -> memref<8x64xi32, #tpu.memory_space<vmem>>
      %dma_start3A_426 = arith.constant 0 : i32
      %dma_start3A_427 = tpu.memref_slice %arg4[%mul3A_2, %dma_start3A_426] : memref<5120x64xi32, #tpu.memory_space<hbm>> -> memref<8x64xi32, #tpu.memory_space<hbm>>
      tpu.enqueue_dma source(%dma_start3A_427 : memref<8x64xi32, #tpu.memory_space<hbm>>) target(%dma_start3A_425 : memref<8x64xi32, #tpu.memory_space<vmem>>) target_semaphore(%run_scoped3A_415 : memref<!tpu.dma_semaphore, #tpu.memory_space<semaphore_mem>>)
      %dma_wait3A_428 = arith.constant 0 : i32
      %dma_wait3A_429 = arith.constant 0 : i32
      %dma_wait3A_430 = tpu.memref_slice %arg7[%run_scoped3A_173, %dma_wait3A_428, %dma_wait3A_429] : memref<3x8x64xi32, #tpu.memory_space<vmem>> -> memref<1x8x64xi32, #tpu.memory_space<vmem>>
      %dma_wait3A_431 = tpu.memref_squeeze %dma_wait3A_430 : memref<1x8x64xi32, #tpu.memory_space<vmem>> -> memref<8x64xi32, #tpu.memory_space<vmem>>
      %dma_wait3A_432 = arith.constant 0 : i32
      %dma_wait3A_433 = tpu.memref_slice %arg4[%mul3A_2, %dma_wait3A_432] : memref<5120x64xi32, #tpu.memory_space<hbm>> -> memref<8x64xi32, #tpu.memory_space<hbm>>
      %dma_wait3A_434 = arith.constant 0 : i32
      %dma_wait3A_435 = arith.constant 0 : i32
      %dma_wait3A_436 = tpu.memref_slice %arg7[%run_scoped3A_173, %dma_wait3A_434, %dma_wait3A_435] : memref<3x8x64xi32, #tpu.memory_space<vmem>> -> memref<1x8x64xi32, #tpu.memory_space<vmem>>
      %dma_wait3A_437 = tpu.memref_squeeze %dma_wait3A_436 : memref<1x8x64xi32, #tpu.memory_space<vmem>> -> memref<8x64xi32, #tpu.memory_space<vmem>>
      %dma_wait3A_438 = arith.constant 0 : i32
      %dma_wait3A_439 = tpu.memref_slice %arg4[%mul3A_2, %dma_wait3A_438] : memref<5120x64xi32, #tpu.memory_space<hbm>> -> memref<8x64xi32, #tpu.memory_space<hbm>>
      tpu.wait_dma2 semaphore(%run_scoped3A_415 : memref<!tpu.dma_semaphore, #tpu.memory_space<semaphore_mem>>) src(%dma_wait3A_439 : memref<8x64xi32, #tpu.memory_space<hbm>>) dst(%dma_wait3A_437 : memref<8x64xi32, #tpu.memory_space<vmem>>)
      tpu.yield
    }) : () -> ()
    %dma_start3A_174 = arith.constant 0 : i32
    %dma_start3A_175 = arith.constant 128 : i32
    %dma_start3A_176 = arith.constant 0 : i32
    %dma_start3A_177 = tpu.memref_slice %arg8[%dma_start3A_175, %dma_start3A_176] : memref<256x128xf32, #tpu.memory_space<vmem>> -> memref<64x128xf32, #tpu.memory_space<vmem>>
    %dma_start3A_178 = arith.constant 0 : i32
    %dma_start3A_179 = tpu.memref_slice %arg9[%dma_start3A_174, %dma_start3A_178] : memref<1x64xi32, #tpu.memory_space<vmem>> -> memref<1x64xi32, #tpu.memory_space<vmem>>
    %dma_start3A_180 = tpu.memref_squeeze %dma_start3A_179 : memref<1x64xi32, #tpu.memory_space<vmem>> -> memref<64xi32, #tpu.memory_space<vmem>>
    %dma_start3A_181 = arith.constant 0 : i32
    %dma_start3A_182 = arith.constant 0 : i32
    %dma_start3A_183 = tpu.memref_slice %arg10[%dma_start3A_181, %dma_start3A_182] : memref<10240x128xf32, #tpu.memory_space<vmem_shared>> -> memref<10240x128xf32, #tpu.memory_space<vmem_shared>>
    tpu.enqueue_indirect_dma source(%dma_start3A_177 : memref<64x128xf32, #tpu.memory_space<vmem>>) target(%dma_start3A_183 : memref<10240x128xf32, #tpu.memory_space<vmem_shared>>) offsets(%dma_start3A_180 : memref<64xi32, #tpu.memory_space<vmem>>) semaphore(%arg17 : memref<!tpu.dma_semaphore, #tpu.memory_space<semaphore_mem>>) {add = true}
    %dma_start3A_184 = arith.constant 0 : i32
    %dma_start3A_185 = arith.constant 192 : i32
    %dma_start3A_186 = arith.constant 0 : i32
    %dma_start3A_187 = tpu.memref_slice %arg8[%dma_start3A_185, %dma_start3A_186] : memref<256x128xf32, #tpu.memory_space<vmem>> -> memref<64x128xf32, #tpu.memory_space<vmem>>
    %dma_start3A_188 = arith.constant 0 : i32
    %dma_start3A_189 = tpu.memref_slice %arg9[%dma_start3A_184, %dma_start3A_188] : memref<1x64xi32, #tpu.memory_space<vmem>> -> memref<1x64xi32, #tpu.memory_space<vmem>>
    %dma_start3A_190 = tpu.memref_squeeze %dma_start3A_189 : memref<1x64xi32, #tpu.memory_space<vmem>> -> memref<64xi32, #tpu.memory_space<vmem>>
    %dma_start3A_191 = arith.constant 0 : i32
    %dma_start3A_192 = arith.constant 0 : i32
    %dma_start3A_193 = tpu.memref_slice %arg10[%dma_start3A_191, %dma_start3A_192] : memref<10240x128xf32, #tpu.memory_space<vmem_shared>> -> memref<10240x128xf32, #tpu.memory_space<vmem_shared>>
    tpu.enqueue_indirect_dma source(%dma_start3A_187 : memref<64x128xf32, #tpu.memory_space<vmem>>) target(%dma_start3A_193 : memref<10240x128xf32, #tpu.memory_space<vmem_shared>>) offsets(%dma_start3A_190 : memref<64xi32, #tpu.memory_space<vmem>>) semaphore(%arg18 : memref<!tpu.dma_semaphore, #tpu.memory_space<semaphore_mem>>) {add = true}
    %dma_start3A_194 = arith.constant 0 : i32
    %dma_start3A_195 = arith.constant 0 : i32
    %dma_start3A_196 = arith.constant 0 : i32
    %dma_start3A_197 = arith.constant 0 : i32
    %dma_start3A_198 = tpu.memref_slice %arg8[%dma_start3A_196, %dma_start3A_197] : memref<256x128xf32, #tpu.memory_space<vmem>> -> memref<64x128xf32, #tpu.memory_space<vmem>>
    %dma_start3A_199 = arith.constant 0 : i32
    %dma_start3A_200 = tpu.memref_slice %arg6[%dma_start3A_194, %dma_start3A_195, %dma_start3A_199] : memref<3x8x64xi32, #tpu.memory_space<vmem>> -> memref<1x1x64xi32, #tpu.memory_space<vmem>>
    %dma_start3A_201 = tpu.memref_squeeze %dma_start3A_200 : memref<1x1x64xi32, #tpu.memory_space<vmem>> -> memref<64xi32, #tpu.memory_space<vmem>>
    %dma_start3A_202 = arith.constant 0 : i32
    %dma_start3A_203 = arith.constant 0 : i32
    %dma_start3A_204 = tpu.memref_slice %arg2[%dma_start3A_202, %dma_start3A_203] : memref<10240x128xf32, #tpu.memory_space<hbm>> -> memref<10240x128xf32, #tpu.memory_space<hbm>>
    tpu.enqueue_indirect_dma source(%dma_start3A_204 : memref<10240x128xf32, #tpu.memory_space<hbm>>) target(%dma_start3A_198 : memref<64x128xf32, #tpu.memory_space<vmem>>) offsets(%dma_start3A_201 : memref<64xi32, #tpu.memory_space<vmem>>) semaphore(%arg11 : memref<!tpu.dma_semaphore, #tpu.memory_space<semaphore_mem>>)
    %dma_start3A_205 = arith.constant 0 : i32
    %dma_start3A_206 = arith.constant 1 : i32
    %dma_start3A_207 = arith.constant 64 : i32
    %dma_start3A_208 = arith.constant 0 : i32
    %dma_start3A_209 = tpu.memref_slice %arg8[%dma_start3A_207, %dma_start3A_208] : memref<256x128xf32, #tpu.memory_space<vmem>> -> memref<64x128xf32, #tpu.memory_space<vmem>>
    %dma_start3A_210 = arith.constant 0 : i32
    %dma_start3A_211 = tpu.memref_slice %arg6[%dma_start3A_205, %dma_start3A_206, %dma_start3A_210] : memref<3x8x64xi32, #tpu.memory_space<vmem>> -> memref<1x1x64xi32, #tpu.memory_space<vmem>>
    %dma_start3A_212 = tpu.memref_squeeze %dma_start3A_211 : memref<1x1x64xi32, #tpu.memory_space<vmem>> -> memref<64xi32, #tpu.memory_space<vmem>>
    %dma_start3A_213 = arith.constant 0 : i32
    %dma_start3A_214 = arith.constant 0 : i32
    %dma_start3A_215 = tpu.memref_slice %arg2[%dma_start3A_213, %dma_start3A_214] : memref<10240x128xf32, #tpu.memory_space<hbm>> -> memref<10240x128xf32, #tpu.memory_space<hbm>>
    tpu.enqueue_indirect_dma source(%dma_start3A_215 : memref<10240x128xf32, #tpu.memory_space<hbm>>) target(%dma_start3A_209 : memref<64x128xf32, #tpu.memory_space<vmem>>) offsets(%dma_start3A_212 : memref<64xi32, #tpu.memory_space<vmem>>) semaphore(%arg12 : memref<!tpu.dma_semaphore, #tpu.memory_space<semaphore_mem>>)
    %barrier3A = arith.constant 0 : index
    tpu.barrier barrier_id(%barrier3A)
    %scan3A_216 = arith.constant 0 : i32
    %scan3A_217 = arith.constant 0 : i32
    %scan3A_218 = arith.constant 20 : i32
    %scan3A_219 = arith.addi %scan3A_217, %scan3A_218 : i32
    %scan3A_220 = arith.constant 1 : i32
    scf.for %scan3A_415 = %scan3A_217 to %scan3A_219 step %scan3A_220  : i32 {
      %rem3A = arith.constant 3 : i32
      %rem3A_416 = arith.remsi %scan3A_415, %rem3A : i32
      %add3A_417 = arith.constant 1 : i32
      %add3A_418 = arith.addi %scan3A_415, %add3A_417 : i32
      %rem3A_419 = arith.constant 3 : i32
      %rem3A_420 = arith.remsi %add3A_418, %rem3A_419 : i32
      %add3A_421 = arith.constant 1 : i32
      %add3A_422 = arith.addi %scan3A_415, %add3A_421 : i32
      %min3A = arith.constant 19 : i32
      %min3A_423 = arith.minsi %add3A_422, %min3A : i32
      %mul3A_424 = arith.constant 8 : i32
      %mul3A_425 = arith.muli %min3A_423, %mul3A_424 : i32
      %add3A_426 = arith.addi %mul3A_2, %mul3A_425 : i32
      %dma_start3A_427 = arith.constant 0 : i32
      %dma_start3A_428 = arith.constant 0 : i32
      %dma_start3A_429 = tpu.memref_slice %arg6[%rem3A_420, %dma_start3A_427, %dma_start3A_428] : memref<3x8x64xi32, #tpu.memory_space<vmem>> -> memref<1x8x64xi32, #tpu.memory_space<vmem>>
      %dma_start3A_430 = tpu.memref_squeeze %dma_start3A_429 : memref<1x8x64xi32, #tpu.memory_space<vmem>> -> memref<8x64xi32, #tpu.memory_space<vmem>>
      %dma_start3A_431 = arith.constant 0 : i32
      %dma_start3A_432 = tpu.memref_slice %arg3[%add3A_426, %dma_start3A_431] : memref<5120x64xi32, #tpu.memory_space<hbm>> -> memref<8x64xi32, #tpu.memory_space<hbm>>
      %dma_start3A_433 = arith.constant 0 : i32
      %dma_start3A_434 = arith.constant 0 : i32
      %dma_start3A_435 = tpu.memref_slice %arg6[%rem3A_420, %dma_start3A_433, %dma_start3A_434] : memref<3x8x64xi32, #tpu.memory_space<vmem>> -> memref<1x8x64xi32, #tpu.memory_space<vmem>>
      %dma_start3A_436 = tpu.memref_squeeze %dma_start3A_435 : memref<1x8x64xi32, #tpu.memory_space<vmem>> -> memref<8x64xi32, #tpu.memory_space<vmem>>
      %dma_start3A_437 = arith.constant 0 : i32
      %dma_start3A_438 = tpu.memref_slice %arg3[%add3A_426, %dma_start3A_437] : memref<5120x64xi32, #tpu.memory_space<hbm>> -> memref<8x64xi32, #tpu.memory_space<hbm>>
      tpu.enqueue_dma source(%dma_start3A_438 : memref<8x64xi32, #tpu.memory_space<hbm>>) target(%dma_start3A_436 : memref<8x64xi32, #tpu.memory_space<vmem>>) target_semaphore(%arg19 : memref<!tpu.dma_semaphore, #tpu.memory_space<semaphore_mem>>)
      %mul3A_439 = arith.constant 8 : i32
      %mul3A_440 = arith.muli %min3A_423, %mul3A_439 : i32
      %add3A_441 = arith.addi %mul3A_2, %mul3A_440 : i32
      %dma_start3A_442 = arith.constant 0 : i32
      %dma_start3A_443 = arith.constant 0 : i32
      %dma_start3A_444 = tpu.memref_slice %arg7[%rem3A_420, %dma_start3A_442, %dma_start3A_443] : memref<3x8x64xi32, #tpu.memory_space<vmem>> -> memref<1x8x64xi32, #tpu.memory_space<vmem>>
      %dma_start3A_445 = tpu.memref_squeeze %dma_start3A_444 : memref<1x8x64xi32, #tpu.memory_space<vmem>> -> memref<8x64xi32, #tpu.memory_space<vmem>>
      %dma_start3A_446 = arith.constant 0 : i32
      %dma_start3A_447 = tpu.memref_slice %arg4[%add3A_441, %dma_start3A_446] : memref<5120x64xi32, #tpu.memory_space<hbm>> -> memref<8x64xi32, #tpu.memory_space<hbm>>
      %dma_start3A_448 = arith.constant 0 : i32
      %dma_start3A_449 = arith.constant 0 : i32
      %dma_start3A_450 = tpu.memref_slice %arg7[%rem3A_420, %dma_start3A_448, %dma_start3A_449] : memref<3x8x64xi32, #tpu.memory_space<vmem>> -> memref<1x8x64xi32, #tpu.memory_space<vmem>>
      %dma_start3A_451 = tpu.memref_squeeze %dma_start3A_450 : memref<1x8x64xi32, #tpu.memory_space<vmem>> -> memref<8x64xi32, #tpu.memory_space<vmem>>
      %dma_start3A_452 = arith.constant 0 : i32
      %dma_start3A_453 = tpu.memref_slice %arg4[%add3A_441, %dma_start3A_452] : memref<5120x64xi32, #tpu.memory_space<hbm>> -> memref<8x64xi32, #tpu.memory_space<hbm>>
      tpu.enqueue_dma source(%dma_start3A_453 : memref<8x64xi32, #tpu.memory_space<hbm>>) target(%dma_start3A_451 : memref<8x64xi32, #tpu.memory_space<vmem>>) target_semaphore(%arg20 : memref<!tpu.dma_semaphore, #tpu.memory_space<semaphore_mem>>)
      %dma_wait3A_454 = arith.constant 0 : i32
      %dma_wait3A_455 = arith.constant 0 : i32
      %dma_wait3A_456 = arith.constant 0 : i32
      %dma_wait3A_457 = arith.constant 0 : i32
      %dma_wait3A_458 = tpu.memref_slice %arg8[%dma_wait3A_456, %dma_wait3A_457] : memref<256x128xf32, #tpu.memory_space<vmem>> -> memref<64x128xf32, #tpu.memory_space<vmem>>
      %dma_wait3A_459 = arith.constant 0 : i32
      %dma_wait3A_460 = tpu.memref_slice %arg6[%dma_wait3A_454, %dma_wait3A_455, %dma_wait3A_459] : memref<3x8x64xi32, #tpu.memory_space<vmem>> -> memref<1x1x64xi32, #tpu.memory_space<vmem>>
      %dma_wait3A_461 = tpu.memref_squeeze %dma_wait3A_460 : memref<1x1x64xi32, #tpu.memory_space<vmem>> -> memref<64xi32, #tpu.memory_space<vmem>>
      %dma_wait3A_462 = arith.constant 0 : i32
      %dma_wait3A_463 = arith.constant 0 : i32
      %dma_wait3A_464 = tpu.memref_slice %arg2[%dma_wait3A_462, %dma_wait3A_463] : memref<10240x128xf32, #tpu.memory_space<hbm>> -> memref<10240x128xf32, #tpu.memory_space<hbm>>
      tpu.wait_indirect_dma semaphore(%arg11 : memref<!tpu.dma_semaphore, #tpu.memory_space<semaphore_mem>>) src(%dma_wait3A_464 : memref<10240x128xf32, #tpu.memory_space<hbm>>) dst(%dma_wait3A_458 : memref<64x128xf32, #tpu.memory_space<vmem>>)
      %dma_start3A_465 = arith.constant 0 : i32
      %dma_start3A_466 = arith.constant 0 : i32
      %dma_start3A_467 = arith.constant 0 : i32
      %dma_start3A_468 = tpu.memref_slice %arg8[%dma_start3A_466, %dma_start3A_467] : memref<256x128xf32, #tpu.memory_space<vmem>> -> memref<64x128xf32, #tpu.memory_space<vmem>>
      %dma_start3A_469 = arith.constant 0 : i32
      %dma_start3A_470 = tpu.memref_slice %arg7[%rem3A_416, %dma_start3A_465, %dma_start3A_469] : memref<3x8x64xi32, #tpu.memory_space<vmem>> -> memref<1x1x64xi32, #tpu.memory_space<vmem>>
      %dma_start3A_471 = tpu.memref_squeeze %dma_start3A_470 : memref<1x1x64xi32, #tpu.memory_space<vmem>> -> memref<64xi32, #tpu.memory_space<vmem>>
      %dma_start3A_472 = arith.constant 0 : i32
      %dma_start3A_473 = arith.constant 0 : i32
      %dma_start3A_474 = tpu.memref_slice %arg10[%dma_start3A_472, %dma_start3A_473] : memref<10240x128xf32, #tpu.memory_space<vmem_shared>> -> memref<10240x128xf32, #tpu.memory_space<vmem_shared>>
      tpu.enqueue_indirect_dma source(%dma_start3A_468 : memref<64x128xf32, #tpu.memory_space<vmem>>) target(%dma_start3A_474 : memref<10240x128xf32, #tpu.memory_space<vmem_shared>>) offsets(%dma_start3A_471 : memref<64xi32, #tpu.memory_space<vmem>>) semaphore(%arg15 : memref<!tpu.dma_semaphore, #tpu.memory_space<semaphore_mem>>) {add = true}
      %dma_wait3A_475 = arith.constant 0 : i32
      %dma_wait3A_476 = arith.constant 128 : i32
      %dma_wait3A_477 = arith.constant 0 : i32
      %dma_wait3A_478 = tpu.memref_slice %arg8[%dma_wait3A_476, %dma_wait3A_477] : memref<256x128xf32, #tpu.memory_space<vmem>> -> memref<64x128xf32, #tpu.memory_space<vmem>>
      %dma_wait3A_479 = arith.constant 0 : i32
      %dma_wait3A_480 = tpu.memref_slice %arg9[%dma_wait3A_475, %dma_wait3A_479] : memref<1x64xi32, #tpu.memory_space<vmem>> -> memref<1x64xi32, #tpu.memory_space<vmem>>
      %dma_wait3A_481 = tpu.memref_squeeze %dma_wait3A_480 : memref<1x64xi32, #tpu.memory_space<vmem>> -> memref<64xi32, #tpu.memory_space<vmem>>
      %dma_wait3A_482 = arith.constant 0 : i32
      %dma_wait3A_483 = arith.constant 0 : i32
      %dma_wait3A_484 = tpu.memref_slice %arg10[%dma_wait3A_482, %dma_wait3A_483] : memref<10240x128xf32, #tpu.memory_space<vmem_shared>> -> memref<10240x128xf32, #tpu.memory_space<vmem_shared>>
      tpu.wait_indirect_dma semaphore(%arg17 : memref<!tpu.dma_semaphore, #tpu.memory_space<semaphore_mem>>) src(%dma_wait3A_478 : memref<64x128xf32, #tpu.memory_space<vmem>>) dst(%dma_wait3A_484 : memref<10240x128xf32, #tpu.memory_space<vmem_shared>>)
      %dma_start3A_485 = arith.constant 2 : i32
      %dma_start3A_486 = arith.constant 128 : i32
      %dma_start3A_487 = arith.constant 0 : i32
      %dma_start3A_488 = tpu.memref_slice %arg8[%dma_start3A_486, %dma_start3A_487] : memref<256x128xf32, #tpu.memory_space<vmem>> -> memref<64x128xf32, #tpu.memory_space<vmem>>
      %dma_start3A_489 = arith.constant 0 : i32
      %dma_start3A_490 = tpu.memref_slice %arg6[%rem3A_416, %dma_start3A_485, %dma_start3A_489] : memref<3x8x64xi32, #tpu.memory_space<vmem>> -> memref<1x1x64xi32, #tpu.memory_space<vmem>>
      %dma_start3A_491 = tpu.memref_squeeze %dma_start3A_490 : memref<1x1x64xi32, #tpu.memory_space<vmem>> -> memref<64xi32, #tpu.memory_space<vmem>>
      %dma_start3A_492 = arith.constant 0 : i32
      %dma_start3A_493 = arith.constant 0 : i32
      %dma_start3A_494 = tpu.memref_slice %arg2[%dma_start3A_492, %dma_start3A_493] : memref<10240x128xf32, #tpu.memory_space<hbm>> -> memref<10240x128xf32, #tpu.memory_space<hbm>>
      tpu.enqueue_indirect_dma source(%dma_start3A_494 : memref<10240x128xf32, #tpu.memory_space<hbm>>) target(%dma_start3A_488 : memref<64x128xf32, #tpu.memory_space<vmem>>) offsets(%dma_start3A_491 : memref<64xi32, #tpu.memory_space<vmem>>) semaphore(%arg13 : memref<!tpu.dma_semaphore, #tpu.memory_space<semaphore_mem>>)
      %dma_wait3A_495 = arith.constant 0 : i32
      %dma_wait3A_496 = arith.constant 0 : i32
      %dma_wait3A_497 = arith.constant 64 : i32
      %dma_wait3A_498 = arith.constant 0 : i32
      %dma_wait3A_499 = tpu.memref_slice %arg8[%dma_wait3A_497, %dma_wait3A_498] : memref<256x128xf32, #tpu.memory_space<vmem>> -> memref<64x128xf32, #tpu.memory_space<vmem>>
      %dma_wait3A_500 = arith.constant 0 : i32
      %dma_wait3A_501 = tpu.memref_slice %arg6[%dma_wait3A_495, %dma_wait3A_496, %dma_wait3A_500] : memref<3x8x64xi32, #tpu.memory_space<vmem>> -> memref<1x1x64xi32, #tpu.memory_space<vmem>>
      %dma_wait3A_502 = tpu.memref_squeeze %dma_wait3A_501 : memref<1x1x64xi32, #tpu.memory_space<vmem>> -> memref<64xi32, #tpu.memory_space<vmem>>
      %dma_wait3A_503 = arith.constant 0 : i32
      %dma_wait3A_504 = arith.constant 0 : i32
      %dma_wait3A_505 = tpu.memref_slice %arg2[%dma_wait3A_503, %dma_wait3A_504] : memref<10240x128xf32, #tpu.memory_space<hbm>> -> memref<10240x128xf32, #tpu.memory_space<hbm>>
      tpu.wait_indirect_dma semaphore(%arg12 : memref<!tpu.dma_semaphore, #tpu.memory_space<semaphore_mem>>) src(%dma_wait3A_505 : memref<10240x128xf32, #tpu.memory_space<hbm>>) dst(%dma_wait3A_499 : memref<64x128xf32, #tpu.memory_space<vmem>>)
      %dma_start3A_506 = arith.constant 1 : i32
      %dma_start3A_507 = arith.constant 64 : i32
      %dma_start3A_508 = arith.constant 0 : i32
      %dma_start3A_509 = tpu.memref_slice %arg8[%dma_start3A_507, %dma_start3A_508] : memref<256x128xf32, #tpu.memory_space<vmem>> -> memref<64x128xf32, #tpu.memory_space<vmem>>
      %dma_start3A_510 = arith.constant 0 : i32
      %dma_start3A_511 = tpu.memref_slice %arg7[%rem3A_416, %dma_start3A_506, %dma_start3A_510] : memref<3x8x64xi32, #tpu.memory_space<vmem>> -> memref<1x1x64xi32, #tpu.memory_space<vmem>>
      %dma_start3A_512 = tpu.memref_squeeze %dma_start3A_511 : memref<1x1x64xi32, #tpu.memory_space<vmem>> -> memref<64xi32, #tpu.memory_space<vmem>>
      %dma_start3A_513 = arith.constant 0 : i32
      %dma_start3A_514 = arith.constant 0 : i32
      %dma_start3A_515 = tpu.memref_slice %arg10[%dma_start3A_513, %dma_start3A_514] : memref<10240x128xf32, #tpu.memory_space<vmem_shared>> -> memref<10240x128xf32, #tpu.memory_space<vmem_shared>>
      tpu.enqueue_indirect_dma source(%dma_start3A_509 : memref<64x128xf32, #tpu.memory_space<vmem>>) target(%dma_start3A_515 : memref<10240x128xf32, #tpu.memory_space<vmem_shared>>) offsets(%dma_start3A_512 : memref<64xi32, #tpu.memory_space<vmem>>) semaphore(%arg16 : memref<!tpu.dma_semaphore, #tpu.memory_space<semaphore_mem>>) {add = true}
      %dma_wait3A_516 = arith.constant 0 : i32
      %dma_wait3A_517 = arith.constant 192 : i32
      %dma_wait3A_518 = arith.constant 0 : i32
      %dma_wait3A_519 = tpu.memref_slice %arg8[%dma_wait3A_517, %dma_wait3A_518] : memref<256x128xf32, #tpu.memory_space<vmem>> -> memref<64x128xf32, #tpu.memory_space<vmem>>
      %dma_wait3A_520 = arith.constant 0 : i32
      %dma_wait3A_521 = tpu.memref_slice %arg9[%dma_wait3A_516, %dma_wait3A_520] : memref<1x64xi32, #tpu.memory_space<vmem>> -> memref<1x64xi32, #tpu.memory_space<vmem>>
      %dma_wait3A_522 = tpu.memref_squeeze %dma_wait3A_521 : memref<1x64xi32, #tpu.memory_space<vmem>> -> memref<64xi32, #tpu.memory_space<vmem>>
      %dma_wait3A_523 = arith.constant 0 : i32
      %dma_wait3A_524 = arith.constant 0 : i32
      %dma_wait3A_525 = tpu.memref_slice %arg10[%dma_wait3A_523, %dma_wait3A_524] : memref<10240x128xf32, #tpu.memory_space<vmem_shared>> -> memref<10240x128xf32, #tpu.memory_space<vmem_shared>>
      tpu.wait_indirect_dma semaphore(%arg18 : memref<!tpu.dma_semaphore, #tpu.memory_space<semaphore_mem>>) src(%dma_wait3A_519 : memref<64x128xf32, #tpu.memory_space<vmem>>) dst(%dma_wait3A_525 : memref<10240x128xf32, #tpu.memory_space<vmem_shared>>)
      %dma_start3A_526 = arith.constant 3 : i32
      %dma_start3A_527 = arith.constant 192 : i32
      %dma_start3A_528 = arith.constant 0 : i32
      %dma_start3A_529 = tpu.memref_slice %arg8[%dma_start3A_527, %dma_start3A_528] : memref<256x128xf32, #tpu.memory_space<vmem>> -> memref<64x128xf32, #tpu.memory_space<vmem>>
      %dma_start3A_530 = arith.constant 0 : i32
      %dma_start3A_531 = tpu.memref_slice %arg6[%rem3A_416, %dma_start3A_526, %dma_start3A_530] : memref<3x8x64xi32, #tpu.memory_space<vmem>> -> memref<1x1x64xi32, #tpu.memory_space<vmem>>
      %dma_start3A_532 = tpu.memref_squeeze %dma_start3A_531 : memref<1x1x64xi32, #tpu.memory_space<vmem>> -> memref<64xi32, #tpu.memory_space<vmem>>
      %dma_start3A_533 = arith.constant 0 : i32
      %dma_start3A_534 = arith.constant 0 : i32
      %dma_start3A_535 = tpu.memref_slice %arg2[%dma_start3A_533, %dma_start3A_534] : memref<10240x128xf32, #tpu.memory_space<hbm>> -> memref<10240x128xf32, #tpu.memory_space<hbm>>
      tpu.enqueue_indirect_dma source(%dma_start3A_535 : memref<10240x128xf32, #tpu.memory_space<hbm>>) target(%dma_start3A_529 : memref<64x128xf32, #tpu.memory_space<vmem>>) offsets(%dma_start3A_532 : memref<64xi32, #tpu.memory_space<vmem>>) semaphore(%arg14 : memref<!tpu.dma_semaphore, #tpu.memory_space<semaphore_mem>>)
      %dma_wait3A_536 = arith.constant 0 : i32
      %dma_wait3A_537 = arith.constant 0 : i32
      %dma_wait3A_538 = arith.constant 128 : i32
      %dma_wait3A_539 = arith.constant 0 : i32
      %dma_wait3A_540 = tpu.memref_slice %arg8[%dma_wait3A_538, %dma_wait3A_539] : memref<256x128xf32, #tpu.memory_space<vmem>> -> memref<64x128xf32, #tpu.memory_space<vmem>>
      %dma_wait3A_541 = arith.constant 0 : i32
      %dma_wait3A_542 = tpu.memref_slice %arg6[%dma_wait3A_536, %dma_wait3A_537, %dma_wait3A_541] : memref<3x8x64xi32, #tpu.memory_space<vmem>> -> memref<1x1x64xi32, #tpu.memory_space<vmem>>
      %dma_wait3A_543 = tpu.memref_squeeze %dma_wait3A_542 : memref<1x1x64xi32, #tpu.memory_space<vmem>> -> memref<64xi32, #tpu.memory_space<vmem>>
      %dma_wait3A_544 = arith.constant 0 : i32
      %dma_wait3A_545 = arith.constant 0 : i32
      %dma_wait3A_546 = tpu.memref_slice %arg2[%dma_wait3A_544, %dma_wait3A_545] : memref<10240x128xf32, #tpu.memory_space<hbm>> -> memref<10240x128xf32, #tpu.memory_space<hbm>>
      tpu.wait_indirect_dma semaphore(%arg13 : memref<!tpu.dma_semaphore, #tpu.memory_space<semaphore_mem>>) src(%dma_wait3A_546 : memref<10240x128xf32, #tpu.memory_space<hbm>>) dst(%dma_wait3A_540 : memref<64x128xf32, #tpu.memory_space<vmem>>)
      %dma_start3A_547 = arith.constant 2 : i32
      %dma_start3A_548 = arith.constant 128 : i32
      %dma_start3A_549 = arith.constant 0 : i32
      %dma_start3A_550 = tpu.memref_slice %arg8[%dma_start3A_548, %dma_start3A_549] : memref<256x128xf32, #tpu.memory_space<vmem>> -> memref<64x128xf32, #tpu.memory_space<vmem>>
      %dma_start3A_551 = arith.constant 0 : i32
      %dma_start3A_552 = tpu.memref_slice %arg7[%rem3A_416, %dma_start3A_547, %dma_start3A_551] : memref<3x8x64xi32, #tpu.memory_space<vmem>> -> memref<1x1x64xi32, #tpu.memory_space<vmem>>
      %dma_start3A_553 = tpu.memref_squeeze %dma_start3A_552 : memref<1x1x64xi32, #tpu.memory_space<vmem>> -> memref<64xi32, #tpu.memory_space<vmem>>
      %dma_start3A_554 = arith.constant 0 : i32
      %dma_start3A_555 = arith.constant 0 : i32
      %dma_start3A_556 = tpu.memref_slice %arg10[%dma_start3A_554, %dma_start3A_555] : memref<10240x128xf32, #tpu.memory_space<vmem_shared>> -> memref<10240x128xf32, #tpu.memory_space<vmem_shared>>
      tpu.enqueue_indirect_dma source(%dma_start3A_550 : memref<64x128xf32, #tpu.memory_space<vmem>>) target(%dma_start3A_556 : memref<10240x128xf32, #tpu.memory_space<vmem_shared>>) offsets(%dma_start3A_553 : memref<64xi32, #tpu.memory_space<vmem>>) semaphore(%arg17 : memref<!tpu.dma_semaphore, #tpu.memory_space<semaphore_mem>>) {add = true}
      %dma_wait3A_557 = arith.constant 0 : i32
      %dma_wait3A_558 = arith.constant 0 : i32
      %dma_wait3A_559 = arith.constant 0 : i32
      %dma_wait3A_560 = tpu.memref_slice %arg8[%dma_wait3A_558, %dma_wait3A_559] : memref<256x128xf32, #tpu.memory_space<vmem>> -> memref<64x128xf32, #tpu.memory_space<vmem>>
      %dma_wait3A_561 = arith.constant 0 : i32
      %dma_wait3A_562 = tpu.memref_slice %arg9[%dma_wait3A_557, %dma_wait3A_561] : memref<1x64xi32, #tpu.memory_space<vmem>> -> memref<1x64xi32, #tpu.memory_space<vmem>>
      %dma_wait3A_563 = tpu.memref_squeeze %dma_wait3A_562 : memref<1x64xi32, #tpu.memory_space<vmem>> -> memref<64xi32, #tpu.memory_space<vmem>>
      %dma_wait3A_564 = arith.constant 0 : i32
      %dma_wait3A_565 = arith.constant 0 : i32
      %dma_wait3A_566 = tpu.memref_slice %arg10[%dma_wait3A_564, %dma_wait3A_565] : memref<10240x128xf32, #tpu.memory_space<vmem_shared>> -> memref<10240x128xf32, #tpu.memory_space<vmem_shared>>
      tpu.wait_indirect_dma semaphore(%arg15 : memref<!tpu.dma_semaphore, #tpu.memory_space<semaphore_mem>>) src(%dma_wait3A_560 : memref<64x128xf32, #tpu.memory_space<vmem>>) dst(%dma_wait3A_566 : memref<10240x128xf32, #tpu.memory_space<vmem_shared>>)
      %dma_start3A_567 = arith.constant 4 : i32
      %dma_start3A_568 = arith.constant 0 : i32
      %dma_start3A_569 = arith.constant 0 : i32
      %dma_start3A_570 = tpu.memref_slice %arg8[%dma_start3A_568, %dma_start3A_569] : memref<256x128xf32, #tpu.memory_space<vmem>> -> memref<64x128xf32, #tpu.memory_space<vmem>>
      %dma_start3A_571 = arith.constant 0 : i32
      %dma_start3A_572 = tpu.memref_slice %arg6[%rem3A_416, %dma_start3A_567, %dma_start3A_571] : memref<3x8x64xi32, #tpu.memory_space<vmem>> -> memref<1x1x64xi32, #tpu.memory_space<vmem>>
      %dma_start3A_573 = tpu.memref_squeeze %dma_start3A_572 : memref<1x1x64xi32, #tpu.memory_space<vmem>> -> memref<64xi32, #tpu.memory_space<vmem>>
      %dma_start3A_574 = arith.constant 0 : i32
      %dma_start3A_575 = arith.constant 0 : i32
      %dma_start3A_576 = tpu.memref_slice %arg2[%dma_start3A_574, %dma_start3A_575] : memref<10240x128xf32, #tpu.memory_space<hbm>> -> memref<10240x128xf32, #tpu.memory_space<hbm>>
      tpu.enqueue_indirect_dma source(%dma_start3A_576 : memref<10240x128xf32, #tpu.memory_space<hbm>>) target(%dma_start3A_570 : memref<64x128xf32, #tpu.memory_space<vmem>>) offsets(%dma_start3A_573 : memref<64xi32, #tpu.memory_space<vmem>>) semaphore(%arg11 : memref<!tpu.dma_semaphore, #tpu.memory_space<semaphore_mem>>)
      %dma_wait3A_577 = arith.constant 0 : i32
      %dma_wait3A_578 = arith.constant 0 : i32
      %dma_wait3A_579 = arith.constant 192 : i32
      %dma_wait3A_580 = arith.constant 0 : i32
      %dma_wait3A_581 = tpu.memref_slice %arg8[%dma_wait3A_579, %dma_wait3A_580] : memref<256x128xf32, #tpu.memory_space<vmem>> -> memref<64x128xf32, #tpu.memory_space<vmem>>
      %dma_wait3A_582 = arith.constant 0 : i32
      %dma_wait3A_583 = tpu.memref_slice %arg6[%dma_wait3A_577, %dma_wait3A_578, %dma_wait3A_582] : memref<3x8x64xi32, #tpu.memory_space<vmem>> -> memref<1x1x64xi32, #tpu.memory_space<vmem>>
      %dma_wait3A_584 = tpu.memref_squeeze %dma_wait3A_583 : memref<1x1x64xi32, #tpu.memory_space<vmem>> -> memref<64xi32, #tpu.memory_space<vmem>>
      %dma_wait3A_585 = arith.constant 0 : i32
      %dma_wait3A_586 = arith.constant 0 : i32
      %dma_wait3A_587 = tpu.memref_slice %arg2[%dma_wait3A_585, %dma_wait3A_586] : memref<10240x128xf32, #tpu.memory_space<hbm>> -> memref<10240x128xf32, #tpu.memory_space<hbm>>
      tpu.wait_indirect_dma semaphore(%arg14 : memref<!tpu.dma_semaphore, #tpu.memory_space<semaphore_mem>>) src(%dma_wait3A_587 : memref<10240x128xf32, #tpu.memory_space<hbm>>) dst(%dma_wait3A_581 : memref<64x128xf32, #tpu.memory_space<vmem>>)
      %dma_start3A_588 = arith.constant 3 : i32
      %dma_start3A_589 = arith.constant 192 : i32
      %dma_start3A_590 = arith.constant 0 : i32
      %dma_start3A_591 = tpu.memref_slice %arg8[%dma_start3A_589, %dma_start3A_590] : memref<256x128xf32, #tpu.memory_space<vmem>> -> memref<64x128xf32, #tpu.memory_space<vmem>>
      %dma_start3A_592 = arith.constant 0 : i32
      %dma_start3A_593 = tpu.memref_slice %arg7[%rem3A_416, %dma_start3A_588, %dma_start3A_592] : memref<3x8x64xi32, #tpu.memory_space<vmem>> -> memref<1x1x64xi32, #tpu.memory_space<vmem>>
      %dma_start3A_594 = tpu.memref_squeeze %dma_start3A_593 : memref<1x1x64xi32, #tpu.memory_space<vmem>> -> memref<64xi32, #tpu.memory_space<vmem>>
      %dma_start3A_595 = arith.constant 0 : i32
      %dma_start3A_596 = arith.constant 0 : i32
      %dma_start3A_597 = tpu.memref_slice %arg10[%dma_start3A_595, %dma_start3A_596] : memref<10240x128xf32, #tpu.memory_space<vmem_shared>> -> memref<10240x128xf32, #tpu.memory_space<vmem_shared>>
      tpu.enqueue_indirect_dma source(%dma_start3A_591 : memref<64x128xf32, #tpu.memory_space<vmem>>) target(%dma_start3A_597 : memref<10240x128xf32, #tpu.memory_space<vmem_shared>>) offsets(%dma_start3A_594 : memref<64xi32, #tpu.memory_space<vmem>>) semaphore(%arg18 : memref<!tpu.dma_semaphore, #tpu.memory_space<semaphore_mem>>) {add = true}
      %dma_wait3A_598 = arith.constant 0 : i32
      %dma_wait3A_599 = arith.constant 64 : i32
      %dma_wait3A_600 = arith.constant 0 : i32
      %dma_wait3A_601 = tpu.memref_slice %arg8[%dma_wait3A_599, %dma_wait3A_600] : memref<256x128xf32, #tpu.memory_space<vmem>> -> memref<64x128xf32, #tpu.memory_space<vmem>>
      %dma_wait3A_602 = arith.constant 0 : i32
      %dma_wait3A_603 = tpu.memref_slice %arg9[%dma_wait3A_598, %dma_wait3A_602] : memref<1x64xi32, #tpu.memory_space<vmem>> -> memref<1x64xi32, #tpu.memory_space<vmem>>
      %dma_wait3A_604 = tpu.memref_squeeze %dma_wait3A_603 : memref<1x64xi32, #tpu.memory_space<vmem>> -> memref<64xi32, #tpu.memory_space<vmem>>
      %dma_wait3A_605 = arith.constant 0 : i32
      %dma_wait3A_606 = arith.constant 0 : i32
      %dma_wait3A_607 = tpu.memref_slice %arg10[%dma_wait3A_605, %dma_wait3A_606] : memref<10240x128xf32, #tpu.memory_space<vmem_shared>> -> memref<10240x128xf32, #tpu.memory_space<vmem_shared>>
      tpu.wait_indirect_dma semaphore(%arg16 : memref<!tpu.dma_semaphore, #tpu.memory_space<semaphore_mem>>) src(%dma_wait3A_601 : memref<64x128xf32, #tpu.memory_space<vmem>>) dst(%dma_wait3A_607 : memref<10240x128xf32, #tpu.memory_space<vmem_shared>>)
      %dma_start3A_608 = arith.constant 5 : i32
      %dma_start3A_609 = arith.constant 64 : i32
      %dma_start3A_610 = arith.constant 0 : i32
      %dma_start3A_611 = tpu.memref_slice %arg8[%dma_start3A_609, %dma_start3A_610] : memref<256x128xf32, #tpu.memory_space<vmem>> -> memref<64x128xf32, #tpu.memory_space<vmem>>
      %dma_start3A_612 = arith.constant 0 : i32
      %dma_start3A_613 = tpu.memref_slice %arg6[%rem3A_416, %dma_start3A_608, %dma_start3A_612] : memref<3x8x64xi32, #tpu.memory_space<vmem>> -> memref<1x1x64xi32, #tpu.memory_space<vmem>>
      %dma_start3A_614 = tpu.memref_squeeze %dma_start3A_613 : memref<1x1x64xi32, #tpu.memory_space<vmem>> -> memref<64xi32, #tpu.memory_space<vmem>>
      %dma_start3A_615 = arith.constant 0 : i32
      %dma_start3A_616 = arith.constant 0 : i32
      %dma_start3A_617 = tpu.memref_slice %arg2[%dma_start3A_615, %dma_start3A_616] : memref<10240x128xf32, #tpu.memory_space<hbm>> -> memref<10240x128xf32, #tpu.memory_space<hbm>>
      tpu.enqueue_indirect_dma source(%dma_start3A_617 : memref<10240x128xf32, #tpu.memory_space<hbm>>) target(%dma_start3A_611 : memref<64x128xf32, #tpu.memory_space<vmem>>) offsets(%dma_start3A_614 : memref<64xi32, #tpu.memory_space<vmem>>) semaphore(%arg12 : memref<!tpu.dma_semaphore, #tpu.memory_space<semaphore_mem>>)
      %dma_wait3A_618 = arith.constant 0 : i32
      %dma_wait3A_619 = arith.constant 0 : i32
      %dma_wait3A_620 = arith.constant 0 : i32
      %dma_wait3A_621 = arith.constant 0 : i32
      %dma_wait3A_622 = tpu.memref_slice %arg8[%dma_wait3A_620, %dma_wait3A_621] : memref<256x128xf32, #tpu.memory_space<vmem>> -> memref<64x128xf32, #tpu.memory_space<vmem>>
      %dma_wait3A_623 = arith.constant 0 : i32
      %dma_wait3A_624 = tpu.memref_slice %arg6[%dma_wait3A_618, %dma_wait3A_619, %dma_wait3A_623] : memref<3x8x64xi32, #tpu.memory_space<vmem>> -> memref<1x1x64xi32, #tpu.memory_space<vmem>>
      %dma_wait3A_625 = tpu.memref_squeeze %dma_wait3A_624 : memref<1x1x64xi32, #tpu.memory_space<vmem>> -> memref<64xi32, #tpu.memory_space<vmem>>
      %dma_wait3A_626 = arith.constant 0 : i32
      %dma_wait3A_627 = arith.constant 0 : i32
      %dma_wait3A_628 = tpu.memref_slice %arg2[%dma_wait3A_626, %dma_wait3A_627] : memref<10240x128xf32, #tpu.memory_space<hbm>> -> memref<10240x128xf32, #tpu.memory_space<hbm>>
      tpu.wait_indirect_dma semaphore(%arg11 : memref<!tpu.dma_semaphore, #tpu.memory_space<semaphore_mem>>) src(%dma_wait3A_628 : memref<10240x128xf32, #tpu.memory_space<hbm>>) dst(%dma_wait3A_622 : memref<64x128xf32, #tpu.memory_space<vmem>>)
      %dma_start3A_629 = arith.constant 4 : i32
      %dma_start3A_630 = arith.constant 0 : i32
      %dma_start3A_631 = arith.constant 0 : i32
      %dma_start3A_632 = tpu.memref_slice %arg8[%dma_start3A_630, %dma_start3A_631] : memref<256x128xf32, #tpu.memory_space<vmem>> -> memref<64x128xf32, #tpu.memory_space<vmem>>
      %dma_start3A_633 = arith.constant 0 : i32
      %dma_start3A_634 = tpu.memref_slice %arg7[%rem3A_416, %dma_start3A_629, %dma_start3A_633] : memref<3x8x64xi32, #tpu.memory_space<vmem>> -> memref<1x1x64xi32, #tpu.memory_space<vmem>>
      %dma_start3A_635 = tpu.memref_squeeze %dma_start3A_634 : memref<1x1x64xi32, #tpu.memory_space<vmem>> -> memref<64xi32, #tpu.memory_space<vmem>>
      %dma_start3A_636 = arith.constant 0 : i32
      %dma_start3A_637 = arith.constant 0 : i32
      %dma_start3A_638 = tpu.memref_slice %arg10[%dma_start3A_636, %dma_start3A_637] : memref<10240x128xf32, #tpu.memory_space<vmem_shared>> -> memref<10240x128xf32, #tpu.memory_space<vmem_shared>>
      tpu.enqueue_indirect_dma source(%dma_start3A_632 : memref<64x128xf32, #tpu.memory_space<vmem>>) target(%dma_start3A_638 : memref<10240x128xf32, #tpu.memory_space<vmem_shared>>) offsets(%dma_start3A_635 : memref<64xi32, #tpu.memory_space<vmem>>) semaphore(%arg15 : memref<!tpu.dma_semaphore, #tpu.memory_space<semaphore_mem>>) {add = true}
      %dma_wait3A_639 = arith.constant 0 : i32
      %dma_wait3A_640 = arith.constant 128 : i32
      %dma_wait3A_641 = arith.constant 0 : i32
      %dma_wait3A_642 = tpu.memref_slice %arg8[%dma_wait3A_640, %dma_wait3A_641] : memref<256x128xf32, #tpu.memory_space<vmem>> -> memref<64x128xf32, #tpu.memory_space<vmem>>
      %dma_wait3A_643 = arith.constant 0 : i32
      %dma_wait3A_644 = tpu.memref_slice %arg9[%dma_wait3A_639, %dma_wait3A_643] : memref<1x64xi32, #tpu.memory_space<vmem>> -> memref<1x64xi32, #tpu.memory_space<vmem>>
      %dma_wait3A_645 = tpu.memref_squeeze %dma_wait3A_644 : memref<1x64xi32, #tpu.memory_space<vmem>> -> memref<64xi32, #tpu.memory_space<vmem>>
      %dma_wait3A_646 = arith.constant 0 : i32
      %dma_wait3A_647 = arith.constant 0 : i32
      %dma_wait3A_648 = tpu.memref_slice %arg10[%dma_wait3A_646, %dma_wait3A_647] : memref<10240x128xf32, #tpu.memory_space<vmem_shared>> -> memref<10240x128xf32, #tpu.memory_space<vmem_shared>>
      tpu.wait_indirect_dma semaphore(%arg17 : memref<!tpu.dma_semaphore, #tpu.memory_space<semaphore_mem>>) src(%dma_wait3A_642 : memref<64x128xf32, #tpu.memory_space<vmem>>) dst(%dma_wait3A_648 : memref<10240x128xf32, #tpu.memory_space<vmem_shared>>)
      %dma_start3A_649 = arith.constant 6 : i32
      %dma_start3A_650 = arith.constant 128 : i32
      %dma_start3A_651 = arith.constant 0 : i32
      %dma_start3A_652 = tpu.memref_slice %arg8[%dma_start3A_650, %dma_start3A_651] : memref<256x128xf32, #tpu.memory_space<vmem>> -> memref<64x128xf32, #tpu.memory_space<vmem>>
      %dma_start3A_653 = arith.constant 0 : i32
      %dma_start3A_654 = tpu.memref_slice %arg6[%rem3A_416, %dma_start3A_649, %dma_start3A_653] : memref<3x8x64xi32, #tpu.memory_space<vmem>> -> memref<1x1x64xi32, #tpu.memory_space<vmem>>
      %dma_start3A_655 = tpu.memref_squeeze %dma_start3A_654 : memref<1x1x64xi32, #tpu.memory_space<vmem>> -> memref<64xi32, #tpu.memory_space<vmem>>
      %dma_start3A_656 = arith.constant 0 : i32
      %dma_start3A_657 = arith.constant 0 : i32
      %dma_start3A_658 = tpu.memref_slice %arg2[%dma_start3A_656, %dma_start3A_657] : memref<10240x128xf32, #tpu.memory_space<hbm>> -> memref<10240x128xf32, #tpu.memory_space<hbm>>
      tpu.enqueue_indirect_dma source(%dma_start3A_658 : memref<10240x128xf32, #tpu.memory_space<hbm>>) target(%dma_start3A_652 : memref<64x128xf32, #tpu.memory_space<vmem>>) offsets(%dma_start3A_655 : memref<64xi32, #tpu.memory_space<vmem>>) semaphore(%arg13 : memref<!tpu.dma_semaphore, #tpu.memory_space<semaphore_mem>>)
      %dma_wait3A_659 = arith.constant 0 : i32
      %dma_wait3A_660 = arith.constant 0 : i32
      %dma_wait3A_661 = arith.constant 64 : i32
      %dma_wait3A_662 = arith.constant 0 : i32
      %dma_wait3A_663 = tpu.memref_slice %arg8[%dma_wait3A_661, %dma_wait3A_662] : memref<256x128xf32, #tpu.memory_space<vmem>> -> memref<64x128xf32, #tpu.memory_space<vmem>>
      %dma_wait3A_664 = arith.constant 0 : i32
      %dma_wait3A_665 = tpu.memref_slice %arg6[%dma_wait3A_659, %dma_wait3A_660, %dma_wait3A_664] : memref<3x8x64xi32, #tpu.memory_space<vmem>> -> memref<1x1x64xi32, #tpu.memory_space<vmem>>
      %dma_wait3A_666 = tpu.memref_squeeze %dma_wait3A_665 : memref<1x1x64xi32, #tpu.memory_space<vmem>> -> memref<64xi32, #tpu.memory_space<vmem>>
      %dma_wait3A_667 = arith.constant 0 : i32
      %dma_wait3A_668 = arith.constant 0 : i32
      %dma_wait3A_669 = tpu.memref_slice %arg2[%dma_wait3A_667, %dma_wait3A_668] : memref<10240x128xf32, #tpu.memory_space<hbm>> -> memref<10240x128xf32, #tpu.memory_space<hbm>>
      tpu.wait_indirect_dma semaphore(%arg12 : memref<!tpu.dma_semaphore, #tpu.memory_space<semaphore_mem>>) src(%dma_wait3A_669 : memref<10240x128xf32, #tpu.memory_space<hbm>>) dst(%dma_wait3A_663 : memref<64x128xf32, #tpu.memory_space<vmem>>)
      %dma_start3A_670 = arith.constant 5 : i32
      %dma_start3A_671 = arith.constant 64 : i32
      %dma_start3A_672 = arith.constant 0 : i32
      %dma_start3A_673 = tpu.memref_slice %arg8[%dma_start3A_671, %dma_start3A_672] : memref<256x128xf32, #tpu.memory_space<vmem>> -> memref<64x128xf32, #tpu.memory_space<vmem>>
      %dma_start3A_674 = arith.constant 0 : i32
      %dma_start3A_675 = tpu.memref_slice %arg7[%rem3A_416, %dma_start3A_670, %dma_start3A_674] : memref<3x8x64xi32, #tpu.memory_space<vmem>> -> memref<1x1x64xi32, #tpu.memory_space<vmem>>
      %dma_start3A_676 = tpu.memref_squeeze %dma_start3A_675 : memref<1x1x64xi32, #tpu.memory_space<vmem>> -> memref<64xi32, #tpu.memory_space<vmem>>
      %dma_start3A_677 = arith.constant 0 : i32
      %dma_start3A_678 = arith.constant 0 : i32
      %dma_start3A_679 = tpu.memref_slice %arg10[%dma_start3A_677, %dma_start3A_678] : memref<10240x128xf32, #tpu.memory_space<vmem_shared>> -> memref<10240x128xf32, #tpu.memory_space<vmem_shared>>
      tpu.enqueue_indirect_dma source(%dma_start3A_673 : memref<64x128xf32, #tpu.memory_space<vmem>>) target(%dma_start3A_679 : memref<10240x128xf32, #tpu.memory_space<vmem_shared>>) offsets(%dma_start3A_676 : memref<64xi32, #tpu.memory_space<vmem>>) semaphore(%arg16 : memref<!tpu.dma_semaphore, #tpu.memory_space<semaphore_mem>>) {add = true}
      %dma_wait3A_680 = arith.constant 0 : i32
      %dma_wait3A_681 = arith.constant 192 : i32
      %dma_wait3A_682 = arith.constant 0 : i32
      %dma_wait3A_683 = tpu.memref_slice %arg8[%dma_wait3A_681, %dma_wait3A_682] : memref<256x128xf32, #tpu.memory_space<vmem>> -> memref<64x128xf32, #tpu.memory_space<vmem>>
      %dma_wait3A_684 = arith.constant 0 : i32
      %dma_wait3A_685 = tpu.memref_slice %arg9[%dma_wait3A_680, %dma_wait3A_684] : memref<1x64xi32, #tpu.memory_space<vmem>> -> memref<1x64xi32, #tpu.memory_space<vmem>>
      %dma_wait3A_686 = tpu.memref_squeeze %dma_wait3A_685 : memref<1x64xi32, #tpu.memory_space<vmem>> -> memref<64xi32, #tpu.memory_space<vmem>>
      %dma_wait3A_687 = arith.constant 0 : i32
      %dma_wait3A_688 = arith.constant 0 : i32
      %dma_wait3A_689 = tpu.memref_slice %arg10[%dma_wait3A_687, %dma_wait3A_688] : memref<10240x128xf32, #tpu.memory_space<vmem_shared>> -> memref<10240x128xf32, #tpu.memory_space<vmem_shared>>
      tpu.wait_indirect_dma semaphore(%arg18 : memref<!tpu.dma_semaphore, #tpu.memory_space<semaphore_mem>>) src(%dma_wait3A_683 : memref<64x128xf32, #tpu.memory_space<vmem>>) dst(%dma_wait3A_689 : memref<10240x128xf32, #tpu.memory_space<vmem_shared>>)
      %dma_start3A_690 = arith.constant 7 : i32
      %dma_start3A_691 = arith.constant 192 : i32
      %dma_start3A_692 = arith.constant 0 : i32
      %dma_start3A_693 = tpu.memref_slice %arg8[%dma_start3A_691, %dma_start3A_692] : memref<256x128xf32, #tpu.memory_space<vmem>> -> memref<64x128xf32, #tpu.memory_space<vmem>>
      %dma_start3A_694 = arith.constant 0 : i32
      %dma_start3A_695 = tpu.memref_slice %arg6[%rem3A_416, %dma_start3A_690, %dma_start3A_694] : memref<3x8x64xi32, #tpu.memory_space<vmem>> -> memref<1x1x64xi32, #tpu.memory_space<vmem>>
      %dma_start3A_696 = tpu.memref_squeeze %dma_start3A_695 : memref<1x1x64xi32, #tpu.memory_space<vmem>> -> memref<64xi32, #tpu.memory_space<vmem>>
      %dma_start3A_697 = arith.constant 0 : i32
      %dma_start3A_698 = arith.constant 0 : i32
      %dma_start3A_699 = tpu.memref_slice %arg2[%dma_start3A_697, %dma_start3A_698] : memref<10240x128xf32, #tpu.memory_space<hbm>> -> memref<10240x128xf32, #tpu.memory_space<hbm>>
      tpu.enqueue_indirect_dma source(%dma_start3A_699 : memref<10240x128xf32, #tpu.memory_space<hbm>>) target(%dma_start3A_693 : memref<64x128xf32, #tpu.memory_space<vmem>>) offsets(%dma_start3A_696 : memref<64xi32, #tpu.memory_space<vmem>>) semaphore(%arg14 : memref<!tpu.dma_semaphore, #tpu.memory_space<semaphore_mem>>)
      %dma_wait3A_700 = arith.constant 0 : i32
      %dma_wait3A_701 = arith.constant 0 : i32
      %dma_wait3A_702 = arith.constant 128 : i32
      %dma_wait3A_703 = arith.constant 0 : i32
      %dma_wait3A_704 = tpu.memref_slice %arg8[%dma_wait3A_702, %dma_wait3A_703] : memref<256x128xf32, #tpu.memory_space<vmem>> -> memref<64x128xf32, #tpu.memory_space<vmem>>
      %dma_wait3A_705 = arith.constant 0 : i32
      %dma_wait3A_706 = tpu.memref_slice %arg6[%dma_wait3A_700, %dma_wait3A_701, %dma_wait3A_705] : memref<3x8x64xi32, #tpu.memory_space<vmem>> -> memref<1x1x64xi32, #tpu.memory_space<vmem>>
      %dma_wait3A_707 = tpu.memref_squeeze %dma_wait3A_706 : memref<1x1x64xi32, #tpu.memory_space<vmem>> -> memref<64xi32, #tpu.memory_space<vmem>>
      %dma_wait3A_708 = arith.constant 0 : i32
      %dma_wait3A_709 = arith.constant 0 : i32
      %dma_wait3A_710 = tpu.memref_slice %arg2[%dma_wait3A_708, %dma_wait3A_709] : memref<10240x128xf32, #tpu.memory_space<hbm>> -> memref<10240x128xf32, #tpu.memory_space<hbm>>
      tpu.wait_indirect_dma semaphore(%arg13 : memref<!tpu.dma_semaphore, #tpu.memory_space<semaphore_mem>>) src(%dma_wait3A_710 : memref<10240x128xf32, #tpu.memory_space<hbm>>) dst(%dma_wait3A_704 : memref<64x128xf32, #tpu.memory_space<vmem>>)
      %dma_start3A_711 = arith.constant 6 : i32
      %dma_start3A_712 = arith.constant 128 : i32
      %dma_start3A_713 = arith.constant 0 : i32
      %dma_start3A_714 = tpu.memref_slice %arg8[%dma_start3A_712, %dma_start3A_713] : memref<256x128xf32, #tpu.memory_space<vmem>> -> memref<64x128xf32, #tpu.memory_space<vmem>>
      %dma_start3A_715 = arith.constant 0 : i32
      %dma_start3A_716 = tpu.memref_slice %arg7[%rem3A_416, %dma_start3A_711, %dma_start3A_715] : memref<3x8x64xi32, #tpu.memory_space<vmem>> -> memref<1x1x64xi32, #tpu.memory_space<vmem>>
      %dma_start3A_717 = tpu.memref_squeeze %dma_start3A_716 : memref<1x1x64xi32, #tpu.memory_space<vmem>> -> memref<64xi32, #tpu.memory_space<vmem>>
      %dma_start3A_718 = arith.constant 0 : i32
      %dma_start3A_719 = arith.constant 0 : i32
      %dma_start3A_720 = tpu.memref_slice %arg10[%dma_start3A_718, %dma_start3A_719] : memref<10240x128xf32, #tpu.memory_space<vmem_shared>> -> memref<10240x128xf32, #tpu.memory_space<vmem_shared>>
      tpu.enqueue_indirect_dma source(%dma_start3A_714 : memref<64x128xf32, #tpu.memory_space<vmem>>) target(%dma_start3A_720 : memref<10240x128xf32, #tpu.memory_space<vmem_shared>>) offsets(%dma_start3A_717 : memref<64xi32, #tpu.memory_space<vmem>>) semaphore(%arg17 : memref<!tpu.dma_semaphore, #tpu.memory_space<semaphore_mem>>) {add = true}
      %dma_wait3A_721 = arith.constant 0 : i32
      %dma_wait3A_722 = arith.constant 0 : i32
      %dma_wait3A_723 = arith.constant 0 : i32
      %dma_wait3A_724 = tpu.memref_slice %arg8[%dma_wait3A_722, %dma_wait3A_723] : memref<256x128xf32, #tpu.memory_space<vmem>> -> memref<64x128xf32, #tpu.memory_space<vmem>>
      %dma_wait3A_725 = arith.constant 0 : i32
      %dma_wait3A_726 = tpu.memref_slice %arg9[%dma_wait3A_721, %dma_wait3A_725] : memref<1x64xi32, #tpu.memory_space<vmem>> -> memref<1x64xi32, #tpu.memory_space<vmem>>
      %dma_wait3A_727 = tpu.memref_squeeze %dma_wait3A_726 : memref<1x64xi32, #tpu.memory_space<vmem>> -> memref<64xi32, #tpu.memory_space<vmem>>
      %dma_wait3A_728 = arith.constant 0 : i32
      %dma_wait3A_729 = arith.constant 0 : i32
      %dma_wait3A_730 = tpu.memref_slice %arg10[%dma_wait3A_728, %dma_wait3A_729] : memref<10240x128xf32, #tpu.memory_space<vmem_shared>> -> memref<10240x128xf32, #tpu.memory_space<vmem_shared>>
      tpu.wait_indirect_dma semaphore(%arg15 : memref<!tpu.dma_semaphore, #tpu.memory_space<semaphore_mem>>) src(%dma_wait3A_724 : memref<64x128xf32, #tpu.memory_space<vmem>>) dst(%dma_wait3A_730 : memref<10240x128xf32, #tpu.memory_space<vmem_shared>>)
      %dma_wait3A_731 = arith.constant 0 : i32
      %dma_wait3A_732 = arith.constant 0 : i32
      %dma_wait3A_733 = tpu.memref_slice %arg6[%rem3A_420, %dma_wait3A_731, %dma_wait3A_732] : memref<3x8x64xi32, #tpu.memory_space<vmem>> -> memref<1x8x64xi32, #tpu.memory_space<vmem>>
      %dma_wait3A_734 = tpu.memref_squeeze %dma_wait3A_733 : memref<1x8x64xi32, #tpu.memory_space<vmem>> -> memref<8x64xi32, #tpu.memory_space<vmem>>
      %dma_wait3A_735 = arith.constant 0 : i32
      %dma_wait3A_736 = tpu.memref_slice %arg3[%add3A_426, %dma_wait3A_735] : memref<5120x64xi32, #tpu.memory_space<hbm>> -> memref<8x64xi32, #tpu.memory_space<hbm>>
      %dma_wait3A_737 = arith.constant 0 : i32
      %dma_wait3A_738 = arith.constant 0 : i32
      %dma_wait3A_739 = tpu.memref_slice %arg6[%rem3A_420, %dma_wait3A_737, %dma_wait3A_738] : memref<3x8x64xi32, #tpu.memory_space<vmem>> -> memref<1x8x64xi32, #tpu.memory_space<vmem>>
      %dma_wait3A_740 = tpu.memref_squeeze %dma_wait3A_739 : memref<1x8x64xi32, #tpu.memory_space<vmem>> -> memref<8x64xi32, #tpu.memory_space<vmem>>
      %dma_wait3A_741 = arith.constant 0 : i32
      %dma_wait3A_742 = tpu.memref_slice %arg3[%add3A_426, %dma_wait3A_741] : memref<5120x64xi32, #tpu.memory_space<hbm>> -> memref<8x64xi32, #tpu.memory_space<hbm>>
      tpu.wait_dma2 semaphore(%arg19 : memref<!tpu.dma_semaphore, #tpu.memory_space<semaphore_mem>>) src(%dma_wait3A_742 : memref<8x64xi32, #tpu.memory_space<hbm>>) dst(%dma_wait3A_740 : memref<8x64xi32, #tpu.memory_space<vmem>>)
      %dma_wait3A_743 = arith.constant 0 : i32
      %dma_wait3A_744 = arith.constant 0 : i32
      %dma_wait3A_745 = tpu.memref_slice %arg7[%rem3A_420, %dma_wait3A_743, %dma_wait3A_744] : memref<3x8x64xi32, #tpu.memory_space<vmem>> -> memref<1x8x64xi32, #tpu.memory_space<vmem>>
      %dma_wait3A_746 = tpu.memref_squeeze %dma_wait3A_745 : memref<1x8x64xi32, #tpu.memory_space<vmem>> -> memref<8x64xi32, #tpu.memory_space<vmem>>
      %dma_wait3A_747 = arith.constant 0 : i32
      %dma_wait3A_748 = tpu.memref_slice %arg4[%add3A_441, %dma_wait3A_747] : memref<5120x64xi32, #tpu.memory_space<hbm>> -> memref<8x64xi32, #tpu.memory_space<hbm>>
      %dma_wait3A_749 = arith.constant 0 : i32
      %dma_wait3A_750 = arith.constant 0 : i32
      %dma_wait3A_751 = tpu.memref_slice %arg7[%rem3A_420, %dma_wait3A_749, %dma_wait3A_750] : memref<3x8x64xi32, #tpu.memory_space<vmem>> -> memref<1x8x64xi32, #tpu.memory_space<vmem>>
      %dma_wait3A_752 = tpu.memref_squeeze %dma_wait3A_751 : memref<1x8x64xi32, #tpu.memory_space<vmem>> -> memref<8x64xi32, #tpu.memory_space<vmem>>
      %dma_wait3A_753 = arith.constant 0 : i32
      %dma_wait3A_754 = tpu.memref_slice %arg4[%add3A_441, %dma_wait3A_753] : memref<5120x64xi32, #tpu.memory_space<hbm>> -> memref<8x64xi32, #tpu.memory_space<hbm>>
      tpu.wait_dma2 semaphore(%arg20 : memref<!tpu.dma_semaphore, #tpu.memory_space<semaphore_mem>>) src(%dma_wait3A_754 : memref<8x64xi32, #tpu.memory_space<hbm>>) dst(%dma_wait3A_752 : memref<8x64xi32, #tpu.memory_space<vmem>>)
      %dma_start3A_755 = arith.constant 0 : i32
      %dma_start3A_756 = arith.constant 0 : i32
      %dma_start3A_757 = arith.constant 0 : i32
      %dma_start3A_758 = tpu.memref_slice %arg8[%dma_start3A_756, %dma_start3A_757] : memref<256x128xf32, #tpu.memory_space<vmem>> -> memref<64x128xf32, #tpu.memory_space<vmem>>
      %dma_start3A_759 = arith.constant 0 : i32
      %dma_start3A_760 = tpu.memref_slice %arg6[%rem3A_420, %dma_start3A_755, %dma_start3A_759] : memref<3x8x64xi32, #tpu.memory_space<vmem>> -> memref<1x1x64xi32, #tpu.memory_space<vmem>>
      %dma_start3A_761 = tpu.memref_squeeze %dma_start3A_760 : memref<1x1x64xi32, #tpu.memory_space<vmem>> -> memref<64xi32, #tpu.memory_space<vmem>>
      %dma_start3A_762 = arith.constant 0 : i32
      %dma_start3A_763 = arith.constant 0 : i32
      %dma_start3A_764 = tpu.memref_slice %arg2[%dma_start3A_762, %dma_start3A_763] : memref<10240x128xf32, #tpu.memory_space<hbm>> -> memref<10240x128xf32, #tpu.memory_space<hbm>>
      tpu.enqueue_indirect_dma source(%dma_start3A_764 : memref<10240x128xf32, #tpu.memory_space<hbm>>) target(%dma_start3A_758 : memref<64x128xf32, #tpu.memory_space<vmem>>) offsets(%dma_start3A_761 : memref<64xi32, #tpu.memory_space<vmem>>) semaphore(%arg11 : memref<!tpu.dma_semaphore, #tpu.memory_space<semaphore_mem>>)
      %dma_wait3A_765 = arith.constant 0 : i32
      %dma_wait3A_766 = arith.constant 0 : i32
      %dma_wait3A_767 = arith.constant 192 : i32
      %dma_wait3A_768 = arith.constant 0 : i32
      %dma_wait3A_769 = tpu.memref_slice %arg8[%dma_wait3A_767, %dma_wait3A_768] : memref<256x128xf32, #tpu.memory_space<vmem>> -> memref<64x128xf32, #tpu.memory_space<vmem>>
      %dma_wait3A_770 = arith.constant 0 : i32
      %dma_wait3A_771 = tpu.memref_slice %arg6[%dma_wait3A_765, %dma_wait3A_766, %dma_wait3A_770] : memref<3x8x64xi32, #tpu.memory_space<vmem>> -> memref<1x1x64xi32, #tpu.memory_space<vmem>>
      %dma_wait3A_772 = tpu.memref_squeeze %dma_wait3A_771 : memref<1x1x64xi32, #tpu.memory_space<vmem>> -> memref<64xi32, #tpu.memory_space<vmem>>
      %dma_wait3A_773 = arith.constant 0 : i32
      %dma_wait3A_774 = arith.constant 0 : i32
      %dma_wait3A_775 = tpu.memref_slice %arg2[%dma_wait3A_773, %dma_wait3A_774] : memref<10240x128xf32, #tpu.memory_space<hbm>> -> memref<10240x128xf32, #tpu.memory_space<hbm>>
      tpu.wait_indirect_dma semaphore(%arg14 : memref<!tpu.dma_semaphore, #tpu.memory_space<semaphore_mem>>) src(%dma_wait3A_775 : memref<10240x128xf32, #tpu.memory_space<hbm>>) dst(%dma_wait3A_769 : memref<64x128xf32, #tpu.memory_space<vmem>>)
      %dma_start3A_776 = arith.constant 7 : i32
      %dma_start3A_777 = arith.constant 192 : i32
      %dma_start3A_778 = arith.constant 0 : i32
      %dma_start3A_779 = tpu.memref_slice %arg8[%dma_start3A_777, %dma_start3A_778] : memref<256x128xf32, #tpu.memory_space<vmem>> -> memref<64x128xf32, #tpu.memory_space<vmem>>
      %dma_start3A_780 = arith.constant 0 : i32
      %dma_start3A_781 = tpu.memref_slice %arg7[%rem3A_416, %dma_start3A_776, %dma_start3A_780] : memref<3x8x64xi32, #tpu.memory_space<vmem>> -> memref<1x1x64xi32, #tpu.memory_space<vmem>>
      %dma_start3A_782 = tpu.memref_squeeze %dma_start3A_781 : memref<1x1x64xi32, #tpu.memory_space<vmem>> -> memref<64xi32, #tpu.memory_space<vmem>>
      %dma_start3A_783 = arith.constant 0 : i32
      %dma_start3A_784 = arith.constant 0 : i32
      %dma_start3A_785 = tpu.memref_slice %arg10[%dma_start3A_783, %dma_start3A_784] : memref<10240x128xf32, #tpu.memory_space<vmem_shared>> -> memref<10240x128xf32, #tpu.memory_space<vmem_shared>>
      tpu.enqueue_indirect_dma source(%dma_start3A_779 : memref<64x128xf32, #tpu.memory_space<vmem>>) target(%dma_start3A_785 : memref<10240x128xf32, #tpu.memory_space<vmem_shared>>) offsets(%dma_start3A_782 : memref<64xi32, #tpu.memory_space<vmem>>) semaphore(%arg18 : memref<!tpu.dma_semaphore, #tpu.memory_space<semaphore_mem>>) {add = true}
      %dma_wait3A_786 = arith.constant 0 : i32
      %dma_wait3A_787 = arith.constant 64 : i32
      %dma_wait3A_788 = arith.constant 0 : i32
      %dma_wait3A_789 = tpu.memref_slice %arg8[%dma_wait3A_787, %dma_wait3A_788] : memref<256x128xf32, #tpu.memory_space<vmem>> -> memref<64x128xf32, #tpu.memory_space<vmem>>
      %dma_wait3A_790 = arith.constant 0 : i32
      %dma_wait3A_791 = tpu.memref_slice %arg9[%dma_wait3A_786, %dma_wait3A_790] : memref<1x64xi32, #tpu.memory_space<vmem>> -> memref<1x64xi32, #tpu.memory_space<vmem>>
      %dma_wait3A_792 = tpu.memref_squeeze %dma_wait3A_791 : memref<1x64xi32, #tpu.memory_space<vmem>> -> memref<64xi32, #tpu.memory_space<vmem>>
      %dma_wait3A_793 = arith.constant 0 : i32
      %dma_wait3A_794 = arith.constant 0 : i32
      %dma_wait3A_795 = tpu.memref_slice %arg10[%dma_wait3A_793, %dma_wait3A_794] : memref<10240x128xf32, #tpu.memory_space<vmem_shared>> -> memref<10240x128xf32, #tpu.memory_space<vmem_shared>>
      tpu.wait_indirect_dma semaphore(%arg16 : memref<!tpu.dma_semaphore, #tpu.memory_space<semaphore_mem>>) src(%dma_wait3A_789 : memref<64x128xf32, #tpu.memory_space<vmem>>) dst(%dma_wait3A_795 : memref<10240x128xf32, #tpu.memory_space<vmem_shared>>)
      %dma_start3A_796 = arith.constant 1 : i32
      %dma_start3A_797 = arith.constant 64 : i32
      %dma_start3A_798 = arith.constant 0 : i32
      %dma_start3A_799 = tpu.memref_slice %arg8[%dma_start3A_797, %dma_start3A_798] : memref<256x128xf32, #tpu.memory_space<vmem>> -> memref<64x128xf32, #tpu.memory_space<vmem>>
      %dma_start3A_800 = arith.constant 0 : i32
      %dma_start3A_801 = tpu.memref_slice %arg6[%rem3A_420, %dma_start3A_796, %dma_start3A_800] : memref<3x8x64xi32, #tpu.memory_space<vmem>> -> memref<1x1x64xi32, #tpu.memory_space<vmem>>
      %dma_start3A_802 = tpu.memref_squeeze %dma_start3A_801 : memref<1x1x64xi32, #tpu.memory_space<vmem>> -> memref<64xi32, #tpu.memory_space<vmem>>
      %dma_start3A_803 = arith.constant 0 : i32
      %dma_start3A_804 = arith.constant 0 : i32
      %dma_start3A_805 = tpu.memref_slice %arg2[%dma_start3A_803, %dma_start3A_804] : memref<10240x128xf32, #tpu.memory_space<hbm>> -> memref<10240x128xf32, #tpu.memory_space<hbm>>
      tpu.enqueue_indirect_dma source(%dma_start3A_805 : memref<10240x128xf32, #tpu.memory_space<hbm>>) target(%dma_start3A_799 : memref<64x128xf32, #tpu.memory_space<vmem>>) offsets(%dma_start3A_802 : memref<64xi32, #tpu.memory_space<vmem>>) semaphore(%arg12 : memref<!tpu.dma_semaphore, #tpu.memory_space<semaphore_mem>>)
    }
    %scan3A_221 = arith.constant 20 : i32
    %dma_wait3A_222 = arith.constant 0 : i32
    %dma_wait3A_223 = arith.constant 0 : i32
    %dma_wait3A_224 = arith.constant 0 : i32
    %dma_wait3A_225 = arith.constant 0 : i32
    %dma_wait3A_226 = tpu.memref_slice %arg8[%dma_wait3A_224, %dma_wait3A_225] : memref<256x128xf32, #tpu.memory_space<vmem>> -> memref<64x128xf32, #tpu.memory_space<vmem>>
    %dma_wait3A_227 = arith.constant 0 : i32
    %dma_wait3A_228 = tpu.memref_slice %arg6[%dma_wait3A_222, %dma_wait3A_223, %dma_wait3A_227] : memref<3x8x64xi32, #tpu.memory_space<vmem>> -> memref<1x1x64xi32, #tpu.memory_space<vmem>>
    %dma_wait3A_229 = tpu.memref_squeeze %dma_wait3A_228 : memref<1x1x64xi32, #tpu.memory_space<vmem>> -> memref<64xi32, #tpu.memory_space<vmem>>
    %dma_wait3A_230 = arith.constant 0 : i32
    %dma_wait3A_231 = arith.constant 0 : i32
    %dma_wait3A_232 = tpu.memref_slice %arg2[%dma_wait3A_230, %dma_wait3A_231] : memref<10240x128xf32, #tpu.memory_space<hbm>> -> memref<10240x128xf32, #tpu.memory_space<hbm>>
    tpu.wait_indirect_dma semaphore(%arg11 : memref<!tpu.dma_semaphore, #tpu.memory_space<semaphore_mem>>) src(%dma_wait3A_232 : memref<10240x128xf32, #tpu.memory_space<hbm>>) dst(%dma_wait3A_226 : memref<64x128xf32, #tpu.memory_space<vmem>>)
    %dma_wait3A_233 = arith.constant 0 : i32
    %dma_wait3A_234 = arith.constant 0 : i32
    %dma_wait3A_235 = arith.constant 64 : i32
    %dma_wait3A_236 = arith.constant 0 : i32
    %dma_wait3A_237 = tpu.memref_slice %arg8[%dma_wait3A_235, %dma_wait3A_236] : memref<256x128xf32, #tpu.memory_space<vmem>> -> memref<64x128xf32, #tpu.memory_space<vmem>>
    %dma_wait3A_238 = arith.constant 0 : i32
    %dma_wait3A_239 = tpu.memref_slice %arg6[%dma_wait3A_233, %dma_wait3A_234, %dma_wait3A_238] : memref<3x8x64xi32, #tpu.memory_space<vmem>> -> memref<1x1x64xi32, #tpu.memory_space<vmem>>
    %dma_wait3A_240 = tpu.memref_squeeze %dma_wait3A_239 : memref<1x1x64xi32, #tpu.memory_space<vmem>> -> memref<64xi32, #tpu.memory_space<vmem>>
    %dma_wait3A_241 = arith.constant 0 : i32
    %dma_wait3A_242 = arith.constant 0 : i32
    %dma_wait3A_243 = tpu.memref_slice %arg2[%dma_wait3A_241, %dma_wait3A_242] : memref<10240x128xf32, #tpu.memory_space<hbm>> -> memref<10240x128xf32, #tpu.memory_space<hbm>>
    tpu.wait_indirect_dma semaphore(%arg12 : memref<!tpu.dma_semaphore, #tpu.memory_space<semaphore_mem>>) src(%dma_wait3A_243 : memref<10240x128xf32, #tpu.memory_space<hbm>>) dst(%dma_wait3A_237 : memref<64x128xf32, #tpu.memory_space<vmem>>)
    %dma_wait3A_244 = arith.constant 0 : i32
    %dma_wait3A_245 = arith.constant 128 : i32
    %dma_wait3A_246 = arith.constant 0 : i32
    %dma_wait3A_247 = tpu.memref_slice %arg8[%dma_wait3A_245, %dma_wait3A_246] : memref<256x128xf32, #tpu.memory_space<vmem>> -> memref<64x128xf32, #tpu.memory_space<vmem>>
    %dma_wait3A_248 = arith.constant 0 : i32
    %dma_wait3A_249 = tpu.memref_slice %arg9[%dma_wait3A_244, %dma_wait3A_248] : memref<1x64xi32, #tpu.memory_space<vmem>> -> memref<1x64xi32, #tpu.memory_space<vmem>>
    %dma_wait3A_250 = tpu.memref_squeeze %dma_wait3A_249 : memref<1x64xi32, #tpu.memory_space<vmem>> -> memref<64xi32, #tpu.memory_space<vmem>>
    %dma_wait3A_251 = arith.constant 0 : i32
    %dma_wait3A_252 = arith.constant 0 : i32
    %dma_wait3A_253 = tpu.memref_slice %arg10[%dma_wait3A_251, %dma_wait3A_252] : memref<10240x128xf32, #tpu.memory_space<vmem_shared>> -> memref<10240x128xf32, #tpu.memory_space<vmem_shared>>
    tpu.wait_indirect_dma semaphore(%arg17 : memref<!tpu.dma_semaphore, #tpu.memory_space<semaphore_mem>>) src(%dma_wait3A_247 : memref<64x128xf32, #tpu.memory_space<vmem>>) dst(%dma_wait3A_253 : memref<10240x128xf32, #tpu.memory_space<vmem_shared>>)
    %dma_wait3A_254 = arith.constant 0 : i32
    %dma_wait3A_255 = arith.constant 192 : i32
    %dma_wait3A_256 = arith.constant 0 : i32
    %dma_wait3A_257 = tpu.memref_slice %arg8[%dma_wait3A_255, %dma_wait3A_256] : memref<256x128xf32, #tpu.memory_space<vmem>> -> memref<64x128xf32, #tpu.memory_space<vmem>>
    %dma_wait3A_258 = arith.constant 0 : i32
    %dma_wait3A_259 = tpu.memref_slice %arg9[%dma_wait3A_254, %dma_wait3A_258] : memref<1x64xi32, #tpu.memory_space<vmem>> -> memref<1x64xi32, #tpu.memory_space<vmem>>
    %dma_wait3A_260 = tpu.memref_squeeze %dma_wait3A_259 : memref<1x64xi32, #tpu.memory_space<vmem>> -> memref<64xi32, #tpu.memory_space<vmem>>
    %dma_wait3A_261 = arith.constant 0 : i32
    %dma_wait3A_262 = arith.constant 0 : i32
    %dma_wait3A_263 = tpu.memref_slice %arg10[%dma_wait3A_261, %dma_wait3A_262] : memref<10240x128xf32, #tpu.memory_space<vmem_shared>> -> memref<10240x128xf32, #tpu.memory_space<vmem_shared>>
    tpu.wait_indirect_dma semaphore(%arg18 : memref<!tpu.dma_semaphore, #tpu.memory_space<semaphore_mem>>) src(%dma_wait3A_257 : memref<64x128xf32, #tpu.memory_space<vmem>>) dst(%dma_wait3A_263 : memref<10240x128xf32, #tpu.memory_space<vmem_shared>>)
    %barrier3A_264 = arith.constant 0 : index
    tpu.barrier barrier_id(%barrier3A_264)
    %mul3A_265 = arith.constant 640 : i32
    %mul3A_266 = arith.muli %arg1, %mul3A_265 : i32
    %add3A_267 = arith.constant 0 : i32
    %add3A_268 = arith.addi %mul3A_266, %add3A_267 : i32
    "tpu.region"() ({
      %run_scoped3A_415 = tpu.sem_alloc : memref<!tpu.dma_semaphore, #tpu.memory_space<semaphore_mem>>
      %dma_start3A_416 = arith.constant 0 : i32
      %dma_start3A_417 = arith.constant 0 : i32
      %dma_start3A_418 = tpu.memref_slice %arg8[%dma_start3A_416, %dma_start3A_417] : memref<256x128xf32, #tpu.memory_space<vmem>> -> memref<128x128xf32, #tpu.memory_space<vmem>>
      %dma_start3A_419 = arith.constant 0 : i32
      %dma_start3A_420 = tpu.memref_slice %arg10[%add3A_268, %dma_start3A_419] : memref<10240x128xf32, #tpu.memory_space<vmem_shared>> -> memref<128x128xf32, #tpu.memory_space<vmem_shared>>
      %dma_start3A_421 = arith.constant 0 : i32
      %dma_start3A_422 = arith.constant 0 : i32
      %dma_start3A_423 = tpu.memref_slice %arg8[%dma_start3A_421, %dma_start3A_422] : memref<256x128xf32, #tpu.memory_space<vmem>> -> memref<128x128xf32, #tpu.memory_space<vmem>>
      %dma_start3A_424 = arith.constant 0 : i32
      %dma_start3A_425 = tpu.memref_slice %arg10[%add3A_268, %dma_start3A_424] : memref<10240x128xf32, #tpu.memory_space<vmem_shared>> -> memref<128x128xf32, #tpu.memory_space<vmem_shared>>
      tpu.enqueue_dma source(%dma_start3A_425 : memref<128x128xf32, #tpu.memory_space<vmem_shared>>) target(%dma_start3A_423 : memref<128x128xf32, #tpu.memory_space<vmem>>) target_semaphore(%run_scoped3A_415 : memref<!tpu.dma_semaphore, #tpu.memory_space<semaphore_mem>>)
      %dma_wait3A_426 = arith.constant 0 : i32
      %dma_wait3A_427 = arith.constant 0 : i32
      %dma_wait3A_428 = tpu.memref_slice %arg8[%dma_wait3A_426, %dma_wait3A_427] : memref<256x128xf32, #tpu.memory_space<vmem>> -> memref<128x128xf32, #tpu.memory_space<vmem>>
      %dma_wait3A_429 = arith.constant 0 : i32
      %dma_wait3A_430 = tpu.memref_slice %arg10[%add3A_268, %dma_wait3A_429] : memref<10240x128xf32, #tpu.memory_space<vmem_shared>> -> memref<128x128xf32, #tpu.memory_space<vmem_shared>>
      %dma_wait3A_431 = arith.constant 0 : i32
      %dma_wait3A_432 = arith.constant 0 : i32
      %dma_wait3A_433 = tpu.memref_slice %arg8[%dma_wait3A_431, %dma_wait3A_432] : memref<256x128xf32, #tpu.memory_space<vmem>> -> memref<128x128xf32, #tpu.memory_space<vmem>>
      %dma_wait3A_434 = arith.constant 0 : i32
      %dma_wait3A_435 = tpu.memref_slice %arg10[%add3A_268, %dma_wait3A_434] : memref<10240x128xf32, #tpu.memory_space<vmem_shared>> -> memref<128x128xf32, #tpu.memory_space<vmem_shared>>
      tpu.wait_dma2 semaphore(%run_scoped3A_415 : memref<!tpu.dma_semaphore, #tpu.memory_space<semaphore_mem>>) src(%dma_wait3A_435 : memref<128x128xf32, #tpu.memory_space<vmem_shared>>) dst(%dma_wait3A_433 : memref<128x128xf32, #tpu.memory_space<vmem>>)
      tpu.yield
    }) : () -> ()
    %dma_start3A_269 = arith.constant 0 : i32
    %dma_start3A_270 = arith.constant 0 : i32
    %dma_start3A_271 = tpu.memref_slice %arg8[%dma_start3A_269, %dma_start3A_270] : memref<256x128xf32, #tpu.memory_space<vmem>> -> memref<128x128xf32, #tpu.memory_space<vmem>>
    %dma_start3A_272 = arith.constant 0 : i32
    %dma_start3A_273 = tpu.memref_slice %arg5[%arg0, %add3A_268, %dma_start3A_272] : memref<2x10240x128xf32, #tpu.memory_space<hbm>> -> memref<1x128x128xf32, #tpu.memory_space<hbm>>
    %dma_start3A_274 = tpu.memref_squeeze %dma_start3A_273 : memref<1x128x128xf32, #tpu.memory_space<hbm>> -> memref<128x128xf32, #tpu.memory_space<hbm>>
    %dma_start3A_275 = arith.constant 0 : i32
    %dma_start3A_276 = tpu.memref_slice %arg5[%arg0, %add3A_268, %dma_start3A_275] : memref<2x10240x128xf32, #tpu.memory_space<hbm>> -> memref<1x128x128xf32, #tpu.memory_space<hbm>>
    %dma_start3A_277 = tpu.memref_squeeze %dma_start3A_276 : memref<1x128x128xf32, #tpu.memory_space<hbm>> -> memref<128x128xf32, #tpu.memory_space<hbm>>
    %dma_start3A_278 = arith.constant 0 : i32
    %dma_start3A_279 = arith.constant 0 : i32
    %dma_start3A_280 = tpu.memref_slice %arg8[%dma_start3A_278, %dma_start3A_279] : memref<256x128xf32, #tpu.memory_space<vmem>> -> memref<128x128xf32, #tpu.memory_space<vmem>>
    tpu.enqueue_dma source(%dma_start3A_280 : memref<128x128xf32, #tpu.memory_space<vmem>>) target(%dma_start3A_277 : memref<128x128xf32, #tpu.memory_space<hbm>>) target_semaphore(%arg20 : memref<!tpu.dma_semaphore, #tpu.memory_space<semaphore_mem>>)
    %mul3A_281 = arith.constant 640 : i32
    %mul3A_282 = arith.muli %arg1, %mul3A_281 : i32
    %add3A_283 = arith.constant 128 : i32
    %add3A_284 = arith.addi %mul3A_282, %add3A_283 : i32
    "tpu.region"() ({
      %run_scoped3A_415 = tpu.sem_alloc : memref<!tpu.dma_semaphore, #tpu.memory_space<semaphore_mem>>
      %dma_start3A_416 = arith.constant 128 : i32
      %dma_start3A_417 = arith.constant 0 : i32
      %dma_start3A_418 = tpu.memref_slice %arg8[%dma_start3A_416, %dma_start3A_417] : memref<256x128xf32, #tpu.memory_space<vmem>> -> memref<128x128xf32, #tpu.memory_space<vmem>>
      %dma_start3A_419 = arith.constant 0 : i32
      %dma_start3A_420 = tpu.memref_slice %arg10[%add3A_284, %dma_start3A_419] : memref<10240x128xf32, #tpu.memory_space<vmem_shared>> -> memref<128x128xf32, #tpu.memory_space<vmem_shared>>
      %dma_start3A_421 = arith.constant 128 : i32
      %dma_start3A_422 = arith.constant 0 : i32
      %dma_start3A_423 = tpu.memref_slice %arg8[%dma_start3A_421, %dma_start3A_422] : memref<256x128xf32, #tpu.memory_space<vmem>> -> memref<128x128xf32, #tpu.memory_space<vmem>>
      %dma_start3A_424 = arith.constant 0 : i32
      %dma_start3A_425 = tpu.memref_slice %arg10[%add3A_284, %dma_start3A_424] : memref<10240x128xf32, #tpu.memory_space<vmem_shared>> -> memref<128x128xf32, #tpu.memory_space<vmem_shared>>
      tpu.enqueue_dma source(%dma_start3A_425 : memref<128x128xf32, #tpu.memory_space<vmem_shared>>) target(%dma_start3A_423 : memref<128x128xf32, #tpu.memory_space<vmem>>) target_semaphore(%run_scoped3A_415 : memref<!tpu.dma_semaphore, #tpu.memory_space<semaphore_mem>>)
      %dma_wait3A_426 = arith.constant 128 : i32
      %dma_wait3A_427 = arith.constant 0 : i32
      %dma_wait3A_428 = tpu.memref_slice %arg8[%dma_wait3A_426, %dma_wait3A_427] : memref<256x128xf32, #tpu.memory_space<vmem>> -> memref<128x128xf32, #tpu.memory_space<vmem>>
      %dma_wait3A_429 = arith.constant 0 : i32
      %dma_wait3A_430 = tpu.memref_slice %arg10[%add3A_284, %dma_wait3A_429] : memref<10240x128xf32, #tpu.memory_space<vmem_shared>> -> memref<128x128xf32, #tpu.memory_space<vmem_shared>>
      %dma_wait3A_431 = arith.constant 128 : i32
      %dma_wait3A_432 = arith.constant 0 : i32
      %dma_wait3A_433 = tpu.memref_slice %arg8[%dma_wait3A_431, %dma_wait3A_432] : memref<256x128xf32, #tpu.memory_space<vmem>> -> memref<128x128xf32, #tpu.memory_space<vmem>>
      %dma_wait3A_434 = arith.constant 0 : i32
      %dma_wait3A_435 = tpu.memref_slice %arg10[%add3A_284, %dma_wait3A_434] : memref<10240x128xf32, #tpu.memory_space<vmem_shared>> -> memref<128x128xf32, #tpu.memory_space<vmem_shared>>
      tpu.wait_dma2 semaphore(%run_scoped3A_415 : memref<!tpu.dma_semaphore, #tpu.memory_space<semaphore_mem>>) src(%dma_wait3A_435 : memref<128x128xf32, #tpu.memory_space<vmem_shared>>) dst(%dma_wait3A_433 : memref<128x128xf32, #tpu.memory_space<vmem>>)
      tpu.yield
    }) : () -> ()
    %dma_start3A_285 = arith.constant 128 : i32
    %dma_start3A_286 = arith.constant 0 : i32
    %dma_start3A_287 = tpu.memref_slice %arg8[%dma_start3A_285, %dma_start3A_286] : memref<256x128xf32, #tpu.memory_space<vmem>> -> memref<128x128xf32, #tpu.memory_space<vmem>>
    %dma_start3A_288 = arith.constant 0 : i32
    %dma_start3A_289 = tpu.memref_slice %arg5[%arg0, %add3A_284, %dma_start3A_288] : memref<2x10240x128xf32, #tpu.memory_space<hbm>> -> memref<1x128x128xf32, #tpu.memory_space<hbm>>
    %dma_start3A_290 = tpu.memref_squeeze %dma_start3A_289 : memref<1x128x128xf32, #tpu.memory_space<hbm>> -> memref<128x128xf32, #tpu.memory_space<hbm>>
    %dma_start3A_291 = arith.constant 0 : i32
    %dma_start3A_292 = tpu.memref_slice %arg5[%arg0, %add3A_284, %dma_start3A_291] : memref<2x10240x128xf32, #tpu.memory_space<hbm>> -> memref<1x128x128xf32, #tpu.memory_space<hbm>>
    %dma_start3A_293 = tpu.memref_squeeze %dma_start3A_292 : memref<1x128x128xf32, #tpu.memory_space<hbm>> -> memref<128x128xf32, #tpu.memory_space<hbm>>
    %dma_start3A_294 = arith.constant 128 : i32
    %dma_start3A_295 = arith.constant 0 : i32
    %dma_start3A_296 = tpu.memref_slice %arg8[%dma_start3A_294, %dma_start3A_295] : memref<256x128xf32, #tpu.memory_space<vmem>> -> memref<128x128xf32, #tpu.memory_space<vmem>>
    tpu.enqueue_dma source(%dma_start3A_296 : memref<128x128xf32, #tpu.memory_space<vmem>>) target(%dma_start3A_293 : memref<128x128xf32, #tpu.memory_space<hbm>>) target_semaphore(%arg20 : memref<!tpu.dma_semaphore, #tpu.memory_space<semaphore_mem>>)
    %mul3A_297 = arith.constant 640 : i32
    %mul3A_298 = arith.muli %arg1, %mul3A_297 : i32
    %add3A_299 = arith.constant 256 : i32
    %add3A_300 = arith.addi %mul3A_298, %add3A_299 : i32
    %mul3A_301 = arith.constant 640 : i32
    %mul3A_302 = arith.muli %arg1, %mul3A_301 : i32
    %dma_wait3A_303 = arith.constant 0 : i32
    %dma_wait3A_304 = arith.constant 0 : i32
    %dma_wait3A_305 = tpu.memref_slice %arg8[%dma_wait3A_303, %dma_wait3A_304] : memref<256x128xf32, #tpu.memory_space<vmem>> -> memref<128x128xf32, #tpu.memory_space<vmem>>
    %dma_wait3A_306 = arith.constant 0 : i32
    %dma_wait3A_307 = tpu.memref_slice %arg5[%arg0, %mul3A_302, %dma_wait3A_306] : memref<2x10240x128xf32, #tpu.memory_space<hbm>> -> memref<1x128x128xf32, #tpu.memory_space<hbm>>
    %dma_wait3A_308 = tpu.memref_squeeze %dma_wait3A_307 : memref<1x128x128xf32, #tpu.memory_space<hbm>> -> memref<128x128xf32, #tpu.memory_space<hbm>>
    %dma_wait3A_309 = arith.constant 0 : i32
    %dma_wait3A_310 = tpu.memref_slice %arg5[%arg0, %mul3A_302, %dma_wait3A_309] : memref<2x10240x128xf32, #tpu.memory_space<hbm>> -> memref<1x128x128xf32, #tpu.memory_space<hbm>>
    %dma_wait3A_311 = tpu.memref_squeeze %dma_wait3A_310 : memref<1x128x128xf32, #tpu.memory_space<hbm>> -> memref<128x128xf32, #tpu.memory_space<hbm>>
    %dma_wait3A_312 = arith.constant 0 : i32
    %dma_wait3A_313 = arith.constant 0 : i32
    %dma_wait3A_314 = tpu.memref_slice %arg8[%dma_wait3A_312, %dma_wait3A_313] : memref<256x128xf32, #tpu.memory_space<vmem>> -> memref<128x128xf32, #tpu.memory_space<vmem>>
    tpu.wait_dma2 semaphore(%arg20 : memref<!tpu.dma_semaphore, #tpu.memory_space<semaphore_mem>>) src(%dma_wait3A_314 : memref<128x128xf32, #tpu.memory_space<vmem>>) dst(%dma_wait3A_311 : memref<128x128xf32, #tpu.memory_space<hbm>>)
    "tpu.region"() ({
      %run_scoped3A_415 = tpu.sem_alloc : memref<!tpu.dma_semaphore, #tpu.memory_space<semaphore_mem>>
      %dma_start3A_416 = arith.constant 0 : i32
      %dma_start3A_417 = arith.constant 0 : i32
      %dma_start3A_418 = tpu.memref_slice %arg8[%dma_start3A_416, %dma_start3A_417] : memref<256x128xf32, #tpu.memory_space<vmem>> -> memref<128x128xf32, #tpu.memory_space<vmem>>
      %dma_start3A_419 = arith.constant 0 : i32
      %dma_start3A_420 = tpu.memref_slice %arg10[%add3A_300, %dma_start3A_419] : memref<10240x128xf32, #tpu.memory_space<vmem_shared>> -> memref<128x128xf32, #tpu.memory_space<vmem_shared>>
      %dma_start3A_421 = arith.constant 0 : i32
      %dma_start3A_422 = arith.constant 0 : i32
      %dma_start3A_423 = tpu.memref_slice %arg8[%dma_start3A_421, %dma_start3A_422] : memref<256x128xf32, #tpu.memory_space<vmem>> -> memref<128x128xf32, #tpu.memory_space<vmem>>
      %dma_start3A_424 = arith.constant 0 : i32
      %dma_start3A_425 = tpu.memref_slice %arg10[%add3A_300, %dma_start3A_424] : memref<10240x128xf32, #tpu.memory_space<vmem_shared>> -> memref<128x128xf32, #tpu.memory_space<vmem_shared>>
      tpu.enqueue_dma source(%dma_start3A_425 : memref<128x128xf32, #tpu.memory_space<vmem_shared>>) target(%dma_start3A_423 : memref<128x128xf32, #tpu.memory_space<vmem>>) target_semaphore(%run_scoped3A_415 : memref<!tpu.dma_semaphore, #tpu.memory_space<semaphore_mem>>)
      %dma_wait3A_426 = arith.constant 0 : i32
      %dma_wait3A_427 = arith.constant 0 : i32
      %dma_wait3A_428 = tpu.memref_slice %arg8[%dma_wait3A_426, %dma_wait3A_427] : memref<256x128xf32, #tpu.memory_space<vmem>> -> memref<128x128xf32, #tpu.memory_space<vmem>>
      %dma_wait3A_429 = arith.constant 0 : i32
      %dma_wait3A_430 = tpu.memref_slice %arg10[%add3A_300, %dma_wait3A_429] : memref<10240x128xf32, #tpu.memory_space<vmem_shared>> -> memref<128x128xf32, #tpu.memory_space<vmem_shared>>
      %dma_wait3A_431 = arith.constant 0 : i32
      %dma_wait3A_432 = arith.constant 0 : i32
      %dma_wait3A_433 = tpu.memref_slice %arg8[%dma_wait3A_431, %dma_wait3A_432] : memref<256x128xf32, #tpu.memory_space<vmem>> -> memref<128x128xf32, #tpu.memory_space<vmem>>
      %dma_wait3A_434 = arith.constant 0 : i32
      %dma_wait3A_435 = tpu.memref_slice %arg10[%add3A_300, %dma_wait3A_434] : memref<10240x128xf32, #tpu.memory_space<vmem_shared>> -> memref<128x128xf32, #tpu.memory_space<vmem_shared>>
      tpu.wait_dma2 semaphore(%run_scoped3A_415 : memref<!tpu.dma_semaphore, #tpu.memory_space<semaphore_mem>>) src(%dma_wait3A_435 : memref<128x128xf32, #tpu.memory_space<vmem_shared>>) dst(%dma_wait3A_433 : memref<128x128xf32, #tpu.memory_space<vmem>>)
      tpu.yield
    }) : () -> ()
    %dma_start3A_315 = arith.constant 0 : i32
    %dma_start3A_316 = arith.constant 0 : i32
    %dma_start3A_317 = tpu.memref_slice %arg8[%dma_start3A_315, %dma_start3A_316] : memref<256x128xf32, #tpu.memory_space<vmem>> -> memref<128x128xf32, #tpu.memory_space<vmem>>
    %dma_start3A_318 = arith.constant 0 : i32
    %dma_start3A_319 = tpu.memref_slice %arg5[%arg0, %add3A_300, %dma_start3A_318] : memref<2x10240x128xf32, #tpu.memory_space<hbm>> -> memref<1x128x128xf32, #tpu.memory_space<hbm>>
    %dma_start3A_320 = tpu.memref_squeeze %dma_start3A_319 : memref<1x128x128xf32, #tpu.memory_space<hbm>> -> memref<128x128xf32, #tpu.memory_space<hbm>>
    %dma_start3A_321 = arith.constant 0 : i32
    %dma_start3A_322 = tpu.memref_slice %arg5[%arg0, %add3A_300, %dma_start3A_321] : memref<2x10240x128xf32, #tpu.memory_space<hbm>> -> memref<1x128x128xf32, #tpu.memory_space<hbm>>
    %dma_start3A_323 = tpu.memref_squeeze %dma_start3A_322 : memref<1x128x128xf32, #tpu.memory_space<hbm>> -> memref<128x128xf32, #tpu.memory_space<hbm>>
    %dma_start3A_324 = arith.constant 0 : i32
    %dma_start3A_325 = arith.constant 0 : i32
    %dma_start3A_326 = tpu.memref_slice %arg8[%dma_start3A_324, %dma_start3A_325] : memref<256x128xf32, #tpu.memory_space<vmem>> -> memref<128x128xf32, #tpu.memory_space<vmem>>
    tpu.enqueue_dma source(%dma_start3A_326 : memref<128x128xf32, #tpu.memory_space<vmem>>) target(%dma_start3A_323 : memref<128x128xf32, #tpu.memory_space<hbm>>) target_semaphore(%arg20 : memref<!tpu.dma_semaphore, #tpu.memory_space<semaphore_mem>>)
    %mul3A_327 = arith.constant 640 : i32
    %mul3A_328 = arith.muli %arg1, %mul3A_327 : i32
    %add3A_329 = arith.constant 384 : i32
    %add3A_330 = arith.addi %mul3A_328, %add3A_329 : i32
    %mul3A_331 = arith.constant 640 : i32
    %mul3A_332 = arith.muli %arg1, %mul3A_331 : i32
    %dma_wait3A_333 = arith.constant 128 : i32
    %dma_wait3A_334 = arith.constant 0 : i32
    %dma_wait3A_335 = tpu.memref_slice %arg8[%dma_wait3A_333, %dma_wait3A_334] : memref<256x128xf32, #tpu.memory_space<vmem>> -> memref<128x128xf32, #tpu.memory_space<vmem>>
    %dma_wait3A_336 = arith.constant 0 : i32
    %dma_wait3A_337 = tpu.memref_slice %arg5[%arg0, %mul3A_332, %dma_wait3A_336] : memref<2x10240x128xf32, #tpu.memory_space<hbm>> -> memref<1x128x128xf32, #tpu.memory_space<hbm>>
    %dma_wait3A_338 = tpu.memref_squeeze %dma_wait3A_337 : memref<1x128x128xf32, #tpu.memory_space<hbm>> -> memref<128x128xf32, #tpu.memory_space<hbm>>
    %dma_wait3A_339 = arith.constant 0 : i32
    %dma_wait3A_340 = tpu.memref_slice %arg5[%arg0, %mul3A_332, %dma_wait3A_339] : memref<2x10240x128xf32, #tpu.memory_space<hbm>> -> memref<1x128x128xf32, #tpu.memory_space<hbm>>
    %dma_wait3A_341 = tpu.memref_squeeze %dma_wait3A_340 : memref<1x128x128xf32, #tpu.memory_space<hbm>> -> memref<128x128xf32, #tpu.memory_space<hbm>>
    %dma_wait3A_342 = arith.constant 128 : i32
    %dma_wait3A_343 = arith.constant 0 : i32
    %dma_wait3A_344 = tpu.memref_slice %arg8[%dma_wait3A_342, %dma_wait3A_343] : memref<256x128xf32, #tpu.memory_space<vmem>> -> memref<128x128xf32, #tpu.memory_space<vmem>>
    tpu.wait_dma2 semaphore(%arg20 : memref<!tpu.dma_semaphore, #tpu.memory_space<semaphore_mem>>) src(%dma_wait3A_344 : memref<128x128xf32, #tpu.memory_space<vmem>>) dst(%dma_wait3A_341 : memref<128x128xf32, #tpu.memory_space<hbm>>)
    "tpu.region"() ({
      %run_scoped3A_415 = tpu.sem_alloc : memref<!tpu.dma_semaphore, #tpu.memory_space<semaphore_mem>>
      %dma_start3A_416 = arith.constant 128 : i32
      %dma_start3A_417 = arith.constant 0 : i32
      %dma_start3A_418 = tpu.memref_slice %arg8[%dma_start3A_416, %dma_start3A_417] : memref<256x128xf32, #tpu.memory_space<vmem>> -> memref<128x128xf32, #tpu.memory_space<vmem>>
      %dma_start3A_419 = arith.constant 0 : i32
      %dma_start3A_420 = tpu.memref_slice %arg10[%add3A_330, %dma_start3A_419] : memref<10240x128xf32, #tpu.memory_space<vmem_shared>> -> memref<128x128xf32, #tpu.memory_space<vmem_shared>>
      %dma_start3A_421 = arith.constant 128 : i32
      %dma_start3A_422 = arith.constant 0 : i32
      %dma_start3A_423 = tpu.memref_slice %arg8[%dma_start3A_421, %dma_start3A_422] : memref<256x128xf32, #tpu.memory_space<vmem>> -> memref<128x128xf32, #tpu.memory_space<vmem>>
      %dma_start3A_424 = arith.constant 0 : i32
      %dma_start3A_425 = tpu.memref_slice %arg10[%add3A_330, %dma_start3A_424] : memref<10240x128xf32, #tpu.memory_space<vmem_shared>> -> memref<128x128xf32, #tpu.memory_space<vmem_shared>>
      tpu.enqueue_dma source(%dma_start3A_425 : memref<128x128xf32, #tpu.memory_space<vmem_shared>>) target(%dma_start3A_423 : memref<128x128xf32, #tpu.memory_space<vmem>>) target_semaphore(%run_scoped3A_415 : memref<!tpu.dma_semaphore, #tpu.memory_space<semaphore_mem>>)
      %dma_wait3A_426 = arith.constant 128 : i32
      %dma_wait3A_427 = arith.constant 0 : i32
      %dma_wait3A_428 = tpu.memref_slice %arg8[%dma_wait3A_426, %dma_wait3A_427] : memref<256x128xf32, #tpu.memory_space<vmem>> -> memref<128x128xf32, #tpu.memory_space<vmem>>
      %dma_wait3A_429 = arith.constant 0 : i32
      %dma_wait3A_430 = tpu.memref_slice %arg10[%add3A_330, %dma_wait3A_429] : memref<10240x128xf32, #tpu.memory_space<vmem_shared>> -> memref<128x128xf32, #tpu.memory_space<vmem_shared>>
      %dma_wait3A_431 = arith.constant 128 : i32
      %dma_wait3A_432 = arith.constant 0 : i32
      %dma_wait3A_433 = tpu.memref_slice %arg8[%dma_wait3A_431, %dma_wait3A_432] : memref<256x128xf32, #tpu.memory_space<vmem>> -> memref<128x128xf32, #tpu.memory_space<vmem>>
      %dma_wait3A_434 = arith.constant 0 : i32
      %dma_wait3A_435 = tpu.memref_slice %arg10[%add3A_330, %dma_wait3A_434] : memref<10240x128xf32, #tpu.memory_space<vmem_shared>> -> memref<128x128xf32, #tpu.memory_space<vmem_shared>>
      tpu.wait_dma2 semaphore(%run_scoped3A_415 : memref<!tpu.dma_semaphore, #tpu.memory_space<semaphore_mem>>) src(%dma_wait3A_435 : memref<128x128xf32, #tpu.memory_space<vmem_shared>>) dst(%dma_wait3A_433 : memref<128x128xf32, #tpu.memory_space<vmem>>)
      tpu.yield
    }) : () -> ()
    %dma_start3A_345 = arith.constant 128 : i32
    %dma_start3A_346 = arith.constant 0 : i32
    %dma_start3A_347 = tpu.memref_slice %arg8[%dma_start3A_345, %dma_start3A_346] : memref<256x128xf32, #tpu.memory_space<vmem>> -> memref<128x128xf32, #tpu.memory_space<vmem>>
    %dma_start3A_348 = arith.constant 0 : i32
    %dma_start3A_349 = tpu.memref_slice %arg5[%arg0, %add3A_330, %dma_start3A_348] : memref<2x10240x128xf32, #tpu.memory_space<hbm>> -> memref<1x128x128xf32, #tpu.memory_space<hbm>>
    %dma_start3A_350 = tpu.memref_squeeze %dma_start3A_349 : memref<1x128x128xf32, #tpu.memory_space<hbm>> -> memref<128x128xf32, #tpu.memory_space<hbm>>
    %dma_start3A_351 = arith.constant 0 : i32
    %dma_start3A_352 = tpu.memref_slice %arg5[%arg0, %add3A_330, %dma_start3A_351] : memref<2x10240x128xf32, #tpu.memory_space<hbm>> -> memref<1x128x128xf32, #tpu.memory_space<hbm>>
    %dma_start3A_353 = tpu.memref_squeeze %dma_start3A_352 : memref<1x128x128xf32, #tpu.memory_space<hbm>> -> memref<128x128xf32, #tpu.memory_space<hbm>>
    %dma_start3A_354 = arith.constant 128 : i32
    %dma_start3A_355 = arith.constant 0 : i32
    %dma_start3A_356 = tpu.memref_slice %arg8[%dma_start3A_354, %dma_start3A_355] : memref<256x128xf32, #tpu.memory_space<vmem>> -> memref<128x128xf32, #tpu.memory_space<vmem>>
    tpu.enqueue_dma source(%dma_start3A_356 : memref<128x128xf32, #tpu.memory_space<vmem>>) target(%dma_start3A_353 : memref<128x128xf32, #tpu.memory_space<hbm>>) target_semaphore(%arg20 : memref<!tpu.dma_semaphore, #tpu.memory_space<semaphore_mem>>)
    %mul3A_357 = arith.constant 640 : i32
    %mul3A_358 = arith.muli %arg1, %mul3A_357 : i32
    %add3A_359 = arith.constant 512 : i32
    %add3A_360 = arith.addi %mul3A_358, %add3A_359 : i32
    %mul3A_361 = arith.constant 640 : i32
    %mul3A_362 = arith.muli %arg1, %mul3A_361 : i32
    %dma_wait3A_363 = arith.constant 0 : i32
    %dma_wait3A_364 = arith.constant 0 : i32
    %dma_wait3A_365 = tpu.memref_slice %arg8[%dma_wait3A_363, %dma_wait3A_364] : memref<256x128xf32, #tpu.memory_space<vmem>> -> memref<128x128xf32, #tpu.memory_space<vmem>>
    %dma_wait3A_366 = arith.constant 0 : i32
    %dma_wait3A_367 = tpu.memref_slice %arg5[%arg0, %mul3A_362, %dma_wait3A_366] : memref<2x10240x128xf32, #tpu.memory_space<hbm>> -> memref<1x128x128xf32, #tpu.memory_space<hbm>>
    %dma_wait3A_368 = tpu.memref_squeeze %dma_wait3A_367 : memref<1x128x128xf32, #tpu.memory_space<hbm>> -> memref<128x128xf32, #tpu.memory_space<hbm>>
    %dma_wait3A_369 = arith.constant 0 : i32
    %dma_wait3A_370 = tpu.memref_slice %arg5[%arg0, %mul3A_362, %dma_wait3A_369] : memref<2x10240x128xf32, #tpu.memory_space<hbm>> -> memref<1x128x128xf32, #tpu.memory_space<hbm>>
    %dma_wait3A_371 = tpu.memref_squeeze %dma_wait3A_370 : memref<1x128x128xf32, #tpu.memory_space<hbm>> -> memref<128x128xf32, #tpu.memory_space<hbm>>
    %dma_wait3A_372 = arith.constant 0 : i32
    %dma_wait3A_373 = arith.constant 0 : i32
    %dma_wait3A_374 = tpu.memref_slice %arg8[%dma_wait3A_372, %dma_wait3A_373] : memref<256x128xf32, #tpu.memory_space<vmem>> -> memref<128x128xf32, #tpu.memory_space<vmem>>
    tpu.wait_dma2 semaphore(%arg20 : memref<!tpu.dma_semaphore, #tpu.memory_space<semaphore_mem>>) src(%dma_wait3A_374 : memref<128x128xf32, #tpu.memory_space<vmem>>) dst(%dma_wait3A_371 : memref<128x128xf32, #tpu.memory_space<hbm>>)
    "tpu.region"() ({
      %run_scoped3A_415 = tpu.sem_alloc : memref<!tpu.dma_semaphore, #tpu.memory_space<semaphore_mem>>
      %dma_start3A_416 = arith.constant 0 : i32
      %dma_start3A_417 = arith.constant 0 : i32
      %dma_start3A_418 = tpu.memref_slice %arg8[%dma_start3A_416, %dma_start3A_417] : memref<256x128xf32, #tpu.memory_space<vmem>> -> memref<128x128xf32, #tpu.memory_space<vmem>>
      %dma_start3A_419 = arith.constant 0 : i32
      %dma_start3A_420 = tpu.memref_slice %arg10[%add3A_360, %dma_start3A_419] : memref<10240x128xf32, #tpu.memory_space<vmem_shared>> -> memref<128x128xf32, #tpu.memory_space<vmem_shared>>
      %dma_start3A_421 = arith.constant 0 : i32
      %dma_start3A_422 = arith.constant 0 : i32
      %dma_start3A_423 = tpu.memref_slice %arg8[%dma_start3A_421, %dma_start3A_422] : memref<256x128xf32, #tpu.memory_space<vmem>> -> memref<128x128xf32, #tpu.memory_space<vmem>>
      %dma_start3A_424 = arith.constant 0 : i32
      %dma_start3A_425 = tpu.memref_slice %arg10[%add3A_360, %dma_start3A_424] : memref<10240x128xf32, #tpu.memory_space<vmem_shared>> -> memref<128x128xf32, #tpu.memory_space<vmem_shared>>
      tpu.enqueue_dma source(%dma_start3A_425 : memref<128x128xf32, #tpu.memory_space<vmem_shared>>) target(%dma_start3A_423 : memref<128x128xf32, #tpu.memory_space<vmem>>) target_semaphore(%run_scoped3A_415 : memref<!tpu.dma_semaphore, #tpu.memory_space<semaphore_mem>>)
      %dma_wait3A_426 = arith.constant 0 : i32
      %dma_wait3A_427 = arith.constant 0 : i32
      %dma_wait3A_428 = tpu.memref_slice %arg8[%dma_wait3A_426, %dma_wait3A_427] : memref<256x128xf32, #tpu.memory_space<vmem>> -> memref<128x128xf32, #tpu.memory_space<vmem>>
      %dma_wait3A_429 = arith.constant 0 : i32
      %dma_wait3A_430 = tpu.memref_slice %arg10[%add3A_360, %dma_wait3A_429] : memref<10240x128xf32, #tpu.memory_space<vmem_shared>> -> memref<128x128xf32, #tpu.memory_space<vmem_shared>>
      %dma_wait3A_431 = arith.constant 0 : i32
      %dma_wait3A_432 = arith.constant 0 : i32
      %dma_wait3A_433 = tpu.memref_slice %arg8[%dma_wait3A_431, %dma_wait3A_432] : memref<256x128xf32, #tpu.memory_space<vmem>> -> memref<128x128xf32, #tpu.memory_space<vmem>>
      %dma_wait3A_434 = arith.constant 0 : i32
      %dma_wait3A_435 = tpu.memref_slice %arg10[%add3A_360, %dma_wait3A_434] : memref<10240x128xf32, #tpu.memory_space<vmem_shared>> -> memref<128x128xf32, #tpu.memory_space<vmem_shared>>
      tpu.wait_dma2 semaphore(%run_scoped3A_415 : memref<!tpu.dma_semaphore, #tpu.memory_space<semaphore_mem>>) src(%dma_wait3A_435 : memref<128x128xf32, #tpu.memory_space<vmem_shared>>) dst(%dma_wait3A_433 : memref<128x128xf32, #tpu.memory_space<vmem>>)
      tpu.yield
    }) : () -> ()
    %dma_start3A_375 = arith.constant 0 : i32
    %dma_start3A_376 = arith.constant 0 : i32
    %dma_start3A_377 = tpu.memref_slice %arg8[%dma_start3A_375, %dma_start3A_376] : memref<256x128xf32, #tpu.memory_space<vmem>> -> memref<128x128xf32, #tpu.memory_space<vmem>>
    %dma_start3A_378 = arith.constant 0 : i32
    %dma_start3A_379 = tpu.memref_slice %arg5[%arg0, %add3A_360, %dma_start3A_378] : memref<2x10240x128xf32, #tpu.memory_space<hbm>> -> memref<1x128x128xf32, #tpu.memory_space<hbm>>
    %dma_start3A_380 = tpu.memref_squeeze %dma_start3A_379 : memref<1x128x128xf32, #tpu.memory_space<hbm>> -> memref<128x128xf32, #tpu.memory_space<hbm>>
    %dma_start3A_381 = arith.constant 0 : i32
    %dma_start3A_382 = tpu.memref_slice %arg5[%arg0, %add3A_360, %dma_start3A_381] : memref<2x10240x128xf32, #tpu.memory_space<hbm>> -> memref<1x128x128xf32, #tpu.memory_space<hbm>>
    %dma_start3A_383 = tpu.memref_squeeze %dma_start3A_382 : memref<1x128x128xf32, #tpu.memory_space<hbm>> -> memref<128x128xf32, #tpu.memory_space<hbm>>
    %dma_start3A_384 = arith.constant 0 : i32
    %dma_start3A_385 = arith.constant 0 : i32
    %dma_start3A_386 = tpu.memref_slice %arg8[%dma_start3A_384, %dma_start3A_385] : memref<256x128xf32, #tpu.memory_space<vmem>> -> memref<128x128xf32, #tpu.memory_space<vmem>>
    tpu.enqueue_dma source(%dma_start3A_386 : memref<128x128xf32, #tpu.memory_space<vmem>>) target(%dma_start3A_383 : memref<128x128xf32, #tpu.memory_space<hbm>>) target_semaphore(%arg20 : memref<!tpu.dma_semaphore, #tpu.memory_space<semaphore_mem>>)
    %mul3A_387 = arith.constant 640 : i32
    %mul3A_388 = arith.muli %arg1, %mul3A_387 : i32
    %dma_wait3A_389 = arith.constant 0 : i32
    %dma_wait3A_390 = arith.constant 0 : i32
    %dma_wait3A_391 = tpu.memref_slice %arg8[%dma_wait3A_389, %dma_wait3A_390] : memref<256x128xf32, #tpu.memory_space<vmem>> -> memref<128x128xf32, #tpu.memory_space<vmem>>
    %dma_wait3A_392 = arith.constant 0 : i32
    %dma_wait3A_393 = tpu.memref_slice %arg5[%arg0, %mul3A_388, %dma_wait3A_392] : memref<2x10240x128xf32, #tpu.memory_space<hbm>> -> memref<1x128x128xf32, #tpu.memory_space<hbm>>
    %dma_wait3A_394 = tpu.memref_squeeze %dma_wait3A_393 : memref<1x128x128xf32, #tpu.memory_space<hbm>> -> memref<128x128xf32, #tpu.memory_space<hbm>>
    %dma_wait3A_395 = arith.constant 0 : i32
    %dma_wait3A_396 = tpu.memref_slice %arg5[%arg0, %mul3A_388, %dma_wait3A_395] : memref<2x10240x128xf32, #tpu.memory_space<hbm>> -> memref<1x128x128xf32, #tpu.memory_space<hbm>>
    %dma_wait3A_397 = tpu.memref_squeeze %dma_wait3A_396 : memref<1x128x128xf32, #tpu.memory_space<hbm>> -> memref<128x128xf32, #tpu.memory_space<hbm>>
    %dma_wait3A_398 = arith.constant 0 : i32
    %dma_wait3A_399 = arith.constant 0 : i32
    %dma_wait3A_400 = tpu.memref_slice %arg8[%dma_wait3A_398, %dma_wait3A_399] : memref<256x128xf32, #tpu.memory_space<vmem>> -> memref<128x128xf32, #tpu.memory_space<vmem>>
    tpu.wait_dma2 semaphore(%arg20 : memref<!tpu.dma_semaphore, #tpu.memory_space<semaphore_mem>>) src(%dma_wait3A_400 : memref<128x128xf32, #tpu.memory_space<vmem>>) dst(%dma_wait3A_397 : memref<128x128xf32, #tpu.memory_space<hbm>>)
    %mul3A_401 = arith.constant 640 : i32
    %mul3A_402 = arith.muli %arg1, %mul3A_401 : i32
    %dma_wait3A_403 = arith.constant 0 : i32
    %dma_wait3A_404 = arith.constant 0 : i32
    %dma_wait3A_405 = tpu.memref_slice %arg8[%dma_wait3A_403, %dma_wait3A_404] : memref<256x128xf32, #tpu.memory_space<vmem>> -> memref<128x128xf32, #tpu.memory_space<vmem>>
    %dma_wait3A_406 = arith.constant 0 : i32
    %dma_wait3A_407 = tpu.memref_slice %arg5[%arg0, %mul3A_402, %dma_wait3A_406] : memref<2x10240x128xf32, #tpu.memory_space<hbm>> -> memref<1x128x128xf32, #tpu.memory_space<hbm>>
    %dma_wait3A_408 = tpu.memref_squeeze %dma_wait3A_407 : memref<1x128x128xf32, #tpu.memory_space<hbm>> -> memref<128x128xf32, #tpu.memory_space<hbm>>
    %dma_wait3A_409 = arith.constant 0 : i32
    %dma_wait3A_410 = tpu.memref_slice %arg5[%arg0, %mul3A_402, %dma_wait3A_409] : memref<2x10240x128xf32, #tpu.memory_space<hbm>> -> memref<1x128x128xf32, #tpu.memory_space<hbm>>
    %dma_wait3A_411 = tpu.memref_squeeze %dma_wait3A_410 : memref<1x128x128xf32, #tpu.memory_space<hbm>> -> memref<128x128xf32, #tpu.memory_space<hbm>>
    %dma_wait3A_412 = arith.constant 0 : i32
    %dma_wait3A_413 = arith.constant 0 : i32
    %dma_wait3A_414 = tpu.memref_slice %arg8[%dma_wait3A_412, %dma_wait3A_413] : memref<256x128xf32, #tpu.memory_space<vmem>> -> memref<128x128xf32, #tpu.memory_space<vmem>>
    tpu.wait_dma2 semaphore(%arg20 : memref<!tpu.dma_semaphore, #tpu.memory_space<semaphore_mem>>) src(%dma_wait3A_414 : memref<128x128xf32, #tpu.memory_space<vmem>>) dst(%dma_wait3A_411 : memref<128x128xf32, #tpu.memory_space<hbm>>)
    return
  }
}

module attributes {stable_mosaic.version = 14 : i64} {
  func.func @_proj_body(%arg0: i32, %arg1: memref<512x128xf32, #tpu.memory_space<vmem>>, %arg2: memref<128x128xf32, #tpu.memory_space<vmem>>, %arg3: memref<1x128xf32, #tpu.memory_space<vmem>>, %arg4: memref<512x128xf32, #tpu.memory_space<vmem>>) attributes {dimension_semantics = [#tpu.dimension_semantics<arbitrary>], iteration_bounds = array<i64: 20>, scalar_prefetch = 0 : i64, scratch_operands = 0 : i64, tpu.core_type = #tpu.core_type<tc>, window_params = [{transform_indices = @transform_0, window_bounds = array<i64: 512, 128>}, {pipeline_mode = #tpu.pipeline_mode<synchronous>, transform_indices = @transform_1, window_bounds = array<i64: 128, 128>}, {pipeline_mode = #tpu.pipeline_mode<synchronous>, transform_indices = @transform_2, window_bounds = array<i64: 1, 128>}, {transform_indices = @transform_3, window_bounds = array<i64: 512, 128>}]} {
    %get3A = arith.constant 0 : index
    %get3A_0 = arith.constant 0 : index
    %get3A_1 = vector.load %arg1[%get3A, %get3A_0] : memref<512x128xf32, #tpu.memory_space<vmem>>, vector<512x128xf32>
    %get3A_2 = arith.constant 0 : index
    %get3A_3 = arith.constant 0 : index
    %get3A_4 = vector.load %arg2[%get3A_2, %get3A_3] : memref<128x128xf32, #tpu.memory_space<vmem>>, vector<128x128xf32>
    %dot_general3A = arith.constant dense<0.000000e+00> : vector<512x128xf32>
    %dot_general3A_5 = tpu.matmul %get3A_1, %get3A_4, %dot_general3A {dimension_numbers = #tpu.dot_dimension_numbers<[1], [0], [0], [1], [0, 0, 1, 1], [], []>, transpose_lhs_hint = false} : vector<512x128xf32>, vector<128x128xf32>, vector<512x128xf32> -> vector<512x128xf32>
    %get3A_6 = arith.constant 0 : index
    %get3A_7 = arith.constant 0 : index
    %get3A_8 = vector.load %arg3[%get3A_6, %get3A_7] : memref<1x128xf32, #tpu.memory_space<vmem>>, vector<1x128xf32>
    %add3A = vector.broadcast %get3A_8 : vector<1x128xf32> to vector<512x128xf32>
    %add3A_9 = arith.addf %dot_general3A_5, %add3A : vector<512x128xf32>
    %swap3A = arith.constant 0 : index
    %swap3A_10 = arith.constant 0 : index
    %swap3A_11 = vector.load %arg4[%swap3A, %swap3A_10] : memref<512x128xf32, #tpu.memory_space<vmem>>, vector<512x128xf32>
    tpu.vector_store %arg4[%swap3A, %swap3A_10], %add3A_9 {strides = array<i32>} : memref<512x128xf32, #tpu.memory_space<vmem>>, vector<512x128xf32>,
    return
  }
  func.func @transform_0(%arg0: i32) -> (i32, i32) {
    %c0_i32 = arith.constant 0 : i32
    %c0_i32_0 = arith.constant 0 : i32
    return %arg0, %c0_i32 : i32, i32
  }
  func.func @transform_1(%arg0: i32) -> (i32, i32) {
    %c0_i32 = arith.constant 0 : i32
    %c0_i32_0 = arith.constant 0 : i32
    %c0_i32_1 = arith.constant 0 : i32
    return %c0_i32, %c0_i32_0 : i32, i32
  }
  func.func @transform_2(%arg0: i32) -> (i32, i32) {
    %c0_i32 = arith.constant 0 : i32
    %c0_i32_0 = arith.constant 0 : i32
    %c0_i32_1 = arith.constant 0 : i32
    return %c0_i32, %c0_i32_0 : i32, i32
  }
  func.func @transform_3(%arg0: i32) -> (i32, i32) {
    %c0_i32 = arith.constant 0 : i32
    %c0_i32_0 = arith.constant 0 : i32
    return %arg0, %c0_i32 : i32, i32
  }
}

module attributes {stable_mosaic.version = 14 : i64} {
  func.func @_layer_body(%arg0: i32, %arg1: memref<512x128xf32, #tpu.memory_space<vmem>>, %arg2: memref<2x512x128xf32, #tpu.memory_space<vmem>>, %arg3: memref<128x128xf32, #tpu.memory_space<vmem>>, %arg4: memref<1x128xf32, #tpu.memory_space<vmem>>, %arg5: memref<128x128xf32, #tpu.memory_space<vmem>>, %arg6: memref<1x128xf32, #tpu.memory_space<vmem>>, %arg7: memref<1x128xf32, #tpu.memory_space<vmem>>, %arg8: memref<1x128xf32, #tpu.memory_space<vmem>>, %arg9: memref<512x128xf32, #tpu.memory_space<vmem>>) attributes {dimension_semantics = [#tpu.dimension_semantics<arbitrary>], iteration_bounds = array<i64: 20>, scalar_prefetch = 0 : i64, scratch_operands = 0 : i64, tpu.core_type = #tpu.core_type<tc>, window_params = [{transform_indices = @transform_0, window_bounds = array<i64: 512, 128>}, {transform_indices = @transform_1, window_bounds = array<i64: 2, 512, 128>}, {pipeline_mode = #tpu.pipeline_mode<synchronous>, transform_indices = @transform_2, window_bounds = array<i64: 128, 128>}, {pipeline_mode = #tpu.pipeline_mode<synchronous>, transform_indices = @transform_3, window_bounds = array<i64: 1, 128>}, {pipeline_mode = #tpu.pipeline_mode<synchronous>, transform_indices = @transform_4, window_bounds = array<i64: 128, 128>}, {pipeline_mode = #tpu.pipeline_mode<synchronous>, transform_indices = @transform_5, window_bounds = array<i64: 1, 128>}, {pipeline_mode = #tpu.pipeline_mode<synchronous>, transform_indices = @transform_6, window_bounds = array<i64: 1, 128>}, {pipeline_mode = #tpu.pipeline_mode<synchronous>, transform_indices = @transform_7, window_bounds = array<i64: 1, 128>}, {transform_indices = @transform_8, window_bounds = array<i64: 512, 128>}]} {
    %get3A = arith.constant 0 : index
    %get3A_0 = arith.constant 0 : index
    %get3A_1 = vector.load %arg1[%get3A, %get3A_0] : memref<512x128xf32, #tpu.memory_space<vmem>>, vector<512x128xf32>
    %get3A_2 = arith.constant 0 : index
    %get3A_3 = arith.constant 0 : index
    %get3A_4 = arith.constant 0 : index
    %get3A_5 = vector.load %arg2[%get3A_2, %get3A_3, %get3A_4] : memref<2x512x128xf32, #tpu.memory_space<vmem>>, vector<1x512x128xf32>
    %get3A_6 = vector.shape_cast %get3A_5 : vector<1x512x128xf32> to vector<512x128xf32>
    %add3A = arith.addf %get3A_1, %get3A_6 : vector<512x128xf32>
    %get3A_7 = arith.constant 1 : index
    %get3A_8 = arith.constant 0 : index
    %get3A_9 = arith.constant 0 : index
    %get3A_10 = vector.load %arg2[%get3A_7, %get3A_8, %get3A_9] : memref<2x512x128xf32, #tpu.memory_space<vmem>>, vector<1x512x128xf32>
    %get3A_11 = vector.shape_cast %get3A_10 : vector<1x512x128xf32> to vector<512x128xf32>
    %add3A_12 = arith.addf %add3A, %get3A_11 : vector<512x128xf32>
    %get3A_13 = arith.constant 0 : index
    %get3A_14 = arith.constant 0 : index
    %get3A_15 = vector.load %arg3[%get3A_13, %get3A_14] : memref<128x128xf32, #tpu.memory_space<vmem>>, vector<128x128xf32>
    %dot_general3A = arith.constant dense<0.000000e+00> : vector<512x128xf32>
    %dot_general3A_16 = tpu.matmul %add3A_12, %get3A_15, %dot_general3A {dimension_numbers = #tpu.dot_dimension_numbers<[1], [0], [0], [1], [0, 0, 1, 1], [], []>, transpose_lhs_hint = false} : vector<512x128xf32>, vector<128x128xf32>, vector<512x128xf32> -> vector<512x128xf32>
    %get3A_17 = arith.constant 0 : index
    %get3A_18 = arith.constant 0 : index
    %get3A_19 = vector.load %arg4[%get3A_17, %get3A_18] : memref<1x128xf32, #tpu.memory_space<vmem>>, vector<1x128xf32>
    %add3A_20 = vector.broadcast %get3A_19 : vector<1x128xf32> to vector<512x128xf32>
    %add3A_21 = arith.addf %dot_general3A_16, %add3A_20 : vector<512x128xf32>
    %max3A = arith.constant 0.000000e+00 : f32
    %max3A_22 = vector.broadcast %max3A : f32 to vector<512x128xf32>
    %max3A_23 = arith.maximumf %add3A_21, %max3A_22 : vector<512x128xf32>
    %get3A_24 = arith.constant 0 : index
    %get3A_25 = arith.constant 0 : index
    %get3A_26 = vector.load %arg5[%get3A_24, %get3A_25] : memref<128x128xf32, #tpu.memory_space<vmem>>, vector<128x128xf32>
    %dot_general3A_27 = arith.constant dense<0.000000e+00> : vector<512x128xf32>
    %dot_general3A_28 = tpu.matmul %max3A_23, %get3A_26, %dot_general3A_27 {dimension_numbers = #tpu.dot_dimension_numbers<[1], [0], [0], [1], [0, 0, 1, 1], [], []>, transpose_lhs_hint = false} : vector<512x128xf32>, vector<128x128xf32>, vector<512x128xf32> -> vector<512x128xf32>
    %get3A_29 = arith.constant 0 : index
    %get3A_30 = arith.constant 0 : index
    %get3A_31 = vector.load %arg6[%get3A_29, %get3A_30] : memref<1x128xf32, #tpu.memory_space<vmem>>, vector<1x128xf32>
    %add3A_32 = vector.broadcast %get3A_31 : vector<1x128xf32> to vector<512x128xf32>
    %add3A_33 = arith.addf %dot_general3A_28, %add3A_32 : vector<512x128xf32>
    %reduce_sum3A = arith.constant dense<0.000000e+00> : vector<512xf32>
    %reduce_sum3A_34 = vector.multi_reduction <add>, %add3A_33, %reduce_sum3A [1] : vector<512x128xf32> to vector<512xf32>
    %broadcast_in_dim3A = vector.shape_cast %reduce_sum3A_34 : vector<512xf32> to vector<512x1xf32>
    %div3A = arith.constant 1.280000e+02 : f32
    %div3A_35 = vector.broadcast %div3A : f32 to vector<512x1xf32>
    %div3A_36 = arith.divf %broadcast_in_dim3A, %div3A_35 : vector<512x1xf32>
    %sub3A = vector.broadcast %div3A_36 : vector<512x1xf32> to vector<512x128xf32>
    %sub3A_37 = arith.subf %add3A_33, %sub3A : vector<512x128xf32>
    %integer_pow3A = arith.mulf %sub3A_37, %sub3A_37 : vector<512x128xf32>
    %reduce_sum3A_38 = arith.constant dense<0.000000e+00> : vector<512xf32>
    %reduce_sum3A_39 = vector.multi_reduction <add>, %integer_pow3A, %reduce_sum3A_38 [1] : vector<512x128xf32> to vector<512xf32>
    %broadcast_in_dim3A_40 = vector.shape_cast %reduce_sum3A_39 : vector<512xf32> to vector<512x1xf32>
    %div3A_41 = arith.constant 1.280000e+02 : f32
    %div3A_42 = vector.broadcast %div3A_41 : f32 to vector<512x1xf32>
    %div3A_43 = arith.divf %broadcast_in_dim3A_40, %div3A_42 : vector<512x1xf32>
    %sub3A_44 = vector.broadcast %div3A_36 : vector<512x1xf32> to vector<512x128xf32>
    %sub3A_45 = arith.subf %add3A_33, %sub3A_44 : vector<512x128xf32>
    %add3A_46 = arith.constant 9.99999974E-6 : f32
    %add3A_47 = vector.broadcast %add3A_46 : f32 to vector<512x1xf32>
    %add3A_48 = arith.addf %div3A_43, %add3A_47 : vector<512x1xf32>
    %sqrt3A = math.sqrt %add3A_48 : vector<512x1xf32>
    %div3A_49 = vector.broadcast %sqrt3A : vector<512x1xf32> to vector<512x128xf32>
    %div3A_50 = arith.divf %sub3A_45, %div3A_49 : vector<512x128xf32>
    %get3A_51 = arith.constant 0 : index
    %get3A_52 = arith.constant 0 : index
    %get3A_53 = vector.load %arg7[%get3A_51, %get3A_52] : memref<1x128xf32, #tpu.memory_space<vmem>>, vector<1x128xf32>
    %mul3A = vector.broadcast %get3A_53 : vector<1x128xf32> to vector<512x128xf32>
    %mul3A_54 = arith.mulf %div3A_50, %mul3A : vector<512x128xf32>
    %get3A_55 = arith.constant 0 : index
    %get3A_56 = arith.constant 0 : index
    %get3A_57 = vector.load %arg8[%get3A_55, %get3A_56] : memref<1x128xf32, #tpu.memory_space<vmem>>, vector<1x128xf32>
    %add3A_58 = vector.broadcast %get3A_57 : vector<1x128xf32> to vector<512x128xf32>
    %add3A_59 = arith.addf %mul3A_54, %add3A_58 : vector<512x128xf32>
    %max3A_60 = arith.constant 0.000000e+00 : f32
    %max3A_61 = vector.broadcast %max3A_60 : f32 to vector<512x128xf32>
    %max3A_62 = arith.maximumf %add3A_59, %max3A_61 : vector<512x128xf32>
    %add3A_63 = arith.addf %get3A_1, %max3A_62 : vector<512x128xf32>
    %swap3A = arith.constant 0 : index
    %swap3A_64 = arith.constant 0 : index
    %swap3A_65 = vector.load %arg9[%swap3A, %swap3A_64] : memref<512x128xf32, #tpu.memory_space<vmem>>, vector<512x128xf32>
    tpu.vector_store %arg9[%swap3A, %swap3A_64], %add3A_63 {strides = array<i32>} : memref<512x128xf32, #tpu.memory_space<vmem>>, vector<512x128xf32>,
    return
  }
  func.func @transform_0(%arg0: i32) -> (i32, i32) {
    %c0_i32 = arith.constant 0 : i32
    %c0_i32_0 = arith.constant 0 : i32
    return %arg0, %c0_i32 : i32, i32
  }
  func.func @transform_1(%arg0: i32) -> (i32, i32, i32) {
    %c0_i32 = arith.constant 0 : i32
    %c0_i32_0 = arith.constant 0 : i32
    %c0_i32_1 = arith.constant 0 : i32
    return %c0_i32, %arg0, %c0_i32_0 : i32, i32, i32
  }
  func.func @transform_2(%arg0: i32) -> (i32, i32) {
    %c0_i32 = arith.constant 0 : i32
    %c0_i32_0 = arith.constant 0 : i32
    %c0_i32_1 = arith.constant 0 : i32
    return %c0_i32, %c0_i32_0 : i32, i32
  }
  func.func @transform_3(%arg0: i32) -> (i32, i32) {
    %c0_i32 = arith.constant 0 : i32
    %c0_i32_0 = arith.constant 0 : i32
    %c0_i32_1 = arith.constant 0 : i32
    return %c0_i32, %c0_i32_0 : i32, i32
  }
  func.func @transform_4(%arg0: i32) -> (i32, i32) {
    %c0_i32 = arith.constant 0 : i32
    %c0_i32_0 = arith.constant 0 : i32
    %c0_i32_1 = arith.constant 0 : i32
    return %c0_i32, %c0_i32_0 : i32, i32
  }
  func.func @transform_5(%arg0: i32) -> (i32, i32) {
    %c0_i32 = arith.constant 0 : i32
    %c0_i32_0 = arith.constant 0 : i32
    %c0_i32_1 = arith.constant 0 : i32
    return %c0_i32, %c0_i32_0 : i32, i32
  }
  func.func @transform_6(%arg0: i32) -> (i32, i32) {
    %c0_i32 = arith.constant 0 : i32
    %c0_i32_0 = arith.constant 0 : i32
    %c0_i32_1 = arith.constant 0 : i32
    return %c0_i32, %c0_i32_0 : i32, i32
  }
  func.func @transform_7(%arg0: i32) -> (i32, i32) {
    %c0_i32 = arith.constant 0 : i32
    %c0_i32_0 = arith.constant 0 : i32
    %c0_i32_1 = arith.constant 0 : i32
    return %c0_i32, %c0_i32_0 : i32, i32
  }
  func.func @transform_8(%arg0: i32) -> (i32, i32) {
    %c0_i32 = arith.constant 0 : i32
    %c0_i32_0 = arith.constant 0 : i32
    return %arg0, %c0_i32 : i32, i32
  }
}

module attributes {stable_mosaic.version = 14 : i64} {
  func.func @_layer_out_body(%arg0: i32, %arg1: memref<512x128xf32, #tpu.memory_space<vmem>>, %arg2: memref<2x512x128xf32, #tpu.memory_space<vmem>>, %arg3: memref<128x128xf32, #tpu.memory_space<vmem>>, %arg4: memref<1x128xf32, #tpu.memory_space<vmem>>, %arg5: memref<128x128xf32, #tpu.memory_space<vmem>>, %arg6: memref<1x128xf32, #tpu.memory_space<vmem>>, %arg7: memref<1x128xf32, #tpu.memory_space<vmem>>, %arg8: memref<1x128xf32, #tpu.memory_space<vmem>>, %arg9: memref<128x128xf32, #tpu.memory_space<vmem>>, %arg10: memref<1x128xf32, #tpu.memory_space<vmem>>, %arg11: memref<128x128xf32, #tpu.memory_space<vmem>>, %arg12: memref<1x128xf32, #tpu.memory_space<vmem>>, %arg13: memref<512x128xf32, #tpu.memory_space<vmem>>) attributes {dimension_semantics = [#tpu.dimension_semantics<arbitrary>], iteration_bounds = array<i64: 20>, scalar_prefetch = 0 : i64, scratch_operands = 0 : i64, tpu.core_type = #tpu.core_type<tc>, window_params = [{transform_indices = @transform_0, window_bounds = array<i64: 512, 128>}, {transform_indices = @transform_1, window_bounds = array<i64: 2, 512, 128>}, {pipeline_mode = #tpu.pipeline_mode<synchronous>, transform_indices = @transform_2, window_bounds = array<i64: 128, 128>}, {pipeline_mode = #tpu.pipeline_mode<synchronous>, transform_indices = @transform_3, window_bounds = array<i64: 1, 128>}, {pipeline_mode = #tpu.pipeline_mode<synchronous>, transform_indices = @transform_4, window_bounds = array<i64: 128, 128>}, {pipeline_mode = #tpu.pipeline_mode<synchronous>, transform_indices = @transform_5, window_bounds = array<i64: 1, 128>}, {pipeline_mode = #tpu.pipeline_mode<synchronous>, transform_indices = @transform_6, window_bounds = array<i64: 1, 128>}, {pipeline_mode = #tpu.pipeline_mode<synchronous>, transform_indices = @transform_7, window_bounds = array<i64: 1, 128>}, {pipeline_mode = #tpu.pipeline_mode<synchronous>, transform_indices = @transform_8, window_bounds = array<i64: 128, 128>}, {pipeline_mode = #tpu.pipeline_mode<synchronous>, transform_indices = @transform_9, window_bounds = array<i64: 1, 128>}, {pipeline_mode = #tpu.pipeline_mode<synchronous>, transform_indices = @transform_10, window_bounds = array<i64: 128, 128>}, {pipeline_mode = #tpu.pipeline_mode<synchronous>, transform_indices = @transform_11, window_bounds = array<i64: 1, 128>}, {transform_indices = @transform_12, window_bounds = array<i64: 512, 128>}]} {
    %get3A = arith.constant 0 : index
    %get3A_0 = arith.constant 0 : index
    %get3A_1 = vector.load %arg1[%get3A, %get3A_0] : memref<512x128xf32, #tpu.memory_space<vmem>>, vector<512x128xf32>
    %get3A_2 = arith.constant 0 : index
    %get3A_3 = arith.constant 0 : index
    %get3A_4 = arith.constant 0 : index
    %get3A_5 = vector.load %arg2[%get3A_2, %get3A_3, %get3A_4] : memref<2x512x128xf32, #tpu.memory_space<vmem>>, vector<1x512x128xf32>
    %get3A_6 = vector.shape_cast %get3A_5 : vector<1x512x128xf32> to vector<512x128xf32>
    %add3A = arith.addf %get3A_1, %get3A_6 : vector<512x128xf32>
    %get3A_7 = arith.constant 1 : index
    %get3A_8 = arith.constant 0 : index
    %get3A_9 = arith.constant 0 : index
    %get3A_10 = vector.load %arg2[%get3A_7, %get3A_8, %get3A_9] : memref<2x512x128xf32, #tpu.memory_space<vmem>>, vector<1x512x128xf32>
    %get3A_11 = vector.shape_cast %get3A_10 : vector<1x512x128xf32> to vector<512x128xf32>
    %add3A_12 = arith.addf %add3A, %get3A_11 : vector<512x128xf32>
    %get3A_13 = arith.constant 0 : index
    %get3A_14 = arith.constant 0 : index
    %get3A_15 = vector.load %arg3[%get3A_13, %get3A_14] : memref<128x128xf32, #tpu.memory_space<vmem>>, vector<128x128xf32>
    %dot_general3A = arith.constant dense<0.000000e+00> : vector<512x128xf32>
    %dot_general3A_16 = tpu.matmul %add3A_12, %get3A_15, %dot_general3A {dimension_numbers = #tpu.dot_dimension_numbers<[1], [0], [0], [1], [0, 0, 1, 1], [], []>, transpose_lhs_hint = false} : vector<512x128xf32>, vector<128x128xf32>, vector<512x128xf32> -> vector<512x128xf32>
    %get3A_17 = arith.constant 0 : index
    %get3A_18 = arith.constant 0 : index
    %get3A_19 = vector.load %arg4[%get3A_17, %get3A_18] : memref<1x128xf32, #tpu.memory_space<vmem>>, vector<1x128xf32>
    %add3A_20 = vector.broadcast %get3A_19 : vector<1x128xf32> to vector<512x128xf32>
    %add3A_21 = arith.addf %dot_general3A_16, %add3A_20 : vector<512x128xf32>
    %max3A = arith.constant 0.000000e+00 : f32
    %max3A_22 = vector.broadcast %max3A : f32 to vector<512x128xf32>
    %max3A_23 = arith.maximumf %add3A_21, %max3A_22 : vector<512x128xf32>
    %get3A_24 = arith.constant 0 : index
    %get3A_25 = arith.constant 0 : index
    %get3A_26 = vector.load %arg5[%get3A_24, %get3A_25] : memref<128x128xf32, #tpu.memory_space<vmem>>, vector<128x128xf32>
    %dot_general3A_27 = arith.constant dense<0.000000e+00> : vector<512x128xf32>
    %dot_general3A_28 = tpu.matmul %max3A_23, %get3A_26, %dot_general3A_27 {dimension_numbers = #tpu.dot_dimension_numbers<[1], [0], [0], [1], [0, 0, 1, 1], [], []>, transpose_lhs_hint = false} : vector<512x128xf32>, vector<128x128xf32>, vector<512x128xf32> -> vector<512x128xf32>
    %get3A_29 = arith.constant 0 : index
    %get3A_30 = arith.constant 0 : index
    %get3A_31 = vector.load %arg6[%get3A_29, %get3A_30] : memref<1x128xf32, #tpu.memory_space<vmem>>, vector<1x128xf32>
    %add3A_32 = vector.broadcast %get3A_31 : vector<1x128xf32> to vector<512x128xf32>
    %add3A_33 = arith.addf %dot_general3A_28, %add3A_32 : vector<512x128xf32>
    %reduce_sum3A = arith.constant dense<0.000000e+00> : vector<512xf32>
    %reduce_sum3A_34 = vector.multi_reduction <add>, %add3A_33, %reduce_sum3A [1] : vector<512x128xf32> to vector<512xf32>
    %broadcast_in_dim3A = vector.shape_cast %reduce_sum3A_34 : vector<512xf32> to vector<512x1xf32>
    %div3A = arith.constant 1.280000e+02 : f32
    %div3A_35 = vector.broadcast %div3A : f32 to vector<512x1xf32>
    %div3A_36 = arith.divf %broadcast_in_dim3A, %div3A_35 : vector<512x1xf32>
    %sub3A = vector.broadcast %div3A_36 : vector<512x1xf32> to vector<512x128xf32>
    %sub3A_37 = arith.subf %add3A_33, %sub3A : vector<512x128xf32>
    %integer_pow3A = arith.mulf %sub3A_37, %sub3A_37 : vector<512x128xf32>
    %reduce_sum3A_38 = arith.constant dense<0.000000e+00> : vector<512xf32>
    %reduce_sum3A_39 = vector.multi_reduction <add>, %integer_pow3A, %reduce_sum3A_38 [1] : vector<512x128xf32> to vector<512xf32>
    %broadcast_in_dim3A_40 = vector.shape_cast %reduce_sum3A_39 : vector<512xf32> to vector<512x1xf32>
    %div3A_41 = arith.constant 1.280000e+02 : f32
    %div3A_42 = vector.broadcast %div3A_41 : f32 to vector<512x1xf32>
    %div3A_43 = arith.divf %broadcast_in_dim3A_40, %div3A_42 : vector<512x1xf32>
    %sub3A_44 = vector.broadcast %div3A_36 : vector<512x1xf32> to vector<512x128xf32>
    %sub3A_45 = arith.subf %add3A_33, %sub3A_44 : vector<512x128xf32>
    %add3A_46 = arith.constant 9.99999974E-6 : f32
    %add3A_47 = vector.broadcast %add3A_46 : f32 to vector<512x1xf32>
    %add3A_48 = arith.addf %div3A_43, %add3A_47 : vector<512x1xf32>
    %sqrt3A = math.sqrt %add3A_48 : vector<512x1xf32>
    %div3A_49 = vector.broadcast %sqrt3A : vector<512x1xf32> to vector<512x128xf32>
    %div3A_50 = arith.divf %sub3A_45, %div3A_49 : vector<512x128xf32>
    %get3A_51 = arith.constant 0 : index
    %get3A_52 = arith.constant 0 : index
    %get3A_53 = vector.load %arg7[%get3A_51, %get3A_52] : memref<1x128xf32, #tpu.memory_space<vmem>>, vector<1x128xf32>
    %mul3A = vector.broadcast %get3A_53 : vector<1x128xf32> to vector<512x128xf32>
    %mul3A_54 = arith.mulf %div3A_50, %mul3A : vector<512x128xf32>
    %get3A_55 = arith.constant 0 : index
    %get3A_56 = arith.constant 0 : index
    %get3A_57 = vector.load %arg8[%get3A_55, %get3A_56] : memref<1x128xf32, #tpu.memory_space<vmem>>, vector<1x128xf32>
    %add3A_58 = vector.broadcast %get3A_57 : vector<1x128xf32> to vector<512x128xf32>
    %add3A_59 = arith.addf %mul3A_54, %add3A_58 : vector<512x128xf32>
    %max3A_60 = arith.constant 0.000000e+00 : f32
    %max3A_61 = vector.broadcast %max3A_60 : f32 to vector<512x128xf32>
    %max3A_62 = arith.maximumf %add3A_59, %max3A_61 : vector<512x128xf32>
    %add3A_63 = arith.addf %get3A_1, %max3A_62 : vector<512x128xf32>
    %get3A_64 = arith.constant 0 : index
    %get3A_65 = arith.constant 0 : index
    %get3A_66 = vector.load %arg9[%get3A_64, %get3A_65] : memref<128x128xf32, #tpu.memory_space<vmem>>, vector<128x128xf32>
    %dot_general3A_67 = arith.constant dense<0.000000e+00> : vector<512x128xf32>
    %dot_general3A_68 = tpu.matmul %add3A_63, %get3A_66, %dot_general3A_67 {dimension_numbers = #tpu.dot_dimension_numbers<[1], [0], [0], [1], [0, 0, 1, 1], [], []>, transpose_lhs_hint = false} : vector<512x128xf32>, vector<128x128xf32>, vector<512x128xf32> -> vector<512x128xf32>
    %get3A_69 = arith.constant 0 : index
    %get3A_70 = arith.constant 0 : index
    %get3A_71 = vector.load %arg10[%get3A_69, %get3A_70] : memref<1x128xf32, #tpu.memory_space<vmem>>, vector<1x128xf32>
    %add3A_72 = vector.broadcast %get3A_71 : vector<1x128xf32> to vector<512x128xf32>
    %add3A_73 = arith.addf %dot_general3A_68, %add3A_72 : vector<512x128xf32>
    %max3A_74 = arith.constant 0.000000e+00 : f32
    %max3A_75 = vector.broadcast %max3A_74 : f32 to vector<512x128xf32>
    %max3A_76 = arith.maximumf %add3A_73, %max3A_75 : vector<512x128xf32>
    %get3A_77 = arith.constant 0 : index
    %get3A_78 = arith.constant 0 : index
    %get3A_79 = vector.load %arg11[%get3A_77, %get3A_78] : memref<128x128xf32, #tpu.memory_space<vmem>>, vector<128x128xf32>
    %dot_general3A_80 = arith.constant dense<0.000000e+00> : vector<512x128xf32>
    %dot_general3A_81 = tpu.matmul %max3A_76, %get3A_79, %dot_general3A_80 {dimension_numbers = #tpu.dot_dimension_numbers<[1], [0], [0], [1], [0, 0, 1, 1], [], []>, transpose_lhs_hint = false} : vector<512x128xf32>, vector<128x128xf32>, vector<512x128xf32> -> vector<512x128xf32>
    %get3A_82 = arith.constant 0 : index
    %get3A_83 = arith.constant 0 : index
    %get3A_84 = vector.load %arg12[%get3A_82, %get3A_83] : memref<1x128xf32, #tpu.memory_space<vmem>>, vector<1x128xf32>
    %add3A_85 = vector.broadcast %get3A_84 : vector<1x128xf32> to vector<512x128xf32>
    %add3A_86 = arith.addf %dot_general3A_81, %add3A_85 : vector<512x128xf32>
    %swap3A = arith.constant 0 : index
    %swap3A_87 = arith.constant 0 : index
    %swap3A_88 = vector.load %arg13[%swap3A, %swap3A_87] : memref<512x128xf32, #tpu.memory_space<vmem>>, vector<512x128xf32>
    tpu.vector_store %arg13[%swap3A, %swap3A_87], %add3A_86 {strides = array<i32>} : memref<512x128xf32, #tpu.memory_space<vmem>>, vector<512x128xf32>,
    return
  }
  func.func @transform_0(%arg0: i32) -> (i32, i32) {
    %c0_i32 = arith.constant 0 : i32
    %c0_i32_0 = arith.constant 0 : i32
    return %arg0, %c0_i32 : i32, i32
  }
  func.func @transform_1(%arg0: i32) -> (i32, i32, i32) {
    %c0_i32 = arith.constant 0 : i32
    %c0_i32_0 = arith.constant 0 : i32
    %c0_i32_1 = arith.constant 0 : i32
    return %c0_i32, %arg0, %c0_i32_0 : i32, i32, i32
  }
  func.func @transform_2(%arg0: i32) -> (i32, i32) {
    %c0_i32 = arith.constant 0 : i32
    %c0_i32_0 = arith.constant 0 : i32
    %c0_i32_1 = arith.constant 0 : i32
    return %c0_i32, %c0_i32_0 : i32, i32
  }
  func.func @transform_3(%arg0: i32) -> (i32, i32) {
    %c0_i32 = arith.constant 0 : i32
    %c0_i32_0 = arith.constant 0 : i32
    %c0_i32_1 = arith.constant 0 : i32
    return %c0_i32, %c0_i32_0 : i32, i32
  }
  func.func @transform_4(%arg0: i32) -> (i32, i32) {
    %c0_i32 = arith.constant 0 : i32
    %c0_i32_0 = arith.constant 0 : i32
    %c0_i32_1 = arith.constant 0 : i32
    return %c0_i32, %c0_i32_0 : i32, i32
  }
  func.func @transform_5(%arg0: i32) -> (i32, i32) {
    %c0_i32 = arith.constant 0 : i32
    %c0_i32_0 = arith.constant 0 : i32
    %c0_i32_1 = arith.constant 0 : i32
    return %c0_i32, %c0_i32_0 : i32, i32
  }
  func.func @transform_6(%arg0: i32) -> (i32, i32) {
    %c0_i32 = arith.constant 0 : i32
    %c0_i32_0 = arith.constant 0 : i32
    %c0_i32_1 = arith.constant 0 : i32
    return %c0_i32, %c0_i32_0 : i32, i32
  }
  func.func @transform_7(%arg0: i32) -> (i32, i32) {
    %c0_i32 = arith.constant 0 : i32
    %c0_i32_0 = arith.constant 0 : i32
    %c0_i32_1 = arith.constant 0 : i32
    return %c0_i32, %c0_i32_0 : i32, i32
  }
  func.func @transform_8(%arg0: i32) -> (i32, i32) {
    %c0_i32 = arith.constant 0 : i32
    %c0_i32_0 = arith.constant 0 : i32
    %c0_i32_1 = arith.constant 0 : i32
    return %c0_i32, %c0_i32_0 : i32, i32
  }
  func.func @transform_9(%arg0: i32) -> (i32, i32) {
    %c0_i32 = arith.constant 0 : i32
    %c0_i32_0 = arith.constant 0 : i32
    %c0_i32_1 = arith.constant 0 : i32
    return %c0_i32, %c0_i32_0 : i32, i32
  }
  func.func @transform_10(%arg0: i32) -> (i32, i32) {
    %c0_i32 = arith.constant 0 : i32
    %c0_i32_0 = arith.constant 0 : i32
    %c0_i32_1 = arith.constant 0 : i32
    return %c0_i32, %c0_i32_0 : i32, i32
  }
  func.func @transform_11(%arg0: i32) -> (i32, i32) {
    %c0_i32 = arith.constant 0 : i32
    %c0_i32_0 = arith.constant 0 : i32
    %c0_i32_1 = arith.constant 0 : i32
    return %c0_i32, %c0_i32_0 : i32, i32
  }
  func.func @transform_12(%arg0: i32) -> (i32, i32) {
    %c0_i32 = arith.constant 0 : i32
    %c0_i32_0 = arith.constant 0 : i32
    return %arg0, %c0_i32 : i32, i32
  }
}

</mosaic_0001>

<sc_bundles>
// kernel: kernel.12.cloned.1.call-start
scs
__scs_entry_jumppad:
0x0: {  	(pc) =	sbr.rel $0x88, $3  }
0x1: {  	(tag) =	ssettag $0x0;
	lr =	simm.s32 $0x1  }
0x2: {  	[smem:$0x3F93] =	sst lr;
	_ =	strace $0xD0000000  }
0x3: {  	_ = 	snop  }
0x4: {  	_ = 	snop  }
0x5: {  	_ = 	snop  }
0x6: {  	_ = 	snop  }
0x7: {  	_ = 	snop  }
__scs_overlays_trampoline_lowered:
0x8: {  	[smem:$0x3FA2] =	sst s0  }
0x9: {  	[smem:$0x3FA3] =	sst s1  }
0xa: {  	[smem:$0x3FA4] =	sst s2  }
0xb: {  	[smem:$0x3FA5] =	sst s3  }
0xc: {  	[smem:$0x3FA6] =	sst s4  }
0xd: {  	[smem:$0x3FA7] =	sst s5  }
0xe: {  	[smem:$0x3FA8] =	sst s6  }
0xf: {  	[smem:$0x3FA9] =	sst s7  }
0x10: {  	[smem:$0x3FAA] =	sst s8  }
0x11: {  	[smem:$0x3FAB] =	sst s9;
	s0 =	simm.s32 @!p0 $0x0  }
0x12: {  	s1 =	sld [smem:$0x3F91];
	s0 =	simm.s32 @p0 $0x1  }
0x13: {  	[smem:$0x3FAC] =	sst s0;
	s0 =	simm.s32 @!p1 $0x0  }
0x14: {  	s2 =	sld [smem:$0x3F90];
	s0 =	simm.s32 @p1 $0x1  }
0x15: {  	[smem:$0x3FAD] =	sst s0;
	s0 =	simm.s32 @!p2 $0x0  }
0x16: {  	s3 =	sld [smem:$0x3FDB];
	s0 =	simm.s32 @p2 $0x1  }
0x17: {  	s4 =	simm.s32 $0x1BF5;
	[smem:$0x3FAF] =	sst s0  }
0x18: {  	s0 =	sld [smem:$0x3F92];
	_ =	swait.ge [sflag:s4], $0x0  }
0x19: {  	s7 =	sld [smem:$0x3F93]  }
0x1a: {  	s8 =	sadd.s32 $0xFFFFE003, lr  }
0x1b: {  	s9 =	sadd.s32 $0xFFFFFEF7, lr;
	s5 =	simm.s32 $0xFFFFFFFF;
	p2 =	slt.u32 s8, $0xFFFFF086  }
0x1c: {  	p1 =	slt.u32 s9, $0xF7A;
	s5 =	simm.s32 @!p2 $0x0  }
0x1d: {  	s5 =	simm.s32 @p1 $0x1;
	p0 =	seq.s32 s7, s2  }
0x1e: {  	s7 =	smul.u32 @!p0 $0xF7A, s2;
	p2 =	seq.s32 @!p0 s5, $0x0  }
0x1f: {  	s9 =	smul.u32 $0xF7A, s1;
	s8 =	simm.s32 @!p0 $0x1BF5;
	p2 =	por !p2, p0  }
0x20: {  	[sflag:s8] =	ssyncset.s32 @!p0 $0xFFFFF086;
	s6 =	sadd.s32 @!p0 s3, s7;
	s7 =	simm.s32 @!p0 $0x108  }
0x21: {  	s3 =	sadd.s32 s3, s9;
	s6 =	sadd.s32 @!p0 $0x88, s6;
	s7 =	simm.s32 @p2 $0x1082  }
0x22: {  	[simem:s7], [sflag:s8] =	dma.local @!p0 [hbm:s6], $0xF7A  }
0x23: {  	s9 =	sor.u32 $0xD0000000, s2;
	s6 =	simm.s32 $0x108;
	_ =	swait.ge @!p0 [sflag:s8], $0x0  }
0x24: {  	s3 =	sadd.s32 $0x88, s3;
	s6 =	simm.s32 @!p1 $0x1082;
	[sflag:s4] =	ssyncset.s32 $0xFFFFF086  }
0x25: {  	[simem:s6], [sflag:s4] =	dma.local [hbm:s3], $0xF7A  }
0x26: {  	[smem:$0x3F93] =	sst s1;
	(tag) =	ssettag s2;
	_ =	strace s9  }
0x27: {  	s1 =	sld [smem:$0x3FA3]  }
0x28: {  	s2 =	sld [smem:$0x3FA4]  }
0x29: {  	s4 =	sld [smem:$0x3FA6]  }
0x2a: {  	p0 =	seq.s32 s5, $0x0;
	s5 =	sld [smem:$0x3FA7]  }
0x2b: {  	s6 =	sld [smem:$0x3FA8]  }
0x2c: {  	s7 =	sld [smem:$0x3FA9]  }
0x2d: {  	s3 =	simm.s32 $0x108;
	s8 =	sld [smem:$0x3FAA]  }
0x2e: {  	s3 =	simm.s32 @!p0 $0x1082;
	s9 =	sld [smem:$0x3FAB]  }
0x2f: {  	lr =	sadd.s32 s0, s3;
	s0 =	sld [smem:$0x3FA2]  }
0x30: {  	s3 =	sld [smem:$0x3FA5]  }
0x31: {  	[smem:$0x3FAE] =	sst s10  }
0x32: {  	s10 =	sld [smem:$0x3FAC];
	_ =	sdelay $0x3  }
0x33: {  	p0 =	seq.s32 s10, $0x1;
	s10 =	sld [smem:$0x3FAE];
	_ =	sdelay $0x3  }
0x34: {  	[smem:$0x3FAE] =	sst s10  }
0x35: {  	s10 =	sld [smem:$0x3FAD];
	_ =	sdelay $0x3  }
0x36: {  	p1 =	seq.s32 s10, $0x1;
	s10 =	sld [smem:$0x3FAE];
	_ =	sdelay $0x3  }
0x37: {  	[smem:$0x3FAE] =	sst s10  }
0x38: {  	s10 =	sld [smem:$0x3FAF]  }
0x39: {  	_ = 	snop;
	(pc) =	sbr.ind lr, $3  }
0x3a: {  	_ = 	snop  }
0x3b: {  	_ = 	snop  }
0x3c: {  	p2 =	seq.s32 s10, $0x1;
	s10 =	sld [smem:$0x3FAE]  }
0x3d: {  	_ =	shalt  }
0x3e: {  	_ =	shalt  }
0x3f: {  	_ =	shalt  }
0x40: {  	_ =	shalt  }
0x41: {  	_ =	shalt  }
0x42: {  	_ =	shalt  }
0x43: {  	_ =	shalt  }
0x44: {  	_ =	shalt  }
0x45: {  	_ =	shalt  }
0x46: {  	_ =	shalt  }
0x47: {  	_ =	shalt  }
0x48: {  	_ =	shalt  }
0x49: {  	_ =	shalt  }
0x4a: {  	_ =	shalt  }
0x4b: {  	_ =	shalt  }
0x4c: {  	_ =	shalt  }
0x4d: {  	_ =	shalt  }
0x4e: {  	_ =	shalt  }
0x4f: {  	_ =	shalt  }
0x50: {  	_ =	shalt  }
0x51: {  	_ =	shalt  }
0x52: {  	_ =	shalt  }
0x53: {  	_ =	shalt  }
0x54: {  	_ =	shalt  }
0x55: {  	_ =	shalt  }
0x56: {  	_ =	shalt  }
0x57: {  	_ =	shalt  }
0x58: {  	_ =	shalt  }
0x59: {  	_ =	shalt  }
0x5a: {  	_ =	shalt  }
0x5b: {  	_ =	shalt  }
0x5c: {  	_ =	shalt  }
0x5d: {  	_ =	shalt  }
0x5e: {  	_ =	shalt  }
0x5f: {  	_ =	shalt  }
0x60: {  	_ =	shalt  }
0x61: {  	_ =	shalt  }
0x62: {  	_ =	shalt  }
0x63: {  	_ =	shalt  }
0x64: {  	_ =	shalt  }
0x65: {  	_ =	shalt  }
0x66: {  	_ =	shalt  }
0x67: {  	_ =	shalt  }
0x68: {  	_ =	shalt  }
0x69: {  	_ =	shalt  }
0x6a: {  	_ =	shalt  }
0x6b: {  	_ =	shalt  }
0x6c: {  	_ =	shalt  }
0x6d: {  	_ =	shalt  }
0x6e: {  	_ =	shalt  }
0x6f: {  	_ =	shalt  }
0x70: {  	_ =	shalt  }
0x71: {  	_ =	shalt  }
0x72: {  	_ =	shalt  }
0x73: {  	_ =	shalt  }
0x74: {  	_ =	shalt  }
0x75: {  	_ =	shalt  }
0x76: {  	_ =	shalt  }
0x77: {  	_ =	shalt  }
0x78: {  	_ =	shalt  }
0x79: {  	_ =	shalt  }
0x7a: {  	_ =	shalt  }
0x7b: {  	_ =	shalt  }
0x7c: {  	_ =	shalt  }
0x7d: {  	_ =	shalt  }
0x7e: {  	_ =	shalt  }
0x7f: {  	_ =	shalt  }
0x80: {  	_ =	shalt  }
0x81: {  	_ =	shalt  }
0x82: {  	_ =	shalt  }
0x83: {  	_ =	shalt  }
0x84: {  	_ =	shalt  }
0x85: {  	_ =	shalt  }
0x86: {  	_ =	shalt  }
0x87: {  	_ =	shalt  }
.Lfunc_end0:
.L_simem_size_0:
called_computation.1_lowered:
.L_overlay_start_0:
0x88: {  	s2 =	sld [smem:$0x3FD9]  }
0x89: {  	s3 =	sld [smem:$0x3FFE];
	_ =	sdelay $0x1  }
0x8a: {  	s1 =	srdreg.scid  }
0x8b: {  	s0 =	sand.u32 $0x1, s1  }
0x8c: {  	s17 =	sshll.u32 s0, $0xA;
	s2 =	sadd.s32 s3, s2  }
0x8d: {  	s2 =	sadd.s32 s2, s17  }
0x8e: {  	[smem:$0x3FBA] =	sst s2  }
0x8f: {  	_ = 	snop  }
0x90: {  	s2 =	sld [smem:$0x3FD0];
	(tm) =	ssettm $0x1  }
0x91: {  	s18 =	sld [smem:$0x3FFB];
	_ =	sdelay $0x3  }
0x92: {  	_ =	strace s18  }
0x93: {  	s3 =	sld [smem:$0x3FFC];
	_ =	sdelay $0x3  }
0x94: {  	_ =	strace s3  }
0x95: {  	s3 =	sld [smem:$0x3FFD];
	_ =	sdelay $0x3  }
0x96: {  	_ =	strace s3  }
0x97: {  	_ =	strace $0x8FFFFFFF  }
0x98: {  	s19 =	sld [smem:$0x3FDB];
	_ =	sdelay $0x1  }
0x99: {  	s4 =	simm.s32 $_scs_section_size  }
0x9a: {  	s5 =	simm.s32 $_size__tile_overlayer_lowered;
	s6 =	simm.s32 $_tile_overlayer_lowered  }
0x9b: {  	s22 =	simm.s32 $0x1BFF;
	s21 =	sshll.u32 s6, $0x1;
	s3 =	sadd.s32 s4, s19  }
0x9c: {  	s7 =	simm.s32 $0x0;
	s20 =	sshll.u32 s5, $0x1;
	s5 =	sadd.s32 s21, s3  }
0x9d: {  	[timem:s7], [sflag:s22] =	dma.local [hbm:s5], s20  }
0x9e: {  	_ =	swait.ge [sflag:s22], s20  }
0x9f: {  	s4 =	ssub.s32 $0x0, s20;
	[sflag:s22] =	ssyncset.done $0x0  }
0xa0: {  	[sflag:s22] =	ssyncadd.s32 s4;
	_ =	sdelay $0x1  }
0xa1: {  	s23 =	simm.s32 $0x1B8B  }
0xa2: {  	_ =	swait.ge [sflag:s23], $0x1  }
0xa3: {  	[sflag:s23] =	ssyncset.done $0x0  }
0xa4: {  	s25 =	simm.s32 $0x1B8E;
	s24 =	sld [smem:$0x3FFE];
	[sflag:s23] =	ssyncadd.s32 $0xFFFFFFFF  }
0xa5: {  	s26 =	simm.s32 $execute0_lowered;
	[smem:$0x3FD2] =	sst s25  }
0xa6: {  	s5 =	sshll.u32 s26, $0x1;
	_ =	strace $0x80000049;
	[dreg:$0x1] =	wrdreg $0xFFFFFFFF  }
0xa7: {  	s28 =	simm.s32 $_size_execute0_lowered;
	s3 =	sadd.s32 s3, s5;
	[dreg:$0x0] =	wrdreg $0x0  }
0xa8: {  	s5 =	sshll.u32 s28, $0x1;
	[dreg:$0x2] =	wrdreg s3  }
0xa9: {  	[dreg:$0x3] =	wrdreg s5  }
0xaa: {  	[dreg:$0x4] =	wrdreg $0xC0  }
0xab: {  	_ =	task [dreg:s7], $0x5FFFF  }
0xac: {  	[dreg:$0x1] =	wrdreg $0xFFFFFFFF  }
0xad: {  	[dreg:$0x0] =	wrdreg $0x60  }
0xae: {  	[dreg:$0x2] =	wrdreg s24  }
0xaf: {  	[dreg:$0x3] =	wrdreg s2  }
0xb0: {  	[dreg:$0x4] =	wrdreg $0x98800  }
0xb1: {  	[dreg:$0x5] =	wrdreg $0x9  }
0xb2: {  	_ =	task.clear_ibuf [dreg:s7], $0x6FFFF;
	_ =	strace $0x90000049  }
0xb3: {  	s29 =	simm.s32 $0x9;
	_ =	strace $0x8000004B  }
0xb4: {  	_ =	swait.ge [sflag:s29], $0x1  }
0xb5: {  	[sflag:s29] =	ssyncadd.s32 $0xFFFFFFFF  }
0xb6: {  	_ =	strace $0x9000004B  }
0xb7: {  	_ =	sfence  }
0xb8: {  	s30 =	sld [smem:$0x0];
	_ =	sdelay $0x2  }
0xb9: {  	s31 =	sshll.u32 s1, $0xD;
	s1 =	sshrl.u32 s1, $0x2  }
0xba: {  	s3 =	sand.u32 $0x4000, s31;
	s1 =	sadd.s32 s1, s30  }
0xbb: {  	s0 =	sor.u32 s3, s0;
	s1 =	sshll.u32 s1, $0x11  }
0xbc: {  	s0 =	sor.u32 s1, s0  }
0xbd: {  	s0 =	sadd.s32 $0x8F2B, s0  }
0xbe: {  	[sflag:s0] =	ssyncadd.remote.s32 $0x1  }
0xbf: {  	_ =	sfence.sel $0xFFFF  }
0xc0: {  	[dreg:$0x0] =	wrdreg $0xFFFFFFFF;
	(pc) =	sbr.abs _section_cstart, $3  }
0xc1: {  	[dreg:$0x1] =	wrdreg $0xFFFFFFFF  }
0xc2: {  	_ =	task.clear_ibuf [dreg:s7], $0x2FFFF;
	_ =	strace $0x9FFFFFFF  }
0xc3: {  	(tm) =	ssettm $0x7FFFFFFF  }
tec
execute0_lowered:
.L_overlay_start_1:
0x0: {  	(tag) =	ssettag $0x1  }
0x1: {  	s0 =	rddreg [dreg:$0x0]  }
0x2: {  	s1 =	rddreg [dreg:$0x1]  }
0x3: {  	s2 =	rddreg [dreg:$0x2];
	s3 =	simm.s32 $0x0  }
0x4: {  	s4 =	srdreg.scid;
	s11 =	stileid.u32;
	s28 =	simm.s32 $0x7800  }
0x5: {  	s30 =	simm.s32 $0x3800;
	s31 =	simm.s32 $0x1;
	s29 =	simm.s32 $0x3  }
0x6: {  	[smem:$0x7FF] =	sst s3;
	s5 =	sadd.s32 $0x17E00, s0;
	s6 =	sadd.s32 $0x3E00, s0  }
0x7: {  	s4 =	sand.u32 $0x1, s4;
	s0 =	sadd.s32 $0x3FE00, s0;
	s8 =	smul.u32 $0x50000, s11  }
0x8: {  	s12 =	smul.u32 $0x14000, s11;
	_ =	strace $0x8000004A;
	s7 =	ssub.s32 $0x2, s4  }
0x9: {  	s10 =	sshll.u32 s4, $0x4;
	s4 =	smul.u32 $0x140000, s4;
	s9 =	sshrl.u32 s7, $0x1  }
0xa: {  	s14 =	sor.u32 s11, s10;
	s23 =	sshrl.u32 s8, $0x2;
	s15 =	sadd.s32 $0x4000, s12  }
0xb: {  	s16 =	sadd.s32 $0x8000, s12;
	s18 =	sadd.s32 $0xC000, s12;
	s19 =	sadd.s32 $0x10000, s12  }
0xc: {  	s13 =	ssub.s32 s7, s9;
	s7 =	sadd.s32 s23, s2;
	s8 =	sadd.s32 s15, s2  }
0xd: {  	s9 =	sadd.s32 s16, s2;
	s17 =	smul.u32 $0xA00, s14;
	s25 =	sadd.s32 s18, s2  }
0xe: {  	s24 =	sadd.s32 s19, s2;
	s14 =	smul.u32 $0x14, s14;
	s12 =	sadd.s32 s12, s4  }
0xf: {  	s15 =	sadd.s32 s4, s15;
	s21 =	sadd.s32 s4, s16;
	s22 =	sadd.s32 s4, s18  }
0x10: {  	s4 =	sadd.s32 s4, s19;
	s16 =	simm.s32 $0x0;
	[dreg:$0x7] =	wrdreg s24  }
0x11: {  	s12 =	sshrl.u32 s12, $0x3;
	s15 =	sshrl.u32 s15, $0x3;
	[dreg:$0x5] =	wrdreg s9  }
0x12: {  	s4 =	sshrl.u32 s4, $0x3;
	[dreg:$0x6] =	wrdreg s25;
	s26 =	sadd.s32 s1, s17  }
0x13: {  	s11 =	sadd.s32 s6, s17;
	[dreg:$0x4] =	wrdreg s14;
	s17 =	sadd.s32 s0, s12  }
0x14: {  	s20 =	sadd.s32 s0, s15;
	s12 =	sshrl.u32 s21, $0x3;
	[dreg:$0x8] =	wrdreg s26  }
0x15: {  	s14 =	sshrl.u32 s22, $0x3;
	s21 =	simm.s32 $0x9;
	[dreg:$0x9] =	wrdreg s11  }
0x16: {  	s22 =	simm.s32 $0xB;
	s15 =	simm.s32 $0xA;
	[dreg:$0xa] =	wrdreg s17  }
0x17: {  	[dreg:$0xb] =	wrdreg s20;
	s23 =	sadd.s32 s0, s12;
	s24 =	sadd.s32 s0, s14  }
0x18: {  	s0 =	sadd.s32 s0, s4;
	s26 =	smax.u32 s13, $0x1;
	[dreg:$0xc] =	wrdreg s23  }
0x19: {  	s20 =	simm.s32 $0x1800;
	s4 =	simm.s32 $0x2;
	[dreg:$0xd] =	wrdreg s24  }
0x1a: {  	v4 =	vlaneseq.u32;
	s12 =	simm.s32 $0x5;
	s13 =	simm.s32 $0x4;
	[dreg:$0xe] =	wrdreg s0  }
0x1b: {  	v0 =	vimm.f32 $0.0e+00;
	v1 =	vor.u32 $0x2790, v4;
	s14 =	simm.s32 $0x6;
	[dreg:$0xf] =	wrdreg s26;
	s24 =	simm.s32 $0x40  }
0x1c: {  	v2 =	vor.u32 $0x27A0, v4;
	v3 =	vor.u32 $0x27B0, v4;
	v4 =	vor.u32 $0x27C0, v4;
	s26 =	simm.s32 $0x5800;
	s0 =	simm.s32 $0x7;
	s23 =	simm.s32 $0x8  }
.LBB2_1:
0x1d: {  	s17 =	simm.s32 $0x0;
	s18 =	simm.s32 $0x200  }
.LBB2_2:
0x1e: {  	p0 =	sne.s32 s18, $0xFE00;
	[tilespmem:s17+$0x1870] =	vst v0  }
0x1f: {  	[tilespmem:s17+$0x1800] =	vst v0  }
0x20: {  	[tilespmem:s17+$0x1810] =	vst v0  }
.Ltmp0:
0x21: {  	[tilespmem:s17+$0x1820] =	vst v0;
	(pc) =	sbr.rel @p0 .LBB2_2-.Ltmp0, $4  }
0x22: {  	[tilespmem:s17+$0x1830] =	vst v0  }
0x23: {  	[tilespmem:s17+$0x1840] =	vst v0  }
0x24: {  	[tilespmem:s17+$0x1850] =	vst v0  }
0x25: {  	[tilespmem:s17+$0x1860] =	vst v0;
	s17 =	sshra.s32 s18, $0x2;
	s18 =	sadd.s32 $0x200, s18  }
0x26: {  	[tilespmem:s17+$0x1870] =	vst v0  }
0x27: {  	[tilespmem:s17+$0x1800] =	vst v0  }
0x28: {  	[tilespmem:s17+$0x1810] =	vst v0  }
0x29: {  	[tilespmem:s17+$0x1820] =	vst v0  }
0x2a: {  	[tilespmem:s17+$0x1830] =	vst v0  }
0x2b: {  	[tilespmem:s17+$0x1840] =	vst v0  }
0x2c: {  	[tilespmem:s17+$0x1850] =	vst v0  }
0x2d: {  	[tilespmem:s17+$0x1860] =	vst v0  }
0x2e: {  	[spmem:s7] =	stream.linear.scatter [tilespmem:s20], [sflag:$0x9], $0x4000, $0x38;
	[tilespmem:$0x1D880] =	vst v63  }
0x2f: {  	_ = 	snop  }
0x30: {  	[spmem:s8] =	stream.linear.scatter [tilespmem:s20], [sflag:$0x9], $0x4000, $0x38;
	[tilespmem:$0x1D880] =	vst v63  }
0x31: {  	_ = 	snop  }
0x32: {  	[spmem:s9] =	stream.linear.scatter [tilespmem:s20], [sflag:$0x9], $0x4000, $0x38;
	[tilespmem:$0x1D880] =	vst v63  }
0x33: {  	_ = 	snop  }
0x34: {  	[spmem:s25] =	stream.linear.scatter [tilespmem:s20], [sflag:$0x9], $0x4000, $0x38;
	[tilespmem:$0x1D880] =	vst v63  }
0x35: {  	s17 =	rddreg [dreg:$0x7]  }
0x36: {  	[spmem:s17] =	stream.linear.scatter [tilespmem:s20], [sflag:$0x9], $0x4000, $0x38;
	[tilespmem:$0x1D880] =	vst v63  }
0x37: {  	_ =	swait.ge [sflag:s21], $0x4000  }
0x38: {  	[sflag:s21] =	ssyncset.done $0x0  }
0x39: {  	[sflag:s21] =	ssyncadd.s32 $0xFFFFC000  }
0x3a: {  	_ =	swait.ge [sflag:s21], $0x4000  }
0x3b: {  	[sflag:s21] =	ssyncset.done $0x0  }
0x3c: {  	[sflag:s21] =	ssyncadd.s32 $0xFFFFC000  }
0x3d: {  	_ =	swait.ge [sflag:s21], $0x4000  }
0x3e: {  	[sflag:s21] =	ssyncset.done $0x0  }
0x3f: {  	[sflag:s21] =	ssyncadd.s32 $0xFFFFC000  }
0x40: {  	_ =	swait.ge [sflag:s21], $0x4000  }
0x41: {  	[sflag:s21] =	ssyncset.done $0x0  }
0x42: {  	[sflag:s21] =	ssyncadd.s32 $0xFFFFC000  }
0x43: {  	_ =	swait.ge [sflag:s21], $0x4000  }
0x44: {  	[sflag:s21] =	ssyncset.done $0x0  }
0x45: {  	[sflag:s21] =	ssyncadd.s32 $0xFFFFC000  }
0x46: {  	[tilespmem:$0x9800] =	vst v1  }
0x47: {  	[tilespmem:$0x9810] =	vst v2  }
0x48: {  	[tilespmem:$0x9820] =	vst v3  }
0x49: {  	s18 =	rddreg [dreg:$0x8];
	[tilespmem:$0x9830] =	vst v4  }
0x4a: {  	[tilespmem:s3], [sflag:$0xB] =	stream.linear.gather [hbm4b:s18+s3], $0x400, $0x38;
	[tilespmem:$0x1D880] =	vst v63  }
0x4b: {  	_ =	swait.ge [sflag:s22], $0x400  }
0x4c: {  	[sflag:s22] =	ssyncset.done $0x0  }
0x4d: {  	s25 =	simm.s32 $0xC00;
	s19 =	rddreg [dreg:$0x9];
	[sflag:s22] =	ssyncadd.s32 $0xFFFFFC00  }
0x4e: {  	[tilespmem:s25], [sflag:$0xB] =	stream.linear.gather [hbm4b:s19+s3], $0x400, $0x38;
	[tilespmem:$0x1D880] =	vst v63  }
0x4f: {  	_ =	swait.ge [sflag:s22], $0x400  }
0x50: {  	s11 =	smov.u32 s8;
	[sflag:s22] =	ssyncset.done $0x0  }
0x51: {  	s8 =	simm.s32 $0x9800;
	s9 =	simm.s32 $0x1;
	[sflag:s22] =	ssyncadd.s32 $0xFFFFFC00  }
0x52: {  	[spmem:s2] =	stream.indirect.scatter.add.f32 [tilespmem:s26], [sflag:$0x7], $0x80, s8, s24, $0xb8;
	[tilespmem:$0x1D880] =	vst v63  }
0x53: {  	s18 =	smul.u32 $0xAB, s9  }
0x54: {  	[spmem:s2] =	stream.indirect.scatter.add.f32 [tilespmem:s28], [sflag:$0x8], $0x80, s8, s24, $0xb8;
	[tilespmem:$0x1D880] =	vst v63  }
0x55: {  	s10 =	smov.u32 s7;
	s19 =	sshrl.u32 s18, $0x9  }
0x56: {  	[tilespmem:s20], [sflag:$0x1] =	stream.indirect.gather [hbm4b:s5+s24], $0x80, s3, s24, $0xb8;
	[tilespmem:$0x1D880] =	vst v63  }
0x57: {  	s25 =	simm.s32 $0x80;
	s18 =	sadd.s32 $0xFFFFFF55, s18;
	s19 =	sand.u32 $0x7F, s19  }
0x58: {  	[tilespmem:s30], [sflag:$0x2] =	stream.indirect.gather [hbm4b:s5+s24], $0x80, s25, s24, $0xb8;
	[tilespmem:$0x1D880] =	vst v63  }
0x59: {  	s18 =	sshrl.u32 s18, $0x9;
	s19 =	smul.u32 $0x3, s19;
	[bflag:$0x0] =	sbarrier.arrive $0xFFFF  }
0x5a: {  	s17 =	smin.u32 s9, $0x13;
	s18 =	sand.u32 $0x7F, s18;
	s7 =	rddreg [dreg:$0x4]  }
0x5b: {  	s18 =	smul.u32 $0x3, s18;
	s19 =	ssub.s32 $0x1, s19;
	s17 =	sadd.s32 s7, s17  }
0x5c: {  	s19 =	sand.u32 $0xFF, s19;
	s25 =	sshll.u32 s17, $0x7  }
0x5d: {  	s18 =	sxor.u32 $0xFFFFFFFF, s18;
	s17 =	sshll.u32 s19, $0xA;
	s8 =	sadd.s32 s1, s25  }
0x5e: {  	[tilespmem:s17], [sflag:$0x9] =	stream.linear.gather [hbm4b:s8+s3], $0x400, $0x38;
	[tilespmem:$0x1D880] =	vst v63  }
0x5f: {  	s18 =	sadd.s32 $0x1, s18;
	s9 =	sadd.s32 $0xC00, s17;
	s25 =	sadd.s32 s6, s25  }
0x60: {  	[tilespmem:s9], [sflag:$0xA] =	stream.linear.gather [hbm4b:s25+s3], $0x400, $0x38;
	[tilespmem:$0x1D880] =	vst v63  }
0x61: {  	s18 =	sand.u32 $0xFF, s18;
	_ =	swait.ge [sflag:s31], $0x2000  }
0x62: {  	s25 =	sshll.u32 s18, $0xA;
	[sflag:s31] =	ssyncset.done $0x0  }
0x63: {  	s18 =	sadd.s32 $0xC00, s25;
	[sflag:s31] =	ssyncadd.s32 $0xFFFFE000  }
0x64: {  	[spmem:s2] =	stream.indirect.scatter.add.f32 [tilespmem:s20], [sflag:$0x5], $0x80, s18, s24, $0xb8;
	[tilespmem:$0x1D880] =	vst v63  }
0x65: {  	_ =	swait.ge [sflag:s0], $0x2000  }
0x66: {  	[sflag:s0] =	ssyncset.done $0x0  }
0x67: {  	s7 =	sor.u32 $0x100, s25;
	[sflag:s0] =	ssyncadd.s32 $0xFFFFE000  }
0x68: {  	[tilespmem:s26], [sflag:$0x3] =	stream.indirect.gather [hbm4b:s5+s24], $0x80, s7, s24, $0xb8;
	[tilespmem:$0x1D880] =	vst v63  }
0x69: {  	_ =	swait.ge [sflag:s4], $0x2000  }
0x6a: {  	[sflag:s4] =	ssyncset.done $0x0  }
0x6b: {  	s8 =	sadd.s32 $0xC80, s25;
	[sflag:s4] =	ssyncadd.s32 $0xFFFFE000  }
0x6c: {  	[spmem:s2] =	stream.indirect.scatter.add.f32 [tilespmem:s30], [sflag:$0x6], $0x80, s8, s24, $0xb8;
	[tilespmem:$0x1D880] =	vst v63  }
0x6d: {  	_ =	swait.ge [sflag:s23], $0x2000  }
0x6e: {  	[sflag:s23] =	ssyncset.done $0x0  }
0x6f: {  	s9 =	sor.u32 $0x180, s25;
	[sflag:s23] =	ssyncadd.s32 $0xFFFFE000  }
0x70: {  	[tilespmem:s28], [sflag:$0x4] =	stream.indirect.gather [hbm4b:s5+s24], $0x80, s9, s24, $0xb8;
	[tilespmem:$0x1D880] =	vst v63  }
0x71: {  	_ =	swait.ge [sflag:s29], $0x2000  }
0x72: {  	[sflag:s29] =	ssyncset.done $0x0  }
0x73: {  	s19 =	sadd.s32 $0xD00, s25;
	[sflag:s29] =	ssyncadd.s32 $0xFFFFE000  }
0x74: {  	[spmem:s2] =	stream.indirect.scatter.add.f32 [tilespmem:s26], [sflag:$0x7], $0x80, s19, s24, $0xb8;
	[tilespmem:$0x1D880] =	vst v63  }
0x75: {  	_ =	swait.ge [sflag:s12], $0x2000  }
0x76: {  	[sflag:s12] =	ssyncset.done $0x0  }
0x77: {  	s7 =	sor.u32 $0x200, s25;
	[sflag:s12] =	ssyncadd.s32 $0xFFFFE000  }
0x78: {  	[tilespmem:s20], [sflag:$0x1] =	stream.indirect.gather [hbm4b:s5+s24], $0x80, s7, s24, $0xb8;
	[tilespmem:$0x1D880] =	vst v63  }
0x79: {  	_ =	swait.ge [sflag:s13], $0x2000  }
0x7a: {  	[sflag:s13] =	ssyncset.done $0x0  }
0x7b: {  	s8 =	sadd.s32 $0xD80, s25;
	[sflag:s13] =	ssyncadd.s32 $0xFFFFE000  }
0x7c: {  	[spmem:s2] =	stream.indirect.scatter.add.f32 [tilespmem:s28], [sflag:$0x8], $0x80, s8, s24, $0xb8;
	[tilespmem:$0x1D880] =	vst v63  }
0x7d: {  	_ =	swait.ge [sflag:s14], $0x2000  }
0x7e: {  	[sflag:s14] =	ssyncset.done $0x0  }
0x7f: {  	s9 =	sor.u32 $0x280, s25;
	[sflag:s14] =	ssyncadd.s32 $0xFFFFE000  }
0x80: {  	[tilespmem:s30], [sflag:$0x2] =	stream.indirect.gather [hbm4b:s5+s24], $0x80, s9, s24, $0xb8;
	[tilespmem:$0x1D880] =	vst v63  }
0x81: {  	_ =	swait.ge [sflag:s31], $0x2000  }
0x82: {  	[sflag:s31] =	ssyncset.done $0x0  }
0x83: {  	s19 =	sadd.s32 $0xE00, s25;
	[sflag:s31] =	ssyncadd.s32 $0xFFFFE000  }
0x84: {  	[spmem:s2] =	stream.indirect.scatter.add.f32 [tilespmem:s20], [sflag:$0x5], $0x80, s19, s24, $0xb8;
	[tilespmem:$0x1D880] =	vst v63  }
0x85: {  	_ =	swait.ge [sflag:s0], $0x2000  }
0x86: {  	[sflag:s0] =	ssyncset.done $0x0  }
0x87: {  	s7 =	sor.u32 $0x300, s25;
	[sflag:s0] =	ssyncadd.s32 $0xFFFFE000  }
0x88: {  	[tilespmem:s26], [sflag:$0x3] =	stream.indirect.gather [hbm4b:s5+s24], $0x80, s7, s24, $0xb8;
	[tilespmem:$0x1D880] =	vst v63  }
0x89: {  	_ =	swait.ge [sflag:s4], $0x2000  }
0x8a: {  	[sflag:s4] =	ssyncset.done $0x0  }
0x8b: {  	s8 =	sadd.s32 $0xE80, s25;
	[sflag:s4] =	ssyncadd.s32 $0xFFFFE000  }
0x8c: {  	[spmem:s2] =	stream.indirect.scatter.add.f32 [tilespmem:s30], [sflag:$0x6], $0x80, s8, s24, $0xb8;
	[tilespmem:$0x1D880] =	vst v63  }
0x8d: {  	_ =	swait.ge [sflag:s23], $0x2000  }
0x8e: {  	[sflag:s23] =	ssyncset.done $0x0  }
0x8f: {  	s9 =	sor.u32 $0x380, s25;
	[sflag:s23] =	ssyncadd.s32 $0xFFFFE000  }
0x90: {  	[tilespmem:s28], [sflag:$0x4] =	stream.indirect.gather [hbm4b:s5+s24], $0x80, s9, s24, $0xb8;
	[tilespmem:$0x1D880] =	vst v63  }
0x91: {  	_ =	swait.ge [sflag:s29], $0x2000  }
0x92: {  	[sflag:s29] =	ssyncset.done $0x0  }
0x93: {  	s19 =	sadd.s32 $0xF00, s25;
	[sflag:s29] =	ssyncadd.s32 $0xFFFFE000  }
0x94: {  	[spmem:s2] =	stream.indirect.scatter.add.f32 [tilespmem:s26], [sflag:$0x7], $0x80, s19, s24, $0xb8;
	[tilespmem:$0x1D880] =	vst v63  }
0x95: {  	_ =	swait.ge [sflag:s12], $0x2000  }
0x96: {  	[sflag:s12] =	ssyncset.done $0x0  }
0x97: {  	[sflag:s12] =	ssyncadd.s32 $0xFFFFE000  }
0x98: {  	_ =	swait.ge [sflag:s21], $0x400  }
0x99: {  	[sflag:s21] =	ssyncset.done $0x0  }
0x9a: {  	[sflag:s21] =	ssyncadd.s32 $0xFFFFFC00  }
0x9b: {  	_ =	swait.ge [sflag:s15], $0x400  }
0x9c: {  	[sflag:s15] =	ssyncset.done $0x0  }
0x9d: {  	[sflag:s15] =	ssyncadd.s32 $0xFFFFFC00  }
0x9e: {  	[tilespmem:s20], [sflag:$0x1] =	stream.indirect.gather [hbm4b:s5+s24], $0x80, s17, s24, $0xb8;
	[tilespmem:$0x1D880] =	vst v63  }
0x9f: {  	s18 =	simm.s32 $0x2;
	_ =	swait.ge [sflag:s13], $0x2000  }
.LBB2_4:
0xa0: {  	s7 =	smul.u32 $0xAB, s18  }
0xa1: {  	[sflag:s13] =	ssyncset.done $0x0;
	s8 =	smov.u32 s18;
	s19 =	sadd.s32 $0x1, s18  }
0xa2: {  	p0 =	sne.s32 s18, $0x14;
	s25 =	sadd.s32 $0xF80, s25;
	[sflag:s13] =	ssyncadd.s32 $0xFFFFE000  }
0xa3: {  	[spmem:s2] =	stream.indirect.scatter.add.f32 [tilespmem:s28], [sflag:$0x8], $0x80, s25, s24, $0xb8;
	[tilespmem:$0x1D880] =	vst v63  }
0xa4: {  	s17 =	sor.u32 $0x80, s17;
	s9 =	sadd.s32 $0xFFFFFF55, s7;
	s7 =	sshrl.u32 s7, $0x9  }
0xa5: {  	_ =	swait.ge [sflag:s14], $0x2000;
	s7 =	sand.u32 $0x7F, s7;
	s18 =	sshrl.u32 s9, $0x9  }
0xa6: {  	s9 =	smin.u32 s8, $0x13;
	[sflag:s14] =	ssyncset.done $0x0;
	s7 =	smul.u32 $0x3, s7  }
0xa7: {  	s25 =	rddreg [dreg:$0x4];
	s18 =	sand.u32 $0x7F, s18;
	[sflag:s14] =	ssyncadd.s32 $0xFFFFE000  }
0xa8: {  	s9 =	sadd.s32 s25, s9;
	s18 =	smul.u32 $0x3, s18;
	s7 =	ssub.s32 s8, s7  }
0xa9: {  	[tilespmem:s30], [sflag:$0x2] =	stream.indirect.gather [hbm4b:s5+s24], $0x80, s17, s24, $0xb8;
	[tilespmem:$0x1D880] =	vst v63  }
0xaa: {  	s9 =	sshll.u32 s9, $0x7;
	s7 =	sand.u32 $0xFF, s7  }
0xab: {  	s18 =	sxor.u32 $0xFFFFFFFF, s18;
	s25 =	sadd.s32 s1, s9;
	s17 =	sshll.u32 s7, $0xA  }
0xac: {  	[tilespmem:s17], [sflag:$0x9] =	stream.linear.gather [hbm4b:s25+s3], $0x400, $0x38;
	[tilespmem:$0x1D880] =	vst v63  }
0xad: {  	s9 =	sadd.s32 s6, s9;
	s18 =	sadd.s32 s8, s18;
	s25 =	sadd.s32 $0xC00, s17  }
0xae: {  	[tilespmem:s25], [sflag:$0xA] =	stream.linear.gather [hbm4b:s9+s3], $0x400, $0x38;
	[tilespmem:$0x1D880] =	vst v63  }
0xaf: {  	s7 =	sand.u32 $0xFF, s18;
	_ =	swait.ge [sflag:s31], $0x2000  }
0xb0: {  	s25 =	sshll.u32 s7, $0xA;
	[sflag:s31] =	ssyncset.done $0x0  }
0xb1: {  	s7 =	sadd.s32 $0xC00, s25;
	[sflag:s31] =	ssyncadd.s32 $0xFFFFE000  }
0xb2: {  	[spmem:s2] =	stream.indirect.scatter.add.f32 [tilespmem:s20], [sflag:$0x5], $0x80, s7, s24, $0xb8;
	[tilespmem:$0x1D880] =	vst v63  }
0xb3: {  	_ =	swait.ge [sflag:s0], $0x2000  }
0xb4: {  	[sflag:s0] =	ssyncset.done $0x0  }
0xb5: {  	s8 =	sor.u32 $0x100, s25;
	[sflag:s0] =	ssyncadd.s32 $0xFFFFE000  }
0xb6: {  	[tilespmem:s26], [sflag:$0x3] =	stream.indirect.gather [hbm4b:s5+s24], $0x80, s8, s24, $0xb8;
	[tilespmem:$0x1D880] =	vst v63  }
0xb7: {  	_ =	swait.ge [sflag:s4], $0x2000  }
0xb8: {  	[sflag:s4] =	ssyncset.done $0x0  }
0xb9: {  	s9 =	sadd.s32 $0xC80, s25;
	[sflag:s4] =	ssyncadd.s32 $0xFFFFE000  }
0xba: {  	[spmem:s2] =	stream.indirect.scatter.add.f32 [tilespmem:s30], [sflag:$0x6], $0x80, s9, s24, $0xb8;
	[tilespmem:$0x1D880] =	vst v63  }
0xbb: {  	_ =	swait.ge [sflag:s23], $0x2000  }
0xbc: {  	[sflag:s23] =	ssyncset.done $0x0  }
0xbd: {  	s18 =	sor.u32 $0x180, s25;
	[sflag:s23] =	ssyncadd.s32 $0xFFFFE000  }
0xbe: {  	[tilespmem:s28], [sflag:$0x4] =	stream.indirect.gather [hbm4b:s5+s24], $0x80, s18, s24, $0xb8;
	[tilespmem:$0x1D880] =	vst v63  }
0xbf: {  	_ =	swait.ge [sflag:s29], $0x2000  }
0xc0: {  	[sflag:s29] =	ssyncset.done $0x0  }
0xc1: {  	s8 =	sadd.s32 $0xD00, s25;
	[sflag:s29] =	ssyncadd.s32 $0xFFFFE000  }
0xc2: {  	[spmem:s2] =	stream.indirect.scatter.add.f32 [tilespmem:s26], [sflag:$0x7], $0x80, s8, s24, $0xb8;
	[tilespmem:$0x1D880] =	vst v63  }
0xc3: {  	_ =	swait.ge [sflag:s12], $0x2000  }
0xc4: {  	[sflag:s12] =	ssyncset.done $0x0  }
0xc5: {  	s9 =	sor.u32 $0x200, s25;
	[sflag:s12] =	ssyncadd.s32 $0xFFFFE000  }
0xc6: {  	[tilespmem:s20], [sflag:$0x1] =	stream.indirect.gather [hbm4b:s5+s24], $0x80, s9, s24, $0xb8;
	[tilespmem:$0x1D880] =	vst v63  }
0xc7: {  	_ =	swait.ge [sflag:s13], $0x2000  }
0xc8: {  	[sflag:s13] =	ssyncset.done $0x0  }
0xc9: {  	s18 =	sadd.s32 $0xD80, s25;
	[sflag:s13] =	ssyncadd.s32 $0xFFFFE000  }
0xca: {  	[spmem:s2] =	stream.indirect.scatter.add.f32 [tilespmem:s28], [sflag:$0x8], $0x80, s18, s24, $0xb8;
	[tilespmem:$0x1D880] =	vst v63  }
0xcb: {  	_ =	swait.ge [sflag:s14], $0x2000  }
0xcc: {  	[sflag:s14] =	ssyncset.done $0x0  }
0xcd: {  	s8 =	sor.u32 $0x280, s25;
	[sflag:s14] =	ssyncadd.s32 $0xFFFFE000  }
0xce: {  	[tilespmem:s30], [sflag:$0x2] =	stream.indirect.gather [hbm4b:s5+s24], $0x80, s8, s24, $0xb8;
	[tilespmem:$0x1D880] =	vst v63  }
0xcf: {  	_ =	swait.ge [sflag:s31], $0x2000  }
0xd0: {  	[sflag:s31] =	ssyncset.done $0x0  }
0xd1: {  	s9 =	sadd.s32 $0xE00, s25;
	[sflag:s31] =	ssyncadd.s32 $0xFFFFE000  }
0xd2: {  	[spmem:s2] =	stream.indirect.scatter.add.f32 [tilespmem:s20], [sflag:$0x5], $0x80, s9, s24, $0xb8;
	[tilespmem:$0x1D880] =	vst v63  }
0xd3: {  	_ =	swait.ge [sflag:s0], $0x2000  }
0xd4: {  	[sflag:s0] =	ssyncset.done $0x0  }
0xd5: {  	s18 =	sor.u32 $0x300, s25;
	[sflag:s0] =	ssyncadd.s32 $0xFFFFE000  }
0xd6: {  	[tilespmem:s26], [sflag:$0x3] =	stream.indirect.gather [hbm4b:s5+s24], $0x80, s18, s24, $0xb8;
	[tilespmem:$0x1D880] =	vst v63  }
0xd7: {  	_ =	swait.ge [sflag:s4], $0x2000  }
0xd8: {  	[sflag:s4] =	ssyncset.done $0x0  }
0xd9: {  	s8 =	sadd.s32 $0xE80, s25;
	[sflag:s4] =	ssyncadd.s32 $0xFFFFE000  }
0xda: {  	[spmem:s2] =	stream.indirect.scatter.add.f32 [tilespmem:s30], [sflag:$0x6], $0x80, s8, s24, $0xb8;
	[tilespmem:$0x1D880] =	vst v63  }
0xdb: {  	_ =	swait.ge [sflag:s23], $0x2000  }
0xdc: {  	[sflag:s23] =	ssyncset.done $0x0  }
0xdd: {  	s9 =	sor.u32 $0x380, s25;
	[sflag:s23] =	ssyncadd.s32 $0xFFFFE000  }
0xde: {  	[tilespmem:s28], [sflag:$0x4] =	stream.indirect.gather [hbm4b:s5+s24], $0x80, s9, s24, $0xb8;
	[tilespmem:$0x1D880] =	vst v63  }
0xdf: {  	_ =	swait.ge [sflag:s29], $0x2000  }
0xe0: {  	[sflag:s29] =	ssyncset.done $0x0  }
0xe1: {  	s18 =	sadd.s32 $0xF00, s25;
	[sflag:s29] =	ssyncadd.s32 $0xFFFFE000  }
0xe2: {  	[spmem:s2] =	stream.indirect.scatter.add.f32 [tilespmem:s26], [sflag:$0x7], $0x80, s18, s24, $0xb8;
	[tilespmem:$0x1D880] =	vst v63  }
0xe3: {  	_ =	swait.ge [sflag:s12], $0x2000  }
0xe4: {  	[sflag:s12] =	ssyncset.done $0x0  }
0xe5: {  	[sflag:s12] =	ssyncadd.s32 $0xFFFFE000  }
0xe6: {  	_ =	swait.ge [sflag:s21], $0x400  }
0xe7: {  	[sflag:s21] =	ssyncset.done $0x0  }
0xe8: {  	[sflag:s21] =	ssyncadd.s32 $0xFFFFFC00  }
.Ltmp1:
0xe9: {  	_ =	swait.ge [sflag:s15], $0x400;
	(pc) =	sbr.rel @p0 .LBB2_4-.Ltmp1, $4  }
0xea: {  	[sflag:s15] =	ssyncset.done $0x0  }
0xeb: {  	[sflag:s15] =	ssyncadd.s32 $0xFFFFFC00  }
0xec: {  	[tilespmem:s20], [sflag:$0x1] =	stream.indirect.gather [hbm4b:s5+s24], $0x80, s17, s24, $0xb8;
	[tilespmem:$0x1D880] =	vst v63  }
0xed: {  	s18 =	smov.u32 s19;
	_ =	swait.ge [sflag:s13], $0x2000  }
0xee: {  	[sflag:s13] =	ssyncset.done $0x0  }
0xef: {  	s7 =	sadd.s32 $0xF80, s25;
	[sflag:s13] =	ssyncadd.s32 $0xFFFFE000  }
0xf0: {  	[spmem:s2] =	stream.indirect.scatter.add.f32 [tilespmem:s28], [sflag:$0x8], $0x80, s7, s24, $0xb8;
	[tilespmem:$0x1D880] =	vst v63  }
0xf1: {  	_ =	swait.ge [sflag:s14], $0x2000  }
0xf2: {  	[sflag:s14] =	ssyncset.done $0x0  }
0xf3: {  	s19 =	sor.u32 $0x80, s17;
	[sflag:s14] =	ssyncadd.s32 $0xFFFFE000  }
0xf4: {  	[tilespmem:s30], [sflag:$0x2] =	stream.indirect.gather [hbm4b:s5+s24], $0x80, s19, s24, $0xb8;
	[tilespmem:$0x1D880] =	vst v63  }
0xf5: {  	_ =	swait.ge [sflag:s31], $0x2000  }
0xf6: {  	[sflag:s31] =	ssyncset.done $0x0  }
0xf7: {  	[sflag:s31] =	ssyncadd.s32 $0xFFFFE000  }
0xf8: {  	_ =	swait.ge [sflag:s4], $0x2000  }
0xf9: {  	[sflag:s4] =	ssyncset.done $0x0  }
0xfa: {  	[sflag:s4] =	ssyncadd.s32 $0xFFFFE000  }
0xfb: {  	_ =	swait.ge [sflag:s0], $0x2000  }
0xfc: {  	[sflag:s0] =	ssyncset.done $0x0  }
0xfd: {  	[sflag:s0] =	ssyncadd.s32 $0xFFFFE000  }
0xfe: {  	_ =	swait.ge [sflag:s23], $0x2000  }
0xff: {  	[sflag:s23] =	ssyncset.done $0x0  }
0x100: {  	[sflag:s23] =	ssyncadd.s32 $0xFFFFE000  }
0x101: {  	[bflag:$0x0] =	sbarrier.arrive $0xFFFF  }
0x102: {  	[tilespmem:s20], [sflag:$0xB] =	stream.linear.gather [spmem:s10], $0x4000, $0x38;
	[tilespmem:$0x1D880] =	vst v63  }
0x103: {  	_ =	swait.ge [sflag:s22], $0x4000  }
0x104: {  	[sflag:s22] =	ssyncset.done $0x0  }
0x105: {  	s8 =	rddreg [dreg:$0xa];
	[sflag:s22] =	ssyncadd.s32 $0xFFFFC000  }
0x106: {  	[hbm4b:s8+s3] =	stream.linear.scatter [tilespmem:s20], [sflag:$0xA], $0x4000, $0x38;
	[tilespmem:$0x1D880] =	vst v63  }
0x107: {  	_ = 	snop  }
0x108: {  	[tilespmem:s26], [sflag:$0xB] =	stream.linear.gather [spmem:s11], $0x4000, $0x38;
	[tilespmem:$0x1D880] =	vst v63  }
0x109: {  	_ =	swait.ge [sflag:s22], $0x4000  }
0x10a: {  	[sflag:s22] =	ssyncset.done $0x0  }
0x10b: {  	s9 =	rddreg [dreg:$0xb];
	[sflag:s22] =	ssyncadd.s32 $0xFFFFC000  }
0x10c: {  	[hbm4b:s9+s3] =	stream.linear.scatter [tilespmem:s26], [sflag:$0xA], $0x4000, $0x38;
	[tilespmem:$0x1D880] =	vst v63  }
0x10d: {  	_ =	swait.ge [sflag:s15], $0x4000  }
0x10e: {  	[sflag:s15] =	ssyncset.done $0x0  }
0x10f: {  	s9 =	rddreg [dreg:$0x5];
	[sflag:s15] =	ssyncadd.s32 $0xFFFFC000  }
0x110: {  	[tilespmem:s20], [sflag:$0xB] =	stream.linear.gather [spmem:s9], $0x4000, $0x38;
	[tilespmem:$0x1D880] =	vst v63  }
0x111: {  	_ =	swait.ge [sflag:s22], $0x4000  }
0x112: {  	[sflag:s22] =	ssyncset.done $0x0  }
0x113: {  	s25 =	rddreg [dreg:$0xc];
	[sflag:s22] =	ssyncadd.s32 $0xFFFFC000  }
0x114: {  	[hbm4b:s25+s3] =	stream.linear.scatter [tilespmem:s20], [sflag:$0xA], $0x4000, $0x38;
	[tilespmem:$0x1D880] =	vst v63  }
0x115: {  	_ =	swait.ge [sflag:s15], $0x4000  }
0x116: {  	[sflag:s15] =	ssyncset.done $0x0  }
0x117: {  	s25 =	rddreg [dreg:$0x6];
	[sflag:s15] =	ssyncadd.s32 $0xFFFFC000  }
0x118: {  	[tilespmem:s26], [sflag:$0xB] =	stream.linear.gather [spmem:s25], $0x4000, $0x38;
	[tilespmem:$0x1D880] =	vst v63  }
0x119: {  	_ =	swait.ge [sflag:s22], $0x4000  }
0x11a: {  	[sflag:s22] =	ssyncset.done $0x0  }
0x11b: {  	s8 =	smov.u32 s11;
	s11 =	rddreg [dreg:$0xd];
	[sflag:s22] =	ssyncadd.s32 $0xFFFFC000  }
0x11c: {  	[hbm4b:s11+s3] =	stream.linear.scatter [tilespmem:s26], [sflag:$0xA], $0x4000, $0x38;
	[tilespmem:$0x1D880] =	vst v63  }
0x11d: {  	_ =	swait.ge [sflag:s15], $0x4000  }
0x11e: {  	[sflag:s15] =	ssyncset.done $0x0  }
0x11f: {  	s17 =	rddreg [dreg:$0x7];
	[sflag:s15] =	ssyncadd.s32 $0xFFFFC000  }
0x120: {  	[tilespmem:s20], [sflag:$0xB] =	stream.linear.gather [spmem:s17], $0x4000, $0x38;
	[tilespmem:$0x1D880] =	vst v63  }
0x121: {  	_ =	swait.ge [sflag:s22], $0x4000  }
0x122: {  	[sflag:s22] =	ssyncset.done $0x0  }
0x123: {  	s18 =	rddreg [dreg:$0xe];
	[sflag:s22] =	ssyncadd.s32 $0xFFFFC000  }
0x124: {  	[hbm4b:s18+s3] =	stream.linear.scatter [tilespmem:s20], [sflag:$0xA], $0x4000, $0x38;
	[tilespmem:$0x1D880] =	vst v63  }
0x125: {  	_ =	swait.ge [sflag:s15], $0x4000  }
0x126: {  	[sflag:s15] =	ssyncset.done $0x0  }
0x127: {  	[sflag:s15] =	ssyncadd.s32 $0xFFFFC000  }
0x128: {  	_ =	swait.ge [sflag:s15], $0x4000  }
0x129: {  	s16 =	sadd.s32 $0x1, s16;
	s19 =	rddreg [dreg:$0xf]  }
0x12a: {  	p0 =	sne.s32 s16, s19  }
.Ltmp2:
0x12b: {  	_ = 	snop;
	(pc) =	sbr.rel @p0 .LBB2_1-.Ltmp2, $3  }
0x12c: {  	_ =	sdelay $0x1  }
0x12d: {  	[sflag:s15] =	ssyncset.done $0x0  }
0x12e: {  	s7 =	smov.u32 s10;
	[sflag:s15] =	ssyncadd.s32 $0xFFFFC000  }
0x12f: {  	_ =	sfence.sel $0x180000  }
0x130: {  	[bflag:$0x0] =	sbarrier.arrive $0xFFFF  }
0x131: {  	_ =	strace $0x9000004A  }
0x132: {  	s0 =	stileid.u32;
	[bflag:$0x2] =	sbarrier.arrive $0xFFFF  }
0x133: {  	p0 =	sne.s32 s0, $0x0;
	s0 =	rddreg [dreg:$0x3]  }
0x134: {  	s0 =	sadd.s32 @!p0 $0x100000, s0  }
0x135: {  	[sflag:s0] =	ssyncadd.tile.s32 @!p0 $0x1;
	_ =	shalt  }
.Lfunc_end2:
_tile_overlayer_lowered:
.L_overlay_start_2:
0x136: {  	(tag) =	ssettag $0x2  }
0x137: {  	s0 =	rddreg [dreg:$0x0];
	s2 =	stileid.u32  }
0x138: {  	s1 =	rddreg [dreg:$0x1];
	p0 =	sne.s32 s2, $0x0  }
0x139: {  	s3 =	rddreg [dreg:$0x2];
	[bflag:$0x3] =	sbarrier.arrive $0xFFFF;
	s2 =	simm.s32 @!p0 $0x1C0B  }
0x13a: {  	[timem:s3], [sflag:s2] =	dma.local @!p0 [hbm:s0], s1  }
0x13b: {  	s0 =	simm.s32 @!p0 $0xB  }
0x13c: {  	_ =	swait.ge @!p0 [sflag:s0], s1  }
0x13d: {  	s1 =	ssub.s32 @!p0 $0x0, s1;
	[sflag:s0] =	ssyncset.done @!p0 $0x0  }
0x13e: {  	[sflag:s0] =	ssyncadd.s32 @!p0 s1  }
0x13f: {  	[bflag:$0x3] =	sbarrier.arrive $0xFFFF  }
0x140: {  	_ =	shalt  }

// kernel: kernel.15.cloned.1.call-start
scs
__scs_entry_jumppad:
0x0: {  	(pc) =	sbr.rel $0x88, $3  }
0x1: {  	(tag) =	ssettag $0x0;
	lr =	simm.s32 $0x1  }
0x2: {  	[smem:$0x3F93] =	sst lr;
	_ =	strace $0xD0000000  }
0x3: {  	_ = 	snop  }
0x4: {  	_ = 	snop  }
0x5: {  	_ = 	snop  }
0x6: {  	_ = 	snop  }
0x7: {  	_ = 	snop  }
__scs_overlays_trampoline_lowered:
0x8: {  	[smem:$0x3FA2] =	sst s0  }
0x9: {  	[smem:$0x3FA3] =	sst s1  }
0xa: {  	[smem:$0x3FA4] =	sst s2  }
0xb: {  	[smem:$0x3FA5] =	sst s3  }
0xc: {  	[smem:$0x3FA6] =	sst s4  }
0xd: {  	[smem:$0x3FA7] =	sst s5  }
0xe: {  	[smem:$0x3FA8] =	sst s6  }
0xf: {  	[smem:$0x3FA9] =	sst s7  }
0x10: {  	[smem:$0x3FAA] =	sst s8  }
0x11: {  	[smem:$0x3FAB] =	sst s9;
	s0 =	simm.s32 @!p0 $0x0  }
0x12: {  	s1 =	sld [smem:$0x3F91];
	s0 =	simm.s32 @p0 $0x1  }
0x13: {  	[smem:$0x3FAC] =	sst s0;
	s0 =	simm.s32 @!p1 $0x0  }
0x14: {  	s2 =	sld [smem:$0x3F90];
	s0 =	simm.s32 @p1 $0x1  }
0x15: {  	[smem:$0x3FAD] =	sst s0;
	s0 =	simm.s32 @!p2 $0x0  }
0x16: {  	s3 =	sld [smem:$0x3FDB];
	s0 =	simm.s32 @p2 $0x1  }
0x17: {  	s4 =	simm.s32 $0x1BF5;
	[smem:$0x3FAF] =	sst s0  }
0x18: {  	s0 =	sld [smem:$0x3F92];
	_ =	swait.ge [sflag:s4], $0x0  }
0x19: {  	s7 =	sld [smem:$0x3F93]  }
0x1a: {  	s8 =	sadd.s32 $0xFFFFE003, lr  }
0x1b: {  	s9 =	sadd.s32 $0xFFFFFEF7, lr;
	s5 =	simm.s32 $0xFFFFFFFF;
	p2 =	slt.u32 s8, $0xFFFFF086  }
0x1c: {  	p1 =	slt.u32 s9, $0xF7A;
	s5 =	simm.s32 @!p2 $0x0  }
0x1d: {  	s5 =	simm.s32 @p1 $0x1;
	p0 =	seq.s32 s7, s2  }
0x1e: {  	s7 =	smul.u32 @!p0 $0xF7A, s2;
	p2 =	seq.s32 @!p0 s5, $0x0  }
0x1f: {  	s9 =	smul.u32 $0xF7A, s1;
	s8 =	simm.s32 @!p0 $0x1BF5;
	p2 =	por !p2, p0  }
0x20: {  	[sflag:s8] =	ssyncset.s32 @!p0 $0xFFFFF086;
	s6 =	sadd.s32 @!p0 s3, s7;
	s7 =	simm.s32 @!p0 $0x108  }
0x21: {  	s3 =	sadd.s32 s3, s9;
	s6 =	sadd.s32 @!p0 $0x88, s6;
	s7 =	simm.s32 @p2 $0x1082  }
0x22: {  	[simem:s7], [sflag:s8] =	dma.local @!p0 [hbm:s6], $0xF7A  }
0x23: {  	s9 =	sor.u32 $0xD0000000, s2;
	s6 =	simm.s32 $0x108;
	_ =	swait.ge @!p0 [sflag:s8], $0x0  }
0x24: {  	s3 =	sadd.s32 $0x88, s3;
	s6 =	simm.s32 @!p1 $0x1082;
	[sflag:s4] =	ssyncset.s32 $0xFFFFF086  }
0x25: {  	[simem:s6], [sflag:s4] =	dma.local [hbm:s3], $0xF7A  }
0x26: {  	[smem:$0x3F93] =	sst s1;
	(tag) =	ssettag s2;
	_ =	strace s9  }
0x27: {  	s1 =	sld [smem:$0x3FA3]  }
0x28: {  	s2 =	sld [smem:$0x3FA4]  }
0x29: {  	s4 =	sld [smem:$0x3FA6]  }
0x2a: {  	p0 =	seq.s32 s5, $0x0;
	s5 =	sld [smem:$0x3FA7]  }
0x2b: {  	s6 =	sld [smem:$0x3FA8]  }
0x2c: {  	s7 =	sld [smem:$0x3FA9]  }
0x2d: {  	s3 =	simm.s32 $0x108;
	s8 =	sld [smem:$0x3FAA]  }
0x2e: {  	s3 =	simm.s32 @!p0 $0x1082;
	s9 =	sld [smem:$0x3FAB]  }
0x2f: {  	lr =	sadd.s32 s0, s3;
	s0 =	sld [smem:$0x3FA2]  }
0x30: {  	s3 =	sld [smem:$0x3FA5]  }
0x31: {  	[smem:$0x3FAE] =	sst s10  }
0x32: {  	s10 =	sld [smem:$0x3FAC];
	_ =	sdelay $0x3  }
0x33: {  	p0 =	seq.s32 s10, $0x1;
	s10 =	sld [smem:$0x3FAE];
	_ =	sdelay $0x3  }
0x34: {  	[smem:$0x3FAE] =	sst s10  }
0x35: {  	s10 =	sld [smem:$0x3FAD];
	_ =	sdelay $0x3  }
0x36: {  	p1 =	seq.s32 s10, $0x1;
	s10 =	sld [smem:$0x3FAE];
	_ =	sdelay $0x3  }
0x37: {  	[smem:$0x3FAE] =	sst s10  }
0x38: {  	s10 =	sld [smem:$0x3FAF]  }
0x39: {  	_ = 	snop;
	(pc) =	sbr.ind lr, $3  }
0x3a: {  	_ = 	snop  }
0x3b: {  	_ = 	snop  }
0x3c: {  	p2 =	seq.s32 s10, $0x1;
	s10 =	sld [smem:$0x3FAE]  }
0x3d: {  	_ =	shalt  }
0x3e: {  	_ =	shalt  }
0x3f: {  	_ =	shalt  }
0x40: {  	_ =	shalt  }
0x41: {  	_ =	shalt  }
0x42: {  	_ =	shalt  }
0x43: {  	_ =	shalt  }
0x44: {  	_ =	shalt  }
0x45: {  	_ =	shalt  }
0x46: {  	_ =	shalt  }
0x47: {  	_ =	shalt  }
0x48: {  	_ =	shalt  }
0x49: {  	_ =	shalt  }
0x4a: {  	_ =	shalt  }
0x4b: {  	_ =	shalt  }
0x4c: {  	_ =	shalt  }
0x4d: {  	_ =	shalt  }
0x4e: {  	_ =	shalt  }
0x4f: {  	_ =	shalt  }
0x50: {  	_ =	shalt  }
0x51: {  	_ =	shalt  }
0x52: {  	_ =	shalt  }
0x53: {  	_ =	shalt  }
0x54: {  	_ =	shalt  }
0x55: {  	_ =	shalt  }
0x56: {  	_ =	shalt  }
0x57: {  	_ =	shalt  }
0x58: {  	_ =	shalt  }
0x59: {  	_ =	shalt  }
0x5a: {  	_ =	shalt  }
0x5b: {  	_ =	shalt  }
0x5c: {  	_ =	shalt  }
0x5d: {  	_ =	shalt  }
0x5e: {  	_ =	shalt  }
0x5f: {  	_ =	shalt  }
0x60: {  	_ =	shalt  }
0x61: {  	_ =	shalt  }
0x62: {  	_ =	shalt  }
0x63: {  	_ =	shalt  }
0x64: {  	_ =	shalt  }
0x65: {  	_ =	shalt  }
0x66: {  	_ =	shalt  }
0x67: {  	_ =	shalt  }
0x68: {  	_ =	shalt  }
0x69: {  	_ =	shalt  }
0x6a: {  	_ =	shalt  }
0x6b: {  	_ =	shalt  }
0x6c: {  	_ =	shalt  }
0x6d: {  	_ =	shalt  }
0x6e: {  	_ =	shalt  }
0x6f: {  	_ =	shalt  }
0x70: {  	_ =	shalt  }
0x71: {  	_ =	shalt  }
0x72: {  	_ =	shalt  }
0x73: {  	_ =	shalt  }
0x74: {  	_ =	shalt  }
0x75: {  	_ =	shalt  }
0x76: {  	_ =	shalt  }
0x77: {  	_ =	shalt  }
0x78: {  	_ =	shalt  }
0x79: {  	_ =	shalt  }
0x7a: {  	_ =	shalt  }
0x7b: {  	_ =	shalt  }
0x7c: {  	_ =	shalt  }
0x7d: {  	_ =	shalt  }
0x7e: {  	_ =	shalt  }
0x7f: {  	_ =	shalt  }
0x80: {  	_ =	shalt  }
0x81: {  	_ =	shalt  }
0x82: {  	_ =	shalt  }
0x83: {  	_ =	shalt  }
0x84: {  	_ =	shalt  }
0x85: {  	_ =	shalt  }
0x86: {  	_ =	shalt  }
0x87: {  	_ =	shalt  }
.Lfunc_end0:
.L_simem_size_0:
called_computation.2_lowered:
.L_overlay_start_0:
0x88: {  	s2 =	sld [smem:$0x3FD9]  }
0x89: {  	s3 =	sld [smem:$0x3FFE];
	_ =	sdelay $0x1  }
0x8a: {  	s1 =	srdreg.scid  }
0x8b: {  	s0 =	sand.u32 $0x1, s1  }
0x8c: {  	s17 =	sshll.u32 s0, $0xA;
	s2 =	sadd.s32 s3, s2  }
0x8d: {  	s2 =	sadd.s32 s2, s17  }
0x8e: {  	[smem:$0x3FBA] =	sst s2  }
0x8f: {  	_ = 	snop  }
0x90: {  	s2 =	sld [smem:$0x3FD0];
	(tm) =	ssettm $0x1  }
0x91: {  	s18 =	sld [smem:$0x3FFB];
	_ =	sdelay $0x3  }
0x92: {  	_ =	strace s18  }
0x93: {  	s3 =	sld [smem:$0x3FFC];
	_ =	sdelay $0x3  }
0x94: {  	_ =	strace s3  }
0x95: {  	s3 =	sld [smem:$0x3FFD];
	_ =	sdelay $0x3  }
0x96: {  	_ =	strace s3  }
0x97: {  	_ =	strace $0x8FFFFFFF  }
0x98: {  	s19 =	sld [smem:$0x3FDB];
	_ =	sdelay $0x1  }
0x99: {  	s4 =	simm.s32 $_scs_section_size  }
0x9a: {  	s5 =	simm.s32 $_size__tile_overlayer_lowered;
	s6 =	simm.s32 $_tile_overlayer_lowered  }
0x9b: {  	s22 =	simm.s32 $0x1BFF;
	s21 =	sshll.u32 s6, $0x1;
	s3 =	sadd.s32 s4, s19  }
0x9c: {  	s7 =	simm.s32 $0x0;
	s20 =	sshll.u32 s5, $0x1;
	s5 =	sadd.s32 s21, s3  }
0x9d: {  	[timem:s7], [sflag:s22] =	dma.local [hbm:s5], s20  }
0x9e: {  	_ =	swait.ge [sflag:s22], s20  }
0x9f: {  	s4 =	ssub.s32 $0x0, s20;
	[sflag:s22] =	ssyncset.done $0x0  }
0xa0: {  	[sflag:s22] =	ssyncadd.s32 s4;
	_ =	sdelay $0x1  }
0xa1: {  	s23 =	simm.s32 $0x1B8B  }
0xa2: {  	_ =	swait.ge [sflag:s23], $0x1  }
0xa3: {  	[sflag:s23] =	ssyncset.done $0x0  }
0xa4: {  	s25 =	simm.s32 $0x1B8E;
	s24 =	sld [smem:$0x3FFE];
	[sflag:s23] =	ssyncadd.s32 $0xFFFFFFFF  }
0xa5: {  	s26 =	simm.s32 $execute0_lowered;
	[smem:$0x3FD2] =	sst s25  }
0xa6: {  	s5 =	sshll.u32 s26, $0x1;
	_ =	strace $0x8000004C;
	[dreg:$0x1] =	wrdreg $0xFFFFFFFF  }
0xa7: {  	s28 =	simm.s32 $_size_execute0_lowered;
	s3 =	sadd.s32 s3, s5;
	[dreg:$0x0] =	wrdreg $0x0  }
0xa8: {  	s5 =	sshll.u32 s28, $0x1;
	[dreg:$0x2] =	wrdreg s3  }
0xa9: {  	[dreg:$0x3] =	wrdreg s5  }
0xaa: {  	[dreg:$0x4] =	wrdreg $0xC0  }
0xab: {  	_ =	task [dreg:s7], $0x5FFFF  }
0xac: {  	[dreg:$0x1] =	wrdreg $0xFFFFFFFF  }
0xad: {  	[dreg:$0x0] =	wrdreg $0x60  }
0xae: {  	[dreg:$0x2] =	wrdreg s24  }
0xaf: {  	[dreg:$0x3] =	wrdreg s2  }
0xb0: {  	[dreg:$0x4] =	wrdreg $0x98800  }
0xb1: {  	[dreg:$0x5] =	wrdreg $0x9  }
0xb2: {  	_ =	task.clear_ibuf [dreg:s7], $0x6FFFF;
	_ =	strace $0x9000004C  }
0xb3: {  	s29 =	simm.s32 $0x9;
	_ =	strace $0x8000004E  }
0xb4: {  	_ =	swait.ge [sflag:s29], $0x1  }
0xb5: {  	[sflag:s29] =	ssyncadd.s32 $0xFFFFFFFF  }
0xb6: {  	_ =	strace $0x9000004E  }
0xb7: {  	_ =	sfence  }
0xb8: {  	s30 =	sld [smem:$0x0];
	_ =	sdelay $0x2  }
0xb9: {  	s31 =	sshll.u32 s1, $0xD;
	s1 =	sshrl.u32 s1, $0x2  }
0xba: {  	s3 =	sand.u32 $0x4000, s31;
	s1 =	sadd.s32 s1, s30  }
0xbb: {  	s0 =	sor.u32 s3, s0;
	s1 =	sshll.u32 s1, $0x11  }
0xbc: {  	s0 =	sor.u32 s1, s0  }
0xbd: {  	s0 =	sadd.s32 $0x8F2B, s0  }
0xbe: {  	[sflag:s0] =	ssyncadd.remote.s32 $0x1  }
0xbf: {  	_ =	sfence.sel $0xFFFF  }
0xc0: {  	[dreg:$0x0] =	wrdreg $0xFFFFFFFF;
	(pc) =	sbr.abs _section_cstart, $3  }
0xc1: {  	[dreg:$0x1] =	wrdreg $0xFFFFFFFF  }
0xc2: {  	_ =	task.clear_ibuf [dreg:s7], $0x2FFFF;
	_ =	strace $0x9FFFFFFF  }
0xc3: {  	(tm) =	ssettm $0x7FFFFFFF  }
tec
execute0_lowered:
.L_overlay_start_1:
0x0: {  	(tag) =	ssettag $0x1  }
0x1: {  	s0 =	rddreg [dreg:$0x0]  }
0x2: {  	s1 =	rddreg [dreg:$0x1]  }
0x3: {  	s2 =	rddreg [dreg:$0x2];
	s3 =	simm.s32 $0x0  }
0x4: {  	s4 =	srdreg.scid;
	s11 =	stileid.u32;
	s28 =	simm.s32 $0x7800  }
0x5: {  	s30 =	simm.s32 $0x3800;
	s31 =	simm.s32 $0x1;
	s29 =	simm.s32 $0x3  }
0x6: {  	[smem:$0x7FF] =	sst s3;
	s5 =	sadd.s32 $0x17E00, s0;
	s6 =	sadd.s32 $0x3E00, s0  }
0x7: {  	s4 =	sand.u32 $0x1, s4;
	s0 =	sadd.s32 $0x3FE00, s0;
	s8 =	smul.u32 $0x50000, s11  }
0x8: {  	s12 =	smul.u32 $0x14000, s11;
	_ =	strace $0x8000004D;
	s7 =	ssub.s32 $0x2, s4  }
0x9: {  	s10 =	sshll.u32 s4, $0x4;
	s4 =	smul.u32 $0x140000, s4;
	s9 =	sshrl.u32 s7, $0x1  }
0xa: {  	s14 =	sor.u32 s11, s10;
	s23 =	sshrl.u32 s8, $0x2;
	s15 =	sadd.s32 $0x4000, s12  }
0xb: {  	s16 =	sadd.s32 $0x8000, s12;
	s18 =	sadd.s32 $0xC000, s12;
	s19 =	sadd.s32 $0x10000, s12  }
0xc: {  	s13 =	ssub.s32 s7, s9;
	s7 =	sadd.s32 s23, s2;
	s8 =	sadd.s32 s15, s2  }
0xd: {  	s9 =	sadd.s32 s16, s2;
	s17 =	smul.u32 $0xA00, s14;
	s25 =	sadd.s32 s18, s2  }
0xe: {  	s24 =	sadd.s32 s19, s2;
	s14 =	smul.u32 $0x14, s14;
	s12 =	sadd.s32 s12, s4  }
0xf: {  	s15 =	sadd.s32 s4, s15;
	s21 =	sadd.s32 s4, s16;
	s22 =	sadd.s32 s4, s18  }
0x10: {  	s4 =	sadd.s32 s4, s19;
	s16 =	simm.s32 $0x0;
	[dreg:$0x7] =	wrdreg s24  }
0x11: {  	s12 =	sshrl.u32 s12, $0x3;
	s15 =	sshrl.u32 s15, $0x3;
	[dreg:$0x5] =	wrdreg s9  }
0x12: {  	s4 =	sshrl.u32 s4, $0x3;
	[dreg:$0x6] =	wrdreg s25;
	s26 =	sadd.s32 s1, s17  }
0x13: {  	s11 =	sadd.s32 s6, s17;
	[dreg:$0x4] =	wrdreg s14;
	s17 =	sadd.s32 s0, s12  }
0x14: {  	s20 =	sadd.s32 s0, s15;
	s12 =	sshrl.u32 s21, $0x3;
	[dreg:$0x8] =	wrdreg s26  }
0x15: {  	s14 =	sshrl.u32 s22, $0x3;
	s21 =	simm.s32 $0x9;
	[dreg:$0x9] =	wrdreg s11  }
0x16: {  	s22 =	simm.s32 $0xB;
	s15 =	simm.s32 $0xA;
	[dreg:$0xa] =	wrdreg s17  }
0x17: {  	[dreg:$0xb] =	wrdreg s20;
	s23 =	sadd.s32 s0, s12;
	s24 =	sadd.s32 s0, s14  }
0x18: {  	s0 =	sadd.s32 s0, s4;
	s26 =	smax.u32 s13, $0x1;
	[dreg:$0xc] =	wrdreg s23  }
0x19: {  	s20 =	simm.s32 $0x1800;
	s4 =	simm.s32 $0x2;
	[dreg:$0xd] =	wrdreg s24  }
0x1a: {  	v4 =	vlaneseq.u32;
	s12 =	simm.s32 $0x5;
	s13 =	simm.s32 $0x4;
	[dreg:$0xe] =	wrdreg s0  }
0x1b: {  	v0 =	vimm.f32 $0.0e+00;
	v1 =	vor.u32 $0x2790, v4;
	s14 =	simm.s32 $0x6;
	[dreg:$0xf] =	wrdreg s26;
	s24 =	simm.s32 $0x40  }
0x1c: {  	v2 =	vor.u32 $0x27A0, v4;
	v3 =	vor.u32 $0x27B0, v4;
	v4 =	vor.u32 $0x27C0, v4;
	s26 =	simm.s32 $0x5800;
	s0 =	simm.s32 $0x7;
	s23 =	simm.s32 $0x8  }
.LBB2_1:
0x1d: {  	s17 =	simm.s32 $0x0;
	s18 =	simm.s32 $0x200  }
.LBB2_2:
0x1e: {  	p0 =	sne.s32 s18, $0xFE00;
	[tilespmem:s17+$0x1870] =	vst v0  }
0x1f: {  	[tilespmem:s17+$0x1800] =	vst v0  }
0x20: {  	[tilespmem:s17+$0x1810] =	vst v0  }
.Ltmp0:
0x21: {  	[tilespmem:s17+$0x1820] =	vst v0;
	(pc) =	sbr.rel @p0 .LBB2_2-.Ltmp0, $4  }
0x22: {  	[tilespmem:s17+$0x1830] =	vst v0  }
0x23: {  	[tilespmem:s17+$0x1840] =	vst v0  }
0x24: {  	[tilespmem:s17+$0x1850] =	vst v0  }
0x25: {  	[tilespmem:s17+$0x1860] =	vst v0;
	s17 =	sshra.s32 s18, $0x2;
	s18 =	sadd.s32 $0x200, s18  }
0x26: {  	[tilespmem:s17+$0x1870] =	vst v0  }
0x27: {  	[tilespmem:s17+$0x1800] =	vst v0  }
0x28: {  	[tilespmem:s17+$0x1810] =	vst v0  }
0x29: {  	[tilespmem:s17+$0x1820] =	vst v0  }
0x2a: {  	[tilespmem:s17+$0x1830] =	vst v0  }
0x2b: {  	[tilespmem:s17+$0x1840] =	vst v0  }
0x2c: {  	[tilespmem:s17+$0x1850] =	vst v0  }
0x2d: {  	[tilespmem:s17+$0x1860] =	vst v0  }
0x2e: {  	[spmem:s7] =	stream.linear.scatter [tilespmem:s20], [sflag:$0x9], $0x4000, $0x38;
	[tilespmem:$0x1D880] =	vst v63  }
0x2f: {  	_ = 	snop  }
0x30: {  	[spmem:s8] =	stream.linear.scatter [tilespmem:s20], [sflag:$0x9], $0x4000, $0x38;
	[tilespmem:$0x1D880] =	vst v63  }
0x31: {  	_ = 	snop  }
0x32: {  	[spmem:s9] =	stream.linear.scatter [tilespmem:s20], [sflag:$0x9], $0x4000, $0x38;
	[tilespmem:$0x1D880] =	vst v63  }
0x33: {  	_ = 	snop  }
0x34: {  	[spmem:s25] =	stream.linear.scatter [tilespmem:s20], [sflag:$0x9], $0x4000, $0x38;
	[tilespmem:$0x1D880] =	vst v63  }
0x35: {  	s17 =	rddreg [dreg:$0x7]  }
0x36: {  	[spmem:s17] =	stream.linear.scatter [tilespmem:s20], [sflag:$0x9], $0x4000, $0x38;
	[tilespmem:$0x1D880] =	vst v63  }
0x37: {  	_ =	swait.ge [sflag:s21], $0x4000  }
0x38: {  	[sflag:s21] =	ssyncset.done $0x0  }
0x39: {  	[sflag:s21] =	ssyncadd.s32 $0xFFFFC000  }
0x3a: {  	_ =	swait.ge [sflag:s21], $0x4000  }
0x3b: {  	[sflag:s21] =	ssyncset.done $0x0  }
0x3c: {  	[sflag:s21] =	ssyncadd.s32 $0xFFFFC000  }
0x3d: {  	_ =	swait.ge [sflag:s21], $0x4000  }
0x3e: {  	[sflag:s21] =	ssyncset.done $0x0  }
0x3f: {  	[sflag:s21] =	ssyncadd.s32 $0xFFFFC000  }
0x40: {  	_ =	swait.ge [sflag:s21], $0x4000  }
0x41: {  	[sflag:s21] =	ssyncset.done $0x0  }
0x42: {  	[sflag:s21] =	ssyncadd.s32 $0xFFFFC000  }
0x43: {  	_ =	swait.ge [sflag:s21], $0x4000  }
0x44: {  	[sflag:s21] =	ssyncset.done $0x0  }
0x45: {  	[sflag:s21] =	ssyncadd.s32 $0xFFFFC000  }
0x46: {  	[tilespmem:$0x9800] =	vst v1  }
0x47: {  	[tilespmem:$0x9810] =	vst v2  }
0x48: {  	[tilespmem:$0x9820] =	vst v3  }
0x49: {  	s18 =	rddreg [dreg:$0x8];
	[tilespmem:$0x9830] =	vst v4  }
0x4a: {  	[tilespmem:s3], [sflag:$0xB] =	stream.linear.gather [hbm4b:s18+s3], $0x400, $0x38;
	[tilespmem:$0x1D880] =	vst v63  }
0x4b: {  	_ =	swait.ge [sflag:s22], $0x400  }
0x4c: {  	[sflag:s22] =	ssyncset.done $0x0  }
0x4d: {  	s25 =	simm.s32 $0xC00;
	s19 =	rddreg [dreg:$0x9];
	[sflag:s22] =	ssyncadd.s32 $0xFFFFFC00  }
0x4e: {  	[tilespmem:s25], [sflag:$0xB] =	stream.linear.gather [hbm4b:s19+s3], $0x400, $0x38;
	[tilespmem:$0x1D880] =	vst v63  }
0x4f: {  	_ =	swait.ge [sflag:s22], $0x400  }
0x50: {  	s11 =	smov.u32 s8;
	[sflag:s22] =	ssyncset.done $0x0  }
0x51: {  	s8 =	simm.s32 $0x9800;
	s9 =	simm.s32 $0x1;
	[sflag:s22] =	ssyncadd.s32 $0xFFFFFC00  }
0x52: {  	[spmem:s2] =	stream.indirect.scatter.add.f32 [tilespmem:s26], [sflag:$0x7], $0x80, s8, s24, $0xb8;
	[tilespmem:$0x1D880] =	vst v63  }
0x53: {  	s18 =	smul.u32 $0xAB, s9  }
0x54: {  	[spmem:s2] =	stream.indirect.scatter.add.f32 [tilespmem:s28], [sflag:$0x8], $0x80, s8, s24, $0xb8;
	[tilespmem:$0x1D880] =	vst v63  }
0x55: {  	s10 =	smov.u32 s7;
	s19 =	sshrl.u32 s18, $0x9  }
0x56: {  	[tilespmem:s20], [sflag:$0x1] =	stream.indirect.gather [hbm4b:s5+s24], $0x80, s3, s24, $0xb8;
	[tilespmem:$0x1D880] =	vst v63  }
0x57: {  	s25 =	simm.s32 $0x80;
	s18 =	sadd.s32 $0xFFFFFF55, s18;
	s19 =	sand.u32 $0x7F, s19  }
0x58: {  	[tilespmem:s30], [sflag:$0x2] =	stream.indirect.gather [hbm4b:s5+s24], $0x80, s25, s24, $0xb8;
	[tilespmem:$0x1D880] =	vst v63  }
0x59: {  	s18 =	sshrl.u32 s18, $0x9;
	s19 =	smul.u32 $0x3, s19;
	[bflag:$0x0] =	sbarrier.arrive $0xFFFF  }
0x5a: {  	s17 =	smin.u32 s9, $0x13;
	s18 =	sand.u32 $0x7F, s18;
	s7 =	rddreg [dreg:$0x4]  }
0x5b: {  	s18 =	smul.u32 $0x3, s18;
	s19 =	ssub.s32 $0x1, s19;
	s17 =	sadd.s32 s7, s17  }
0x5c: {  	s19 =	sand.u32 $0xFF, s19;
	s25 =	sshll.u32 s17, $0x7  }
0x5d: {  	s18 =	sxor.u32 $0xFFFFFFFF, s18;
	s17 =	sshll.u32 s19, $0xA;
	s8 =	sadd.s32 s1, s25  }
0x5e: {  	[tilespmem:s17], [sflag:$0x9] =	stream.linear.gather [hbm4b:s8+s3], $0x400, $0x38;
	[tilespmem:$0x1D880] =	vst v63  }
0x5f: {  	s18 =	sadd.s32 $0x1, s18;
	s9 =	sadd.s32 $0xC00, s17;
	s25 =	sadd.s32 s6, s25  }
0x60: {  	[tilespmem:s9], [sflag:$0xA] =	stream.linear.gather [hbm4b:s25+s3], $0x400, $0x38;
	[tilespmem:$0x1D880] =	vst v63  }
0x61: {  	s18 =	sand.u32 $0xFF, s18;
	_ =	swait.ge [sflag:s31], $0x2000  }
0x62: {  	s25 =	sshll.u32 s18, $0xA;
	[sflag:s31] =	ssyncset.done $0x0  }
0x63: {  	s18 =	sadd.s32 $0xC00, s25;
	[sflag:s31] =	ssyncadd.s32 $0xFFFFE000  }
0x64: {  	[spmem:s2] =	stream.indirect.scatter.add.f32 [tilespmem:s20], [sflag:$0x5], $0x80, s18, s24, $0xb8;
	[tilespmem:$0x1D880] =	vst v63  }
0x65: {  	_ =	swait.ge [sflag:s0], $0x2000  }
0x66: {  	[sflag:s0] =	ssyncset.done $0x0  }
0x67: {  	s7 =	sor.u32 $0x100, s25;
	[sflag:s0] =	ssyncadd.s32 $0xFFFFE000  }
0x68: {  	[tilespmem:s26], [sflag:$0x3] =	stream.indirect.gather [hbm4b:s5+s24], $0x80, s7, s24, $0xb8;
	[tilespmem:$0x1D880] =	vst v63  }
0x69: {  	_ =	swait.ge [sflag:s4], $0x2000  }
0x6a: {  	[sflag:s4] =	ssyncset.done $0x0  }
0x6b: {  	s8 =	sadd.s32 $0xC80, s25;
	[sflag:s4] =	ssyncadd.s32 $0xFFFFE000  }
0x6c: {  	[spmem:s2] =	stream.indirect.scatter.add.f32 [tilespmem:s30], [sflag:$0x6], $0x80, s8, s24, $0xb8;
	[tilespmem:$0x1D880] =	vst v63  }
0x6d: {  	_ =	swait.ge [sflag:s23], $0x2000  }
0x6e: {  	[sflag:s23] =	ssyncset.done $0x0  }
0x6f: {  	s9 =	sor.u32 $0x180, s25;
	[sflag:s23] =	ssyncadd.s32 $0xFFFFE000  }
0x70: {  	[tilespmem:s28], [sflag:$0x4] =	stream.indirect.gather [hbm4b:s5+s24], $0x80, s9, s24, $0xb8;
	[tilespmem:$0x1D880] =	vst v63  }
0x71: {  	_ =	swait.ge [sflag:s29], $0x2000  }
0x72: {  	[sflag:s29] =	ssyncset.done $0x0  }
0x73: {  	s19 =	sadd.s32 $0xD00, s25;
	[sflag:s29] =	ssyncadd.s32 $0xFFFFE000  }
0x74: {  	[spmem:s2] =	stream.indirect.scatter.add.f32 [tilespmem:s26], [sflag:$0x7], $0x80, s19, s24, $0xb8;
	[tilespmem:$0x1D880] =	vst v63  }
0x75: {  	_ =	swait.ge [sflag:s12], $0x2000  }
0x76: {  	[sflag:s12] =	ssyncset.done $0x0  }
0x77: {  	s7 =	sor.u32 $0x200, s25;
	[sflag:s12] =	ssyncadd.s32 $0xFFFFE000  }
0x78: {  	[tilespmem:s20], [sflag:$0x1] =	stream.indirect.gather [hbm4b:s5+s24], $0x80, s7, s24, $0xb8;
	[tilespmem:$0x1D880] =	vst v63  }
0x79: {  	_ =	swait.ge [sflag:s13], $0x2000  }
0x7a: {  	[sflag:s13] =	ssyncset.done $0x0  }
0x7b: {  	s8 =	sadd.s32 $0xD80, s25;
	[sflag:s13] =	ssyncadd.s32 $0xFFFFE000  }
0x7c: {  	[spmem:s2] =	stream.indirect.scatter.add.f32 [tilespmem:s28], [sflag:$0x8], $0x80, s8, s24, $0xb8;
	[tilespmem:$0x1D880] =	vst v63  }
0x7d: {  	_ =	swait.ge [sflag:s14], $0x2000  }
0x7e: {  	[sflag:s14] =	ssyncset.done $0x0  }
0x7f: {  	s9 =	sor.u32 $0x280, s25;
	[sflag:s14] =	ssyncadd.s32 $0xFFFFE000  }
0x80: {  	[tilespmem:s30], [sflag:$0x2] =	stream.indirect.gather [hbm4b:s5+s24], $0x80, s9, s24, $0xb8;
	[tilespmem:$0x1D880] =	vst v63  }
0x81: {  	_ =	swait.ge [sflag:s31], $0x2000  }
0x82: {  	[sflag:s31] =	ssyncset.done $0x0  }
0x83: {  	s19 =	sadd.s32 $0xE00, s25;
	[sflag:s31] =	ssyncadd.s32 $0xFFFFE000  }
0x84: {  	[spmem:s2] =	stream.indirect.scatter.add.f32 [tilespmem:s20], [sflag:$0x5], $0x80, s19, s24, $0xb8;
	[tilespmem:$0x1D880] =	vst v63  }
0x85: {  	_ =	swait.ge [sflag:s0], $0x2000  }
0x86: {  	[sflag:s0] =	ssyncset.done $0x0  }
0x87: {  	s7 =	sor.u32 $0x300, s25;
	[sflag:s0] =	ssyncadd.s32 $0xFFFFE000  }
0x88: {  	[tilespmem:s26], [sflag:$0x3] =	stream.indirect.gather [hbm4b:s5+s24], $0x80, s7, s24, $0xb8;
	[tilespmem:$0x1D880] =	vst v63  }
0x89: {  	_ =	swait.ge [sflag:s4], $0x2000  }
0x8a: {  	[sflag:s4] =	ssyncset.done $0x0  }
0x8b: {  	s8 =	sadd.s32 $0xE80, s25;
	[sflag:s4] =	ssyncadd.s32 $0xFFFFE000  }
0x8c: {  	[spmem:s2] =	stream.indirect.scatter.add.f32 [tilespmem:s30], [sflag:$0x6], $0x80, s8, s24, $0xb8;
	[tilespmem:$0x1D880] =	vst v63  }
0x8d: {  	_ =	swait.ge [sflag:s23], $0x2000  }
0x8e: {  	[sflag:s23] =	ssyncset.done $0x0  }
0x8f: {  	s9 =	sor.u32 $0x380, s25;
	[sflag:s23] =	ssyncadd.s32 $0xFFFFE000  }
0x90: {  	[tilespmem:s28], [sflag:$0x4] =	stream.indirect.gather [hbm4b:s5+s24], $0x80, s9, s24, $0xb8;
	[tilespmem:$0x1D880] =	vst v63  }
0x91: {  	_ =	swait.ge [sflag:s29], $0x2000  }
0x92: {  	[sflag:s29] =	ssyncset.done $0x0  }
0x93: {  	s19 =	sadd.s32 $0xF00, s25;
	[sflag:s29] =	ssyncadd.s32 $0xFFFFE000  }
0x94: {  	[spmem:s2] =	stream.indirect.scatter.add.f32 [tilespmem:s26], [sflag:$0x7], $0x80, s19, s24, $0xb8;
	[tilespmem:$0x1D880] =	vst v63  }
0x95: {  	_ =	swait.ge [sflag:s12], $0x2000  }
0x96: {  	[sflag:s12] =	ssyncset.done $0x0  }
0x97: {  	[sflag:s12] =	ssyncadd.s32 $0xFFFFE000  }
0x98: {  	_ =	swait.ge [sflag:s21], $0x400  }
0x99: {  	[sflag:s21] =	ssyncset.done $0x0  }
0x9a: {  	[sflag:s21] =	ssyncadd.s32 $0xFFFFFC00  }
0x9b: {  	_ =	swait.ge [sflag:s15], $0x400  }
0x9c: {  	[sflag:s15] =	ssyncset.done $0x0  }
0x9d: {  	[sflag:s15] =	ssyncadd.s32 $0xFFFFFC00  }
0x9e: {  	[tilespmem:s20], [sflag:$0x1] =	stream.indirect.gather [hbm4b:s5+s24], $0x80, s17, s24, $0xb8;
	[tilespmem:$0x1D880] =	vst v63  }
0x9f: {  	s18 =	simm.s32 $0x2;
	_ =	swait.ge [sflag:s13], $0x2000  }
.LBB2_4:
0xa0: {  	s7 =	smul.u32 $0xAB, s18  }
0xa1: {  	[sflag:s13] =	ssyncset.done $0x0;
	s8 =	smov.u32 s18;
	s19 =	sadd.s32 $0x1, s18  }
0xa2: {  	p0 =	sne.s32 s18, $0x14;
	s25 =	sadd.s32 $0xF80, s25;
	[sflag:s13] =	ssyncadd.s32 $0xFFFFE000  }
0xa3: {  	[spmem:s2] =	stream.indirect.scatter.add.f32 [tilespmem:s28], [sflag:$0x8], $0x80, s25, s24, $0xb8;
	[tilespmem:$0x1D880] =	vst v63  }
0xa4: {  	s17 =	sor.u32 $0x80, s17;
	s9 =	sadd.s32 $0xFFFFFF55, s7;
	s7 =	sshrl.u32 s7, $0x9  }
0xa5: {  	_ =	swait.ge [sflag:s14], $0x2000;
	s7 =	sand.u32 $0x7F, s7;
	s18 =	sshrl.u32 s9, $0x9  }
0xa6: {  	s9 =	smin.u32 s8, $0x13;
	[sflag:s14] =	ssyncset.done $0x0;
	s7 =	smul.u32 $0x3, s7  }
0xa7: {  	s25 =	rddreg [dreg:$0x4];
	s18 =	sand.u32 $0x7F, s18;
	[sflag:s14] =	ssyncadd.s32 $0xFFFFE000  }
0xa8: {  	s9 =	sadd.s32 s25, s9;
	s18 =	smul.u32 $0x3, s18;
	s7 =	ssub.s32 s8, s7  }
0xa9: {  	[tilespmem:s30], [sflag:$0x2] =	stream.indirect.gather [hbm4b:s5+s24], $0x80, s17, s24, $0xb8;
	[tilespmem:$0x1D880] =	vst v63  }
0xaa: {  	s9 =	sshll.u32 s9, $0x7;
	s7 =	sand.u32 $0xFF, s7  }
0xab: {  	s18 =	sxor.u32 $0xFFFFFFFF, s18;
	s25 =	sadd.s32 s1, s9;
	s17 =	sshll.u32 s7, $0xA  }
0xac: {  	[tilespmem:s17], [sflag:$0x9] =	stream.linear.gather [hbm4b:s25+s3], $0x400, $0x38;
	[tilespmem:$0x1D880] =	vst v63  }
0xad: {  	s9 =	sadd.s32 s6, s9;
	s18 =	sadd.s32 s8, s18;
	s25 =	sadd.s32 $0xC00, s17  }
0xae: {  	[tilespmem:s25], [sflag:$0xA] =	stream.linear.gather [hbm4b:s9+s3], $0x400, $0x38;
	[tilespmem:$0x1D880] =	vst v63  }
0xaf: {  	s7 =	sand.u32 $0xFF, s18;
	_ =	swait.ge [sflag:s31], $0x2000  }
0xb0: {  	s25 =	sshll.u32 s7, $0xA;
	[sflag:s31] =	ssyncset.done $0x0  }
0xb1: {  	s7 =	sadd.s32 $0xC00, s25;
	[sflag:s31] =	ssyncadd.s32 $0xFFFFE000  }
0xb2: {  	[spmem:s2] =	stream.indirect.scatter.add.f32 [tilespmem:s20], [sflag:$0x5], $0x80, s7, s24, $0xb8;
	[tilespmem:$0x1D880] =	vst v63  }
0xb3: {  	_ =	swait.ge [sflag:s0], $0x2000  }
0xb4: {  	[sflag:s0] =	ssyncset.done $0x0  }
0xb5: {  	s8 =	sor.u32 $0x100, s25;
	[sflag:s0] =	ssyncadd.s32 $0xFFFFE000  }
0xb6: {  	[tilespmem:s26], [sflag:$0x3] =	stream.indirect.gather [hbm4b:s5+s24], $0x80, s8, s24, $0xb8;
	[tilespmem:$0x1D880] =	vst v63  }
0xb7: {  	_ =	swait.ge [sflag:s4], $0x2000  }
0xb8: {  	[sflag:s4] =	ssyncset.done $0x0  }
0xb9: {  	s9 =	sadd.s32 $0xC80, s25;
	[sflag:s4] =	ssyncadd.s32 $0xFFFFE000  }
0xba: {  	[spmem:s2] =	stream.indirect.scatter.add.f32 [tilespmem:s30], [sflag:$0x6], $0x80, s9, s24, $0xb8;
	[tilespmem:$0x1D880] =	vst v63  }
0xbb: {  	_ =	swait.ge [sflag:s23], $0x2000  }
0xbc: {  	[sflag:s23] =	ssyncset.done $0x0  }
0xbd: {  	s18 =	sor.u32 $0x180, s25;
	[sflag:s23] =	ssyncadd.s32 $0xFFFFE000  }
0xbe: {  	[tilespmem:s28], [sflag:$0x4] =	stream.indirect.gather [hbm4b:s5+s24], $0x80, s18, s24, $0xb8;
	[tilespmem:$0x1D880] =	vst v63  }
0xbf: {  	_ =	swait.ge [sflag:s29], $0x2000  }
0xc0: {  	[sflag:s29] =	ssyncset.done $0x0  }
0xc1: {  	s8 =	sadd.s32 $0xD00, s25;
	[sflag:s29] =	ssyncadd.s32 $0xFFFFE000  }
0xc2: {  	[spmem:s2] =	stream.indirect.scatter.add.f32 [tilespmem:s26], [sflag:$0x7], $0x80, s8, s24, $0xb8;
	[tilespmem:$0x1D880] =	vst v63  }
0xc3: {  	_ =	swait.ge [sflag:s12], $0x2000  }
0xc4: {  	[sflag:s12] =	ssyncset.done $0x0  }
0xc5: {  	s9 =	sor.u32 $0x200, s25;
	[sflag:s12] =	ssyncadd.s32 $0xFFFFE000  }
0xc6: {  	[tilespmem:s20], [sflag:$0x1] =	stream.indirect.gather [hbm4b:s5+s24], $0x80, s9, s24, $0xb8;
	[tilespmem:$0x1D880] =	vst v63  }
0xc7: {  	_ =	swait.ge [sflag:s13], $0x2000  }
0xc8: {  	[sflag:s13] =	ssyncset.done $0x0  }
0xc9: {  	s18 =	sadd.s32 $0xD80, s25;
	[sflag:s13] =	ssyncadd.s32 $0xFFFFE000  }
0xca: {  	[spmem:s2] =	stream.indirect.scatter.add.f32 [tilespmem:s28], [sflag:$0x8], $0x80, s18, s24, $0xb8;
	[tilespmem:$0x1D880] =	vst v63  }
0xcb: {  	_ =	swait.ge [sflag:s14], $0x2000  }
0xcc: {  	[sflag:s14] =	ssyncset.done $0x0  }
0xcd: {  	s8 =	sor.u32 $0x280, s25;
	[sflag:s14] =	ssyncadd.s32 $0xFFFFE000  }
0xce: {  	[tilespmem:s30], [sflag:$0x2] =	stream.indirect.gather [hbm4b:s5+s24], $0x80, s8, s24, $0xb8;
	[tilespmem:$0x1D880] =	vst v63  }
0xcf: {  	_ =	swait.ge [sflag:s31], $0x2000  }
0xd0: {  	[sflag:s31] =	ssyncset.done $0x0  }
0xd1: {  	s9 =	sadd.s32 $0xE00, s25;
	[sflag:s31] =	ssyncadd.s32 $0xFFFFE000  }
0xd2: {  	[spmem:s2] =	stream.indirect.scatter.add.f32 [tilespmem:s20], [sflag:$0x5], $0x80, s9, s24, $0xb8;
	[tilespmem:$0x1D880] =	vst v63  }
0xd3: {  	_ =	swait.ge [sflag:s0], $0x2000  }
0xd4: {  	[sflag:s0] =	ssyncset.done $0x0  }
0xd5: {  	s18 =	sor.u32 $0x300, s25;
	[sflag:s0] =	ssyncadd.s32 $0xFFFFE000  }
0xd6: {  	[tilespmem:s26], [sflag:$0x3] =	stream.indirect.gather [hbm4b:s5+s24], $0x80, s18, s24, $0xb8;
	[tilespmem:$0x1D880] =	vst v63  }
0xd7: {  	_ =	swait.ge [sflag:s4], $0x2000  }
0xd8: {  	[sflag:s4] =	ssyncset.done $0x0  }
0xd9: {  	s8 =	sadd.s32 $0xE80, s25;
	[sflag:s4] =	ssyncadd.s32 $0xFFFFE000  }
0xda: {  	[spmem:s2] =	stream.indirect.scatter.add.f32 [tilespmem:s30], [sflag:$0x6], $0x80, s8, s24, $0xb8;
	[tilespmem:$0x1D880] =	vst v63  }
0xdb: {  	_ =	swait.ge [sflag:s23], $0x2000  }
0xdc: {  	[sflag:s23] =	ssyncset.done $0x0  }
0xdd: {  	s9 =	sor.u32 $0x380, s25;
	[sflag:s23] =	ssyncadd.s32 $0xFFFFE000  }
0xde: {  	[tilespmem:s28], [sflag:$0x4] =	stream.indirect.gather [hbm4b:s5+s24], $0x80, s9, s24, $0xb8;
	[tilespmem:$0x1D880] =	vst v63  }
0xdf: {  	_ =	swait.ge [sflag:s29], $0x2000  }
0xe0: {  	[sflag:s29] =	ssyncset.done $0x0  }
0xe1: {  	s18 =	sadd.s32 $0xF00, s25;
	[sflag:s29] =	ssyncadd.s32 $0xFFFFE000  }
0xe2: {  	[spmem:s2] =	stream.indirect.scatter.add.f32 [tilespmem:s26], [sflag:$0x7], $0x80, s18, s24, $0xb8;
	[tilespmem:$0x1D880] =	vst v63  }
0xe3: {  	_ =	swait.ge [sflag:s12], $0x2000  }
0xe4: {  	[sflag:s12] =	ssyncset.done $0x0  }
0xe5: {  	[sflag:s12] =	ssyncadd.s32 $0xFFFFE000  }
0xe6: {  	_ =	swait.ge [sflag:s21], $0x400  }
0xe7: {  	[sflag:s21] =	ssyncset.done $0x0  }
0xe8: {  	[sflag:s21] =	ssyncadd.s32 $0xFFFFFC00  }
.Ltmp1:
0xe9: {  	_ =	swait.ge [sflag:s15], $0x400;
	(pc) =	sbr.rel @p0 .LBB2_4-.Ltmp1, $4  }
0xea: {  	[sflag:s15] =	ssyncset.done $0x0  }
0xeb: {  	[sflag:s15] =	ssyncadd.s32 $0xFFFFFC00  }
0xec: {  	[tilespmem:s20], [sflag:$0x1] =	stream.indirect.gather [hbm4b:s5+s24], $0x80, s17, s24, $0xb8;
	[tilespmem:$0x1D880] =	vst v63  }
0xed: {  	s18 =	smov.u32 s19;
	_ =	swait.ge [sflag:s13], $0x2000  }
0xee: {  	[sflag:s13] =	ssyncset.done $0x0  }
0xef: {  	s7 =	sadd.s32 $0xF80, s25;
	[sflag:s13] =	ssyncadd.s32 $0xFFFFE000  }
0xf0: {  	[spmem:s2] =	stream.indirect.scatter.add.f32 [tilespmem:s28], [sflag:$0x8], $0x80, s7, s24, $0xb8;
	[tilespmem:$0x1D880] =	vst v63  }
0xf1: {  	_ =	swait.ge [sflag:s14], $0x2000  }
0xf2: {  	[sflag:s14] =	ssyncset.done $0x0  }
0xf3: {  	s19 =	sor.u32 $0x80, s17;
	[sflag:s14] =	ssyncadd.s32 $0xFFFFE000  }
0xf4: {  	[tilespmem:s30], [sflag:$0x2] =	stream.indirect.gather [hbm4b:s5+s24], $0x80, s19, s24, $0xb8;
	[tilespmem:$0x1D880] =	vst v63  }
0xf5: {  	_ =	swait.ge [sflag:s31], $0x2000  }
0xf6: {  	[sflag:s31] =	ssyncset.done $0x0  }
0xf7: {  	[sflag:s31] =	ssyncadd.s32 $0xFFFFE000  }
0xf8: {  	_ =	swait.ge [sflag:s4], $0x2000  }
0xf9: {  	[sflag:s4] =	ssyncset.done $0x0  }
0xfa: {  	[sflag:s4] =	ssyncadd.s32 $0xFFFFE000  }
0xfb: {  	_ =	swait.ge [sflag:s0], $0x2000  }
0xfc: {  	[sflag:s0] =	ssyncset.done $0x0  }
0xfd: {  	[sflag:s0] =	ssyncadd.s32 $0xFFFFE000  }
0xfe: {  	_ =	swait.ge [sflag:s23], $0x2000  }
0xff: {  	[sflag:s23] =	ssyncset.done $0x0  }
0x100: {  	[sflag:s23] =	ssyncadd.s32 $0xFFFFE000  }
0x101: {  	[bflag:$0x0] =	sbarrier.arrive $0xFFFF  }
0x102: {  	[tilespmem:s20], [sflag:$0xB] =	stream.linear.gather [spmem:s10], $0x4000, $0x38;
	[tilespmem:$0x1D880] =	vst v63  }
0x103: {  	_ =	swait.ge [sflag:s22], $0x4000  }
0x104: {  	[sflag:s22] =	ssyncset.done $0x0  }
0x105: {  	s8 =	rddreg [dreg:$0xa];
	[sflag:s22] =	ssyncadd.s32 $0xFFFFC000  }
0x106: {  	[hbm4b:s8+s3] =	stream.linear.scatter [tilespmem:s20], [sflag:$0xA], $0x4000, $0x38;
	[tilespmem:$0x1D880] =	vst v63  }
0x107: {  	_ = 	snop  }
0x108: {  	[tilespmem:s26], [sflag:$0xB] =	stream.linear.gather [spmem:s11], $0x4000, $0x38;
	[tilespmem:$0x1D880] =	vst v63  }
0x109: {  	_ =	swait.ge [sflag:s22], $0x4000  }
0x10a: {  	[sflag:s22] =	ssyncset.done $0x0  }
0x10b: {  	s9 =	rddreg [dreg:$0xb];
	[sflag:s22] =	ssyncadd.s32 $0xFFFFC000  }
0x10c: {  	[hbm4b:s9+s3] =	stream.linear.scatter [tilespmem:s26], [sflag:$0xA], $0x4000, $0x38;
	[tilespmem:$0x1D880] =	vst v63  }
0x10d: {  	_ =	swait.ge [sflag:s15], $0x4000  }
0x10e: {  	[sflag:s15] =	ssyncset.done $0x0  }
0x10f: {  	s9 =	rddreg [dreg:$0x5];
	[sflag:s15] =	ssyncadd.s32 $0xFFFFC000  }
0x110: {  	[tilespmem:s20], [sflag:$0xB] =	stream.linear.gather [spmem:s9], $0x4000, $0x38;
	[tilespmem:$0x1D880] =	vst v63  }
0x111: {  	_ =	swait.ge [sflag:s22], $0x4000  }
0x112: {  	[sflag:s22] =	ssyncset.done $0x0  }
0x113: {  	s25 =	rddreg [dreg:$0xc];
	[sflag:s22] =	ssyncadd.s32 $0xFFFFC000  }
0x114: {  	[hbm4b:s25+s3] =	stream.linear.scatter [tilespmem:s20], [sflag:$0xA], $0x4000, $0x38;
	[tilespmem:$0x1D880] =	vst v63  }
0x115: {  	_ =	swait.ge [sflag:s15], $0x4000  }
0x116: {  	[sflag:s15] =	ssyncset.done $0x0  }
0x117: {  	s25 =	rddreg [dreg:$0x6];
	[sflag:s15] =	ssyncadd.s32 $0xFFFFC000  }
0x118: {  	[tilespmem:s26], [sflag:$0xB] =	stream.linear.gather [spmem:s25], $0x4000, $0x38;
	[tilespmem:$0x1D880] =	vst v63  }
0x119: {  	_ =	swait.ge [sflag:s22], $0x4000  }
0x11a: {  	[sflag:s22] =	ssyncset.done $0x0  }
0x11b: {  	s8 =	smov.u32 s11;
	s11 =	rddreg [dreg:$0xd];
	[sflag:s22] =	ssyncadd.s32 $0xFFFFC000  }
0x11c: {  	[hbm4b:s11+s3] =	stream.linear.scatter [tilespmem:s26], [sflag:$0xA], $0x4000, $0x38;
	[tilespmem:$0x1D880] =	vst v63  }
0x11d: {  	_ =	swait.ge [sflag:s15], $0x4000  }
0x11e: {  	[sflag:s15] =	ssyncset.done $0x0  }
0x11f: {  	s17 =	rddreg [dreg:$0x7];
	[sflag:s15] =	ssyncadd.s32 $0xFFFFC000  }
0x120: {  	[tilespmem:s20], [sflag:$0xB] =	stream.linear.gather [spmem:s17], $0x4000, $0x38;
	[tilespmem:$0x1D880] =	vst v63  }
0x121: {  	_ =	swait.ge [sflag:s22], $0x4000  }
0x122: {  	[sflag:s22] =	ssyncset.done $0x0  }
0x123: {  	s18 =	rddreg [dreg:$0xe];
	[sflag:s22] =	ssyncadd.s32 $0xFFFFC000  }
0x124: {  	[hbm4b:s18+s3] =	stream.linear.scatter [tilespmem:s20], [sflag:$0xA], $0x4000, $0x38;
	[tilespmem:$0x1D880] =	vst v63  }
0x125: {  	_ =	swait.ge [sflag:s15], $0x4000  }
0x126: {  	[sflag:s15] =	ssyncset.done $0x0  }
0x127: {  	[sflag:s15] =	ssyncadd.s32 $0xFFFFC000  }
0x128: {  	_ =	swait.ge [sflag:s15], $0x4000  }
0x129: {  	s16 =	sadd.s32 $0x1, s16;
	s19 =	rddreg [dreg:$0xf]  }
0x12a: {  	p0 =	sne.s32 s16, s19  }
.Ltmp2:
0x12b: {  	_ = 	snop;
	(pc) =	sbr.rel @p0 .LBB2_1-.Ltmp2, $3  }
0x12c: {  	_ =	sdelay $0x1  }
0x12d: {  	[sflag:s15] =	ssyncset.done $0x0  }
0x12e: {  	s7 =	smov.u32 s10;
	[sflag:s15] =	ssyncadd.s32 $0xFFFFC000  }
0x12f: {  	_ =	sfence.sel $0x180000  }
0x130: {  	[bflag:$0x0] =	sbarrier.arrive $0xFFFF  }
0x131: {  	_ =	strace $0x9000004D  }
0x132: {  	s0 =	stileid.u32;
	[bflag:$0x2] =	sbarrier.arrive $0xFFFF  }
0x133: {  	p0 =	sne.s32 s0, $0x0;
	s0 =	rddreg [dreg:$0x3]  }
0x134: {  	s0 =	sadd.s32 @!p0 $0x100000, s0  }
0x135: {  	[sflag:s0] =	ssyncadd.tile.s32 @!p0 $0x1;
	_ =	shalt  }
.Lfunc_end2:
_tile_overlayer_lowered:
.L_overlay_start_2:
0x136: {  	(tag) =	ssettag $0x2  }
0x137: {  	s0 =	rddreg [dreg:$0x0];
	s2 =	stileid.u32  }
0x138: {  	s1 =	rddreg [dreg:$0x1];
	p0 =	sne.s32 s2, $0x0  }
0x139: {  	s3 =	rddreg [dreg:$0x2];
	[bflag:$0x3] =	sbarrier.arrive $0xFFFF;
	s2 =	simm.s32 @!p0 $0x1C0B  }
0x13a: {  	[timem:s3], [sflag:s2] =	dma.local @!p0 [hbm:s0], s1  }
0x13b: {  	s0 =	simm.s32 @!p0 $0xB  }
0x13c: {  	_ =	swait.ge @!p0 [sflag:s0], s1  }
0x13d: {  	s1 =	ssub.s32 @!p0 $0x0, s1;
	[sflag:s0] =	ssyncset.done @!p0 $0x0  }
0x13e: {  	[sflag:s0] =	ssyncadd.s32 @!p0 s1  }
0x13f: {  	[bflag:$0x3] =	sbarrier.arrive $0xFFFF  }
0x140: {  	_ =	shalt  }

// kernel: kernel.9.cloned.1.call-start
scs
__scs_entry_jumppad:
0x0: {  	(pc) =	sbr.rel $0x88, $3  }
0x1: {  	(tag) =	ssettag $0x0;
	lr =	simm.s32 $0x1  }
0x2: {  	[smem:$0x3F93] =	sst lr;
	_ =	strace $0xD0000000  }
0x3: {  	_ = 	snop  }
0x4: {  	_ = 	snop  }
0x5: {  	_ = 	snop  }
0x6: {  	_ = 	snop  }
0x7: {  	_ = 	snop  }
__scs_overlays_trampoline_lowered:
0x8: {  	[smem:$0x3FA2] =	sst s0  }
0x9: {  	[smem:$0x3FA3] =	sst s1  }
0xa: {  	[smem:$0x3FA4] =	sst s2  }
0xb: {  	[smem:$0x3FA5] =	sst s3  }
0xc: {  	[smem:$0x3FA6] =	sst s4  }
0xd: {  	[smem:$0x3FA7] =	sst s5  }
0xe: {  	[smem:$0x3FA8] =	sst s6  }
0xf: {  	[smem:$0x3FA9] =	sst s7  }
0x10: {  	[smem:$0x3FAA] =	sst s8  }
0x11: {  	[smem:$0x3FAB] =	sst s9;
	s0 =	simm.s32 @!p0 $0x0  }
0x12: {  	s1 =	sld [smem:$0x3F91];
	s0 =	simm.s32 @p0 $0x1  }
0x13: {  	[smem:$0x3FAC] =	sst s0;
	s0 =	simm.s32 @!p1 $0x0  }
0x14: {  	s2 =	sld [smem:$0x3F90];
	s0 =	simm.s32 @p1 $0x1  }
0x15: {  	[smem:$0x3FAD] =	sst s0;
	s0 =	simm.s32 @!p2 $0x0  }
0x16: {  	s3 =	sld [smem:$0x3FDB];
	s0 =	simm.s32 @p2 $0x1  }
0x17: {  	s4 =	simm.s32 $0x1BF5;
	[smem:$0x3FAF] =	sst s0  }
0x18: {  	s0 =	sld [smem:$0x3F92];
	_ =	swait.ge [sflag:s4], $0x0  }
0x19: {  	s7 =	sld [smem:$0x3F93]  }
0x1a: {  	s8 =	sadd.s32 $0xFFFFE003, lr  }
0x1b: {  	s9 =	sadd.s32 $0xFFFFFEF7, lr;
	s5 =	simm.s32 $0xFFFFFFFF;
	p2 =	slt.u32 s8, $0xFFFFF086  }
0x1c: {  	p1 =	slt.u32 s9, $0xF7A;
	s5 =	simm.s32 @!p2 $0x0  }
0x1d: {  	s5 =	simm.s32 @p1 $0x1;
	p0 =	seq.s32 s7, s2  }
0x1e: {  	s7 =	smul.u32 @!p0 $0xF7A, s2;
	p2 =	seq.s32 @!p0 s5, $0x0  }
0x1f: {  	s9 =	smul.u32 $0xF7A, s1;
	s8 =	simm.s32 @!p0 $0x1BF5;
	p2 =	por !p2, p0  }
0x20: {  	[sflag:s8] =	ssyncset.s32 @!p0 $0xFFFFF086;
	s6 =	sadd.s32 @!p0 s3, s7;
	s7 =	simm.s32 @!p0 $0x108  }
0x21: {  	s3 =	sadd.s32 s3, s9;
	s6 =	sadd.s32 @!p0 $0x88, s6;
	s7 =	simm.s32 @p2 $0x1082  }
0x22: {  	[simem:s7], [sflag:s8] =	dma.local @!p0 [hbm:s6], $0xF7A  }
0x23: {  	s9 =	sor.u32 $0xD0000000, s2;
	s6 =	simm.s32 $0x108;
	_ =	swait.ge @!p0 [sflag:s8], $0x0  }
0x24: {  	s3 =	sadd.s32 $0x88, s3;
	s6 =	simm.s32 @!p1 $0x1082;
	[sflag:s4] =	ssyncset.s32 $0xFFFFF086  }
0x25: {  	[simem:s6], [sflag:s4] =	dma.local [hbm:s3], $0xF7A  }
0x26: {  	[smem:$0x3F93] =	sst s1;
	(tag) =	ssettag s2;
	_ =	strace s9  }
0x27: {  	s1 =	sld [smem:$0x3FA3]  }
0x28: {  	s2 =	sld [smem:$0x3FA4]  }
0x29: {  	s4 =	sld [smem:$0x3FA6]  }
0x2a: {  	p0 =	seq.s32 s5, $0x0;
	s5 =	sld [smem:$0x3FA7]  }
0x2b: {  	s6 =	sld [smem:$0x3FA8]  }
0x2c: {  	s7 =	sld [smem:$0x3FA9]  }
0x2d: {  	s3 =	simm.s32 $0x108;
	s8 =	sld [smem:$0x3FAA]  }
0x2e: {  	s3 =	simm.s32 @!p0 $0x1082;
	s9 =	sld [smem:$0x3FAB]  }
0x2f: {  	lr =	sadd.s32 s0, s3;
	s0 =	sld [smem:$0x3FA2]  }
0x30: {  	s3 =	sld [smem:$0x3FA5]  }
0x31: {  	[smem:$0x3FAE] =	sst s10  }
0x32: {  	s10 =	sld [smem:$0x3FAC];
	_ =	sdelay $0x3  }
0x33: {  	p0 =	seq.s32 s10, $0x1;
	s10 =	sld [smem:$0x3FAE];
	_ =	sdelay $0x3  }
0x34: {  	[smem:$0x3FAE] =	sst s10  }
0x35: {  	s10 =	sld [smem:$0x3FAD];
	_ =	sdelay $0x3  }
0x36: {  	p1 =	seq.s32 s10, $0x1;
	s10 =	sld [smem:$0x3FAE];
	_ =	sdelay $0x3  }
0x37: {  	[smem:$0x3FAE] =	sst s10  }
0x38: {  	s10 =	sld [smem:$0x3FAF]  }
0x39: {  	_ = 	snop;
	(pc) =	sbr.ind lr, $3  }
0x3a: {  	_ = 	snop  }
0x3b: {  	_ = 	snop  }
0x3c: {  	p2 =	seq.s32 s10, $0x1;
	s10 =	sld [smem:$0x3FAE]  }
0x3d: {  	_ =	shalt  }
0x3e: {  	_ =	shalt  }
0x3f: {  	_ =	shalt  }
0x40: {  	_ =	shalt  }
0x41: {  	_ =	shalt  }
0x42: {  	_ =	shalt  }
0x43: {  	_ =	shalt  }
0x44: {  	_ =	shalt  }
0x45: {  	_ =	shalt  }
0x46: {  	_ =	shalt  }
0x47: {  	_ =	shalt  }
0x48: {  	_ =	shalt  }
0x49: {  	_ =	shalt  }
0x4a: {  	_ =	shalt  }
0x4b: {  	_ =	shalt  }
0x4c: {  	_ =	shalt  }
0x4d: {  	_ =	shalt  }
0x4e: {  	_ =	shalt  }
0x4f: {  	_ =	shalt  }
0x50: {  	_ =	shalt  }
0x51: {  	_ =	shalt  }
0x52: {  	_ =	shalt  }
0x53: {  	_ =	shalt  }
0x54: {  	_ =	shalt  }
0x55: {  	_ =	shalt  }
0x56: {  	_ =	shalt  }
0x57: {  	_ =	shalt  }
0x58: {  	_ =	shalt  }
0x59: {  	_ =	shalt  }
0x5a: {  	_ =	shalt  }
0x5b: {  	_ =	shalt  }
0x5c: {  	_ =	shalt  }
0x5d: {  	_ =	shalt  }
0x5e: {  	_ =	shalt  }
0x5f: {  	_ =	shalt  }
0x60: {  	_ =	shalt  }
0x61: {  	_ =	shalt  }
0x62: {  	_ =	shalt  }
0x63: {  	_ =	shalt  }
0x64: {  	_ =	shalt  }
0x65: {  	_ =	shalt  }
0x66: {  	_ =	shalt  }
0x67: {  	_ =	shalt  }
0x68: {  	_ =	shalt  }
0x69: {  	_ =	shalt  }
0x6a: {  	_ =	shalt  }
0x6b: {  	_ =	shalt  }
0x6c: {  	_ =	shalt  }
0x6d: {  	_ =	shalt  }
0x6e: {  	_ =	shalt  }
0x6f: {  	_ =	shalt  }
0x70: {  	_ =	shalt  }
0x71: {  	_ =	shalt  }
0x72: {  	_ =	shalt  }
0x73: {  	_ =	shalt  }
0x74: {  	_ =	shalt  }
0x75: {  	_ =	shalt  }
0x76: {  	_ =	shalt  }
0x77: {  	_ =	shalt  }
0x78: {  	_ =	shalt  }
0x79: {  	_ =	shalt  }
0x7a: {  	_ =	shalt  }
0x7b: {  	_ =	shalt  }
0x7c: {  	_ =	shalt  }
0x7d: {  	_ =	shalt  }
0x7e: {  	_ =	shalt  }
0x7f: {  	_ =	shalt  }
0x80: {  	_ =	shalt  }
0x81: {  	_ =	shalt  }
0x82: {  	_ =	shalt  }
0x83: {  	_ =	shalt  }
0x84: {  	_ =	shalt  }
0x85: {  	_ =	shalt  }
0x86: {  	_ =	shalt  }
0x87: {  	_ =	shalt  }
.Lfunc_end0:
.L_simem_size_0:
called_computation_lowered:
.L_overlay_start_0:
0x88: {  	s2 =	sld [smem:$0x3FD9]  }
0x89: {  	s3 =	sld [smem:$0x3FFE];
	_ =	sdelay $0x1  }
0x8a: {  	s1 =	srdreg.scid  }
0x8b: {  	s0 =	sand.u32 $0x1, s1  }
0x8c: {  	s17 =	sshll.u32 s0, $0xA;
	s2 =	sadd.s32 s3, s2  }
0x8d: {  	s2 =	sadd.s32 s2, s17  }
0x8e: {  	[smem:$0x3FBA] =	sst s2  }
0x8f: {  	_ = 	snop  }
0x90: {  	s2 =	sld [smem:$0x3FD0];
	(tm) =	ssettm $0x1  }
0x91: {  	s18 =	sld [smem:$0x3FFB];
	_ =	sdelay $0x3  }
0x92: {  	_ =	strace s18  }
0x93: {  	s3 =	sld [smem:$0x3FFC];
	_ =	sdelay $0x3  }
0x94: {  	_ =	strace s3  }
0x95: {  	s3 =	sld [smem:$0x3FFD];
	_ =	sdelay $0x3  }
0x96: {  	_ =	strace s3  }
0x97: {  	_ =	strace $0x8FFFFFFF  }
0x98: {  	s19 =	sld [smem:$0x3FDB];
	_ =	sdelay $0x1  }
0x99: {  	s4 =	simm.s32 $_scs_section_size  }
0x9a: {  	s5 =	simm.s32 $_size__tile_overlayer_lowered;
	s6 =	simm.s32 $_tile_overlayer_lowered  }
0x9b: {  	s22 =	simm.s32 $0x1BFF;
	s21 =	sshll.u32 s6, $0x1;
	s3 =	sadd.s32 s4, s19  }
0x9c: {  	s7 =	simm.s32 $0x0;
	s20 =	sshll.u32 s5, $0x1;
	s5 =	sadd.s32 s21, s3  }
0x9d: {  	[timem:s7], [sflag:s22] =	dma.local [hbm:s5], s20  }
0x9e: {  	_ =	swait.ge [sflag:s22], s20  }
0x9f: {  	s4 =	ssub.s32 $0x0, s20;
	[sflag:s22] =	ssyncset.done $0x0  }
0xa0: {  	[sflag:s22] =	ssyncadd.s32 s4;
	_ =	sdelay $0x1  }
0xa1: {  	s23 =	simm.s32 $0x1B8B  }
0xa2: {  	_ =	swait.ge [sflag:s23], $0x1  }
0xa3: {  	[sflag:s23] =	ssyncset.done $0x0  }
0xa4: {  	s25 =	simm.s32 $0x1B8E;
	s24 =	sld [smem:$0x3FFE];
	[sflag:s23] =	ssyncadd.s32 $0xFFFFFFFF  }
0xa5: {  	s26 =	simm.s32 $execute0_lowered;
	[smem:$0x3FD2] =	sst s25  }
0xa6: {  	s5 =	sshll.u32 s26, $0x1;
	_ =	strace $0x80000046;
	[dreg:$0x1] =	wrdreg $0xFFFFFFFF  }
0xa7: {  	s28 =	simm.s32 $_size_execute0_lowered;
	s3 =	sadd.s32 s3, s5;
	[dreg:$0x0] =	wrdreg $0x0  }
0xa8: {  	s5 =	sshll.u32 s28, $0x1;
	[dreg:$0x2] =	wrdreg s3  }
0xa9: {  	[dreg:$0x3] =	wrdreg s5  }
0xaa: {  	[dreg:$0x4] =	wrdreg $0xC0  }
0xab: {  	_ =	task [dreg:s7], $0x5FFFF  }
0xac: {  	[dreg:$0x1] =	wrdreg $0xFFFFFFFF  }
0xad: {  	[dreg:$0x0] =	wrdreg $0x60  }
0xae: {  	[dreg:$0x2] =	wrdreg s24  }
0xaf: {  	[dreg:$0x3] =	wrdreg s2  }
0xb0: {  	[dreg:$0x4] =	wrdreg $0x98800  }
0xb1: {  	[dreg:$0x5] =	wrdreg $0x9  }
0xb2: {  	_ =	task.clear_ibuf [dreg:s7], $0x6FFFF;
	_ =	strace $0x90000046  }
0xb3: {  	s29 =	simm.s32 $0x9;
	_ =	strace $0x80000048  }
0xb4: {  	_ =	swait.ge [sflag:s29], $0x1  }
0xb5: {  	[sflag:s29] =	ssyncadd.s32 $0xFFFFFFFF  }
0xb6: {  	_ =	strace $0x90000048  }
0xb7: {  	_ =	sfence  }
0xb8: {  	s30 =	sld [smem:$0x0];
	_ =	sdelay $0x2  }
0xb9: {  	s31 =	sshll.u32 s1, $0xD;
	s1 =	sshrl.u32 s1, $0x2  }
0xba: {  	s3 =	sand.u32 $0x4000, s31;
	s1 =	sadd.s32 s1, s30  }
0xbb: {  	s0 =	sor.u32 s3, s0;
	s1 =	sshll.u32 s1, $0x11  }
0xbc: {  	s0 =	sor.u32 s1, s0  }
0xbd: {  	s0 =	sadd.s32 $0x8F2B, s0  }
0xbe: {  	[sflag:s0] =	ssyncadd.remote.s32 $0x1  }
0xbf: {  	_ =	sfence.sel $0xFFFF  }
0xc0: {  	[dreg:$0x0] =	wrdreg $0xFFFFFFFF;
	(pc) =	sbr.abs _section_cstart, $3  }
0xc1: {  	[dreg:$0x1] =	wrdreg $0xFFFFFFFF  }
0xc2: {  	_ =	task.clear_ibuf [dreg:s7], $0x2FFFF;
	_ =	strace $0x9FFFFFFF  }
0xc3: {  	(tm) =	ssettm $0x7FFFFFFF  }
tec
execute0_lowered:
.L_overlay_start_1:
0x0: {  	(tag) =	ssettag $0x1  }
0x1: {  	s0 =	rddreg [dreg:$0x0]  }
0x2: {  	s1 =	rddreg [dreg:$0x1]  }
0x3: {  	s2 =	rddreg [dreg:$0x2];
	s3 =	simm.s32 $0x0  }
0x4: {  	s4 =	srdreg.scid;
	s11 =	stileid.u32;
	s28 =	simm.s32 $0x7800  }
0x5: {  	s30 =	simm.s32 $0x3800;
	s31 =	simm.s32 $0x1;
	s29 =	simm.s32 $0x3  }
0x6: {  	[smem:$0x7FF] =	sst s3;
	s5 =	sadd.s32 $0x17E00, s0;
	s6 =	sadd.s32 $0x3E00, s0  }
0x7: {  	s4 =	sand.u32 $0x1, s4;
	s0 =	sadd.s32 $0x3FE00, s0;
	s8 =	smul.u32 $0x50000, s11  }
0x8: {  	s12 =	smul.u32 $0x14000, s11;
	_ =	strace $0x80000047;
	s7 =	ssub.s32 $0x2, s4  }
0x9: {  	s10 =	sshll.u32 s4, $0x4;
	s4 =	smul.u32 $0x140000, s4;
	s9 =	sshrl.u32 s7, $0x1  }
0xa: {  	s14 =	sor.u32 s11, s10;
	s23 =	sshrl.u32 s8, $0x2;
	s15 =	sadd.s32 $0x4000, s12  }
0xb: {  	s16 =	sadd.s32 $0x8000, s12;
	s18 =	sadd.s32 $0xC000, s12;
	s19 =	sadd.s32 $0x10000, s12  }
0xc: {  	s13 =	ssub.s32 s7, s9;
	s7 =	sadd.s32 s23, s2;
	s8 =	sadd.s32 s15, s2  }
0xd: {  	s9 =	sadd.s32 s16, s2;
	s17 =	smul.u32 $0xA00, s14;
	s25 =	sadd.s32 s18, s2  }
0xe: {  	s24 =	sadd.s32 s19, s2;
	s14 =	smul.u32 $0x14, s14;
	s12 =	sadd.s32 s12, s4  }
0xf: {  	s15 =	sadd.s32 s4, s15;
	s21 =	sadd.s32 s4, s16;
	s22 =	sadd.s32 s4, s18  }
0x10: {  	s4 =	sadd.s32 s4, s19;
	s16 =	simm.s32 $0x0;
	[dreg:$0x7] =	wrdreg s24  }
0x11: {  	s12 =	sshrl.u32 s12, $0x3;
	s15 =	sshrl.u32 s15, $0x3;
	[dreg:$0x5] =	wrdreg s9  }
0x12: {  	s4 =	sshrl.u32 s4, $0x3;
	[dreg:$0x6] =	wrdreg s25;
	s26 =	sadd.s32 s1, s17  }
0x13: {  	s11 =	sadd.s32 s6, s17;
	[dreg:$0x4] =	wrdreg s14;
	s17 =	sadd.s32 s0, s12  }
0x14: {  	s20 =	sadd.s32 s0, s15;
	s12 =	sshrl.u32 s21, $0x3;
	[dreg:$0x8] =	wrdreg s26  }
0x15: {  	s14 =	sshrl.u32 s22, $0x3;
	s21 =	simm.s32 $0x9;
	[dreg:$0x9] =	wrdreg s11  }
0x16: {  	s22 =	simm.s32 $0xB;
	s15 =	simm.s32 $0xA;
	[dreg:$0xa] =	wrdreg s17  }
0x17: {  	[dreg:$0xb] =	wrdreg s20;
	s23 =	sadd.s32 s0, s12;
	s24 =	sadd.s32 s0, s14  }
0x18: {  	s0 =	sadd.s32 s0, s4;
	s26 =	smax.u32 s13, $0x1;
	[dreg:$0xc] =	wrdreg s23  }
0x19: {  	s20 =	simm.s32 $0x1800;
	s4 =	simm.s32 $0x2;
	[dreg:$0xd] =	wrdreg s24  }
0x1a: {  	v4 =	vlaneseq.u32;
	s12 =	simm.s32 $0x5;
	s13 =	simm.s32 $0x4;
	[dreg:$0xe] =	wrdreg s0  }
0x1b: {  	v0 =	vimm.f32 $0.0e+00;
	v1 =	vor.u32 $0x2790, v4;
	s14 =	simm.s32 $0x6;
	[dreg:$0xf] =	wrdreg s26;
	s24 =	simm.s32 $0x40  }
0x1c: {  	v2 =	vor.u32 $0x27A0, v4;
	v3 =	vor.u32 $0x27B0, v4;
	v4 =	vor.u32 $0x27C0, v4;
	s26 =	simm.s32 $0x5800;
	s0 =	simm.s32 $0x7;
	s23 =	simm.s32 $0x8  }
.LBB2_1:
0x1d: {  	s17 =	simm.s32 $0x0;
	s18 =	simm.s32 $0x200  }
.LBB2_2:
0x1e: {  	p0 =	sne.s32 s18, $0xFE00;
	[tilespmem:s17+$0x1870] =	vst v0  }
0x1f: {  	[tilespmem:s17+$0x1800] =	vst v0  }
0x20: {  	[tilespmem:s17+$0x1810] =	vst v0  }
.Ltmp0:
0x21: {  	[tilespmem:s17+$0x1820] =	vst v0;
	(pc) =	sbr.rel @p0 .LBB2_2-.Ltmp0, $4  }
0x22: {  	[tilespmem:s17+$0x1830] =	vst v0  }
0x23: {  	[tilespmem:s17+$0x1840] =	vst v0  }
0x24: {  	[tilespmem:s17+$0x1850] =	vst v0  }
0x25: {  	[tilespmem:s17+$0x1860] =	vst v0;
	s17 =	sshra.s32 s18, $0x2;
	s18 =	sadd.s32 $0x200, s18  }
0x26: {  	[tilespmem:s17+$0x1870] =	vst v0  }
0x27: {  	[tilespmem:s17+$0x1800] =	vst v0  }
0x28: {  	[tilespmem:s17+$0x1810] =	vst v0  }
0x29: {  	[tilespmem:s17+$0x1820] =	vst v0  }
0x2a: {  	[tilespmem:s17+$0x1830] =	vst v0  }
0x2b: {  	[tilespmem:s17+$0x1840] =	vst v0  }
0x2c: {  	[tilespmem:s17+$0x1850] =	vst v0  }
0x2d: {  	[tilespmem:s17+$0x1860] =	vst v0  }
0x2e: {  	[spmem:s7] =	stream.linear.scatter [tilespmem:s20], [sflag:$0x9], $0x4000, $0x38;
	[tilespmem:$0x1D880] =	vst v63  }
0x2f: {  	_ = 	snop  }
0x30: {  	[spmem:s8] =	stream.linear.scatter [tilespmem:s20], [sflag:$0x9], $0x4000, $0x38;
	[tilespmem:$0x1D880] =	vst v63  }
0x31: {  	_ = 	snop  }
0x32: {  	[spmem:s9] =	stream.linear.scatter [tilespmem:s20], [sflag:$0x9], $0x4000, $0x38;
	[tilespmem:$0x1D880] =	vst v63  }
0x33: {  	_ = 	snop  }
0x34: {  	[spmem:s25] =	stream.linear.scatter [tilespmem:s20], [sflag:$0x9], $0x4000, $0x38;
	[tilespmem:$0x1D880] =	vst v63  }
0x35: {  	s17 =	rddreg [dreg:$0x7]  }
0x36: {  	[spmem:s17] =	stream.linear.scatter [tilespmem:s20], [sflag:$0x9], $0x4000, $0x38;
	[tilespmem:$0x1D880] =	vst v63  }
0x37: {  	_ =	swait.ge [sflag:s21], $0x4000  }
0x38: {  	[sflag:s21] =	ssyncset.done $0x0  }
0x39: {  	[sflag:s21] =	ssyncadd.s32 $0xFFFFC000  }
0x3a: {  	_ =	swait.ge [sflag:s21], $0x4000  }
0x3b: {  	[sflag:s21] =	ssyncset.done $0x0  }
0x3c: {  	[sflag:s21] =	ssyncadd.s32 $0xFFFFC000  }
0x3d: {  	_ =	swait.ge [sflag:s21], $0x4000  }
0x3e: {  	[sflag:s21] =	ssyncset.done $0x0  }
0x3f: {  	[sflag:s21] =	ssyncadd.s32 $0xFFFFC000  }
0x40: {  	_ =	swait.ge [sflag:s21], $0x4000  }
0x41: {  	[sflag:s21] =	ssyncset.done $0x0  }
0x42: {  	[sflag:s21] =	ssyncadd.s32 $0xFFFFC000  }
0x43: {  	_ =	swait.ge [sflag:s21], $0x4000  }
0x44: {  	[sflag:s21] =	ssyncset.done $0x0  }
0x45: {  	[sflag:s21] =	ssyncadd.s32 $0xFFFFC000  }
0x46: {  	[tilespmem:$0x9800] =	vst v1  }
0x47: {  	[tilespmem:$0x9810] =	vst v2  }
0x48: {  	[tilespmem:$0x9820] =	vst v3  }
0x49: {  	s18 =	rddreg [dreg:$0x8];
	[tilespmem:$0x9830] =	vst v4  }
0x4a: {  	[tilespmem:s3], [sflag:$0xB] =	stream.linear.gather [hbm4b:s18+s3], $0x400, $0x38;
	[tilespmem:$0x1D880] =	vst v63  }
0x4b: {  	_ =	swait.ge [sflag:s22], $0x400  }
0x4c: {  	[sflag:s22] =	ssyncset.done $0x0  }
0x4d: {  	s25 =	simm.s32 $0xC00;
	s19 =	rddreg [dreg:$0x9];
	[sflag:s22] =	ssyncadd.s32 $0xFFFFFC00  }
0x4e: {  	[tilespmem:s25], [sflag:$0xB] =	stream.linear.gather [hbm4b:s19+s3], $0x400, $0x38;
	[tilespmem:$0x1D880] =	vst v63  }
0x4f: {  	_ =	swait.ge [sflag:s22], $0x400  }
0x50: {  	s11 =	smov.u32 s8;
	[sflag:s22] =	ssyncset.done $0x0  }
0x51: {  	s8 =	simm.s32 $0x9800;
	s9 =	simm.s32 $0x1;
	[sflag:s22] =	ssyncadd.s32 $0xFFFFFC00  }
0x52: {  	[spmem:s2] =	stream.indirect.scatter.add.f32 [tilespmem:s26], [sflag:$0x7], $0x80, s8, s24, $0xb8;
	[tilespmem:$0x1D880] =	vst v63  }
0x53: {  	s18 =	smul.u32 $0xAB, s9  }
0x54: {  	[spmem:s2] =	stream.indirect.scatter.add.f32 [tilespmem:s28], [sflag:$0x8], $0x80, s8, s24, $0xb8;
	[tilespmem:$0x1D880] =	vst v63  }
0x55: {  	s10 =	smov.u32 s7;
	s19 =	sshrl.u32 s18, $0x9  }
0x56: {  	[tilespmem:s20], [sflag:$0x1] =	stream.indirect.gather [hbm4b:s5+s24], $0x80, s3, s24, $0xb8;
	[tilespmem:$0x1D880] =	vst v63  }
0x57: {  	s25 =	simm.s32 $0x80;
	s18 =	sadd.s32 $0xFFFFFF55, s18;
	s19 =	sand.u32 $0x7F, s19  }
0x58: {  	[tilespmem:s30], [sflag:$0x2] =	stream.indirect.gather [hbm4b:s5+s24], $0x80, s25, s24, $0xb8;
	[tilespmem:$0x1D880] =	vst v63  }
0x59: {  	s18 =	sshrl.u32 s18, $0x9;
	s19 =	smul.u32 $0x3, s19;
	[bflag:$0x0] =	sbarrier.arrive $0xFFFF  }
0x5a: {  	s17 =	smin.u32 s9, $0x13;
	s18 =	sand.u32 $0x7F, s18;
	s7 =	rddreg [dreg:$0x4]  }
0x5b: {  	s18 =	smul.u32 $0x3, s18;
	s19 =	ssub.s32 $0x1, s19;
	s17 =	sadd.s32 s7, s17  }
0x5c: {  	s19 =	sand.u32 $0xFF, s19;
	s25 =	sshll.u32 s17, $0x7  }
0x5d: {  	s18 =	sxor.u32 $0xFFFFFFFF, s18;
	s17 =	sshll.u32 s19, $0xA;
	s8 =	sadd.s32 s1, s25  }
0x5e: {  	[tilespmem:s17], [sflag:$0x9] =	stream.linear.gather [hbm4b:s8+s3], $0x400, $0x38;
	[tilespmem:$0x1D880] =	vst v63  }
0x5f: {  	s18 =	sadd.s32 $0x1, s18;
	s9 =	sadd.s32 $0xC00, s17;
	s25 =	sadd.s32 s6, s25  }
0x60: {  	[tilespmem:s9], [sflag:$0xA] =	stream.linear.gather [hbm4b:s25+s3], $0x400, $0x38;
	[tilespmem:$0x1D880] =	vst v63  }
0x61: {  	s18 =	sand.u32 $0xFF, s18;
	_ =	swait.ge [sflag:s31], $0x2000  }
0x62: {  	s25 =	sshll.u32 s18, $0xA;
	[sflag:s31] =	ssyncset.done $0x0  }
0x63: {  	s18 =	sadd.s32 $0xC00, s25;
	[sflag:s31] =	ssyncadd.s32 $0xFFFFE000  }
0x64: {  	[spmem:s2] =	stream.indirect.scatter.add.f32 [tilespmem:s20], [sflag:$0x5], $0x80, s18, s24, $0xb8;
	[tilespmem:$0x1D880] =	vst v63  }
0x65: {  	_ =	swait.ge [sflag:s0], $0x2000  }
0x66: {  	[sflag:s0] =	ssyncset.done $0x0  }
0x67: {  	s7 =	sor.u32 $0x100, s25;
	[sflag:s0] =	ssyncadd.s32 $0xFFFFE000  }
0x68: {  	[tilespmem:s26], [sflag:$0x3] =	stream.indirect.gather [hbm4b:s5+s24], $0x80, s7, s24, $0xb8;
	[tilespmem:$0x1D880] =	vst v63  }
0x69: {  	_ =	swait.ge [sflag:s4], $0x2000  }
0x6a: {  	[sflag:s4] =	ssyncset.done $0x0  }
0x6b: {  	s8 =	sadd.s32 $0xC80, s25;
	[sflag:s4] =	ssyncadd.s32 $0xFFFFE000  }
0x6c: {  	[spmem:s2] =	stream.indirect.scatter.add.f32 [tilespmem:s30], [sflag:$0x6], $0x80, s8, s24, $0xb8;
	[tilespmem:$0x1D880] =	vst v63  }
0x6d: {  	_ =	swait.ge [sflag:s23], $0x2000  }
0x6e: {  	[sflag:s23] =	ssyncset.done $0x0  }
0x6f: {  	s9 =	sor.u32 $0x180, s25;
	[sflag:s23] =	ssyncadd.s32 $0xFFFFE000  }
0x70: {  	[tilespmem:s28], [sflag:$0x4] =	stream.indirect.gather [hbm4b:s5+s24], $0x80, s9, s24, $0xb8;
	[tilespmem:$0x1D880] =	vst v63  }
0x71: {  	_ =	swait.ge [sflag:s29], $0x2000  }
0x72: {  	[sflag:s29] =	ssyncset.done $0x0  }
0x73: {  	s19 =	sadd.s32 $0xD00, s25;
	[sflag:s29] =	ssyncadd.s32 $0xFFFFE000  }
0x74: {  	[spmem:s2] =	stream.indirect.scatter.add.f32 [tilespmem:s26], [sflag:$0x7], $0x80, s19, s24, $0xb8;
	[tilespmem:$0x1D880] =	vst v63  }
0x75: {  	_ =	swait.ge [sflag:s12], $0x2000  }
0x76: {  	[sflag:s12] =	ssyncset.done $0x0  }
0x77: {  	s7 =	sor.u32 $0x200, s25;
	[sflag:s12] =	ssyncadd.s32 $0xFFFFE000  }
0x78: {  	[tilespmem:s20], [sflag:$0x1] =	stream.indirect.gather [hbm4b:s5+s24], $0x80, s7, s24, $0xb8;
	[tilespmem:$0x1D880] =	vst v63  }
0x79: {  	_ =	swait.ge [sflag:s13], $0x2000  }
0x7a: {  	[sflag:s13] =	ssyncset.done $0x0  }
0x7b: {  	s8 =	sadd.s32 $0xD80, s25;
	[sflag:s13] =	ssyncadd.s32 $0xFFFFE000  }
0x7c: {  	[spmem:s2] =	stream.indirect.scatter.add.f32 [tilespmem:s28], [sflag:$0x8], $0x80, s8, s24, $0xb8;
	[tilespmem:$0x1D880] =	vst v63  }
0x7d: {  	_ =	swait.ge [sflag:s14], $0x2000  }
0x7e: {  	[sflag:s14] =	ssyncset.done $0x0  }
0x7f: {  	s9 =	sor.u32 $0x280, s25;
	[sflag:s14] =	ssyncadd.s32 $0xFFFFE000  }
0x80: {  	[tilespmem:s30], [sflag:$0x2] =	stream.indirect.gather [hbm4b:s5+s24], $0x80, s9, s24, $0xb8;
	[tilespmem:$0x1D880] =	vst v63  }
0x81: {  	_ =	swait.ge [sflag:s31], $0x2000  }
0x82: {  	[sflag:s31] =	ssyncset.done $0x0  }
0x83: {  	s19 =	sadd.s32 $0xE00, s25;
	[sflag:s31] =	ssyncadd.s32 $0xFFFFE000  }
0x84: {  	[spmem:s2] =	stream.indirect.scatter.add.f32 [tilespmem:s20], [sflag:$0x5], $0x80, s19, s24, $0xb8;
	[tilespmem:$0x1D880] =	vst v63  }
0x85: {  	_ =	swait.ge [sflag:s0], $0x2000  }
0x86: {  	[sflag:s0] =	ssyncset.done $0x0  }
0x87: {  	s7 =	sor.u32 $0x300, s25;
	[sflag:s0] =	ssyncadd.s32 $0xFFFFE000  }
0x88: {  	[tilespmem:s26], [sflag:$0x3] =	stream.indirect.gather [hbm4b:s5+s24], $0x80, s7, s24, $0xb8;
	[tilespmem:$0x1D880] =	vst v63  }
0x89: {  	_ =	swait.ge [sflag:s4], $0x2000  }
0x8a: {  	[sflag:s4] =	ssyncset.done $0x0  }
0x8b: {  	s8 =	sadd.s32 $0xE80, s25;
	[sflag:s4] =	ssyncadd.s32 $0xFFFFE000  }
0x8c: {  	[spmem:s2] =	stream.indirect.scatter.add.f32 [tilespmem:s30], [sflag:$0x6], $0x80, s8, s24, $0xb8;
	[tilespmem:$0x1D880] =	vst v63  }
0x8d: {  	_ =	swait.ge [sflag:s23], $0x2000  }
0x8e: {  	[sflag:s23] =	ssyncset.done $0x0  }
0x8f: {  	s9 =	sor.u32 $0x380, s25;
	[sflag:s23] =	ssyncadd.s32 $0xFFFFE000  }
0x90: {  	[tilespmem:s28], [sflag:$0x4] =	stream.indirect.gather [hbm4b:s5+s24], $0x80, s9, s24, $0xb8;
	[tilespmem:$0x1D880] =	vst v63  }
0x91: {  	_ =	swait.ge [sflag:s29], $0x2000  }
0x92: {  	[sflag:s29] =	ssyncset.done $0x0  }
0x93: {  	s19 =	sadd.s32 $0xF00, s25;
	[sflag:s29] =	ssyncadd.s32 $0xFFFFE000  }
0x94: {  	[spmem:s2] =	stream.indirect.scatter.add.f32 [tilespmem:s26], [sflag:$0x7], $0x80, s19, s24, $0xb8;
	[tilespmem:$0x1D880] =	vst v63  }
0x95: {  	_ =	swait.ge [sflag:s12], $0x2000  }
0x96: {  	[sflag:s12] =	ssyncset.done $0x0  }
0x97: {  	[sflag:s12] =	ssyncadd.s32 $0xFFFFE000  }
0x98: {  	_ =	swait.ge [sflag:s21], $0x400  }
0x99: {  	[sflag:s21] =	ssyncset.done $0x0  }
0x9a: {  	[sflag:s21] =	ssyncadd.s32 $0xFFFFFC00  }
0x9b: {  	_ =	swait.ge [sflag:s15], $0x400  }
0x9c: {  	[sflag:s15] =	ssyncset.done $0x0  }
0x9d: {  	[sflag:s15] =	ssyncadd.s32 $0xFFFFFC00  }
0x9e: {  	[tilespmem:s20], [sflag:$0x1] =	stream.indirect.gather [hbm4b:s5+s24], $0x80, s17, s24, $0xb8;
	[tilespmem:$0x1D880] =	vst v63  }
0x9f: {  	s18 =	simm.s32 $0x2;
	_ =	swait.ge [sflag:s13], $0x2000  }
.LBB2_4:
0xa0: {  	s7 =	smul.u32 $0xAB, s18  }
0xa1: {  	[sflag:s13] =	ssyncset.done $0x0;
	s8 =	smov.u32 s18;
	s19 =	sadd.s32 $0x1, s18  }
0xa2: {  	p0 =	sne.s32 s18, $0x14;
	s25 =	sadd.s32 $0xF80, s25;
	[sflag:s13] =	ssyncadd.s32 $0xFFFFE000  }
0xa3: {  	[spmem:s2] =	stream.indirect.scatter.add.f32 [tilespmem:s28], [sflag:$0x8], $0x80, s25, s24, $0xb8;
	[tilespmem:$0x1D880] =	vst v63  }
0xa4: {  	s17 =	sor.u32 $0x80, s17;
	s9 =	sadd.s32 $0xFFFFFF55, s7;
	s7 =	sshrl.u32 s7, $0x9  }
0xa5: {  	_ =	swait.ge [sflag:s14], $0x2000;
	s7 =	sand.u32 $0x7F, s7;
	s18 =	sshrl.u32 s9, $0x9  }
0xa6: {  	s9 =	smin.u32 s8, $0x13;
	[sflag:s14] =	ssyncset.done $0x0;
	s7 =	smul.u32 $0x3, s7  }
0xa7: {  	s25 =	rddreg [dreg:$0x4];
	s18 =	sand.u32 $0x7F, s18;
	[sflag:s14] =	ssyncadd.s32 $0xFFFFE000  }
0xa8: {  	s9 =	sadd.s32 s25, s9;
	s18 =	smul.u32 $0x3, s18;
	s7 =	ssub.s32 s8, s7  }
0xa9: {  	[tilespmem:s30], [sflag:$0x2] =	stream.indirect.gather [hbm4b:s5+s24], $0x80, s17, s24, $0xb8;
	[tilespmem:$0x1D880] =	vst v63  }
0xaa: {  	s9 =	sshll.u32 s9, $0x7;
	s7 =	sand.u32 $0xFF, s7  }
0xab: {  	s18 =	sxor.u32 $0xFFFFFFFF, s18;
	s25 =	sadd.s32 s1, s9;
	s17 =	sshll.u32 s7, $0xA  }
0xac: {  	[tilespmem:s17], [sflag:$0x9] =	stream.linear.gather [hbm4b:s25+s3], $0x400, $0x38;
	[tilespmem:$0x1D880] =	vst v63  }
0xad: {  	s9 =	sadd.s32 s6, s9;
	s18 =	sadd.s32 s8, s18;
	s25 =	sadd.s32 $0xC00, s17  }
0xae: {  	[tilespmem:s25], [sflag:$0xA] =	stream.linear.gather [hbm4b:s9+s3], $0x400, $0x38;
	[tilespmem:$0x1D880] =	vst v63  }
0xaf: {  	s7 =	sand.u32 $0xFF, s18;
	_ =	swait.ge [sflag:s31], $0x2000  }
0xb0: {  	s25 =	sshll.u32 s7, $0xA;
	[sflag:s31] =	ssyncset.done $0x0  }
0xb1: {  	s7 =	sadd.s32 $0xC00, s25;
	[sflag:s31] =	ssyncadd.s32 $0xFFFFE000  }
0xb2: {  	[spmem:s2] =	stream.indirect.scatter.add.f32 [tilespmem:s20], [sflag:$0x5], $0x80, s7, s24, $0xb8;
	[tilespmem:$0x1D880] =	vst v63  }
0xb3: {  	_ =	swait.ge [sflag:s0], $0x2000  }
0xb4: {  	[sflag:s0] =	ssyncset.done $0x0  }
0xb5: {  	s8 =	sor.u32 $0x100, s25;
	[sflag:s0] =	ssyncadd.s32 $0xFFFFE000  }
0xb6: {  	[tilespmem:s26], [sflag:$0x3] =	stream.indirect.gather [hbm4b:s5+s24], $0x80, s8, s24, $0xb8;
	[tilespmem:$0x1D880] =	vst v63  }
0xb7: {  	_ =	swait.ge [sflag:s4], $0x2000  }
0xb8: {  	[sflag:s4] =	ssyncset.done $0x0  }
0xb9: {  	s9 =	sadd.s32 $0xC80, s25;
	[sflag:s4] =	ssyncadd.s32 $0xFFFFE000  }
0xba: {  	[spmem:s2] =	stream.indirect.scatter.add.f32 [tilespmem:s30], [sflag:$0x6], $0x80, s9, s24, $0xb8;
	[tilespmem:$0x1D880] =	vst v63  }
0xbb: {  	_ =	swait.ge [sflag:s23], $0x2000  }
0xbc: {  	[sflag:s23] =	ssyncset.done $0x0  }
0xbd: {  	s18 =	sor.u32 $0x180, s25;
	[sflag:s23] =	ssyncadd.s32 $0xFFFFE000  }
0xbe: {  	[tilespmem:s28], [sflag:$0x4] =	stream.indirect.gather [hbm4b:s5+s24], $0x80, s18, s24, $0xb8;
	[tilespmem:$0x1D880] =	vst v63  }
0xbf: {  	_ =	swait.ge [sflag:s29], $0x2000  }
0xc0: {  	[sflag:s29] =	ssyncset.done $0x0  }
0xc1: {  	s8 =	sadd.s32 $0xD00, s25;
	[sflag:s29] =	ssyncadd.s32 $0xFFFFE000  }
0xc2: {  	[spmem:s2] =	stream.indirect.scatter.add.f32 [tilespmem:s26], [sflag:$0x7], $0x80, s8, s24, $0xb8;
	[tilespmem:$0x1D880] =	vst v63  }
0xc3: {  	_ =	swait.ge [sflag:s12], $0x2000  }
0xc4: {  	[sflag:s12] =	ssyncset.done $0x0  }
0xc5: {  	s9 =	sor.u32 $0x200, s25;
	[sflag:s12] =	ssyncadd.s32 $0xFFFFE000  }
0xc6: {  	[tilespmem:s20], [sflag:$0x1] =	stream.indirect.gather [hbm4b:s5+s24], $0x80, s9, s24, $0xb8;
	[tilespmem:$0x1D880] =	vst v63  }
0xc7: {  	_ =	swait.ge [sflag:s13], $0x2000  }
0xc8: {  	[sflag:s13] =	ssyncset.done $0x0  }
0xc9: {  	s18 =	sadd.s32 $0xD80, s25;
	[sflag:s13] =	ssyncadd.s32 $0xFFFFE000  }
0xca: {  	[spmem:s2] =	stream.indirect.scatter.add.f32 [tilespmem:s28], [sflag:$0x8], $0x80, s18, s24, $0xb8;
	[tilespmem:$0x1D880] =	vst v63  }
0xcb: {  	_ =	swait.ge [sflag:s14], $0x2000  }
0xcc: {  	[sflag:s14] =	ssyncset.done $0x0  }
0xcd: {  	s8 =	sor.u32 $0x280, s25;
	[sflag:s14] =	ssyncadd.s32 $0xFFFFE000  }
0xce: {  	[tilespmem:s30], [sflag:$0x2] =	stream.indirect.gather [hbm4b:s5+s24], $0x80, s8, s24, $0xb8;
	[tilespmem:$0x1D880] =	vst v63  }
0xcf: {  	_ =	swait.ge [sflag:s31], $0x2000  }
0xd0: {  	[sflag:s31] =	ssyncset.done $0x0  }
0xd1: {  	s9 =	sadd.s32 $0xE00, s25;
	[sflag:s31] =	ssyncadd.s32 $0xFFFFE000  }
0xd2: {  	[spmem:s2] =	stream.indirect.scatter.add.f32 [tilespmem:s20], [sflag:$0x5], $0x80, s9, s24, $0xb8;
	[tilespmem:$0x1D880] =	vst v63  }
0xd3: {  	_ =	swait.ge [sflag:s0], $0x2000  }
0xd4: {  	[sflag:s0] =	ssyncset.done $0x0  }
0xd5: {  	s18 =	sor.u32 $0x300, s25;
	[sflag:s0] =	ssyncadd.s32 $0xFFFFE000  }
0xd6: {  	[tilespmem:s26], [sflag:$0x3] =	stream.indirect.gather [hbm4b:s5+s24], $0x80, s18, s24, $0xb8;
	[tilespmem:$0x1D880] =	vst v63  }
0xd7: {  	_ =	swait.ge [sflag:s4], $0x2000  }
0xd8: {  	[sflag:s4] =	ssyncset.done $0x0  }
0xd9: {  	s8 =	sadd.s32 $0xE80, s25;
	[sflag:s4] =	ssyncadd.s32 $0xFFFFE000  }
0xda: {  	[spmem:s2] =	stream.indirect.scatter.add.f32 [tilespmem:s30], [sflag:$0x6], $0x80, s8, s24, $0xb8;
	[tilespmem:$0x1D880] =	vst v63  }
0xdb: {  	_ =	swait.ge [sflag:s23], $0x2000  }
0xdc: {  	[sflag:s23] =	ssyncset.done $0x0  }
0xdd: {  	s9 =	sor.u32 $0x380, s25;
	[sflag:s23] =	ssyncadd.s32 $0xFFFFE000  }
0xde: {  	[tilespmem:s28], [sflag:$0x4] =	stream.indirect.gather [hbm4b:s5+s24], $0x80, s9, s24, $0xb8;
	[tilespmem:$0x1D880] =	vst v63  }
0xdf: {  	_ =	swait.ge [sflag:s29], $0x2000  }
0xe0: {  	[sflag:s29] =	ssyncset.done $0x0  }
0xe1: {  	s18 =	sadd.s32 $0xF00, s25;
	[sflag:s29] =	ssyncadd.s32 $0xFFFFE000  }
0xe2: {  	[spmem:s2] =	stream.indirect.scatter.add.f32 [tilespmem:s26], [sflag:$0x7], $0x80, s18, s24, $0xb8;
	[tilespmem:$0x1D880] =	vst v63  }
0xe3: {  	_ =	swait.ge [sflag:s12], $0x2000  }
0xe4: {  	[sflag:s12] =	ssyncset.done $0x0  }
0xe5: {  	[sflag:s12] =	ssyncadd.s32 $0xFFFFE000  }
0xe6: {  	_ =	swait.ge [sflag:s21], $0x400  }
0xe7: {  	[sflag:s21] =	ssyncset.done $0x0  }
0xe8: {  	[sflag:s21] =	ssyncadd.s32 $0xFFFFFC00  }
.Ltmp1:
0xe9: {  	_ =	swait.ge [sflag:s15], $0x400;
	(pc) =	sbr.rel @p0 .LBB2_4-.Ltmp1, $4  }
0xea: {  	[sflag:s15] =	ssyncset.done $0x0  }
0xeb: {  	[sflag:s15] =	ssyncadd.s32 $0xFFFFFC00  }
0xec: {  	[tilespmem:s20], [sflag:$0x1] =	stream.indirect.gather [hbm4b:s5+s24], $0x80, s17, s24, $0xb8;
	[tilespmem:$0x1D880] =	vst v63  }
0xed: {  	s18 =	smov.u32 s19;
	_ =	swait.ge [sflag:s13], $0x2000  }
0xee: {  	[sflag:s13] =	ssyncset.done $0x0  }
0xef: {  	s7 =	sadd.s32 $0xF80, s25;
	[sflag:s13] =	ssyncadd.s32 $0xFFFFE000  }
0xf0: {  	[spmem:s2] =	stream.indirect.scatter.add.f32 [tilespmem:s28], [sflag:$0x8], $0x80, s7, s24, $0xb8;
	[tilespmem:$0x1D880] =	vst v63  }
0xf1: {  	_ =	swait.ge [sflag:s14], $0x2000  }
0xf2: {  	[sflag:s14] =	ssyncset.done $0x0  }
0xf3: {  	s19 =	sor.u32 $0x80, s17;
	[sflag:s14] =	ssyncadd.s32 $0xFFFFE000  }
0xf4: {  	[tilespmem:s30], [sflag:$0x2] =	stream.indirect.gather [hbm4b:s5+s24], $0x80, s19, s24, $0xb8;
	[tilespmem:$0x1D880] =	vst v63  }
0xf5: {  	_ =	swait.ge [sflag:s31], $0x2000  }
0xf6: {  	[sflag:s31] =	ssyncset.done $0x0  }
0xf7: {  	[sflag:s31] =	ssyncadd.s32 $0xFFFFE000  }
0xf8: {  	_ =	swait.ge [sflag:s4], $0x2000  }
0xf9: {  	[sflag:s4] =	ssyncset.done $0x0  }
0xfa: {  	[sflag:s4] =	ssyncadd.s32 $0xFFFFE000  }
0xfb: {  	_ =	swait.ge [sflag:s0], $0x2000  }
0xfc: {  	[sflag:s0] =	ssyncset.done $0x0  }
0xfd: {  	[sflag:s0] =	ssyncadd.s32 $0xFFFFE000  }
0xfe: {  	_ =	swait.ge [sflag:s23], $0x2000  }
0xff: {  	[sflag:s23] =	ssyncset.done $0x0  }
0x100: {  	[sflag:s23] =	ssyncadd.s32 $0xFFFFE000  }
0x101: {  	[bflag:$0x0] =	sbarrier.arrive $0xFFFF  }
0x102: {  	[tilespmem:s20], [sflag:$0xB] =	stream.linear.gather [spmem:s10], $0x4000, $0x38;
	[tilespmem:$0x1D880] =	vst v63  }
0x103: {  	_ =	swait.ge [sflag:s22], $0x4000  }
0x104: {  	[sflag:s22] =	ssyncset.done $0x0  }
0x105: {  	s8 =	rddreg [dreg:$0xa];
	[sflag:s22] =	ssyncadd.s32 $0xFFFFC000  }
0x106: {  	[hbm4b:s8+s3] =	stream.linear.scatter [tilespmem:s20], [sflag:$0xA], $0x4000, $0x38;
	[tilespmem:$0x1D880] =	vst v63  }
0x107: {  	_ = 	snop  }
0x108: {  	[tilespmem:s26], [sflag:$0xB] =	stream.linear.gather [spmem:s11], $0x4000, $0x38;
	[tilespmem:$0x1D880] =	vst v63  }
0x109: {  	_ =	swait.ge [sflag:s22], $0x4000  }
0x10a: {  	[sflag:s22] =	ssyncset.done $0x0  }
0x10b: {  	s9 =	rddreg [dreg:$0xb];
	[sflag:s22] =	ssyncadd.s32 $0xFFFFC000  }
0x10c: {  	[hbm4b:s9+s3] =	stream.linear.scatter [tilespmem:s26], [sflag:$0xA], $0x4000, $0x38;
	[tilespmem:$0x1D880] =	vst v63  }
0x10d: {  	_ =	swait.ge [sflag:s15], $0x4000  }
0x10e: {  	[sflag:s15] =	ssyncset.done $0x0  }
0x10f: {  	s9 =	rddreg [dreg:$0x5];
	[sflag:s15] =	ssyncadd.s32 $0xFFFFC000  }
0x110: {  	[tilespmem:s20], [sflag:$0xB] =	stream.linear.gather [spmem:s9], $0x4000, $0x38;
	[tilespmem:$0x1D880] =	vst v63  }
0x111: {  	_ =	swait.ge [sflag:s22], $0x4000  }
0x112: {  	[sflag:s22] =	ssyncset.done $0x0  }
0x113: {  	s25 =	rddreg [dreg:$0xc];
	[sflag:s22] =	ssyncadd.s32 $0xFFFFC000  }
0x114: {  	[hbm4b:s25+s3] =	stream.linear.scatter [tilespmem:s20], [sflag:$0xA], $0x4000, $0x38;
	[tilespmem:$0x1D880] =	vst v63  }
0x115: {  	_ =	swait.ge [sflag:s15], $0x4000  }
0x116: {  	[sflag:s15] =	ssyncset.done $0x0  }
0x117: {  	s25 =	rddreg [dreg:$0x6];
	[sflag:s15] =	ssyncadd.s32 $0xFFFFC000  }
0x118: {  	[tilespmem:s26], [sflag:$0xB] =	stream.linear.gather [spmem:s25], $0x4000, $0x38;
	[tilespmem:$0x1D880] =	vst v63  }
0x119: {  	_ =	swait.ge [sflag:s22], $0x4000  }
0x11a: {  	[sflag:s22] =	ssyncset.done $0x0  }
0x11b: {  	s8 =	smov.u32 s11;
	s11 =	rddreg [dreg:$0xd];
	[sflag:s22] =	ssyncadd.s32 $0xFFFFC000  }
0x11c: {  	[hbm4b:s11+s3] =	stream.linear.scatter [tilespmem:s26], [sflag:$0xA], $0x4000, $0x38;
	[tilespmem:$0x1D880] =	vst v63  }
0x11d: {  	_ =	swait.ge [sflag:s15], $0x4000  }
0x11e: {  	[sflag:s15] =	ssyncset.done $0x0  }
0x11f: {  	s17 =	rddreg [dreg:$0x7];
	[sflag:s15] =	ssyncadd.s32 $0xFFFFC000  }
0x120: {  	[tilespmem:s20], [sflag:$0xB] =	stream.linear.gather [spmem:s17], $0x4000, $0x38;
	[tilespmem:$0x1D880] =	vst v63  }
0x121: {  	_ =	swait.ge [sflag:s22], $0x4000  }
0x122: {  	[sflag:s22] =	ssyncset.done $0x0  }
0x123: {  	s18 =	rddreg [dreg:$0xe];
	[sflag:s22] =	ssyncadd.s32 $0xFFFFC000  }
0x124: {  	[hbm4b:s18+s3] =	stream.linear.scatter [tilespmem:s20], [sflag:$0xA], $0x4000, $0x38;
	[tilespmem:$0x1D880] =	vst v63  }
0x125: {  	_ =	swait.ge [sflag:s15], $0x4000  }
0x126: {  	[sflag:s15] =	ssyncset.done $0x0  }
0x127: {  	[sflag:s15] =	ssyncadd.s32 $0xFFFFC000  }
0x128: {  	_ =	swait.ge [sflag:s15], $0x4000  }
0x129: {  	s16 =	sadd.s32 $0x1, s16;
	s19 =	rddreg [dreg:$0xf]  }
0x12a: {  	p0 =	sne.s32 s16, s19  }
.Ltmp2:
0x12b: {  	_ = 	snop;
	(pc) =	sbr.rel @p0 .LBB2_1-.Ltmp2, $3  }
0x12c: {  	_ =	sdelay $0x1  }
0x12d: {  	[sflag:s15] =	ssyncset.done $0x0  }
0x12e: {  	s7 =	smov.u32 s10;
	[sflag:s15] =	ssyncadd.s32 $0xFFFFC000  }
0x12f: {  	_ =	sfence.sel $0x180000  }
0x130: {  	[bflag:$0x0] =	sbarrier.arrive $0xFFFF  }
0x131: {  	_ =	strace $0x90000047  }
0x132: {  	s0 =	stileid.u32;
	[bflag:$0x2] =	sbarrier.arrive $0xFFFF  }
0x133: {  	p0 =	sne.s32 s0, $0x0;
	s0 =	rddreg [dreg:$0x3]  }
0x134: {  	s0 =	sadd.s32 @!p0 $0x100000, s0  }
0x135: {  	[sflag:s0] =	ssyncadd.tile.s32 @!p0 $0x1;
	_ =	shalt  }
.Lfunc_end2:
_tile_overlayer_lowered:
.L_overlay_start_2:
0x136: {  	(tag) =	ssettag $0x2  }
0x137: {  	s0 =	rddreg [dreg:$0x0];
	s2 =	stileid.u32  }
0x138: {  	s1 =	rddreg [dreg:$0x1];
	p0 =	sne.s32 s2, $0x0  }
0x139: {  	s3 =	rddreg [dreg:$0x2];
	[bflag:$0x3] =	sbarrier.arrive $0xFFFF;
	s2 =	simm.s32 @!p0 $0x1C0B  }
0x13a: {  	[timem:s3], [sflag:s2] =	dma.local @!p0 [hbm:s0], s1  }
0x13b: {  	s0 =	simm.s32 @!p0 $0xB  }
0x13c: {  	_ =	swait.ge @!p0 [sflag:s0], s1  }
0x13d: {  	s1 =	ssub.s32 @!p0 $0x0, s1;
	[sflag:s0] =	ssyncset.done @!p0 $0x0  }
0x13e: {  	[sflag:s0] =	ssyncadd.s32 @!p0 s1  }
0x13f: {  	[bflag:$0x3] =	sbarrier.arrive $0xFFFF  }
0x140: {  	_ =	shalt  }

</sc_bundles>
